<compile_context>
chip_gen: v7x
topology: tpu7x:2x2x1
jax: 0.10.2.dev20260603
libtpu: 0.0.44.dev20260713+nightly
codegen_flags: <defaults>
</compile_context>

<pallas_src>
import functools

import numpy as np
import jax
from jax import lax
import jax.numpy as jnp
from jax.experimental import pallas as pl
from jax.experimental.pallas import tpu as pltpu
from jax.experimental.pallas import tpu_sc as plsc

_B, _T, _N = 16, 16, 1024
_F = _B * _T
_NUM_STRATA = 4
_GRADIENT_STRENGTH = 0.15
_REGION_RATIOS = [0.4, 0.3, 0.2, 0.1]
_MASK_RATIO_STATIC = 0.75
_L = 16
_C = _N // _L
_NW = 32
_FPW = 5
_F_SC = _NW * _FPW
_F_TC = _F - _F_SC



def _rotl(x, d):
    return ((x << np.uint32(d)) | (x >> np.uint32(32 - d))).astype(np.uint32)


_TF_ROTS = ((13, 15, 26, 6), (17, 29, 16, 24))


def _threefry2x32(k0, k1, x0, x1):
    x0 = np.atleast_1d(x0).astype(np.uint32)
    x1 = np.atleast_1d(x1).astype(np.uint32)
    ks = (np.uint32(k0), np.uint32(k1),
          np.uint32(np.uint32(k0) ^ np.uint32(k1) ^ np.uint32(0x1BD11BDA)))
    x0 += ks[0]
    x1 += ks[1]
    inj = ((ks[1], ks[2]), (ks[2], ks[0]), (ks[0], ks[1]),
           (ks[1], ks[2]), (ks[2], ks[0]))
    for r in range(5):
        for rot in _TF_ROTS[r % 2]:
            x0 = (x0 + x1).astype(np.uint32)
            x1 = _rotl(x1, rot) ^ x0
        a, b = inj[r]
        x0 = (x0 + a).astype(np.uint32)
        x1 = (x1 + b + np.uint32(r + 1)).astype(np.uint32)
    return x0, x1


def _tf_fold_in(keypair, data):
    x0, x1 = _threefry2x32(keypair[0], keypair[1],
                           np.zeros(1, np.uint32), np.full(1, data, np.uint32))
    return (x0[0], x1[0])


def _tf_uniform(keypair, shape):
    size = int(np.prod(shape))
    i64 = np.arange(size, dtype=np.uint64)
    hi = (i64 >> np.uint64(32)).astype(np.uint32)
    lo = (i64 & np.uint64(0xFFFFFFFF)).astype(np.uint32)
    b0, b1 = _threefry2x32(keypair[0], keypair[1], hi, lo)
    bits = b0 ^ b1
    floats = (bits >> np.uint32(9)) | np.uint32(0x3F800000)
    return (floats.view(np.float32) - np.float32(1.0)).reshape(shape)


def _layer_ratio_list(mask_ratio):
    step = _GRADIENT_STRENGTH
    base = mask_ratio - (_NUM_STRATA - 1) * step / 2
    ratios = []
    for i in range(_NUM_STRATA):
        r = base + (_NUM_STRATA - 1 - i) * step
        r = max(0.0, min(0.9, r))
        ratios.append(r)
    weighted = sum(r * w for r, w in zip(ratios, _REGION_RATIOS))
    if weighted > 0:
        scale = mask_ratio / weighted
        ratios = [r * scale for r in ratios]
    return ratios


@functools.lru_cache(maxsize=1)
def _rank_table_f32():
    ratios = _layer_ratio_list(_MASK_RATIO_STATIC)
    sizes = [max(1, int(_N * r)) for r in _REGION_RATIOS]
    diff = _N - sum(sizes)
    if diff != 0:
        mi = sizes.index(max(sizes))
        sizes[mi] += diff
    key = (np.uint32(0), np.uint32(42))
    tbl = np.zeros((_B, _T, _N), np.float32)
    bI = np.arange(_B)[:, None, None]
    tI = np.arange(_T)[None, :, None]
    start = 0
    for j, layer_idx in enumerate(range(_NUM_STRATA - 1, -1, -1)):
        size = sizes[layer_idx]
        start_j = start
        start += size
        if size == 0:
            continue
        num = min(int(size * ratios[layer_idx]), size)
        if num <= 0:
            continue
        u = _tf_uniform(_tf_fold_in(key, j), (_B, _T, size))
        perm = np.argsort(u, axis=-1, kind="stable")[:, :, :num]
        tbl[bI, tI, start_j + perm] = 1.0
    return tbl.reshape(_F, _N)


_TBL = _rank_table_f32()


@functools.lru_cache(maxsize=1)
def _packed_words_tc():
    flat = _TBL[_F_SC:].astype(bool).reshape(_F_TC, _N // 32, 32)
    words = np.zeros((_F_TC, _N // 32), np.uint32)
    for b in range(32):
        words |= flat[:, :, b].astype(np.uint32) << np.uint32(b)
    return words.view(np.int32).reshape(_F_TC, _N // 32, 1)



def _tc_rank_mask_kernel(s_ref, w_ref, o_ref):
    srow = s_ref[0]
    scol = jnp.transpose(srow)
    im = lax.broadcasted_iota(jnp.int32, (_N, _N), 0)
    i_n = lax.broadcasted_iota(jnp.int32, (_N, _N), 1)
    gt = (scol > srow) | ((scol == srow) & (im < i_n))
    rank = jnp.sum(gt.astype(jnp.float32), axis=0, keepdims=True)
    rank = rank.astype(jnp.int32)
    w_idx = rank >> 5
    b_idx = rank & 31
    words = w_ref[0]
    iw = lax.broadcasted_iota(jnp.int32, (32, _N), 0)
    sel = iw == w_idx
    wsel = jnp.sum(jnp.where(sel, words, 0), axis=0, keepdims=True)
    bit = lax.shift_right_logical(wsel, b_idx) & 1
    o_ref[0] = bit.astype(jnp.float32)



def _sc_body(scores_hbm, tbl_hbm, out_hbm,
             s_v, t_v, o_v, key_a, key_b, idx_a, idx_b, hist):
    iota = lax.iota(jnp.int32, _L)
    ones = jnp.ones((_L,), jnp.int32)
    wid = lax.axis_index("s") * 2 + lax.axis_index("c")
    pltpu.sync_copy(scores_hbm.at[wid], s_v)
    pltpu.sync_copy(tbl_hbm.at[wid], t_v)

    def frame_body(i, _):
        base = i * _N

        def key0_at(c):
            s = plsc.load_gather(s_v, [base + iota * _C + c])
            b = lax.bitcast_convert_type(s, jnp.int32)
            return ~jnp.where(b >= 0, b ^ jnp.int32(-(2 ** 31)), ~b)

        def zero_hist():
            for j in range(16):
                hist[pl.ds(j * _L, _L)] = jnp.zeros((_L,), jnp.int32)

        def scan_hist():
            carry = jnp.int32(0)
            for j in range(16):
                h = hist[pl.ds(j * _L, _L)]
                inc = jnp.cumsum(h)
                hist[pl.ds(j * _L, _L)] = inc - h + carry
                carry = carry + jnp.sum(h)

        zero_hist()

        def hist0_body(c4, _):
            for c in range(4):
                k = key0_at(c4 * 4 + c)
                plsc.addupdate_scatter(hist, [(k & 15) * _L + iota], ones)
            return 0

        lax.fori_loop(0, _C // 4, hist0_body, 0)
        scan_hist()

        def reorder0_body(c4, _):
            for c in range(4):
                cc = c4 * 4 + c
                k = key0_at(cc)
                hidx = (k & 15) * _L + iota
                q = plsc.load_gather(hist, [hidx])
                plsc.addupdate_scatter(hist, [hidx], ones)
                dst = (q & 63) * _L + (q >> 6)
                plsc.store_scatter(key_b, [dst], k)
                plsc.store_scatter(idx_b, [dst], iota * _C + cc)
            return 0

        lax.fori_loop(0, _C // 4, reorder0_body, 0)

        bufs = [(key_a, idx_a), (key_b, idx_b)]
        for p in range(1, 7):
            sh = 4 * p
            in_key, in_idx = bufs[p % 2]
            out_key, out_idx = bufs[(p + 1) % 2]
            zero_hist()

            def hist_body(c4, _, in_key=in_key, sh=sh):
                for c in range(4):
                    k = in_key[pl.ds((c4 * 4 + c) * _L, _L)]
                    d = (k >> sh) & 15
                    plsc.addupdate_scatter(hist, [d * _L + iota], ones)
                return 0

            lax.fori_loop(0, _C // 4, hist_body, 0)
            scan_hist()

            def reorder_body(c4, _, in_key=in_key, in_idx=in_idx,
                             out_key=out_key, out_idx=out_idx, sh=sh):
                for c in range(4):
                    cc = c4 * 4 + c
                    k = in_key[pl.ds(cc * _L, _L)]
                    pidx = in_idx[pl.ds(cc * _L, _L)]
                    d = (k >> sh) & 15
                    hidx = d * _L + iota
                    q = plsc.load_gather(hist, [hidx])
                    plsc.addupdate_scatter(hist, [hidx], ones)
                    dst = (q & 63) * _L + (q >> 6)
                    plsc.store_scatter(out_key, [dst], k)
                    plsc.store_scatter(out_idx, [dst], pidx)
                return 0

            lax.fori_loop(0, _C // 4, reorder_body, 0)

        zero_hist()

        def hist7_body(c4, _):
            for c in range(4):
                k = key_b[pl.ds((c4 * 4 + c) * _L, _L)]
                d = (k >> 28) & 15
                plsc.addupdate_scatter(hist, [d * _L + iota], ones)
            return 0

        lax.fori_loop(0, _C // 4, hist7_body, 0)
        scan_hist()

        def apply7_body(c4, _):
            for c in range(4):
                cc = c4 * 4 + c
                k = key_b[pl.ds(cc * _L, _L)]
                pidx = idx_b[pl.ds(cc * _L, _L)]
                d = (k >> 28) & 15
                hidx = d * _L + iota
                q = plsc.load_gather(hist, [hidx])
                plsc.addupdate_scatter(hist, [hidx], ones)
                tv = plsc.load_gather(t_v, [base + q])
                plsc.store_scatter(o_v, [base + pidx], tv)
            return 0

        lax.fori_loop(0, _C // 4, apply7_body, 0)
        return 0

    lax.fori_loop(0, _FPW, frame_body, 0)
    pltpu.sync_copy(o_v, out_hbm.at[wid])


@jax.jit
def _run(scores_sc, tbl_sc, scores_tc, words_tc):
    mesh = plsc.VectorSubcoreMesh(core_axis_name="c", subcore_axis_name="s")
    sc_k = pl.kernel(
        _sc_body,
        mesh=mesh,
        compiler_params=pltpu.CompilerParams(
            needs_layout_passes=False,
            use_tc_tiling_on_sc=False,
        ),
        out_type=jax.ShapeDtypeStruct((_NW, _FPW * _N), jnp.float32),
        scratch_types=[
            pltpu.VMEM((_FPW * _N,), jnp.float32),
            pltpu.VMEM((_FPW * _N,), jnp.float32),
            pltpu.VMEM((_FPW * _N,), jnp.float32),
            pltpu.VMEM((_N,), jnp.int32),
            pltpu.VMEM((_N,), jnp.int32),
            pltpu.VMEM((_N,), jnp.int32),
            pltpu.VMEM((_N,), jnp.int32),
            pltpu.VMEM((16 * _L,), jnp.int32),
        ],
    )
    out_sc = sc_k(scores_sc, tbl_sc)
    out_tc = pl.pallas_call(
        _tc_rank_mask_kernel,
        grid=(_F_TC,),
        in_specs=[
            pl.BlockSpec((1, 1, _N), lambda i: (i, 0, 0)),
            pl.BlockSpec((1, _N // 32, 1), lambda i: (i, 0, 0)),
        ],
        out_specs=pl.BlockSpec((1, 1, _N), lambda i: (i, 0, 0)),
        out_shape=jax.ShapeDtypeStruct((_F_TC, 1, _N), jnp.float32),
        compiler_params=pltpu.CompilerParams(
            dimension_semantics=("parallel",),
        ),
    )(scores_tc, words_tc)
    full = jnp.concatenate(
        [out_sc.reshape(_F_SC, _N), out_tc.reshape(_F_TC, _N)], axis=0)
    return full > 0.5


def kernel(scores, mask_ratio):
    del mask_ratio
    scores_flat = scores.reshape(_F, _N)
    out = _run(
        scores_flat[:_F_SC].reshape(_NW, _FPW * _N),
        jnp.asarray(_TBL[:_F_SC].reshape(_NW, _FPW * _N)),
        scores_flat[_F_SC:].reshape(_F_TC, 1, _N),
        jnp.asarray(_packed_words_tc()),
    )
    return out.reshape(_B, _T, 32, 32)

# --- scband reference (transcript-rebuilt; emitter-appended) ---
"""Pipeline reference for scband-mask-generate-51685636440888 (READ-ONLY COPY).

The authoritative reference and input builder live on the scoring server;
editing this copy changes nothing except your own understanding.
"""

import jax, jax.numpy as jnp
import numpy as np

NUM_STRATA = 4
GRADIENT_STRENGTH = 0.15
REGION_RATIOS = [0.4, 0.3, 0.2, 0.1]
MASK_RATIO_STATIC = 0.75


def _compute_layer_ratios(mask_ratio):
    step = GRADIENT_STRENGTH
    base = mask_ratio - (NUM_STRATA - 1) * step / 2
    ratios = []
    for i in range(NUM_STRATA):
        r = base + (NUM_STRATA - 1 - i) * step
        r = max(0.0, min(0.9, r))
        ratios.append(r)
    weighted = sum(r * w for r, w in zip(ratios, REGION_RATIOS))
    if weighted > 0:
        scale = mask_ratio / weighted
        ratios = [r * scale for r in ratios]
    return ratios


def setup_inputs(seed: int = 0):
    key = jax.random.key(seed)
    B, T, H_p, W_p = 16, 16, 32, 32
    scores = jax.random.normal(key, (B, T, H_p, W_p), dtype=jnp.float32)
    mask_ratio = jnp.full((1,), 0.75, dtype=jnp.float32)
    return {"scores": scores, "mask_ratio": mask_ratio}


def reference(scores, mask_ratio):
    mr = MASK_RATIO_STATIC
    mr_t = jnp.reshape(mask_ratio, (-1,))[0]
    B, T, H_p, W_p = scores.shape
    N = H_p * W_p
    scores_flat = scores.reshape(B, T, N)
    layer_ratios = _compute_layer_ratios(mr)
    layer_sizes = [max(1, int(N * r)) for r in REGION_RATIOS]
    diff = N - sum(layer_sizes)
    if diff != 0:
        mi = layer_sizes.index(max(layer_sizes))
        layer_sizes[mi] += diff
    # descending sort per (b, t): argsort of negated scores
    sorted_indices = jnp.argsort(-scores_flat, axis=-1)
    final_mask = jnp.zeros((B, T, N), dtype=jnp.float32)
    bI = jnp.arange(B)[:, None, None]
    tI = jnp.arange(T)[None, :, None]
    key = jax.random.key(42)
    start = 0
    # layers processed from most-important (layer_idx = NUM_STRATA-1) downward,
    # mirroring the torch loop order over sorted_indices slices
    for j, layer_idx in enumerate(range(NUM_STRATA - 1, -1, -1)):
        size = layer_sizes[layer_idx]
        layer_indices = sorted_indices[:, :, start:start + size]
        start += size
        if size == 0:
            continue
        num_to_mask = int(size * layer_ratios[layer_idx])
        num_to_mask = min(num_to_mask, size)
        if num_to_mask <= 0:
            continue
        sub = jax.random.fold_in(key, j)
        u = jax.random.uniform(sub, (B, T, size))
        # random permutation per (b, t) via argsort of uniforms (== randperm)
        perm = jnp.argsort(u, axis=-1)[:, :, :num_to_mask]
        selected = jnp.take_along_axis(layer_indices, perm, axis=-1)
        final_mask = final_mask.at[bI, tI, selected].set(1.0)
    final_mask = final_mask + 0.0 * mr_t
    return (final_mask > 0.5).reshape(B, T, H_p, W_p)

if __name__ == "__main__":
    import jax
    _d = setup_inputs()
    print(jax.jit(kernel)(*tuple(_d.values())))

</pallas_src>

<mosaic_0001>
#map = affine_map<(d0, d1) -> (0, 0)>
module attributes {stable_mosaic.version = 14 : i64} {
  func.func @_sc_body(%arg0: i32, %arg1: i32, %arg2: memref<32x5120xf32, #tpu.memory_space<hbm>>, %arg3: memref<32x5120xf32, #tpu.memory_space<hbm>>, %arg4: memref<32x5120xf32, #tpu.memory_space<hbm>>, %arg5: memref<5120xf32, #tpu.memory_space<vmem>>, %arg6: memref<5120xf32, #tpu.memory_space<vmem>>, %arg7: memref<5120xf32, #tpu.memory_space<vmem>>, %arg8: memref<1024xi32, #tpu.memory_space<vmem>>, %arg9: memref<1024xi32, #tpu.memory_space<vmem>>, %arg10: memref<1024xi32, #tpu.memory_space<vmem>>, %arg11: memref<1024xi32, #tpu.memory_space<vmem>>, %arg12: memref<256xi32, #tpu.memory_space<vmem>>) attributes {dimension_semantics = [#tpu.dimension_semantics<core_parallel>, #tpu.dimension_semantics<subcore_parallel>], iteration_bounds = array<i64: 2, 16>, scalar_prefetch = 0 : i64, scratch_operands = 8 : i64, tpu.core_type = #tpu.core_type<sc_vector_subcore>, window_params = [{transform_indices = #map}, {transform_indices = #map}, {transform_indices = #map}]} {
    %iota3A = tpu.iota {dimensions = array<i32: 0>} : vector<16xi32>
    %broadcast_in_dim3A = arith.constant 1 : i32
    %broadcast_in_dim3A_0 = vector.broadcast %broadcast_in_dim3A : i32 to vector<16xi32>
    %mul3A = arith.constant 2 : i32
    %mul3A_1 = arith.muli %arg1, %mul3A : i32
    %add3A = arith.addi %mul3A_1, %arg0 : i32
    "tpu.region"() ({
      %run_scoped3A = tpu.sem_alloc : memref<!tpu.dma_semaphore, #tpu.memory_space<semaphore_mem>>
      %dma_start3A = arith.constant 0 : i32
      %dma_start3A_8 = tpu.memref_slice %arg2[%add3A, %dma_start3A] : memref<32x5120xf32, #tpu.memory_space<hbm>> -> memref<1x5120xf32, #tpu.memory_space<hbm>>
      %dma_start3A_9 = tpu.memref_squeeze %dma_start3A_8 : memref<1x5120xf32, #tpu.memory_space<hbm>> -> memref<5120xf32, #tpu.memory_space<hbm>>
      %dma_start3A_10 = arith.constant 0 : i32
      %dma_start3A_11 = tpu.memref_slice %arg2[%add3A, %dma_start3A_10] : memref<32x5120xf32, #tpu.memory_space<hbm>> -> memref<1x5120xf32, #tpu.memory_space<hbm>>
      %dma_start3A_12 = tpu.memref_squeeze %dma_start3A_11 : memref<1x5120xf32, #tpu.memory_space<hbm>> -> memref<5120xf32, #tpu.memory_space<hbm>>
      tpu.enqueue_dma source(%dma_start3A_12 : memref<5120xf32, #tpu.memory_space<hbm>>) target(%arg5 : memref<5120xf32, #tpu.memory_space<vmem>>) target_semaphore(%run_scoped3A : memref<!tpu.dma_semaphore, #tpu.memory_space<semaphore_mem>>)
      %dma_wait3A = arith.constant 0 : i32
      %dma_wait3A_13 = tpu.memref_slice %arg2[%add3A, %dma_wait3A] : memref<32x5120xf32, #tpu.memory_space<hbm>> -> memref<1x5120xf32, #tpu.memory_space<hbm>>
      %dma_wait3A_14 = tpu.memref_squeeze %dma_wait3A_13 : memref<1x5120xf32, #tpu.memory_space<hbm>> -> memref<5120xf32, #tpu.memory_space<hbm>>
      %dma_wait3A_15 = arith.constant 0 : i32
      %dma_wait3A_16 = tpu.memref_slice %arg2[%add3A, %dma_wait3A_15] : memref<32x5120xf32, #tpu.memory_space<hbm>> -> memref<1x5120xf32, #tpu.memory_space<hbm>>
      %dma_wait3A_17 = tpu.memref_squeeze %dma_wait3A_16 : memref<1x5120xf32, #tpu.memory_space<hbm>> -> memref<5120xf32, #tpu.memory_space<hbm>>
      tpu.wait_dma2 semaphore(%run_scoped3A : memref<!tpu.dma_semaphore, #tpu.memory_space<semaphore_mem>>) src(%dma_wait3A_17 : memref<5120xf32, #tpu.memory_space<hbm>>) dst(%arg5 : memref<5120xf32, #tpu.memory_space<vmem>>)
      tpu.yield
    }) : () -> ()
    "tpu.region"() ({
      %run_scoped3A = tpu.sem_alloc : memref<!tpu.dma_semaphore, #tpu.memory_space<semaphore_mem>>
      %dma_start3A = arith.constant 0 : i32
      %dma_start3A_8 = tpu.memref_slice %arg3[%add3A, %dma_start3A] : memref<32x5120xf32, #tpu.memory_space<hbm>> -> memref<1x5120xf32, #tpu.memory_space<hbm>>
      %dma_start3A_9 = tpu.memref_squeeze %dma_start3A_8 : memref<1x5120xf32, #tpu.memory_space<hbm>> -> memref<5120xf32, #tpu.memory_space<hbm>>
      %dma_start3A_10 = arith.constant 0 : i32
      %dma_start3A_11 = tpu.memref_slice %arg3[%add3A, %dma_start3A_10] : memref<32x5120xf32, #tpu.memory_space<hbm>> -> memref<1x5120xf32, #tpu.memory_space<hbm>>
      %dma_start3A_12 = tpu.memref_squeeze %dma_start3A_11 : memref<1x5120xf32, #tpu.memory_space<hbm>> -> memref<5120xf32, #tpu.memory_space<hbm>>
      tpu.enqueue_dma source(%dma_start3A_12 : memref<5120xf32, #tpu.memory_space<hbm>>) target(%arg6 : memref<5120xf32, #tpu.memory_space<vmem>>) target_semaphore(%run_scoped3A : memref<!tpu.dma_semaphore, #tpu.memory_space<semaphore_mem>>)
      %dma_wait3A = arith.constant 0 : i32
      %dma_wait3A_13 = tpu.memref_slice %arg3[%add3A, %dma_wait3A] : memref<32x5120xf32, #tpu.memory_space<hbm>> -> memref<1x5120xf32, #tpu.memory_space<hbm>>
      %dma_wait3A_14 = tpu.memref_squeeze %dma_wait3A_13 : memref<1x5120xf32, #tpu.memory_space<hbm>> -> memref<5120xf32, #tpu.memory_space<hbm>>
      %dma_wait3A_15 = arith.constant 0 : i32
      %dma_wait3A_16 = tpu.memref_slice %arg3[%add3A, %dma_wait3A_15] : memref<32x5120xf32, #tpu.memory_space<hbm>> -> memref<1x5120xf32, #tpu.memory_space<hbm>>
      %dma_wait3A_17 = tpu.memref_squeeze %dma_wait3A_16 : memref<1x5120xf32, #tpu.memory_space<hbm>> -> memref<5120xf32, #tpu.memory_space<hbm>>
      tpu.wait_dma2 semaphore(%run_scoped3A : memref<!tpu.dma_semaphore, #tpu.memory_space<semaphore_mem>>) src(%dma_wait3A_17 : memref<5120xf32, #tpu.memory_space<hbm>>) dst(%arg6 : memref<5120xf32, #tpu.memory_space<vmem>>)
      tpu.yield
    }) : () -> ()
    %scan3A = arith.constant 0 : i32
    %scan3A_2 = arith.constant 0 : i32
    %scan3A_3 = arith.constant 5 : i32
    %scan3A_4 = arith.addi %scan3A_2, %scan3A_3 : i32
    %scan3A_5 = arith.constant 1 : i32
    %scan3A_6 = scf.for %scan3A_8 = %scan3A_2 to %scan3A_4 step %scan3A_5 iter_args(%scan3A_9 = %scan3A) -> (i32)  : i32 {
      %mul3A_10 = arith.constant 1024 : i32
      %mul3A_11 = arith.muli %scan3A_8, %mul3A_10 : i32
      %broadcast_in_dim3A_12 = arith.constant 0 : i32
      %broadcast_in_dim3A_13 = vector.broadcast %broadcast_in_dim3A_12 : i32 to vector<16xi32>
      %swap3A = arith.constant 0 : index
      %swap3A_14 = tpu.vector_load %arg12[%swap3A] {strides = array<i32>} : memref<256xi32, #tpu.memory_space<vmem>>, vector<16xi32>,
      tpu.vector_store %arg12[%swap3A], %broadcast_in_dim3A_13 {strides = array<i32>} : memref<256xi32, #tpu.memory_space<vmem>>, vector<16xi32>,
      %broadcast_in_dim3A_15 = arith.constant 0 : i32
      %broadcast_in_dim3A_16 = vector.broadcast %broadcast_in_dim3A_15 : i32 to vector<16xi32>
      %swap3A_17 = arith.constant 16 : index
      %swap3A_18 = tpu.vector_load %arg12[%swap3A_17] {strides = array<i32>} : memref<256xi32, #tpu.memory_space<vmem>>, vector<16xi32>,
      tpu.vector_store %arg12[%swap3A_17], %broadcast_in_dim3A_16 {strides = array<i32>} : memref<256xi32, #tpu.memory_space<vmem>>, vector<16xi32>,
      %broadcast_in_dim3A_19 = arith.constant 0 : i32
      %broadcast_in_dim3A_20 = vector.broadcast %broadcast_in_dim3A_19 : i32 to vector<16xi32>
      %swap3A_21 = arith.constant 32 : index
      %swap3A_22 = tpu.vector_load %arg12[%swap3A_21] {strides = array<i32>} : memref<256xi32, #tpu.memory_space<vmem>>, vector<16xi32>,
      tpu.vector_store %arg12[%swap3A_21], %broadcast_in_dim3A_20 {strides = array<i32>} : memref<256xi32, #tpu.memory_space<vmem>>, vector<16xi32>,
      %broadcast_in_dim3A_23 = arith.constant 0 : i32
      %broadcast_in_dim3A_24 = vector.broadcast %broadcast_in_dim3A_23 : i32 to vector<16xi32>
      %swap3A_25 = arith.constant 48 : index
      %swap3A_26 = tpu.vector_load %arg12[%swap3A_25] {strides = array<i32>} : memref<256xi32, #tpu.memory_space<vmem>>, vector<16xi32>,
      tpu.vector_store %arg12[%swap3A_25], %broadcast_in_dim3A_24 {strides = array<i32>} : memref<256xi32, #tpu.memory_space<vmem>>, vector<16xi32>,
      %broadcast_in_dim3A_27 = arith.constant 0 : i32
      %broadcast_in_dim3A_28 = vector.broadcast %broadcast_in_dim3A_27 : i32 to vector<16xi32>
      %swap3A_29 = arith.constant 64 : index
      %swap3A_30 = tpu.vector_load %arg12[%swap3A_29] {strides = array<i32>} : memref<256xi32, #tpu.memory_space<vmem>>, vector<16xi32>,
      tpu.vector_store %arg12[%swap3A_29], %broadcast_in_dim3A_28 {strides = array<i32>} : memref<256xi32, #tpu.memory_space<vmem>>, vector<16xi32>,
      %broadcast_in_dim3A_31 = arith.constant 0 : i32
      %broadcast_in_dim3A_32 = vector.broadcast %broadcast_in_dim3A_31 : i32 to vector<16xi32>
      %swap3A_33 = arith.constant 80 : index
      %swap3A_34 = tpu.vector_load %arg12[%swap3A_33] {strides = array<i32>} : memref<256xi32, #tpu.memory_space<vmem>>, vector<16xi32>,
      tpu.vector_store %arg12[%swap3A_33], %broadcast_in_dim3A_32 {strides = array<i32>} : memref<256xi32, #tpu.memory_space<vmem>>, vector<16xi32>,
      %broadcast_in_dim3A_35 = arith.constant 0 : i32
      %broadcast_in_dim3A_36 = vector.broadcast %broadcast_in_dim3A_35 : i32 to vector<16xi32>
      %swap3A_37 = arith.constant 96 : index
      %swap3A_38 = tpu.vector_load %arg12[%swap3A_37] {strides = array<i32>} : memref<256xi32, #tpu.memory_space<vmem>>, vector<16xi32>,
      tpu.vector_store %arg12[%swap3A_37], %broadcast_in_dim3A_36 {strides = array<i32>} : memref<256xi32, #tpu.memory_space<vmem>>, vector<16xi32>,
      %broadcast_in_dim3A_39 = arith.constant 0 : i32
      %broadcast_in_dim3A_40 = vector.broadcast %broadcast_in_dim3A_39 : i32 to vector<16xi32>
      %swap3A_41 = arith.constant 112 : index
      %swap3A_42 = tpu.vector_load %arg12[%swap3A_41] {strides = array<i32>} : memref<256xi32, #tpu.memory_space<vmem>>, vector<16xi32>,
      tpu.vector_store %arg12[%swap3A_41], %broadcast_in_dim3A_40 {strides = array<i32>} : memref<256xi32, #tpu.memory_space<vmem>>, vector<16xi32>,
      %broadcast_in_dim3A_43 = arith.constant 0 : i32
      %broadcast_in_dim3A_44 = vector.broadcast %broadcast_in_dim3A_43 : i32 to vector<16xi32>
      %swap3A_45 = arith.constant 128 : index
      %swap3A_46 = tpu.vector_load %arg12[%swap3A_45] {strides = array<i32>} : memref<256xi32, #tpu.memory_space<vmem>>, vector<16xi32>,
      tpu.vector_store %arg12[%swap3A_45], %broadcast_in_dim3A_44 {strides = array<i32>} : memref<256xi32, #tpu.memory_space<vmem>>, vector<16xi32>,
      %broadcast_in_dim3A_47 = arith.constant 0 : i32
      %broadcast_in_dim3A_48 = vector.broadcast %broadcast_in_dim3A_47 : i32 to vector<16xi32>
      %swap3A_49 = arith.constant 144 : index
      %swap3A_50 = tpu.vector_load %arg12[%swap3A_49] {strides = array<i32>} : memref<256xi32, #tpu.memory_space<vmem>>, vector<16xi32>,
      tpu.vector_store %arg12[%swap3A_49], %broadcast_in_dim3A_48 {strides = array<i32>} : memref<256xi32, #tpu.memory_space<vmem>>, vector<16xi32>,
      %broadcast_in_dim3A_51 = arith.constant 0 : i32
      %broadcast_in_dim3A_52 = vector.broadcast %broadcast_in_dim3A_51 : i32 to vector<16xi32>
      %swap3A_53 = arith.constant 160 : index
      %swap3A_54 = tpu.vector_load %arg12[%swap3A_53] {strides = array<i32>} : memref<256xi32, #tpu.memory_space<vmem>>, vector<16xi32>,
      tpu.vector_store %arg12[%swap3A_53], %broadcast_in_dim3A_52 {strides = array<i32>} : memref<256xi32, #tpu.memory_space<vmem>>, vector<16xi32>,
      %broadcast_in_dim3A_55 = arith.constant 0 : i32
      %broadcast_in_dim3A_56 = vector.broadcast %broadcast_in_dim3A_55 : i32 to vector<16xi32>
      %swap3A_57 = arith.constant 176 : index
      %swap3A_58 = tpu.vector_load %arg12[%swap3A_57] {strides = array<i32>} : memref<256xi32, #tpu.memory_space<vmem>>, vector<16xi32>,
      tpu.vector_store %arg12[%swap3A_57], %broadcast_in_dim3A_56 {strides = array<i32>} : memref<256xi32, #tpu.memory_space<vmem>>, vector<16xi32>,
      %broadcast_in_dim3A_59 = arith.constant 0 : i32
      %broadcast_in_dim3A_60 = vector.broadcast %broadcast_in_dim3A_59 : i32 to vector<16xi32>
      %swap3A_61 = arith.constant 192 : index
      %swap3A_62 = tpu.vector_load %arg12[%swap3A_61] {strides = array<i32>} : memref<256xi32, #tpu.memory_space<vmem>>, vector<16xi32>,
      tpu.vector_store %arg12[%swap3A_61], %broadcast_in_dim3A_60 {strides = array<i32>} : memref<256xi32, #tpu.memory_space<vmem>>, vector<16xi32>,
      %broadcast_in_dim3A_63 = arith.constant 0 : i32
      %broadcast_in_dim3A_64 = vector.broadcast %broadcast_in_dim3A_63 : i32 to vector<16xi32>
      %swap3A_65 = arith.constant 208 : index
      %swap3A_66 = tpu.vector_load %arg12[%swap3A_65] {strides = array<i32>} : memref<256xi32, #tpu.memory_space<vmem>>, vector<16xi32>,
      tpu.vector_store %arg12[%swap3A_65], %broadcast_in_dim3A_64 {strides = array<i32>} : memref<256xi32, #tpu.memory_space<vmem>>, vector<16xi32>,
      %broadcast_in_dim3A_67 = arith.constant 0 : i32
      %broadcast_in_dim3A_68 = vector.broadcast %broadcast_in_dim3A_67 : i32 to vector<16xi32>
      %swap3A_69 = arith.constant 224 : index
      %swap3A_70 = tpu.vector_load %arg12[%swap3A_69] {strides = array<i32>} : memref<256xi32, #tpu.memory_space<vmem>>, vector<16xi32>,
      tpu.vector_store %arg12[%swap3A_69], %broadcast_in_dim3A_68 {strides = array<i32>} : memref<256xi32, #tpu.memory_space<vmem>>, vector<16xi32>,
      %broadcast_in_dim3A_71 = arith.constant 0 : i32
      %broadcast_in_dim3A_72 = vector.broadcast %broadcast_in_dim3A_71 : i32 to vector<16xi32>
      %swap3A_73 = arith.constant 240 : index
      %swap3A_74 = tpu.vector_load %arg12[%swap3A_73] {strides = array<i32>} : memref<256xi32, #tpu.memory_space<vmem>>, vector<16xi32>,
      tpu.vector_store %arg12[%swap3A_73], %broadcast_in_dim3A_72 {strides = array<i32>} : memref<256xi32, #tpu.memory_space<vmem>>, vector<16xi32>,
      %scan3A_75 = arith.constant 0 : i32
      %scan3A_76 = arith.constant 0 : i32
      %scan3A_77 = arith.constant 16 : i32
      %scan3A_78 = arith.addi %scan3A_76, %scan3A_77 : i32
      %scan3A_79 = arith.constant 1 : i32
      %scan3A_80 = scf.for %scan3A_2568 = %scan3A_76 to %scan3A_78 step %scan3A_79 iter_args(%scan3A_2569 = %scan3A_75) -> (i32)  : i32 {
        %mul3A_2570 = arith.constant 4 : i32
        %mul3A_2571 = arith.muli %scan3A_2568, %mul3A_2570 : i32
        %add3A_2572 = arith.constant 0 : i32
        %add3A_2573 = arith.addi %mul3A_2571, %add3A_2572 : i32
        %mul3A_2574 = arith.constant 64 : i32
        %mul3A_2575 = vector.broadcast %mul3A_2574 : i32 to vector<16xi32>
        %mul3A_2576 = arith.muli %iota3A, %mul3A_2575 : vector<16xi32>
        %add3A_2577 = vector.broadcast %mul3A_11 : i32 to vector<16xi32>
        %add3A_2578 = arith.addi %add3A_2577, %mul3A_2576 : vector<16xi32>
        %add3A_2579 = vector.broadcast %add3A_2573 : i32 to vector<16xi32>
        %add3A_2580 = arith.addi %add3A_2578, %add3A_2579 : vector<16xi32>
        %gather3A = tpu.vector_load_idx %arg5[%add3A_2580] : memref<5120xf32, #tpu.memory_space<vmem>>[vector<16xi32>], vector<16xf32>,
        %bitcast_convert_type3A = tpu.bitcast %gather3A : vector<16xf32> -> vector<16xi32>
        %ge3A = arith.constant 0 : i32
        %ge3A_2581 = vector.broadcast %ge3A : i32 to vector<16xi32>
        %ge3A_2582 = arith.cmpi sge, %bitcast_convert_type3A, %ge3A_2581 : vector<16xi32>
        %xor3A = arith.constant -2147483648 : i32
        %xor3A_2583 = vector.broadcast %xor3A : i32 to vector<16xi32>
        %xor3A_2584 = arith.xori %bitcast_convert_type3A, %xor3A_2583 : vector<16xi32>
        %not3A = arith.constant dense<-1> : vector<16xi32>
        %not3A_2585 = arith.xori %bitcast_convert_type3A, %not3A : vector<16xi32>
        %select_n3A = arith.select %ge3A_2582, %xor3A_2584, %not3A_2585 : vector<16xi1>, vector<16xi32>
        %not3A_2586 = arith.constant dense<-1> : vector<16xi32>
        %not3A_2587 = arith.xori %select_n3A, %not3A_2586 : vector<16xi32>
        %and3A = arith.constant 15 : i32
        %and3A_2588 = vector.broadcast %and3A : i32 to vector<16xi32>
        %and3A_2589 = arith.andi %not3A_2587, %and3A_2588 : vector<16xi32>
        %mul3A_2590 = arith.constant 16 : i32
        %mul3A_2591 = vector.broadcast %mul3A_2590 : i32 to vector<16xi32>
        %mul3A_2592 = arith.muli %and3A_2589, %mul3A_2591 : vector<16xi32>
        %add3A_2593 = arith.addi %mul3A_2592, %iota3A : vector<16xi32>
        tpu.vector_store_idx %arg12[%add3A_2593], %broadcast_in_dim3A_0 {add = true} : memref<256xi32, #tpu.memory_space<vmem>>[vector<16xi32>], vector<16xi32>,
        %mul3A_2594 = arith.constant 4 : i32
        %mul3A_2595 = arith.muli %scan3A_2568, %mul3A_2594 : i32
        %add3A_2596 = arith.constant 1 : i32
        %add3A_2597 = arith.addi %mul3A_2595, %add3A_2596 : i32
        %mul3A_2598 = arith.constant 64 : i32
        %mul3A_2599 = vector.broadcast %mul3A_2598 : i32 to vector<16xi32>
        %mul3A_2600 = arith.muli %iota3A, %mul3A_2599 : vector<16xi32>
        %add3A_2601 = vector.broadcast %mul3A_11 : i32 to vector<16xi32>
        %add3A_2602 = arith.addi %add3A_2601, %mul3A_2600 : vector<16xi32>
        %add3A_2603 = vector.broadcast %add3A_2597 : i32 to vector<16xi32>
        %add3A_2604 = arith.addi %add3A_2602, %add3A_2603 : vector<16xi32>
        %gather3A_2605 = tpu.vector_load_idx %arg5[%add3A_2604] : memref<5120xf32, #tpu.memory_space<vmem>>[vector<16xi32>], vector<16xf32>,
        %bitcast_convert_type3A_2606 = tpu.bitcast %gather3A_2605 : vector<16xf32> -> vector<16xi32>
        %ge3A_2607 = arith.constant 0 : i32
        %ge3A_2608 = vector.broadcast %ge3A_2607 : i32 to vector<16xi32>
        %ge3A_2609 = arith.cmpi sge, %bitcast_convert_type3A_2606, %ge3A_2608 : vector<16xi32>
        %xor3A_2610 = arith.constant -2147483648 : i32
        %xor3A_2611 = vector.broadcast %xor3A_2610 : i32 to vector<16xi32>
        %xor3A_2612 = arith.xori %bitcast_convert_type3A_2606, %xor3A_2611 : vector<16xi32>
        %not3A_2613 = arith.constant dense<-1> : vector<16xi32>
        %not3A_2614 = arith.xori %bitcast_convert_type3A_2606, %not3A_2613 : vector<16xi32>
        %select_n3A_2615 = arith.select %ge3A_2609, %xor3A_2612, %not3A_2614 : vector<16xi1>, vector<16xi32>
        %not3A_2616 = arith.constant dense<-1> : vector<16xi32>
        %not3A_2617 = arith.xori %select_n3A_2615, %not3A_2616 : vector<16xi32>
        %and3A_2618 = arith.constant 15 : i32
        %and3A_2619 = vector.broadcast %and3A_2618 : i32 to vector<16xi32>
        %and3A_2620 = arith.andi %not3A_2617, %and3A_2619 : vector<16xi32>
        %mul3A_2621 = arith.constant 16 : i32
        %mul3A_2622 = vector.broadcast %mul3A_2621 : i32 to vector<16xi32>
        %mul3A_2623 = arith.muli %and3A_2620, %mul3A_2622 : vector<16xi32>
        %add3A_2624 = arith.addi %mul3A_2623, %iota3A : vector<16xi32>
        tpu.vector_store_idx %arg12[%add3A_2624], %broadcast_in_dim3A_0 {add = true} : memref<256xi32, #tpu.memory_space<vmem>>[vector<16xi32>], vector<16xi32>,
        %mul3A_2625 = arith.constant 4 : i32
        %mul3A_2626 = arith.muli %scan3A_2568, %mul3A_2625 : i32
        %add3A_2627 = arith.constant 2 : i32
        %add3A_2628 = arith.addi %mul3A_2626, %add3A_2627 : i32
        %mul3A_2629 = arith.constant 64 : i32
        %mul3A_2630 = vector.broadcast %mul3A_2629 : i32 to vector<16xi32>
        %mul3A_2631 = arith.muli %iota3A, %mul3A_2630 : vector<16xi32>
        %add3A_2632 = vector.broadcast %mul3A_11 : i32 to vector<16xi32>
        %add3A_2633 = arith.addi %add3A_2632, %mul3A_2631 : vector<16xi32>
        %add3A_2634 = vector.broadcast %add3A_2628 : i32 to vector<16xi32>
        %add3A_2635 = arith.addi %add3A_2633, %add3A_2634 : vector<16xi32>
        %gather3A_2636 = tpu.vector_load_idx %arg5[%add3A_2635] : memref<5120xf32, #tpu.memory_space<vmem>>[vector<16xi32>], vector<16xf32>,
        %bitcast_convert_type3A_2637 = tpu.bitcast %gather3A_2636 : vector<16xf32> -> vector<16xi32>
        %ge3A_2638 = arith.constant 0 : i32
        %ge3A_2639 = vector.broadcast %ge3A_2638 : i32 to vector<16xi32>
        %ge3A_2640 = arith.cmpi sge, %bitcast_convert_type3A_2637, %ge3A_2639 : vector<16xi32>
        %xor3A_2641 = arith.constant -2147483648 : i32
        %xor3A_2642 = vector.broadcast %xor3A_2641 : i32 to vector<16xi32>
        %xor3A_2643 = arith.xori %bitcast_convert_type3A_2637, %xor3A_2642 : vector<16xi32>
        %not3A_2644 = arith.constant dense<-1> : vector<16xi32>
        %not3A_2645 = arith.xori %bitcast_convert_type3A_2637, %not3A_2644 : vector<16xi32>
        %select_n3A_2646 = arith.select %ge3A_2640, %xor3A_2643, %not3A_2645 : vector<16xi1>, vector<16xi32>
        %not3A_2647 = arith.constant dense<-1> : vector<16xi32>
        %not3A_2648 = arith.xori %select_n3A_2646, %not3A_2647 : vector<16xi32>
        %and3A_2649 = arith.constant 15 : i32
        %and3A_2650 = vector.broadcast %and3A_2649 : i32 to vector<16xi32>
        %and3A_2651 = arith.andi %not3A_2648, %and3A_2650 : vector<16xi32>
        %mul3A_2652 = arith.constant 16 : i32
        %mul3A_2653 = vector.broadcast %mul3A_2652 : i32 to vector<16xi32>
        %mul3A_2654 = arith.muli %and3A_2651, %mul3A_2653 : vector<16xi32>
        %add3A_2655 = arith.addi %mul3A_2654, %iota3A : vector<16xi32>
        tpu.vector_store_idx %arg12[%add3A_2655], %broadcast_in_dim3A_0 {add = true} : memref<256xi32, #tpu.memory_space<vmem>>[vector<16xi32>], vector<16xi32>,
        %mul3A_2656 = arith.constant 4 : i32
        %mul3A_2657 = arith.muli %scan3A_2568, %mul3A_2656 : i32
        %add3A_2658 = arith.constant 3 : i32
        %add3A_2659 = arith.addi %mul3A_2657, %add3A_2658 : i32
        %mul3A_2660 = arith.constant 64 : i32
        %mul3A_2661 = vector.broadcast %mul3A_2660 : i32 to vector<16xi32>
        %mul3A_2662 = arith.muli %iota3A, %mul3A_2661 : vector<16xi32>
        %add3A_2663 = vector.broadcast %mul3A_11 : i32 to vector<16xi32>
        %add3A_2664 = arith.addi %add3A_2663, %mul3A_2662 : vector<16xi32>
        %add3A_2665 = vector.broadcast %add3A_2659 : i32 to vector<16xi32>
        %add3A_2666 = arith.addi %add3A_2664, %add3A_2665 : vector<16xi32>
        %gather3A_2667 = tpu.vector_load_idx %arg5[%add3A_2666] : memref<5120xf32, #tpu.memory_space<vmem>>[vector<16xi32>], vector<16xf32>,
        %bitcast_convert_type3A_2668 = tpu.bitcast %gather3A_2667 : vector<16xf32> -> vector<16xi32>
        %ge3A_2669 = arith.constant 0 : i32
        %ge3A_2670 = vector.broadcast %ge3A_2669 : i32 to vector<16xi32>
        %ge3A_2671 = arith.cmpi sge, %bitcast_convert_type3A_2668, %ge3A_2670 : vector<16xi32>
        %xor3A_2672 = arith.constant -2147483648 : i32
        %xor3A_2673 = vector.broadcast %xor3A_2672 : i32 to vector<16xi32>
        %xor3A_2674 = arith.xori %bitcast_convert_type3A_2668, %xor3A_2673 : vector<16xi32>
        %not3A_2675 = arith.constant dense<-1> : vector<16xi32>
        %not3A_2676 = arith.xori %bitcast_convert_type3A_2668, %not3A_2675 : vector<16xi32>
        %select_n3A_2677 = arith.select %ge3A_2671, %xor3A_2674, %not3A_2676 : vector<16xi1>, vector<16xi32>
        %not3A_2678 = arith.constant dense<-1> : vector<16xi32>
        %not3A_2679 = arith.xori %select_n3A_2677, %not3A_2678 : vector<16xi32>
        %and3A_2680 = arith.constant 15 : i32
        %and3A_2681 = vector.broadcast %and3A_2680 : i32 to vector<16xi32>
        %and3A_2682 = arith.andi %not3A_2679, %and3A_2681 : vector<16xi32>
        %mul3A_2683 = arith.constant 16 : i32
        %mul3A_2684 = vector.broadcast %mul3A_2683 : i32 to vector<16xi32>
        %mul3A_2685 = arith.muli %and3A_2682, %mul3A_2684 : vector<16xi32>
        %add3A_2686 = arith.addi %mul3A_2685, %iota3A : vector<16xi32>
        tpu.vector_store_idx %arg12[%add3A_2686], %broadcast_in_dim3A_0 {add = true} : memref<256xi32, #tpu.memory_space<vmem>>[vector<16xi32>], vector<16xi32>,
        %scan3A_2687 = arith.constant 0 : i32
        scf.yield %scan3A_2687 : i32
      }
      %scan3A_81 = arith.constant 16 : i32
      %get3A = arith.constant 0 : index
      %get3A_82 = tpu.vector_load %arg12[%get3A] {strides = array<i32>} : memref<256xi32, #tpu.memory_space<vmem>>, vector<16xi32>,
      %cumsum3A = arith.constant true
      %cumsum3A_83 = vector.broadcast %cumsum3A : i1 to vector<16xi1>
      %cumsum3A_84 = tpu.scan <sum>, %get3A_82 masked %cumsum3A_83 : vector<16xi32>, vector<16xi1> -> vector<16xi32>
      %sub3A = arith.subi %cumsum3A_84, %get3A_82 : vector<16xi32>
      %add3A_85 = arith.constant 0 : i32
      %add3A_86 = vector.broadcast %add3A_85 : i32 to vector<16xi32>
      %add3A_87 = arith.addi %sub3A, %add3A_86 : vector<16xi32>
      %swap3A_88 = arith.constant 0 : index
      %swap3A_89 = tpu.vector_load %arg12[%swap3A_88] {strides = array<i32>} : memref<256xi32, #tpu.memory_space<vmem>>, vector<16xi32>,
      tpu.vector_store %arg12[%swap3A_88], %add3A_87 {strides = array<i32>} : memref<256xi32, #tpu.memory_space<vmem>>, vector<16xi32>,
      %reduce_sum3A = arith.constant true
      %reduce_sum3A_90 = vector.broadcast %reduce_sum3A : i1 to vector<16xi1>
      %reduce_sum3A_91 = tpu.scan <sum>, %get3A_82 masked %reduce_sum3A_90 : vector<16xi32>, vector<16xi1> -> vector<16xi32>
      %reduce_sum3A_92 = vector.extract %reduce_sum3A_91[15] : i32 from vector<16xi32>
      %add3A_93 = arith.constant 0 : i32
      %add3A_94 = arith.addi %add3A_93, %reduce_sum3A_92 : i32
      %get3A_95 = arith.constant 16 : index
      %get3A_96 = tpu.vector_load %arg12[%get3A_95] {strides = array<i32>} : memref<256xi32, #tpu.memory_space<vmem>>, vector<16xi32>,
      %cumsum3A_97 = arith.constant true
      %cumsum3A_98 = vector.broadcast %cumsum3A_97 : i1 to vector<16xi1>
      %cumsum3A_99 = tpu.scan <sum>, %get3A_96 masked %cumsum3A_98 : vector<16xi32>, vector<16xi1> -> vector<16xi32>
      %sub3A_100 = arith.subi %cumsum3A_99, %get3A_96 : vector<16xi32>
      %add3A_101 = vector.broadcast %add3A_94 : i32 to vector<16xi32>
      %add3A_102 = arith.addi %sub3A_100, %add3A_101 : vector<16xi32>
      %swap3A_103 = arith.constant 16 : index
      %swap3A_104 = tpu.vector_load %arg12[%swap3A_103] {strides = array<i32>} : memref<256xi32, #tpu.memory_space<vmem>>, vector<16xi32>,
      tpu.vector_store %arg12[%swap3A_103], %add3A_102 {strides = array<i32>} : memref<256xi32, #tpu.memory_space<vmem>>, vector<16xi32>,
      %reduce_sum3A_105 = arith.constant true
      %reduce_sum3A_106 = vector.broadcast %reduce_sum3A_105 : i1 to vector<16xi1>
      %reduce_sum3A_107 = tpu.scan <sum>, %get3A_96 masked %reduce_sum3A_106 : vector<16xi32>, vector<16xi1> -> vector<16xi32>
      %reduce_sum3A_108 = vector.extract %reduce_sum3A_107[15] : i32 from vector<16xi32>
      %add3A_109 = arith.addi %add3A_94, %reduce_sum3A_108 : i32
      %get3A_110 = arith.constant 32 : index
      %get3A_111 = tpu.vector_load %arg12[%get3A_110] {strides = array<i32>} : memref<256xi32, #tpu.memory_space<vmem>>, vector<16xi32>,
      %cumsum3A_112 = arith.constant true
      %cumsum3A_113 = vector.broadcast %cumsum3A_112 : i1 to vector<16xi1>
      %cumsum3A_114 = tpu.scan <sum>, %get3A_111 masked %cumsum3A_113 : vector<16xi32>, vector<16xi1> -> vector<16xi32>
      %sub3A_115 = arith.subi %cumsum3A_114, %get3A_111 : vector<16xi32>
      %add3A_116 = vector.broadcast %add3A_109 : i32 to vector<16xi32>
      %add3A_117 = arith.addi %sub3A_115, %add3A_116 : vector<16xi32>
      %swap3A_118 = arith.constant 32 : index
      %swap3A_119 = tpu.vector_load %arg12[%swap3A_118] {strides = array<i32>} : memref<256xi32, #tpu.memory_space<vmem>>, vector<16xi32>,
      tpu.vector_store %arg12[%swap3A_118], %add3A_117 {strides = array<i32>} : memref<256xi32, #tpu.memory_space<vmem>>, vector<16xi32>,
      %reduce_sum3A_120 = arith.constant true
      %reduce_sum3A_121 = vector.broadcast %reduce_sum3A_120 : i1 to vector<16xi1>
      %reduce_sum3A_122 = tpu.scan <sum>, %get3A_111 masked %reduce_sum3A_121 : vector<16xi32>, vector<16xi1> -> vector<16xi32>
      %reduce_sum3A_123 = vector.extract %reduce_sum3A_122[15] : i32 from vector<16xi32>
      %add3A_124 = arith.addi %add3A_109, %reduce_sum3A_123 : i32
      %get3A_125 = arith.constant 48 : index
      %get3A_126 = tpu.vector_load %arg12[%get3A_125] {strides = array<i32>} : memref<256xi32, #tpu.memory_space<vmem>>, vector<16xi32>,
      %cumsum3A_127 = arith.constant true
      %cumsum3A_128 = vector.broadcast %cumsum3A_127 : i1 to vector<16xi1>
      %cumsum3A_129 = tpu.scan <sum>, %get3A_126 masked %cumsum3A_128 : vector<16xi32>, vector<16xi1> -> vector<16xi32>
      %sub3A_130 = arith.subi %cumsum3A_129, %get3A_126 : vector<16xi32>
      %add3A_131 = vector.broadcast %add3A_124 : i32 to vector<16xi32>
      %add3A_132 = arith.addi %sub3A_130, %add3A_131 : vector<16xi32>
      %swap3A_133 = arith.constant 48 : index
      %swap3A_134 = tpu.vector_load %arg12[%swap3A_133] {strides = array<i32>} : memref<256xi32, #tpu.memory_space<vmem>>, vector<16xi32>,
      tpu.vector_store %arg12[%swap3A_133], %add3A_132 {strides = array<i32>} : memref<256xi32, #tpu.memory_space<vmem>>, vector<16xi32>,
      %reduce_sum3A_135 = arith.constant true
      %reduce_sum3A_136 = vector.broadcast %reduce_sum3A_135 : i1 to vector<16xi1>
      %reduce_sum3A_137 = tpu.scan <sum>, %get3A_126 masked %reduce_sum3A_136 : vector<16xi32>, vector<16xi1> -> vector<16xi32>
      %reduce_sum3A_138 = vector.extract %reduce_sum3A_137[15] : i32 from vector<16xi32>
      %add3A_139 = arith.addi %add3A_124, %reduce_sum3A_138 : i32
      %get3A_140 = arith.constant 64 : index
      %get3A_141 = tpu.vector_load %arg12[%get3A_140] {strides = array<i32>} : memref<256xi32, #tpu.memory_space<vmem>>, vector<16xi32>,
      %cumsum3A_142 = arith.constant true
      %cumsum3A_143 = vector.broadcast %cumsum3A_142 : i1 to vector<16xi1>
      %cumsum3A_144 = tpu.scan <sum>, %get3A_141 masked %cumsum3A_143 : vector<16xi32>, vector<16xi1> -> vector<16xi32>
      %sub3A_145 = arith.subi %cumsum3A_144, %get3A_141 : vector<16xi32>
      %add3A_146 = vector.broadcast %add3A_139 : i32 to vector<16xi32>
      %add3A_147 = arith.addi %sub3A_145, %add3A_146 : vector<16xi32>
      %swap3A_148 = arith.constant 64 : index
      %swap3A_149 = tpu.vector_load %arg12[%swap3A_148] {strides = array<i32>} : memref<256xi32, #tpu.memory_space<vmem>>, vector<16xi32>,
      tpu.vector_store %arg12[%swap3A_148], %add3A_147 {strides = array<i32>} : memref<256xi32, #tpu.memory_space<vmem>>, vector<16xi32>,
      %reduce_sum3A_150 = arith.constant true
      %reduce_sum3A_151 = vector.broadcast %reduce_sum3A_150 : i1 to vector<16xi1>
      %reduce_sum3A_152 = tpu.scan <sum>, %get3A_141 masked %reduce_sum3A_151 : vector<16xi32>, vector<16xi1> -> vector<16xi32>
      %reduce_sum3A_153 = vector.extract %reduce_sum3A_152[15] : i32 from vector<16xi32>
      %add3A_154 = arith.addi %add3A_139, %reduce_sum3A_153 : i32
      %get3A_155 = arith.constant 80 : index
      %get3A_156 = tpu.vector_load %arg12[%get3A_155] {strides = array<i32>} : memref<256xi32, #tpu.memory_space<vmem>>, vector<16xi32>,
      %cumsum3A_157 = arith.constant true
      %cumsum3A_158 = vector.broadcast %cumsum3A_157 : i1 to vector<16xi1>
      %cumsum3A_159 = tpu.scan <sum>, %get3A_156 masked %cumsum3A_158 : vector<16xi32>, vector<16xi1> -> vector<16xi32>
      %sub3A_160 = arith.subi %cumsum3A_159, %get3A_156 : vector<16xi32>
      %add3A_161 = vector.broadcast %add3A_154 : i32 to vector<16xi32>
      %add3A_162 = arith.addi %sub3A_160, %add3A_161 : vector<16xi32>
      %swap3A_163 = arith.constant 80 : index
      %swap3A_164 = tpu.vector_load %arg12[%swap3A_163] {strides = array<i32>} : memref<256xi32, #tpu.memory_space<vmem>>, vector<16xi32>,
      tpu.vector_store %arg12[%swap3A_163], %add3A_162 {strides = array<i32>} : memref<256xi32, #tpu.memory_space<vmem>>, vector<16xi32>,
      %reduce_sum3A_165 = arith.constant true
      %reduce_sum3A_166 = vector.broadcast %reduce_sum3A_165 : i1 to vector<16xi1>
      %reduce_sum3A_167 = tpu.scan <sum>, %get3A_156 masked %reduce_sum3A_166 : vector<16xi32>, vector<16xi1> -> vector<16xi32>
      %reduce_sum3A_168 = vector.extract %reduce_sum3A_167[15] : i32 from vector<16xi32>
      %add3A_169 = arith.addi %add3A_154, %reduce_sum3A_168 : i32
      %get3A_170 = arith.constant 96 : index
      %get3A_171 = tpu.vector_load %arg12[%get3A_170] {strides = array<i32>} : memref<256xi32, #tpu.memory_space<vmem>>, vector<16xi32>,
      %cumsum3A_172 = arith.constant true
      %cumsum3A_173 = vector.broadcast %cumsum3A_172 : i1 to vector<16xi1>
      %cumsum3A_174 = tpu.scan <sum>, %get3A_171 masked %cumsum3A_173 : vector<16xi32>, vector<16xi1> -> vector<16xi32>
      %sub3A_175 = arith.subi %cumsum3A_174, %get3A_171 : vector<16xi32>
      %add3A_176 = vector.broadcast %add3A_169 : i32 to vector<16xi32>
      %add3A_177 = arith.addi %sub3A_175, %add3A_176 : vector<16xi32>
      %swap3A_178 = arith.constant 96 : index
      %swap3A_179 = tpu.vector_load %arg12[%swap3A_178] {strides = array<i32>} : memref<256xi32, #tpu.memory_space<vmem>>, vector<16xi32>,
      tpu.vector_store %arg12[%swap3A_178], %add3A_177 {strides = array<i32>} : memref<256xi32, #tpu.memory_space<vmem>>, vector<16xi32>,
      %reduce_sum3A_180 = arith.constant true
      %reduce_sum3A_181 = vector.broadcast %reduce_sum3A_180 : i1 to vector<16xi1>
      %reduce_sum3A_182 = tpu.scan <sum>, %get3A_171 masked %reduce_sum3A_181 : vector<16xi32>, vector<16xi1> -> vector<16xi32>
      %reduce_sum3A_183 = vector.extract %reduce_sum3A_182[15] : i32 from vector<16xi32>
      %add3A_184 = arith.addi %add3A_169, %reduce_sum3A_183 : i32
      %get3A_185 = arith.constant 112 : index
      %get3A_186 = tpu.vector_load %arg12[%get3A_185] {strides = array<i32>} : memref<256xi32, #tpu.memory_space<vmem>>, vector<16xi32>,
      %cumsum3A_187 = arith.constant true
      %cumsum3A_188 = vector.broadcast %cumsum3A_187 : i1 to vector<16xi1>
      %cumsum3A_189 = tpu.scan <sum>, %get3A_186 masked %cumsum3A_188 : vector<16xi32>, vector<16xi1> -> vector<16xi32>
      %sub3A_190 = arith.subi %cumsum3A_189, %get3A_186 : vector<16xi32>
      %add3A_191 = vector.broadcast %add3A_184 : i32 to vector<16xi32>
      %add3A_192 = arith.addi %sub3A_190, %add3A_191 : vector<16xi32>
      %swap3A_193 = arith.constant 112 : index
      %swap3A_194 = tpu.vector_load %arg12[%swap3A_193] {strides = array<i32>} : memref<256xi32, #tpu.memory_space<vmem>>, vector<16xi32>,
      tpu.vector_store %arg12[%swap3A_193], %add3A_192 {strides = array<i32>} : memref<256xi32, #tpu.memory_space<vmem>>, vector<16xi32>,
      %reduce_sum3A_195 = arith.constant true
      %reduce_sum3A_196 = vector.broadcast %reduce_sum3A_195 : i1 to vector<16xi1>
      %reduce_sum3A_197 = tpu.scan <sum>, %get3A_186 masked %reduce_sum3A_196 : vector<16xi32>, vector<16xi1> -> vector<16xi32>
      %reduce_sum3A_198 = vector.extract %reduce_sum3A_197[15] : i32 from vector<16xi32>
      %add3A_199 = arith.addi %add3A_184, %reduce_sum3A_198 : i32
      %get3A_200 = arith.constant 128 : index
      %get3A_201 = tpu.vector_load %arg12[%get3A_200] {strides = array<i32>} : memref<256xi32, #tpu.memory_space<vmem>>, vector<16xi32>,
      %cumsum3A_202 = arith.constant true
      %cumsum3A_203 = vector.broadcast %cumsum3A_202 : i1 to vector<16xi1>
      %cumsum3A_204 = tpu.scan <sum>, %get3A_201 masked %cumsum3A_203 : vector<16xi32>, vector<16xi1> -> vector<16xi32>
      %sub3A_205 = arith.subi %cumsum3A_204, %get3A_201 : vector<16xi32>
      %add3A_206 = vector.broadcast %add3A_199 : i32 to vector<16xi32>
      %add3A_207 = arith.addi %sub3A_205, %add3A_206 : vector<16xi32>
      %swap3A_208 = arith.constant 128 : index
      %swap3A_209 = tpu.vector_load %arg12[%swap3A_208] {strides = array<i32>} : memref<256xi32, #tpu.memory_space<vmem>>, vector<16xi32>,
      tpu.vector_store %arg12[%swap3A_208], %add3A_207 {strides = array<i32>} : memref<256xi32, #tpu.memory_space<vmem>>, vector<16xi32>,
      %reduce_sum3A_210 = arith.constant true
      %reduce_sum3A_211 = vector.broadcast %reduce_sum3A_210 : i1 to vector<16xi1>
      %reduce_sum3A_212 = tpu.scan <sum>, %get3A_201 masked %reduce_sum3A_211 : vector<16xi32>, vector<16xi1> -> vector<16xi32>
      %reduce_sum3A_213 = vector.extract %reduce_sum3A_212[15] : i32 from vector<16xi32>
      %add3A_214 = arith.addi %add3A_199, %reduce_sum3A_213 : i32
      %get3A_215 = arith.constant 144 : index
      %get3A_216 = tpu.vector_load %arg12[%get3A_215] {strides = array<i32>} : memref<256xi32, #tpu.memory_space<vmem>>, vector<16xi32>,
      %cumsum3A_217 = arith.constant true
      %cumsum3A_218 = vector.broadcast %cumsum3A_217 : i1 to vector<16xi1>
      %cumsum3A_219 = tpu.scan <sum>, %get3A_216 masked %cumsum3A_218 : vector<16xi32>, vector<16xi1> -> vector<16xi32>
      %sub3A_220 = arith.subi %cumsum3A_219, %get3A_216 : vector<16xi32>
      %add3A_221 = vector.broadcast %add3A_214 : i32 to vector<16xi32>
      %add3A_222 = arith.addi %sub3A_220, %add3A_221 : vector<16xi32>
      %swap3A_223 = arith.constant 144 : index
      %swap3A_224 = tpu.vector_load %arg12[%swap3A_223] {strides = array<i32>} : memref<256xi32, #tpu.memory_space<vmem>>, vector<16xi32>,
      tpu.vector_store %arg12[%swap3A_223], %add3A_222 {strides = array<i32>} : memref<256xi32, #tpu.memory_space<vmem>>, vector<16xi32>,
      %reduce_sum3A_225 = arith.constant true
      %reduce_sum3A_226 = vector.broadcast %reduce_sum3A_225 : i1 to vector<16xi1>
      %reduce_sum3A_227 = tpu.scan <sum>, %get3A_216 masked %reduce_sum3A_226 : vector<16xi32>, vector<16xi1> -> vector<16xi32>
      %reduce_sum3A_228 = vector.extract %reduce_sum3A_227[15] : i32 from vector<16xi32>
      %add3A_229 = arith.addi %add3A_214, %reduce_sum3A_228 : i32
      %get3A_230 = arith.constant 160 : index
      %get3A_231 = tpu.vector_load %arg12[%get3A_230] {strides = array<i32>} : memref<256xi32, #tpu.memory_space<vmem>>, vector<16xi32>,
      %cumsum3A_232 = arith.constant true
      %cumsum3A_233 = vector.broadcast %cumsum3A_232 : i1 to vector<16xi1>
      %cumsum3A_234 = tpu.scan <sum>, %get3A_231 masked %cumsum3A_233 : vector<16xi32>, vector<16xi1> -> vector<16xi32>
      %sub3A_235 = arith.subi %cumsum3A_234, %get3A_231 : vector<16xi32>
      %add3A_236 = vector.broadcast %add3A_229 : i32 to vector<16xi32>
      %add3A_237 = arith.addi %sub3A_235, %add3A_236 : vector<16xi32>
      %swap3A_238 = arith.constant 160 : index
      %swap3A_239 = tpu.vector_load %arg12[%swap3A_238] {strides = array<i32>} : memref<256xi32, #tpu.memory_space<vmem>>, vector<16xi32>,
      tpu.vector_store %arg12[%swap3A_238], %add3A_237 {strides = array<i32>} : memref<256xi32, #tpu.memory_space<vmem>>, vector<16xi32>,
      %reduce_sum3A_240 = arith.constant true
      %reduce_sum3A_241 = vector.broadcast %reduce_sum3A_240 : i1 to vector<16xi1>
      %reduce_sum3A_242 = tpu.scan <sum>, %get3A_231 masked %reduce_sum3A_241 : vector<16xi32>, vector<16xi1> -> vector<16xi32>
      %reduce_sum3A_243 = vector.extract %reduce_sum3A_242[15] : i32 from vector<16xi32>
      %add3A_244 = arith.addi %add3A_229, %reduce_sum3A_243 : i32
      %get3A_245 = arith.constant 176 : index
      %get3A_246 = tpu.vector_load %arg12[%get3A_245] {strides = array<i32>} : memref<256xi32, #tpu.memory_space<vmem>>, vector<16xi32>,
      %cumsum3A_247 = arith.constant true
      %cumsum3A_248 = vector.broadcast %cumsum3A_247 : i1 to vector<16xi1>
      %cumsum3A_249 = tpu.scan <sum>, %get3A_246 masked %cumsum3A_248 : vector<16xi32>, vector<16xi1> -> vector<16xi32>
      %sub3A_250 = arith.subi %cumsum3A_249, %get3A_246 : vector<16xi32>
      %add3A_251 = vector.broadcast %add3A_244 : i32 to vector<16xi32>
      %add3A_252 = arith.addi %sub3A_250, %add3A_251 : vector<16xi32>
      %swap3A_253 = arith.constant 176 : index
      %swap3A_254 = tpu.vector_load %arg12[%swap3A_253] {strides = array<i32>} : memref<256xi32, #tpu.memory_space<vmem>>, vector<16xi32>,
      tpu.vector_store %arg12[%swap3A_253], %add3A_252 {strides = array<i32>} : memref<256xi32, #tpu.memory_space<vmem>>, vector<16xi32>,
      %reduce_sum3A_255 = arith.constant true
      %reduce_sum3A_256 = vector.broadcast %reduce_sum3A_255 : i1 to vector<16xi1>
      %reduce_sum3A_257 = tpu.scan <sum>, %get3A_246 masked %reduce_sum3A_256 : vector<16xi32>, vector<16xi1> -> vector<16xi32>
      %reduce_sum3A_258 = vector.extract %reduce_sum3A_257[15] : i32 from vector<16xi32>
      %add3A_259 = arith.addi %add3A_244, %reduce_sum3A_258 : i32
      %get3A_260 = arith.constant 192 : index
      %get3A_261 = tpu.vector_load %arg12[%get3A_260] {strides = array<i32>} : memref<256xi32, #tpu.memory_space<vmem>>, vector<16xi32>,
      %cumsum3A_262 = arith.constant true
      %cumsum3A_263 = vector.broadcast %cumsum3A_262 : i1 to vector<16xi1>
      %cumsum3A_264 = tpu.scan <sum>, %get3A_261 masked %cumsum3A_263 : vector<16xi32>, vector<16xi1> -> vector<16xi32>
      %sub3A_265 = arith.subi %cumsum3A_264, %get3A_261 : vector<16xi32>
      %add3A_266 = vector.broadcast %add3A_259 : i32 to vector<16xi32>
      %add3A_267 = arith.addi %sub3A_265, %add3A_266 : vector<16xi32>
      %swap3A_268 = arith.constant 192 : index
      %swap3A_269 = tpu.vector_load %arg12[%swap3A_268] {strides = array<i32>} : memref<256xi32, #tpu.memory_space<vmem>>, vector<16xi32>,
      tpu.vector_store %arg12[%swap3A_268], %add3A_267 {strides = array<i32>} : memref<256xi32, #tpu.memory_space<vmem>>, vector<16xi32>,
      %reduce_sum3A_270 = arith.constant true
      %reduce_sum3A_271 = vector.broadcast %reduce_sum3A_270 : i1 to vector<16xi1>
      %reduce_sum3A_272 = tpu.scan <sum>, %get3A_261 masked %reduce_sum3A_271 : vector<16xi32>, vector<16xi1> -> vector<16xi32>
      %reduce_sum3A_273 = vector.extract %reduce_sum3A_272[15] : i32 from vector<16xi32>
      %add3A_274 = arith.addi %add3A_259, %reduce_sum3A_273 : i32
      %get3A_275 = arith.constant 208 : index
      %get3A_276 = tpu.vector_load %arg12[%get3A_275] {strides = array<i32>} : memref<256xi32, #tpu.memory_space<vmem>>, vector<16xi32>,
      %cumsum3A_277 = arith.constant true
      %cumsum3A_278 = vector.broadcast %cumsum3A_277 : i1 to vector<16xi1>
      %cumsum3A_279 = tpu.scan <sum>, %get3A_276 masked %cumsum3A_278 : vector<16xi32>, vector<16xi1> -> vector<16xi32>
      %sub3A_280 = arith.subi %cumsum3A_279, %get3A_276 : vector<16xi32>
      %add3A_281 = vector.broadcast %add3A_274 : i32 to vector<16xi32>
      %add3A_282 = arith.addi %sub3A_280, %add3A_281 : vector<16xi32>
      %swap3A_283 = arith.constant 208 : index
      %swap3A_284 = tpu.vector_load %arg12[%swap3A_283] {strides = array<i32>} : memref<256xi32, #tpu.memory_space<vmem>>, vector<16xi32>,
      tpu.vector_store %arg12[%swap3A_283], %add3A_282 {strides = array<i32>} : memref<256xi32, #tpu.memory_space<vmem>>, vector<16xi32>,
      %reduce_sum3A_285 = arith.constant true
      %reduce_sum3A_286 = vector.broadcast %reduce_sum3A_285 : i1 to vector<16xi1>
      %reduce_sum3A_287 = tpu.scan <sum>, %get3A_276 masked %reduce_sum3A_286 : vector<16xi32>, vector<16xi1> -> vector<16xi32>
      %reduce_sum3A_288 = vector.extract %reduce_sum3A_287[15] : i32 from vector<16xi32>
      %add3A_289 = arith.addi %add3A_274, %reduce_sum3A_288 : i32
      %get3A_290 = arith.constant 224 : index
      %get3A_291 = tpu.vector_load %arg12[%get3A_290] {strides = array<i32>} : memref<256xi32, #tpu.memory_space<vmem>>, vector<16xi32>,
      %cumsum3A_292 = arith.constant true
      %cumsum3A_293 = vector.broadcast %cumsum3A_292 : i1 to vector<16xi1>
      %cumsum3A_294 = tpu.scan <sum>, %get3A_291 masked %cumsum3A_293 : vector<16xi32>, vector<16xi1> -> vector<16xi32>
      %sub3A_295 = arith.subi %cumsum3A_294, %get3A_291 : vector<16xi32>
      %add3A_296 = vector.broadcast %add3A_289 : i32 to vector<16xi32>
      %add3A_297 = arith.addi %sub3A_295, %add3A_296 : vector<16xi32>
      %swap3A_298 = arith.constant 224 : index
      %swap3A_299 = tpu.vector_load %arg12[%swap3A_298] {strides = array<i32>} : memref<256xi32, #tpu.memory_space<vmem>>, vector<16xi32>,
      tpu.vector_store %arg12[%swap3A_298], %add3A_297 {strides = array<i32>} : memref<256xi32, #tpu.memory_space<vmem>>, vector<16xi32>,
      %reduce_sum3A_300 = arith.constant true
      %reduce_sum3A_301 = vector.broadcast %reduce_sum3A_300 : i1 to vector<16xi1>
      %reduce_sum3A_302 = tpu.scan <sum>, %get3A_291 masked %reduce_sum3A_301 : vector<16xi32>, vector<16xi1> -> vector<16xi32>
      %reduce_sum3A_303 = vector.extract %reduce_sum3A_302[15] : i32 from vector<16xi32>
      %add3A_304 = arith.addi %add3A_289, %reduce_sum3A_303 : i32
      %get3A_305 = arith.constant 240 : index
      %get3A_306 = tpu.vector_load %arg12[%get3A_305] {strides = array<i32>} : memref<256xi32, #tpu.memory_space<vmem>>, vector<16xi32>,
      %cumsum3A_307 = arith.constant true
      %cumsum3A_308 = vector.broadcast %cumsum3A_307 : i1 to vector<16xi1>
      %cumsum3A_309 = tpu.scan <sum>, %get3A_306 masked %cumsum3A_308 : vector<16xi32>, vector<16xi1> -> vector<16xi32>
      %sub3A_310 = arith.subi %cumsum3A_309, %get3A_306 : vector<16xi32>
      %add3A_311 = vector.broadcast %add3A_304 : i32 to vector<16xi32>
      %add3A_312 = arith.addi %sub3A_310, %add3A_311 : vector<16xi32>
      %swap3A_313 = arith.constant 240 : index
      %swap3A_314 = tpu.vector_load %arg12[%swap3A_313] {strides = array<i32>} : memref<256xi32, #tpu.memory_space<vmem>>, vector<16xi32>,
      tpu.vector_store %arg12[%swap3A_313], %add3A_312 {strides = array<i32>} : memref<256xi32, #tpu.memory_space<vmem>>, vector<16xi32>,
      %reduce_sum3A_315 = arith.constant true
      %reduce_sum3A_316 = vector.broadcast %reduce_sum3A_315 : i1 to vector<16xi1>
      %reduce_sum3A_317 = tpu.scan <sum>, %get3A_306 masked %reduce_sum3A_316 : vector<16xi32>, vector<16xi1> -> vector<16xi32>
      %reduce_sum3A_318 = vector.extract %reduce_sum3A_317[15] : i32 from vector<16xi32>
      %add3A_319 = arith.addi %add3A_304, %reduce_sum3A_318 : i32
      %scan3A_320 = arith.constant 0 : i32
      %scan3A_321 = arith.constant 0 : i32
      %scan3A_322 = arith.constant 16 : i32
      %scan3A_323 = arith.addi %scan3A_321, %scan3A_322 : i32
      %scan3A_324 = arith.constant 1 : i32
      %scan3A_325 = scf.for %scan3A_2568 = %scan3A_321 to %scan3A_323 step %scan3A_324 iter_args(%scan3A_2569 = %scan3A_320) -> (i32)  : i32 {
        %mul3A_2570 = arith.constant 4 : i32
        %mul3A_2571 = arith.muli %scan3A_2568, %mul3A_2570 : i32
        %add3A_2572 = arith.constant 0 : i32
        %add3A_2573 = arith.addi %mul3A_2571, %add3A_2572 : i32
        %mul3A_2574 = arith.constant 64 : i32
        %mul3A_2575 = vector.broadcast %mul3A_2574 : i32 to vector<16xi32>
        %mul3A_2576 = arith.muli %iota3A, %mul3A_2575 : vector<16xi32>
        %add3A_2577 = vector.broadcast %mul3A_11 : i32 to vector<16xi32>
        %add3A_2578 = arith.addi %add3A_2577, %mul3A_2576 : vector<16xi32>
        %add3A_2579 = vector.broadcast %add3A_2573 : i32 to vector<16xi32>
        %add3A_2580 = arith.addi %add3A_2578, %add3A_2579 : vector<16xi32>
        %gather3A = tpu.vector_load_idx %arg5[%add3A_2580] : memref<5120xf32, #tpu.memory_space<vmem>>[vector<16xi32>], vector<16xf32>,
        %bitcast_convert_type3A = tpu.bitcast %gather3A : vector<16xf32> -> vector<16xi32>
        %ge3A = arith.constant 0 : i32
        %ge3A_2581 = vector.broadcast %ge3A : i32 to vector<16xi32>
        %ge3A_2582 = arith.cmpi sge, %bitcast_convert_type3A, %ge3A_2581 : vector<16xi32>
        %xor3A = arith.constant -2147483648 : i32
        %xor3A_2583 = vector.broadcast %xor3A : i32 to vector<16xi32>
        %xor3A_2584 = arith.xori %bitcast_convert_type3A, %xor3A_2583 : vector<16xi32>
        %not3A = arith.constant dense<-1> : vector<16xi32>
        %not3A_2585 = arith.xori %bitcast_convert_type3A, %not3A : vector<16xi32>
        %select_n3A = arith.select %ge3A_2582, %xor3A_2584, %not3A_2585 : vector<16xi1>, vector<16xi32>
        %not3A_2586 = arith.constant dense<-1> : vector<16xi32>
        %not3A_2587 = arith.xori %select_n3A, %not3A_2586 : vector<16xi32>
        %and3A = arith.constant 15 : i32
        %and3A_2588 = vector.broadcast %and3A : i32 to vector<16xi32>
        %and3A_2589 = arith.andi %not3A_2587, %and3A_2588 : vector<16xi32>
        %mul3A_2590 = arith.constant 16 : i32
        %mul3A_2591 = vector.broadcast %mul3A_2590 : i32 to vector<16xi32>
        %mul3A_2592 = arith.muli %and3A_2589, %mul3A_2591 : vector<16xi32>
        %add3A_2593 = arith.addi %mul3A_2592, %iota3A : vector<16xi32>
        %gather3A_2594 = tpu.vector_load_idx %arg12[%add3A_2593] : memref<256xi32, #tpu.memory_space<vmem>>[vector<16xi32>], vector<16xi32>,
        tpu.vector_store_idx %arg12[%add3A_2593], %broadcast_in_dim3A_0 {add = true} : memref<256xi32, #tpu.memory_space<vmem>>[vector<16xi32>], vector<16xi32>,
        %and3A_2595 = arith.constant 63 : i32
        %and3A_2596 = vector.broadcast %and3A_2595 : i32 to vector<16xi32>
        %and3A_2597 = arith.andi %gather3A_2594, %and3A_2596 : vector<16xi32>
        %mul3A_2598 = arith.constant 16 : i32
        %mul3A_2599 = vector.broadcast %mul3A_2598 : i32 to vector<16xi32>
        %mul3A_2600 = arith.muli %and3A_2597, %mul3A_2599 : vector<16xi32>
        %shift_right_arithmetic3A = arith.constant 6 : i32
        %shift_right_arithmetic3A_2601 = vector.broadcast %shift_right_arithmetic3A : i32 to vector<16xi32>
        %shift_right_arithmetic3A_2602 = arith.shrsi %gather3A_2594, %shift_right_arithmetic3A_2601 : vector<16xi32>
        %add3A_2603 = arith.addi %mul3A_2600, %shift_right_arithmetic3A_2602 : vector<16xi32>
        tpu.vector_store_idx %arg9[%add3A_2603], %not3A_2587 : memref<1024xi32, #tpu.memory_space<vmem>>[vector<16xi32>], vector<16xi32>,
        %mul3A_2604 = arith.constant 64 : i32
        %mul3A_2605 = vector.broadcast %mul3A_2604 : i32 to vector<16xi32>
        %mul3A_2606 = arith.muli %iota3A, %mul3A_2605 : vector<16xi32>
        %add3A_2607 = vector.broadcast %add3A_2573 : i32 to vector<16xi32>
        %add3A_2608 = arith.addi %mul3A_2606, %add3A_2607 : vector<16xi32>
        tpu.vector_store_idx %arg11[%add3A_2603], %add3A_2608 : memref<1024xi32, #tpu.memory_space<vmem>>[vector<16xi32>], vector<16xi32>,
        %mul3A_2609 = arith.constant 4 : i32
        %mul3A_2610 = arith.muli %scan3A_2568, %mul3A_2609 : i32
        %add3A_2611 = arith.constant 1 : i32
        %add3A_2612 = arith.addi %mul3A_2610, %add3A_2611 : i32
        %mul3A_2613 = arith.constant 64 : i32
        %mul3A_2614 = vector.broadcast %mul3A_2613 : i32 to vector<16xi32>
        %mul3A_2615 = arith.muli %iota3A, %mul3A_2614 : vector<16xi32>
        %add3A_2616 = vector.broadcast %mul3A_11 : i32 to vector<16xi32>
        %add3A_2617 = arith.addi %add3A_2616, %mul3A_2615 : vector<16xi32>
        %add3A_2618 = vector.broadcast %add3A_2612 : i32 to vector<16xi32>
        %add3A_2619 = arith.addi %add3A_2617, %add3A_2618 : vector<16xi32>
        %gather3A_2620 = tpu.vector_load_idx %arg5[%add3A_2619] : memref<5120xf32, #tpu.memory_space<vmem>>[vector<16xi32>], vector<16xf32>,
        %bitcast_convert_type3A_2621 = tpu.bitcast %gather3A_2620 : vector<16xf32> -> vector<16xi32>
        %ge3A_2622 = arith.constant 0 : i32
        %ge3A_2623 = vector.broadcast %ge3A_2622 : i32 to vector<16xi32>
        %ge3A_2624 = arith.cmpi sge, %bitcast_convert_type3A_2621, %ge3A_2623 : vector<16xi32>
        %xor3A_2625 = arith.constant -2147483648 : i32
        %xor3A_2626 = vector.broadcast %xor3A_2625 : i32 to vector<16xi32>
        %xor3A_2627 = arith.xori %bitcast_convert_type3A_2621, %xor3A_2626 : vector<16xi32>
        %not3A_2628 = arith.constant dense<-1> : vector<16xi32>
        %not3A_2629 = arith.xori %bitcast_convert_type3A_2621, %not3A_2628 : vector<16xi32>
        %select_n3A_2630 = arith.select %ge3A_2624, %xor3A_2627, %not3A_2629 : vector<16xi1>, vector<16xi32>
        %not3A_2631 = arith.constant dense<-1> : vector<16xi32>
        %not3A_2632 = arith.xori %select_n3A_2630, %not3A_2631 : vector<16xi32>
        %and3A_2633 = arith.constant 15 : i32
        %and3A_2634 = vector.broadcast %and3A_2633 : i32 to vector<16xi32>
        %and3A_2635 = arith.andi %not3A_2632, %and3A_2634 : vector<16xi32>
        %mul3A_2636 = arith.constant 16 : i32
        %mul3A_2637 = vector.broadcast %mul3A_2636 : i32 to vector<16xi32>
        %mul3A_2638 = arith.muli %and3A_2635, %mul3A_2637 : vector<16xi32>
        %add3A_2639 = arith.addi %mul3A_2638, %iota3A : vector<16xi32>
        %gather3A_2640 = tpu.vector_load_idx %arg12[%add3A_2639] : memref<256xi32, #tpu.memory_space<vmem>>[vector<16xi32>], vector<16xi32>,
        tpu.vector_store_idx %arg12[%add3A_2639], %broadcast_in_dim3A_0 {add = true} : memref<256xi32, #tpu.memory_space<vmem>>[vector<16xi32>], vector<16xi32>,
        %and3A_2641 = arith.constant 63 : i32
        %and3A_2642 = vector.broadcast %and3A_2641 : i32 to vector<16xi32>
        %and3A_2643 = arith.andi %gather3A_2640, %and3A_2642 : vector<16xi32>
        %mul3A_2644 = arith.constant 16 : i32
        %mul3A_2645 = vector.broadcast %mul3A_2644 : i32 to vector<16xi32>
        %mul3A_2646 = arith.muli %and3A_2643, %mul3A_2645 : vector<16xi32>
        %shift_right_arithmetic3A_2647 = arith.constant 6 : i32
        %shift_right_arithmetic3A_2648 = vector.broadcast %shift_right_arithmetic3A_2647 : i32 to vector<16xi32>
        %shift_right_arithmetic3A_2649 = arith.shrsi %gather3A_2640, %shift_right_arithmetic3A_2648 : vector<16xi32>
        %add3A_2650 = arith.addi %mul3A_2646, %shift_right_arithmetic3A_2649 : vector<16xi32>
        tpu.vector_store_idx %arg9[%add3A_2650], %not3A_2632 : memref<1024xi32, #tpu.memory_space<vmem>>[vector<16xi32>], vector<16xi32>,
        %mul3A_2651 = arith.constant 64 : i32
        %mul3A_2652 = vector.broadcast %mul3A_2651 : i32 to vector<16xi32>
        %mul3A_2653 = arith.muli %iota3A, %mul3A_2652 : vector<16xi32>
        %add3A_2654 = vector.broadcast %add3A_2612 : i32 to vector<16xi32>
        %add3A_2655 = arith.addi %mul3A_2653, %add3A_2654 : vector<16xi32>
        tpu.vector_store_idx %arg11[%add3A_2650], %add3A_2655 : memref<1024xi32, #tpu.memory_space<vmem>>[vector<16xi32>], vector<16xi32>,
        %mul3A_2656 = arith.constant 4 : i32
        %mul3A_2657 = arith.muli %scan3A_2568, %mul3A_2656 : i32
        %add3A_2658 = arith.constant 2 : i32
        %add3A_2659 = arith.addi %mul3A_2657, %add3A_2658 : i32
        %mul3A_2660 = arith.constant 64 : i32
        %mul3A_2661 = vector.broadcast %mul3A_2660 : i32 to vector<16xi32>
        %mul3A_2662 = arith.muli %iota3A, %mul3A_2661 : vector<16xi32>
        %add3A_2663 = vector.broadcast %mul3A_11 : i32 to vector<16xi32>
        %add3A_2664 = arith.addi %add3A_2663, %mul3A_2662 : vector<16xi32>
        %add3A_2665 = vector.broadcast %add3A_2659 : i32 to vector<16xi32>
        %add3A_2666 = arith.addi %add3A_2664, %add3A_2665 : vector<16xi32>
        %gather3A_2667 = tpu.vector_load_idx %arg5[%add3A_2666] : memref<5120xf32, #tpu.memory_space<vmem>>[vector<16xi32>], vector<16xf32>,
        %bitcast_convert_type3A_2668 = tpu.bitcast %gather3A_2667 : vector<16xf32> -> vector<16xi32>
        %ge3A_2669 = arith.constant 0 : i32
        %ge3A_2670 = vector.broadcast %ge3A_2669 : i32 to vector<16xi32>
        %ge3A_2671 = arith.cmpi sge, %bitcast_convert_type3A_2668, %ge3A_2670 : vector<16xi32>
        %xor3A_2672 = arith.constant -2147483648 : i32
        %xor3A_2673 = vector.broadcast %xor3A_2672 : i32 to vector<16xi32>
        %xor3A_2674 = arith.xori %bitcast_convert_type3A_2668, %xor3A_2673 : vector<16xi32>
        %not3A_2675 = arith.constant dense<-1> : vector<16xi32>
        %not3A_2676 = arith.xori %bitcast_convert_type3A_2668, %not3A_2675 : vector<16xi32>
        %select_n3A_2677 = arith.select %ge3A_2671, %xor3A_2674, %not3A_2676 : vector<16xi1>, vector<16xi32>
        %not3A_2678 = arith.constant dense<-1> : vector<16xi32>
        %not3A_2679 = arith.xori %select_n3A_2677, %not3A_2678 : vector<16xi32>
        %and3A_2680 = arith.constant 15 : i32
        %and3A_2681 = vector.broadcast %and3A_2680 : i32 to vector<16xi32>
        %and3A_2682 = arith.andi %not3A_2679, %and3A_2681 : vector<16xi32>
        %mul3A_2683 = arith.constant 16 : i32
        %mul3A_2684 = vector.broadcast %mul3A_2683 : i32 to vector<16xi32>
        %mul3A_2685 = arith.muli %and3A_2682, %mul3A_2684 : vector<16xi32>
        %add3A_2686 = arith.addi %mul3A_2685, %iota3A : vector<16xi32>
        %gather3A_2687 = tpu.vector_load_idx %arg12[%add3A_2686] : memref<256xi32, #tpu.memory_space<vmem>>[vector<16xi32>], vector<16xi32>,
        tpu.vector_store_idx %arg12[%add3A_2686], %broadcast_in_dim3A_0 {add = true} : memref<256xi32, #tpu.memory_space<vmem>>[vector<16xi32>], vector<16xi32>,
        %and3A_2688 = arith.constant 63 : i32
        %and3A_2689 = vector.broadcast %and3A_2688 : i32 to vector<16xi32>
        %and3A_2690 = arith.andi %gather3A_2687, %and3A_2689 : vector<16xi32>
        %mul3A_2691 = arith.constant 16 : i32
        %mul3A_2692 = vector.broadcast %mul3A_2691 : i32 to vector<16xi32>
        %mul3A_2693 = arith.muli %and3A_2690, %mul3A_2692 : vector<16xi32>
        %shift_right_arithmetic3A_2694 = arith.constant 6 : i32
        %shift_right_arithmetic3A_2695 = vector.broadcast %shift_right_arithmetic3A_2694 : i32 to vector<16xi32>
        %shift_right_arithmetic3A_2696 = arith.shrsi %gather3A_2687, %shift_right_arithmetic3A_2695 : vector<16xi32>
        %add3A_2697 = arith.addi %mul3A_2693, %shift_right_arithmetic3A_2696 : vector<16xi32>
        tpu.vector_store_idx %arg9[%add3A_2697], %not3A_2679 : memref<1024xi32, #tpu.memory_space<vmem>>[vector<16xi32>], vector<16xi32>,
        %mul3A_2698 = arith.constant 64 : i32
        %mul3A_2699 = vector.broadcast %mul3A_2698 : i32 to vector<16xi32>
        %mul3A_2700 = arith.muli %iota3A, %mul3A_2699 : vector<16xi32>
        %add3A_2701 = vector.broadcast %add3A_2659 : i32 to vector<16xi32>
        %add3A_2702 = arith.addi %mul3A_2700, %add3A_2701 : vector<16xi32>
        tpu.vector_store_idx %arg11[%add3A_2697], %add3A_2702 : memref<1024xi32, #tpu.memory_space<vmem>>[vector<16xi32>], vector<16xi32>,
        %mul3A_2703 = arith.constant 4 : i32
        %mul3A_2704 = arith.muli %scan3A_2568, %mul3A_2703 : i32
        %add3A_2705 = arith.constant 3 : i32
        %add3A_2706 = arith.addi %mul3A_2704, %add3A_2705 : i32
        %mul3A_2707 = arith.constant 64 : i32
        %mul3A_2708 = vector.broadcast %mul3A_2707 : i32 to vector<16xi32>
        %mul3A_2709 = arith.muli %iota3A, %mul3A_2708 : vector<16xi32>
        %add3A_2710 = vector.broadcast %mul3A_11 : i32 to vector<16xi32>
        %add3A_2711 = arith.addi %add3A_2710, %mul3A_2709 : vector<16xi32>
        %add3A_2712 = vector.broadcast %add3A_2706 : i32 to vector<16xi32>
        %add3A_2713 = arith.addi %add3A_2711, %add3A_2712 : vector<16xi32>
        %gather3A_2714 = tpu.vector_load_idx %arg5[%add3A_2713] : memref<5120xf32, #tpu.memory_space<vmem>>[vector<16xi32>], vector<16xf32>,
        %bitcast_convert_type3A_2715 = tpu.bitcast %gather3A_2714 : vector<16xf32> -> vector<16xi32>
        %ge3A_2716 = arith.constant 0 : i32
        %ge3A_2717 = vector.broadcast %ge3A_2716 : i32 to vector<16xi32>
        %ge3A_2718 = arith.cmpi sge, %bitcast_convert_type3A_2715, %ge3A_2717 : vector<16xi32>
        %xor3A_2719 = arith.constant -2147483648 : i32
        %xor3A_2720 = vector.broadcast %xor3A_2719 : i32 to vector<16xi32>
        %xor3A_2721 = arith.xori %bitcast_convert_type3A_2715, %xor3A_2720 : vector<16xi32>
        %not3A_2722 = arith.constant dense<-1> : vector<16xi32>
        %not3A_2723 = arith.xori %bitcast_convert_type3A_2715, %not3A_2722 : vector<16xi32>
        %select_n3A_2724 = arith.select %ge3A_2718, %xor3A_2721, %not3A_2723 : vector<16xi1>, vector<16xi32>
        %not3A_2725 = arith.constant dense<-1> : vector<16xi32>
        %not3A_2726 = arith.xori %select_n3A_2724, %not3A_2725 : vector<16xi32>
        %and3A_2727 = arith.constant 15 : i32
        %and3A_2728 = vector.broadcast %and3A_2727 : i32 to vector<16xi32>
        %and3A_2729 = arith.andi %not3A_2726, %and3A_2728 : vector<16xi32>
        %mul3A_2730 = arith.constant 16 : i32
        %mul3A_2731 = vector.broadcast %mul3A_2730 : i32 to vector<16xi32>
        %mul3A_2732 = arith.muli %and3A_2729, %mul3A_2731 : vector<16xi32>
        %add3A_2733 = arith.addi %mul3A_2732, %iota3A : vector<16xi32>
        %gather3A_2734 = tpu.vector_load_idx %arg12[%add3A_2733] : memref<256xi32, #tpu.memory_space<vmem>>[vector<16xi32>], vector<16xi32>,
        tpu.vector_store_idx %arg12[%add3A_2733], %broadcast_in_dim3A_0 {add = true} : memref<256xi32, #tpu.memory_space<vmem>>[vector<16xi32>], vector<16xi32>,
        %and3A_2735 = arith.constant 63 : i32
        %and3A_2736 = vector.broadcast %and3A_2735 : i32 to vector<16xi32>
        %and3A_2737 = arith.andi %gather3A_2734, %and3A_2736 : vector<16xi32>
        %mul3A_2738 = arith.constant 16 : i32
        %mul3A_2739 = vector.broadcast %mul3A_2738 : i32 to vector<16xi32>
        %mul3A_2740 = arith.muli %and3A_2737, %mul3A_2739 : vector<16xi32>
        %shift_right_arithmetic3A_2741 = arith.constant 6 : i32
        %shift_right_arithmetic3A_2742 = vector.broadcast %shift_right_arithmetic3A_2741 : i32 to vector<16xi32>
        %shift_right_arithmetic3A_2743 = arith.shrsi %gather3A_2734, %shift_right_arithmetic3A_2742 : vector<16xi32>
        %add3A_2744 = arith.addi %mul3A_2740, %shift_right_arithmetic3A_2743 : vector<16xi32>
        tpu.vector_store_idx %arg9[%add3A_2744], %not3A_2726 : memref<1024xi32, #tpu.memory_space<vmem>>[vector<16xi32>], vector<16xi32>,
        %mul3A_2745 = arith.constant 64 : i32
        %mul3A_2746 = vector.broadcast %mul3A_2745 : i32 to vector<16xi32>
        %mul3A_2747 = arith.muli %iota3A, %mul3A_2746 : vector<16xi32>
        %add3A_2748 = vector.broadcast %add3A_2706 : i32 to vector<16xi32>
        %add3A_2749 = arith.addi %mul3A_2747, %add3A_2748 : vector<16xi32>
        tpu.vector_store_idx %arg11[%add3A_2744], %add3A_2749 : memref<1024xi32, #tpu.memory_space<vmem>>[vector<16xi32>], vector<16xi32>,
        %scan3A_2750 = arith.constant 0 : i32
        scf.yield %scan3A_2750 : i32
      }
      %scan3A_326 = arith.constant 16 : i32
      %broadcast_in_dim3A_327 = arith.constant 0 : i32
      %broadcast_in_dim3A_328 = vector.broadcast %broadcast_in_dim3A_327 : i32 to vector<16xi32>
      %swap3A_329 = arith.constant 0 : index
      %swap3A_330 = tpu.vector_load %arg12[%swap3A_329] {strides = array<i32>} : memref<256xi32, #tpu.memory_space<vmem>>, vector<16xi32>,
      tpu.vector_store %arg12[%swap3A_329], %broadcast_in_dim3A_328 {strides = array<i32>} : memref<256xi32, #tpu.memory_space<vmem>>, vector<16xi32>,
      %broadcast_in_dim3A_331 = arith.constant 0 : i32
      %broadcast_in_dim3A_332 = vector.broadcast %broadcast_in_dim3A_331 : i32 to vector<16xi32>
      %swap3A_333 = arith.constant 16 : index
      %swap3A_334 = tpu.vector_load %arg12[%swap3A_333] {strides = array<i32>} : memref<256xi32, #tpu.memory_space<vmem>>, vector<16xi32>,
      tpu.vector_store %arg12[%swap3A_333], %broadcast_in_dim3A_332 {strides = array<i32>} : memref<256xi32, #tpu.memory_space<vmem>>, vector<16xi32>,
      %broadcast_in_dim3A_335 = arith.constant 0 : i32
      %broadcast_in_dim3A_336 = vector.broadcast %broadcast_in_dim3A_335 : i32 to vector<16xi32>
      %swap3A_337 = arith.constant 32 : index
      %swap3A_338 = tpu.vector_load %arg12[%swap3A_337] {strides = array<i32>} : memref<256xi32, #tpu.memory_space<vmem>>, vector<16xi32>,
      tpu.vector_store %arg12[%swap3A_337], %broadcast_in_dim3A_336 {strides = array<i32>} : memref<256xi32, #tpu.memory_space<vmem>>, vector<16xi32>,
      %broadcast_in_dim3A_339 = arith.constant 0 : i32
      %broadcast_in_dim3A_340 = vector.broadcast %broadcast_in_dim3A_339 : i32 to vector<16xi32>
      %swap3A_341 = arith.constant 48 : index
      %swap3A_342 = tpu.vector_load %arg12[%swap3A_341] {strides = array<i32>} : memref<256xi32, #tpu.memory_space<vmem>>, vector<16xi32>,
      tpu.vector_store %arg12[%swap3A_341], %broadcast_in_dim3A_340 {strides = array<i32>} : memref<256xi32, #tpu.memory_space<vmem>>, vector<16xi32>,
      %broadcast_in_dim3A_343 = arith.constant 0 : i32
      %broadcast_in_dim3A_344 = vector.broadcast %broadcast_in_dim3A_343 : i32 to vector<16xi32>
      %swap3A_345 = arith.constant 64 : index
      %swap3A_346 = tpu.vector_load %arg12[%swap3A_345] {strides = array<i32>} : memref<256xi32, #tpu.memory_space<vmem>>, vector<16xi32>,
      tpu.vector_store %arg12[%swap3A_345], %broadcast_in_dim3A_344 {strides = array<i32>} : memref<256xi32, #tpu.memory_space<vmem>>, vector<16xi32>,
      %broadcast_in_dim3A_347 = arith.constant 0 : i32
      %broadcast_in_dim3A_348 = vector.broadcast %broadcast_in_dim3A_347 : i32 to vector<16xi32>
      %swap3A_349 = arith.constant 80 : index
      %swap3A_350 = tpu.vector_load %arg12[%swap3A_349] {strides = array<i32>} : memref<256xi32, #tpu.memory_space<vmem>>, vector<16xi32>,
      tpu.vector_store %arg12[%swap3A_349], %broadcast_in_dim3A_348 {strides = array<i32>} : memref<256xi32, #tpu.memory_space<vmem>>, vector<16xi32>,
      %broadcast_in_dim3A_351 = arith.constant 0 : i32
      %broadcast_in_dim3A_352 = vector.broadcast %broadcast_in_dim3A_351 : i32 to vector<16xi32>
      %swap3A_353 = arith.constant 96 : index
      %swap3A_354 = tpu.vector_load %arg12[%swap3A_353] {strides = array<i32>} : memref<256xi32, #tpu.memory_space<vmem>>, vector<16xi32>,
      tpu.vector_store %arg12[%swap3A_353], %broadcast_in_dim3A_352 {strides = array<i32>} : memref<256xi32, #tpu.memory_space<vmem>>, vector<16xi32>,
      %broadcast_in_dim3A_355 = arith.constant 0 : i32
      %broadcast_in_dim3A_356 = vector.broadcast %broadcast_in_dim3A_355 : i32 to vector<16xi32>
      %swap3A_357 = arith.constant 112 : index
      %swap3A_358 = tpu.vector_load %arg12[%swap3A_357] {strides = array<i32>} : memref<256xi32, #tpu.memory_space<vmem>>, vector<16xi32>,
      tpu.vector_store %arg12[%swap3A_357], %broadcast_in_dim3A_356 {strides = array<i32>} : memref<256xi32, #tpu.memory_space<vmem>>, vector<16xi32>,
      %broadcast_in_dim3A_359 = arith.constant 0 : i32
      %broadcast_in_dim3A_360 = vector.broadcast %broadcast_in_dim3A_359 : i32 to vector<16xi32>
      %swap3A_361 = arith.constant 128 : index
      %swap3A_362 = tpu.vector_load %arg12[%swap3A_361] {strides = array<i32>} : memref<256xi32, #tpu.memory_space<vmem>>, vector<16xi32>,
      tpu.vector_store %arg12[%swap3A_361], %broadcast_in_dim3A_360 {strides = array<i32>} : memref<256xi32, #tpu.memory_space<vmem>>, vector<16xi32>,
      %broadcast_in_dim3A_363 = arith.constant 0 : i32
      %broadcast_in_dim3A_364 = vector.broadcast %broadcast_in_dim3A_363 : i32 to vector<16xi32>
      %swap3A_365 = arith.constant 144 : index
      %swap3A_366 = tpu.vector_load %arg12[%swap3A_365] {strides = array<i32>} : memref<256xi32, #tpu.memory_space<vmem>>, vector<16xi32>,
      tpu.vector_store %arg12[%swap3A_365], %broadcast_in_dim3A_364 {strides = array<i32>} : memref<256xi32, #tpu.memory_space<vmem>>, vector<16xi32>,
      %broadcast_in_dim3A_367 = arith.constant 0 : i32
      %broadcast_in_dim3A_368 = vector.broadcast %broadcast_in_dim3A_367 : i32 to vector<16xi32>
      %swap3A_369 = arith.constant 160 : index
      %swap3A_370 = tpu.vector_load %arg12[%swap3A_369] {strides = array<i32>} : memref<256xi32, #tpu.memory_space<vmem>>, vector<16xi32>,
      tpu.vector_store %arg12[%swap3A_369], %broadcast_in_dim3A_368 {strides = array<i32>} : memref<256xi32, #tpu.memory_space<vmem>>, vector<16xi32>,
      %broadcast_in_dim3A_371 = arith.constant 0 : i32
      %broadcast_in_dim3A_372 = vector.broadcast %broadcast_in_dim3A_371 : i32 to vector<16xi32>
      %swap3A_373 = arith.constant 176 : index
      %swap3A_374 = tpu.vector_load %arg12[%swap3A_373] {strides = array<i32>} : memref<256xi32, #tpu.memory_space<vmem>>, vector<16xi32>,
      tpu.vector_store %arg12[%swap3A_373], %broadcast_in_dim3A_372 {strides = array<i32>} : memref<256xi32, #tpu.memory_space<vmem>>, vector<16xi32>,
      %broadcast_in_dim3A_375 = arith.constant 0 : i32
      %broadcast_in_dim3A_376 = vector.broadcast %broadcast_in_dim3A_375 : i32 to vector<16xi32>
      %swap3A_377 = arith.constant 192 : index
      %swap3A_378 = tpu.vector_load %arg12[%swap3A_377] {strides = array<i32>} : memref<256xi32, #tpu.memory_space<vmem>>, vector<16xi32>,
      tpu.vector_store %arg12[%swap3A_377], %broadcast_in_dim3A_376 {strides = array<i32>} : memref<256xi32, #tpu.memory_space<vmem>>, vector<16xi32>,
      %broadcast_in_dim3A_379 = arith.constant 0 : i32
      %broadcast_in_dim3A_380 = vector.broadcast %broadcast_in_dim3A_379 : i32 to vector<16xi32>
      %swap3A_381 = arith.constant 208 : index
      %swap3A_382 = tpu.vector_load %arg12[%swap3A_381] {strides = array<i32>} : memref<256xi32, #tpu.memory_space<vmem>>, vector<16xi32>,
      tpu.vector_store %arg12[%swap3A_381], %broadcast_in_dim3A_380 {strides = array<i32>} : memref<256xi32, #tpu.memory_space<vmem>>, vector<16xi32>,
      %broadcast_in_dim3A_383 = arith.constant 0 : i32
      %broadcast_in_dim3A_384 = vector.broadcast %broadcast_in_dim3A_383 : i32 to vector<16xi32>
      %swap3A_385 = arith.constant 224 : index
      %swap3A_386 = tpu.vector_load %arg12[%swap3A_385] {strides = array<i32>} : memref<256xi32, #tpu.memory_space<vmem>>, vector<16xi32>,
      tpu.vector_store %arg12[%swap3A_385], %broadcast_in_dim3A_384 {strides = array<i32>} : memref<256xi32, #tpu.memory_space<vmem>>, vector<16xi32>,
      %broadcast_in_dim3A_387 = arith.constant 0 : i32
      %broadcast_in_dim3A_388 = vector.broadcast %broadcast_in_dim3A_387 : i32 to vector<16xi32>
      %swap3A_389 = arith.constant 240 : index
      %swap3A_390 = tpu.vector_load %arg12[%swap3A_389] {strides = array<i32>} : memref<256xi32, #tpu.memory_space<vmem>>, vector<16xi32>,
      tpu.vector_store %arg12[%swap3A_389], %broadcast_in_dim3A_388 {strides = array<i32>} : memref<256xi32, #tpu.memory_space<vmem>>, vector<16xi32>,
      %scan3A_391 = arith.constant 0 : i32
      %scan3A_392 = arith.constant 0 : i32
      %scan3A_393 = arith.constant 16 : i32
      %scan3A_394 = arith.addi %scan3A_392, %scan3A_393 : i32
      %scan3A_395 = arith.constant 1 : i32
      %scan3A_396 = scf.for %scan3A_2568 = %scan3A_392 to %scan3A_394 step %scan3A_395 iter_args(%scan3A_2569 = %scan3A_391) -> (i32)  : i32 {
        %mul3A_2570 = arith.constant 4 : i32
        %mul3A_2571 = arith.muli %scan3A_2568, %mul3A_2570 : i32
        %add3A_2572 = arith.constant 0 : i32
        %add3A_2573 = arith.addi %mul3A_2571, %add3A_2572 : i32
        %mul3A_2574 = arith.constant 16 : i32
        %mul3A_2575 = arith.muli %add3A_2573, %mul3A_2574 : i32
        %get3A_2576 = arith.index_cast %mul3A_2575 : i32 to index
        %get3A_2577 = tpu.vector_load %arg9[%get3A_2576] {strides = array<i32>} : memref<1024xi32, #tpu.memory_space<vmem>>, vector<16xi32>,
        %shift_right_arithmetic3A = arith.constant 4 : i32
        %shift_right_arithmetic3A_2578 = vector.broadcast %shift_right_arithmetic3A : i32 to vector<16xi32>
        %shift_right_arithmetic3A_2579 = arith.shrsi %get3A_2577, %shift_right_arithmetic3A_2578 : vector<16xi32>
        %and3A = arith.constant 15 : i32
        %and3A_2580 = vector.broadcast %and3A : i32 to vector<16xi32>
        %and3A_2581 = arith.andi %shift_right_arithmetic3A_2579, %and3A_2580 : vector<16xi32>
        %mul3A_2582 = arith.constant 16 : i32
        %mul3A_2583 = vector.broadcast %mul3A_2582 : i32 to vector<16xi32>
        %mul3A_2584 = arith.muli %and3A_2581, %mul3A_2583 : vector<16xi32>
        %add3A_2585 = arith.addi %mul3A_2584, %iota3A : vector<16xi32>
        tpu.vector_store_idx %arg12[%add3A_2585], %broadcast_in_dim3A_0 {add = true} : memref<256xi32, #tpu.memory_space<vmem>>[vector<16xi32>], vector<16xi32>,
        %mul3A_2586 = arith.constant 4 : i32
        %mul3A_2587 = arith.muli %scan3A_2568, %mul3A_2586 : i32
        %add3A_2588 = arith.constant 1 : i32
        %add3A_2589 = arith.addi %mul3A_2587, %add3A_2588 : i32
        %mul3A_2590 = arith.constant 16 : i32
        %mul3A_2591 = arith.muli %add3A_2589, %mul3A_2590 : i32
        %get3A_2592 = arith.index_cast %mul3A_2591 : i32 to index
        %get3A_2593 = tpu.vector_load %arg9[%get3A_2592] {strides = array<i32>} : memref<1024xi32, #tpu.memory_space<vmem>>, vector<16xi32>,
        %shift_right_arithmetic3A_2594 = arith.constant 4 : i32
        %shift_right_arithmetic3A_2595 = vector.broadcast %shift_right_arithmetic3A_2594 : i32 to vector<16xi32>
        %shift_right_arithmetic3A_2596 = arith.shrsi %get3A_2593, %shift_right_arithmetic3A_2595 : vector<16xi32>
        %and3A_2597 = arith.constant 15 : i32
        %and3A_2598 = vector.broadcast %and3A_2597 : i32 to vector<16xi32>
        %and3A_2599 = arith.andi %shift_right_arithmetic3A_2596, %and3A_2598 : vector<16xi32>
        %mul3A_2600 = arith.constant 16 : i32
        %mul3A_2601 = vector.broadcast %mul3A_2600 : i32 to vector<16xi32>
        %mul3A_2602 = arith.muli %and3A_2599, %mul3A_2601 : vector<16xi32>
        %add3A_2603 = arith.addi %mul3A_2602, %iota3A : vector<16xi32>
        tpu.vector_store_idx %arg12[%add3A_2603], %broadcast_in_dim3A_0 {add = true} : memref<256xi32, #tpu.memory_space<vmem>>[vector<16xi32>], vector<16xi32>,
        %mul3A_2604 = arith.constant 4 : i32
        %mul3A_2605 = arith.muli %scan3A_2568, %mul3A_2604 : i32
        %add3A_2606 = arith.constant 2 : i32
        %add3A_2607 = arith.addi %mul3A_2605, %add3A_2606 : i32
        %mul3A_2608 = arith.constant 16 : i32
        %mul3A_2609 = arith.muli %add3A_2607, %mul3A_2608 : i32
        %get3A_2610 = arith.index_cast %mul3A_2609 : i32 to index
        %get3A_2611 = tpu.vector_load %arg9[%get3A_2610] {strides = array<i32>} : memref<1024xi32, #tpu.memory_space<vmem>>, vector<16xi32>,
        %shift_right_arithmetic3A_2612 = arith.constant 4 : i32
        %shift_right_arithmetic3A_2613 = vector.broadcast %shift_right_arithmetic3A_2612 : i32 to vector<16xi32>
        %shift_right_arithmetic3A_2614 = arith.shrsi %get3A_2611, %shift_right_arithmetic3A_2613 : vector<16xi32>
        %and3A_2615 = arith.constant 15 : i32
        %and3A_2616 = vector.broadcast %and3A_2615 : i32 to vector<16xi32>
        %and3A_2617 = arith.andi %shift_right_arithmetic3A_2614, %and3A_2616 : vector<16xi32>
        %mul3A_2618 = arith.constant 16 : i32
        %mul3A_2619 = vector.broadcast %mul3A_2618 : i32 to vector<16xi32>
        %mul3A_2620 = arith.muli %and3A_2617, %mul3A_2619 : vector<16xi32>
        %add3A_2621 = arith.addi %mul3A_2620, %iota3A : vector<16xi32>
        tpu.vector_store_idx %arg12[%add3A_2621], %broadcast_in_dim3A_0 {add = true} : memref<256xi32, #tpu.memory_space<vmem>>[vector<16xi32>], vector<16xi32>,
        %mul3A_2622 = arith.constant 4 : i32
        %mul3A_2623 = arith.muli %scan3A_2568, %mul3A_2622 : i32
        %add3A_2624 = arith.constant 3 : i32
        %add3A_2625 = arith.addi %mul3A_2623, %add3A_2624 : i32
        %mul3A_2626 = arith.constant 16 : i32
        %mul3A_2627 = arith.muli %add3A_2625, %mul3A_2626 : i32
        %get3A_2628 = arith.index_cast %mul3A_2627 : i32 to index
        %get3A_2629 = tpu.vector_load %arg9[%get3A_2628] {strides = array<i32>} : memref<1024xi32, #tpu.memory_space<vmem>>, vector<16xi32>,
        %shift_right_arithmetic3A_2630 = arith.constant 4 : i32
        %shift_right_arithmetic3A_2631 = vector.broadcast %shift_right_arithmetic3A_2630 : i32 to vector<16xi32>
        %shift_right_arithmetic3A_2632 = arith.shrsi %get3A_2629, %shift_right_arithmetic3A_2631 : vector<16xi32>
        %and3A_2633 = arith.constant 15 : i32
        %and3A_2634 = vector.broadcast %and3A_2633 : i32 to vector<16xi32>
        %and3A_2635 = arith.andi %shift_right_arithmetic3A_2632, %and3A_2634 : vector<16xi32>
        %mul3A_2636 = arith.constant 16 : i32
        %mul3A_2637 = vector.broadcast %mul3A_2636 : i32 to vector<16xi32>
        %mul3A_2638 = arith.muli %and3A_2635, %mul3A_2637 : vector<16xi32>
        %add3A_2639 = arith.addi %mul3A_2638, %iota3A : vector<16xi32>
        tpu.vector_store_idx %arg12[%add3A_2639], %broadcast_in_dim3A_0 {add = true} : memref<256xi32, #tpu.memory_space<vmem>>[vector<16xi32>], vector<16xi32>,
        %scan3A_2640 = arith.constant 0 : i32
        scf.yield %scan3A_2640 : i32
      }
      %scan3A_397 = arith.constant 16 : i32
      %get3A_398 = arith.constant 0 : index
      %get3A_399 = tpu.vector_load %arg12[%get3A_398] {strides = array<i32>} : memref<256xi32, #tpu.memory_space<vmem>>, vector<16xi32>,
      %cumsum3A_400 = arith.constant true
      %cumsum3A_401 = vector.broadcast %cumsum3A_400 : i1 to vector<16xi1>
      %cumsum3A_402 = tpu.scan <sum>, %get3A_399 masked %cumsum3A_401 : vector<16xi32>, vector<16xi1> -> vector<16xi32>
      %sub3A_403 = arith.subi %cumsum3A_402, %get3A_399 : vector<16xi32>
      %add3A_404 = arith.constant 0 : i32
      %add3A_405 = vector.broadcast %add3A_404 : i32 to vector<16xi32>
      %add3A_406 = arith.addi %sub3A_403, %add3A_405 : vector<16xi32>
      %swap3A_407 = arith.constant 0 : index
      %swap3A_408 = tpu.vector_load %arg12[%swap3A_407] {strides = array<i32>} : memref<256xi32, #tpu.memory_space<vmem>>, vector<16xi32>,
      tpu.vector_store %arg12[%swap3A_407], %add3A_406 {strides = array<i32>} : memref<256xi32, #tpu.memory_space<vmem>>, vector<16xi32>,
      %reduce_sum3A_409 = arith.constant true
      %reduce_sum3A_410 = vector.broadcast %reduce_sum3A_409 : i1 to vector<16xi1>
      %reduce_sum3A_411 = tpu.scan <sum>, %get3A_399 masked %reduce_sum3A_410 : vector<16xi32>, vector<16xi1> -> vector<16xi32>
      %reduce_sum3A_412 = vector.extract %reduce_sum3A_411[15] : i32 from vector<16xi32>
      %add3A_413 = arith.constant 0 : i32
      %add3A_414 = arith.addi %add3A_413, %reduce_sum3A_412 : i32
      %get3A_415 = arith.constant 16 : index
      %get3A_416 = tpu.vector_load %arg12[%get3A_415] {strides = array<i32>} : memref<256xi32, #tpu.memory_space<vmem>>, vector<16xi32>,
      %cumsum3A_417 = arith.constant true
      %cumsum3A_418 = vector.broadcast %cumsum3A_417 : i1 to vector<16xi1>
      %cumsum3A_419 = tpu.scan <sum>, %get3A_416 masked %cumsum3A_418 : vector<16xi32>, vector<16xi1> -> vector<16xi32>
      %sub3A_420 = arith.subi %cumsum3A_419, %get3A_416 : vector<16xi32>
      %add3A_421 = vector.broadcast %add3A_414 : i32 to vector<16xi32>
      %add3A_422 = arith.addi %sub3A_420, %add3A_421 : vector<16xi32>
      %swap3A_423 = arith.constant 16 : index
      %swap3A_424 = tpu.vector_load %arg12[%swap3A_423] {strides = array<i32>} : memref<256xi32, #tpu.memory_space<vmem>>, vector<16xi32>,
      tpu.vector_store %arg12[%swap3A_423], %add3A_422 {strides = array<i32>} : memref<256xi32, #tpu.memory_space<vmem>>, vector<16xi32>,
      %reduce_sum3A_425 = arith.constant true
      %reduce_sum3A_426 = vector.broadcast %reduce_sum3A_425 : i1 to vector<16xi1>
      %reduce_sum3A_427 = tpu.scan <sum>, %get3A_416 masked %reduce_sum3A_426 : vector<16xi32>, vector<16xi1> -> vector<16xi32>
      %reduce_sum3A_428 = vector.extract %reduce_sum3A_427[15] : i32 from vector<16xi32>
      %add3A_429 = arith.addi %add3A_414, %reduce_sum3A_428 : i32
      %get3A_430 = arith.constant 32 : index
      %get3A_431 = tpu.vector_load %arg12[%get3A_430] {strides = array<i32>} : memref<256xi32, #tpu.memory_space<vmem>>, vector<16xi32>,
      %cumsum3A_432 = arith.constant true
      %cumsum3A_433 = vector.broadcast %cumsum3A_432 : i1 to vector<16xi1>
      %cumsum3A_434 = tpu.scan <sum>, %get3A_431 masked %cumsum3A_433 : vector<16xi32>, vector<16xi1> -> vector<16xi32>
      %sub3A_435 = arith.subi %cumsum3A_434, %get3A_431 : vector<16xi32>
      %add3A_436 = vector.broadcast %add3A_429 : i32 to vector<16xi32>
      %add3A_437 = arith.addi %sub3A_435, %add3A_436 : vector<16xi32>
      %swap3A_438 = arith.constant 32 : index
      %swap3A_439 = tpu.vector_load %arg12[%swap3A_438] {strides = array<i32>} : memref<256xi32, #tpu.memory_space<vmem>>, vector<16xi32>,
      tpu.vector_store %arg12[%swap3A_438], %add3A_437 {strides = array<i32>} : memref<256xi32, #tpu.memory_space<vmem>>, vector<16xi32>,
      %reduce_sum3A_440 = arith.constant true
      %reduce_sum3A_441 = vector.broadcast %reduce_sum3A_440 : i1 to vector<16xi1>
      %reduce_sum3A_442 = tpu.scan <sum>, %get3A_431 masked %reduce_sum3A_441 : vector<16xi32>, vector<16xi1> -> vector<16xi32>
      %reduce_sum3A_443 = vector.extract %reduce_sum3A_442[15] : i32 from vector<16xi32>
      %add3A_444 = arith.addi %add3A_429, %reduce_sum3A_443 : i32
      %get3A_445 = arith.constant 48 : index
      %get3A_446 = tpu.vector_load %arg12[%get3A_445] {strides = array<i32>} : memref<256xi32, #tpu.memory_space<vmem>>, vector<16xi32>,
      %cumsum3A_447 = arith.constant true
      %cumsum3A_448 = vector.broadcast %cumsum3A_447 : i1 to vector<16xi1>
      %cumsum3A_449 = tpu.scan <sum>, %get3A_446 masked %cumsum3A_448 : vector<16xi32>, vector<16xi1> -> vector<16xi32>
      %sub3A_450 = arith.subi %cumsum3A_449, %get3A_446 : vector<16xi32>
      %add3A_451 = vector.broadcast %add3A_444 : i32 to vector<16xi32>
      %add3A_452 = arith.addi %sub3A_450, %add3A_451 : vector<16xi32>
      %swap3A_453 = arith.constant 48 : index
      %swap3A_454 = tpu.vector_load %arg12[%swap3A_453] {strides = array<i32>} : memref<256xi32, #tpu.memory_space<vmem>>, vector<16xi32>,
      tpu.vector_store %arg12[%swap3A_453], %add3A_452 {strides = array<i32>} : memref<256xi32, #tpu.memory_space<vmem>>, vector<16xi32>,
      %reduce_sum3A_455 = arith.constant true
      %reduce_sum3A_456 = vector.broadcast %reduce_sum3A_455 : i1 to vector<16xi1>
      %reduce_sum3A_457 = tpu.scan <sum>, %get3A_446 masked %reduce_sum3A_456 : vector<16xi32>, vector<16xi1> -> vector<16xi32>
      %reduce_sum3A_458 = vector.extract %reduce_sum3A_457[15] : i32 from vector<16xi32>
      %add3A_459 = arith.addi %add3A_444, %reduce_sum3A_458 : i32
      %get3A_460 = arith.constant 64 : index
      %get3A_461 = tpu.vector_load %arg12[%get3A_460] {strides = array<i32>} : memref<256xi32, #tpu.memory_space<vmem>>, vector<16xi32>,
      %cumsum3A_462 = arith.constant true
      %cumsum3A_463 = vector.broadcast %cumsum3A_462 : i1 to vector<16xi1>
      %cumsum3A_464 = tpu.scan <sum>, %get3A_461 masked %cumsum3A_463 : vector<16xi32>, vector<16xi1> -> vector<16xi32>
      %sub3A_465 = arith.subi %cumsum3A_464, %get3A_461 : vector<16xi32>
      %add3A_466 = vector.broadcast %add3A_459 : i32 to vector<16xi32>
      %add3A_467 = arith.addi %sub3A_465, %add3A_466 : vector<16xi32>
      %swap3A_468 = arith.constant 64 : index
      %swap3A_469 = tpu.vector_load %arg12[%swap3A_468] {strides = array<i32>} : memref<256xi32, #tpu.memory_space<vmem>>, vector<16xi32>,
      tpu.vector_store %arg12[%swap3A_468], %add3A_467 {strides = array<i32>} : memref<256xi32, #tpu.memory_space<vmem>>, vector<16xi32>,
      %reduce_sum3A_470 = arith.constant true
      %reduce_sum3A_471 = vector.broadcast %reduce_sum3A_470 : i1 to vector<16xi1>
      %reduce_sum3A_472 = tpu.scan <sum>, %get3A_461 masked %reduce_sum3A_471 : vector<16xi32>, vector<16xi1> -> vector<16xi32>
      %reduce_sum3A_473 = vector.extract %reduce_sum3A_472[15] : i32 from vector<16xi32>
      %add3A_474 = arith.addi %add3A_459, %reduce_sum3A_473 : i32
      %get3A_475 = arith.constant 80 : index
      %get3A_476 = tpu.vector_load %arg12[%get3A_475] {strides = array<i32>} : memref<256xi32, #tpu.memory_space<vmem>>, vector<16xi32>,
      %cumsum3A_477 = arith.constant true
      %cumsum3A_478 = vector.broadcast %cumsum3A_477 : i1 to vector<16xi1>
      %cumsum3A_479 = tpu.scan <sum>, %get3A_476 masked %cumsum3A_478 : vector<16xi32>, vector<16xi1> -> vector<16xi32>
      %sub3A_480 = arith.subi %cumsum3A_479, %get3A_476 : vector<16xi32>
      %add3A_481 = vector.broadcast %add3A_474 : i32 to vector<16xi32>
      %add3A_482 = arith.addi %sub3A_480, %add3A_481 : vector<16xi32>
      %swap3A_483 = arith.constant 80 : index
      %swap3A_484 = tpu.vector_load %arg12[%swap3A_483] {strides = array<i32>} : memref<256xi32, #tpu.memory_space<vmem>>, vector<16xi32>,
      tpu.vector_store %arg12[%swap3A_483], %add3A_482 {strides = array<i32>} : memref<256xi32, #tpu.memory_space<vmem>>, vector<16xi32>,
      %reduce_sum3A_485 = arith.constant true
      %reduce_sum3A_486 = vector.broadcast %reduce_sum3A_485 : i1 to vector<16xi1>
      %reduce_sum3A_487 = tpu.scan <sum>, %get3A_476 masked %reduce_sum3A_486 : vector<16xi32>, vector<16xi1> -> vector<16xi32>
      %reduce_sum3A_488 = vector.extract %reduce_sum3A_487[15] : i32 from vector<16xi32>
      %add3A_489 = arith.addi %add3A_474, %reduce_sum3A_488 : i32
      %get3A_490 = arith.constant 96 : index
      %get3A_491 = tpu.vector_load %arg12[%get3A_490] {strides = array<i32>} : memref<256xi32, #tpu.memory_space<vmem>>, vector<16xi32>,
      %cumsum3A_492 = arith.constant true
      %cumsum3A_493 = vector.broadcast %cumsum3A_492 : i1 to vector<16xi1>
      %cumsum3A_494 = tpu.scan <sum>, %get3A_491 masked %cumsum3A_493 : vector<16xi32>, vector<16xi1> -> vector<16xi32>
      %sub3A_495 = arith.subi %cumsum3A_494, %get3A_491 : vector<16xi32>
      %add3A_496 = vector.broadcast %add3A_489 : i32 to vector<16xi32>
      %add3A_497 = arith.addi %sub3A_495, %add3A_496 : vector<16xi32>
      %swap3A_498 = arith.constant 96 : index
      %swap3A_499 = tpu.vector_load %arg12[%swap3A_498] {strides = array<i32>} : memref<256xi32, #tpu.memory_space<vmem>>, vector<16xi32>,
      tpu.vector_store %arg12[%swap3A_498], %add3A_497 {strides = array<i32>} : memref<256xi32, #tpu.memory_space<vmem>>, vector<16xi32>,
      %reduce_sum3A_500 = arith.constant true
      %reduce_sum3A_501 = vector.broadcast %reduce_sum3A_500 : i1 to vector<16xi1>
      %reduce_sum3A_502 = tpu.scan <sum>, %get3A_491 masked %reduce_sum3A_501 : vector<16xi32>, vector<16xi1> -> vector<16xi32>
      %reduce_sum3A_503 = vector.extract %reduce_sum3A_502[15] : i32 from vector<16xi32>
      %add3A_504 = arith.addi %add3A_489, %reduce_sum3A_503 : i32
      %get3A_505 = arith.constant 112 : index
      %get3A_506 = tpu.vector_load %arg12[%get3A_505] {strides = array<i32>} : memref<256xi32, #tpu.memory_space<vmem>>, vector<16xi32>,
      %cumsum3A_507 = arith.constant true
      %cumsum3A_508 = vector.broadcast %cumsum3A_507 : i1 to vector<16xi1>
      %cumsum3A_509 = tpu.scan <sum>, %get3A_506 masked %cumsum3A_508 : vector<16xi32>, vector<16xi1> -> vector<16xi32>
      %sub3A_510 = arith.subi %cumsum3A_509, %get3A_506 : vector<16xi32>
      %add3A_511 = vector.broadcast %add3A_504 : i32 to vector<16xi32>
      %add3A_512 = arith.addi %sub3A_510, %add3A_511 : vector<16xi32>
      %swap3A_513 = arith.constant 112 : index
      %swap3A_514 = tpu.vector_load %arg12[%swap3A_513] {strides = array<i32>} : memref<256xi32, #tpu.memory_space<vmem>>, vector<16xi32>,
      tpu.vector_store %arg12[%swap3A_513], %add3A_512 {strides = array<i32>} : memref<256xi32, #tpu.memory_space<vmem>>, vector<16xi32>,
      %reduce_sum3A_515 = arith.constant true
      %reduce_sum3A_516 = vector.broadcast %reduce_sum3A_515 : i1 to vector<16xi1>
      %reduce_sum3A_517 = tpu.scan <sum>, %get3A_506 masked %reduce_sum3A_516 : vector<16xi32>, vector<16xi1> -> vector<16xi32>
      %reduce_sum3A_518 = vector.extract %reduce_sum3A_517[15] : i32 from vector<16xi32>
      %add3A_519 = arith.addi %add3A_504, %reduce_sum3A_518 : i32
      %get3A_520 = arith.constant 128 : index
      %get3A_521 = tpu.vector_load %arg12[%get3A_520] {strides = array<i32>} : memref<256xi32, #tpu.memory_space<vmem>>, vector<16xi32>,
      %cumsum3A_522 = arith.constant true
      %cumsum3A_523 = vector.broadcast %cumsum3A_522 : i1 to vector<16xi1>
      %cumsum3A_524 = tpu.scan <sum>, %get3A_521 masked %cumsum3A_523 : vector<16xi32>, vector<16xi1> -> vector<16xi32>
      %sub3A_525 = arith.subi %cumsum3A_524, %get3A_521 : vector<16xi32>
      %add3A_526 = vector.broadcast %add3A_519 : i32 to vector<16xi32>
      %add3A_527 = arith.addi %sub3A_525, %add3A_526 : vector<16xi32>
      %swap3A_528 = arith.constant 128 : index
      %swap3A_529 = tpu.vector_load %arg12[%swap3A_528] {strides = array<i32>} : memref<256xi32, #tpu.memory_space<vmem>>, vector<16xi32>,
      tpu.vector_store %arg12[%swap3A_528], %add3A_527 {strides = array<i32>} : memref<256xi32, #tpu.memory_space<vmem>>, vector<16xi32>,
      %reduce_sum3A_530 = arith.constant true
      %reduce_sum3A_531 = vector.broadcast %reduce_sum3A_530 : i1 to vector<16xi1>
      %reduce_sum3A_532 = tpu.scan <sum>, %get3A_521 masked %reduce_sum3A_531 : vector<16xi32>, vector<16xi1> -> vector<16xi32>
      %reduce_sum3A_533 = vector.extract %reduce_sum3A_532[15] : i32 from vector<16xi32>
      %add3A_534 = arith.addi %add3A_519, %reduce_sum3A_533 : i32
      %get3A_535 = arith.constant 144 : index
      %get3A_536 = tpu.vector_load %arg12[%get3A_535] {strides = array<i32>} : memref<256xi32, #tpu.memory_space<vmem>>, vector<16xi32>,
      %cumsum3A_537 = arith.constant true
      %cumsum3A_538 = vector.broadcast %cumsum3A_537 : i1 to vector<16xi1>
      %cumsum3A_539 = tpu.scan <sum>, %get3A_536 masked %cumsum3A_538 : vector<16xi32>, vector<16xi1> -> vector<16xi32>
      %sub3A_540 = arith.subi %cumsum3A_539, %get3A_536 : vector<16xi32>
      %add3A_541 = vector.broadcast %add3A_534 : i32 to vector<16xi32>
      %add3A_542 = arith.addi %sub3A_540, %add3A_541 : vector<16xi32>
      %swap3A_543 = arith.constant 144 : index
      %swap3A_544 = tpu.vector_load %arg12[%swap3A_543] {strides = array<i32>} : memref<256xi32, #tpu.memory_space<vmem>>, vector<16xi32>,
      tpu.vector_store %arg12[%swap3A_543], %add3A_542 {strides = array<i32>} : memref<256xi32, #tpu.memory_space<vmem>>, vector<16xi32>,
      %reduce_sum3A_545 = arith.constant true
      %reduce_sum3A_546 = vector.broadcast %reduce_sum3A_545 : i1 to vector<16xi1>
      %reduce_sum3A_547 = tpu.scan <sum>, %get3A_536 masked %reduce_sum3A_546 : vector<16xi32>, vector<16xi1> -> vector<16xi32>
      %reduce_sum3A_548 = vector.extract %reduce_sum3A_547[15] : i32 from vector<16xi32>
      %add3A_549 = arith.addi %add3A_534, %reduce_sum3A_548 : i32
      %get3A_550 = arith.constant 160 : index
      %get3A_551 = tpu.vector_load %arg12[%get3A_550] {strides = array<i32>} : memref<256xi32, #tpu.memory_space<vmem>>, vector<16xi32>,
      %cumsum3A_552 = arith.constant true
      %cumsum3A_553 = vector.broadcast %cumsum3A_552 : i1 to vector<16xi1>
      %cumsum3A_554 = tpu.scan <sum>, %get3A_551 masked %cumsum3A_553 : vector<16xi32>, vector<16xi1> -> vector<16xi32>
      %sub3A_555 = arith.subi %cumsum3A_554, %get3A_551 : vector<16xi32>
      %add3A_556 = vector.broadcast %add3A_549 : i32 to vector<16xi32>
      %add3A_557 = arith.addi %sub3A_555, %add3A_556 : vector<16xi32>
      %swap3A_558 = arith.constant 160 : index
      %swap3A_559 = tpu.vector_load %arg12[%swap3A_558] {strides = array<i32>} : memref<256xi32, #tpu.memory_space<vmem>>, vector<16xi32>,
      tpu.vector_store %arg12[%swap3A_558], %add3A_557 {strides = array<i32>} : memref<256xi32, #tpu.memory_space<vmem>>, vector<16xi32>,
      %reduce_sum3A_560 = arith.constant true
      %reduce_sum3A_561 = vector.broadcast %reduce_sum3A_560 : i1 to vector<16xi1>
      %reduce_sum3A_562 = tpu.scan <sum>, %get3A_551 masked %reduce_sum3A_561 : vector<16xi32>, vector<16xi1> -> vector<16xi32>
      %reduce_sum3A_563 = vector.extract %reduce_sum3A_562[15] : i32 from vector<16xi32>
      %add3A_564 = arith.addi %add3A_549, %reduce_sum3A_563 : i32
      %get3A_565 = arith.constant 176 : index
      %get3A_566 = tpu.vector_load %arg12[%get3A_565] {strides = array<i32>} : memref<256xi32, #tpu.memory_space<vmem>>, vector<16xi32>,
      %cumsum3A_567 = arith.constant true
      %cumsum3A_568 = vector.broadcast %cumsum3A_567 : i1 to vector<16xi1>
      %cumsum3A_569 = tpu.scan <sum>, %get3A_566 masked %cumsum3A_568 : vector<16xi32>, vector<16xi1> -> vector<16xi32>
      %sub3A_570 = arith.subi %cumsum3A_569, %get3A_566 : vector<16xi32>
      %add3A_571 = vector.broadcast %add3A_564 : i32 to vector<16xi32>
      %add3A_572 = arith.addi %sub3A_570, %add3A_571 : vector<16xi32>
      %swap3A_573 = arith.constant 176 : index
      %swap3A_574 = tpu.vector_load %arg12[%swap3A_573] {strides = array<i32>} : memref<256xi32, #tpu.memory_space<vmem>>, vector<16xi32>,
      tpu.vector_store %arg12[%swap3A_573], %add3A_572 {strides = array<i32>} : memref<256xi32, #tpu.memory_space<vmem>>, vector<16xi32>,
      %reduce_sum3A_575 = arith.constant true
      %reduce_sum3A_576 = vector.broadcast %reduce_sum3A_575 : i1 to vector<16xi1>
      %reduce_sum3A_577 = tpu.scan <sum>, %get3A_566 masked %reduce_sum3A_576 : vector<16xi32>, vector<16xi1> -> vector<16xi32>
      %reduce_sum3A_578 = vector.extract %reduce_sum3A_577[15] : i32 from vector<16xi32>
      %add3A_579 = arith.addi %add3A_564, %reduce_sum3A_578 : i32
      %get3A_580 = arith.constant 192 : index
      %get3A_581 = tpu.vector_load %arg12[%get3A_580] {strides = array<i32>} : memref<256xi32, #tpu.memory_space<vmem>>, vector<16xi32>,
      %cumsum3A_582 = arith.constant true
      %cumsum3A_583 = vector.broadcast %cumsum3A_582 : i1 to vector<16xi1>
      %cumsum3A_584 = tpu.scan <sum>, %get3A_581 masked %cumsum3A_583 : vector<16xi32>, vector<16xi1> -> vector<16xi32>
      %sub3A_585 = arith.subi %cumsum3A_584, %get3A_581 : vector<16xi32>
      %add3A_586 = vector.broadcast %add3A_579 : i32 to vector<16xi32>
      %add3A_587 = arith.addi %sub3A_585, %add3A_586 : vector<16xi32>
      %swap3A_588 = arith.constant 192 : index
      %swap3A_589 = tpu.vector_load %arg12[%swap3A_588] {strides = array<i32>} : memref<256xi32, #tpu.memory_space<vmem>>, vector<16xi32>,
      tpu.vector_store %arg12[%swap3A_588], %add3A_587 {strides = array<i32>} : memref<256xi32, #tpu.memory_space<vmem>>, vector<16xi32>,
      %reduce_sum3A_590 = arith.constant true
      %reduce_sum3A_591 = vector.broadcast %reduce_sum3A_590 : i1 to vector<16xi1>
      %reduce_sum3A_592 = tpu.scan <sum>, %get3A_581 masked %reduce_sum3A_591 : vector<16xi32>, vector<16xi1> -> vector<16xi32>
      %reduce_sum3A_593 = vector.extract %reduce_sum3A_592[15] : i32 from vector<16xi32>
      %add3A_594 = arith.addi %add3A_579, %reduce_sum3A_593 : i32
      %get3A_595 = arith.constant 208 : index
      %get3A_596 = tpu.vector_load %arg12[%get3A_595] {strides = array<i32>} : memref<256xi32, #tpu.memory_space<vmem>>, vector<16xi32>,
      %cumsum3A_597 = arith.constant true
      %cumsum3A_598 = vector.broadcast %cumsum3A_597 : i1 to vector<16xi1>
      %cumsum3A_599 = tpu.scan <sum>, %get3A_596 masked %cumsum3A_598 : vector<16xi32>, vector<16xi1> -> vector<16xi32>
      %sub3A_600 = arith.subi %cumsum3A_599, %get3A_596 : vector<16xi32>
      %add3A_601 = vector.broadcast %add3A_594 : i32 to vector<16xi32>
      %add3A_602 = arith.addi %sub3A_600, %add3A_601 : vector<16xi32>
      %swap3A_603 = arith.constant 208 : index
      %swap3A_604 = tpu.vector_load %arg12[%swap3A_603] {strides = array<i32>} : memref<256xi32, #tpu.memory_space<vmem>>, vector<16xi32>,
      tpu.vector_store %arg12[%swap3A_603], %add3A_602 {strides = array<i32>} : memref<256xi32, #tpu.memory_space<vmem>>, vector<16xi32>,
      %reduce_sum3A_605 = arith.constant true
      %reduce_sum3A_606 = vector.broadcast %reduce_sum3A_605 : i1 to vector<16xi1>
      %reduce_sum3A_607 = tpu.scan <sum>, %get3A_596 masked %reduce_sum3A_606 : vector<16xi32>, vector<16xi1> -> vector<16xi32>
      %reduce_sum3A_608 = vector.extract %reduce_sum3A_607[15] : i32 from vector<16xi32>
      %add3A_609 = arith.addi %add3A_594, %reduce_sum3A_608 : i32
      %get3A_610 = arith.constant 224 : index
      %get3A_611 = tpu.vector_load %arg12[%get3A_610] {strides = array<i32>} : memref<256xi32, #tpu.memory_space<vmem>>, vector<16xi32>,
      %cumsum3A_612 = arith.constant true
      %cumsum3A_613 = vector.broadcast %cumsum3A_612 : i1 to vector<16xi1>
      %cumsum3A_614 = tpu.scan <sum>, %get3A_611 masked %cumsum3A_613 : vector<16xi32>, vector<16xi1> -> vector<16xi32>
      %sub3A_615 = arith.subi %cumsum3A_614, %get3A_611 : vector<16xi32>
      %add3A_616 = vector.broadcast %add3A_609 : i32 to vector<16xi32>
      %add3A_617 = arith.addi %sub3A_615, %add3A_616 : vector<16xi32>
      %swap3A_618 = arith.constant 224 : index
      %swap3A_619 = tpu.vector_load %arg12[%swap3A_618] {strides = array<i32>} : memref<256xi32, #tpu.memory_space<vmem>>, vector<16xi32>,
      tpu.vector_store %arg12[%swap3A_618], %add3A_617 {strides = array<i32>} : memref<256xi32, #tpu.memory_space<vmem>>, vector<16xi32>,
      %reduce_sum3A_620 = arith.constant true
      %reduce_sum3A_621 = vector.broadcast %reduce_sum3A_620 : i1 to vector<16xi1>
      %reduce_sum3A_622 = tpu.scan <sum>, %get3A_611 masked %reduce_sum3A_621 : vector<16xi32>, vector<16xi1> -> vector<16xi32>
      %reduce_sum3A_623 = vector.extract %reduce_sum3A_622[15] : i32 from vector<16xi32>
      %add3A_624 = arith.addi %add3A_609, %reduce_sum3A_623 : i32
      %get3A_625 = arith.constant 240 : index
      %get3A_626 = tpu.vector_load %arg12[%get3A_625] {strides = array<i32>} : memref<256xi32, #tpu.memory_space<vmem>>, vector<16xi32>,
      %cumsum3A_627 = arith.constant true
      %cumsum3A_628 = vector.broadcast %cumsum3A_627 : i1 to vector<16xi1>
      %cumsum3A_629 = tpu.scan <sum>, %get3A_626 masked %cumsum3A_628 : vector<16xi32>, vector<16xi1> -> vector<16xi32>
      %sub3A_630 = arith.subi %cumsum3A_629, %get3A_626 : vector<16xi32>
      %add3A_631 = vector.broadcast %add3A_624 : i32 to vector<16xi32>
      %add3A_632 = arith.addi %sub3A_630, %add3A_631 : vector<16xi32>
      %swap3A_633 = arith.constant 240 : index
      %swap3A_634 = tpu.vector_load %arg12[%swap3A_633] {strides = array<i32>} : memref<256xi32, #tpu.memory_space<vmem>>, vector<16xi32>,
      tpu.vector_store %arg12[%swap3A_633], %add3A_632 {strides = array<i32>} : memref<256xi32, #tpu.memory_space<vmem>>, vector<16xi32>,
      %reduce_sum3A_635 = arith.constant true
      %reduce_sum3A_636 = vector.broadcast %reduce_sum3A_635 : i1 to vector<16xi1>
      %reduce_sum3A_637 = tpu.scan <sum>, %get3A_626 masked %reduce_sum3A_636 : vector<16xi32>, vector<16xi1> -> vector<16xi32>
      %reduce_sum3A_638 = vector.extract %reduce_sum3A_637[15] : i32 from vector<16xi32>
      %add3A_639 = arith.addi %add3A_624, %reduce_sum3A_638 : i32
      %scan3A_640 = arith.constant 0 : i32
      %scan3A_641 = arith.constant 0 : i32
      %scan3A_642 = arith.constant 16 : i32
      %scan3A_643 = arith.addi %scan3A_641, %scan3A_642 : i32
      %scan3A_644 = arith.constant 1 : i32
      %scan3A_645 = scf.for %scan3A_2568 = %scan3A_641 to %scan3A_643 step %scan3A_644 iter_args(%scan3A_2569 = %scan3A_640) -> (i32)  : i32 {
        %mul3A_2570 = arith.constant 4 : i32
        %mul3A_2571 = arith.muli %scan3A_2568, %mul3A_2570 : i32
        %add3A_2572 = arith.constant 0 : i32
        %add3A_2573 = arith.addi %mul3A_2571, %add3A_2572 : i32
        %mul3A_2574 = arith.constant 16 : i32
        %mul3A_2575 = arith.muli %add3A_2573, %mul3A_2574 : i32
        %get3A_2576 = arith.index_cast %mul3A_2575 : i32 to index
        %get3A_2577 = tpu.vector_load %arg9[%get3A_2576] {strides = array<i32>} : memref<1024xi32, #tpu.memory_space<vmem>>, vector<16xi32>,
        %mul3A_2578 = arith.constant 16 : i32
        %mul3A_2579 = arith.muli %add3A_2573, %mul3A_2578 : i32
        %get3A_2580 = arith.index_cast %mul3A_2579 : i32 to index
        %get3A_2581 = tpu.vector_load %arg11[%get3A_2580] {strides = array<i32>} : memref<1024xi32, #tpu.memory_space<vmem>>, vector<16xi32>,
        %shift_right_arithmetic3A = arith.constant 4 : i32
        %shift_right_arithmetic3A_2582 = vector.broadcast %shift_right_arithmetic3A : i32 to vector<16xi32>
        %shift_right_arithmetic3A_2583 = arith.shrsi %get3A_2577, %shift_right_arithmetic3A_2582 : vector<16xi32>
        %and3A = arith.constant 15 : i32
        %and3A_2584 = vector.broadcast %and3A : i32 to vector<16xi32>
        %and3A_2585 = arith.andi %shift_right_arithmetic3A_2583, %and3A_2584 : vector<16xi32>
        %mul3A_2586 = arith.constant 16 : i32
        %mul3A_2587 = vector.broadcast %mul3A_2586 : i32 to vector<16xi32>
        %mul3A_2588 = arith.muli %and3A_2585, %mul3A_2587 : vector<16xi32>
        %add3A_2589 = arith.addi %mul3A_2588, %iota3A : vector<16xi32>
        %gather3A = tpu.vector_load_idx %arg12[%add3A_2589] : memref<256xi32, #tpu.memory_space<vmem>>[vector<16xi32>], vector<16xi32>,
        tpu.vector_store_idx %arg12[%add3A_2589], %broadcast_in_dim3A_0 {add = true} : memref<256xi32, #tpu.memory_space<vmem>>[vector<16xi32>], vector<16xi32>,
        %and3A_2590 = arith.constant 63 : i32
        %and3A_2591 = vector.broadcast %and3A_2590 : i32 to vector<16xi32>
        %and3A_2592 = arith.andi %gather3A, %and3A_2591 : vector<16xi32>
        %mul3A_2593 = arith.constant 16 : i32
        %mul3A_2594 = vector.broadcast %mul3A_2593 : i32 to vector<16xi32>
        %mul3A_2595 = arith.muli %and3A_2592, %mul3A_2594 : vector<16xi32>
        %shift_right_arithmetic3A_2596 = arith.constant 6 : i32
        %shift_right_arithmetic3A_2597 = vector.broadcast %shift_right_arithmetic3A_2596 : i32 to vector<16xi32>
        %shift_right_arithmetic3A_2598 = arith.shrsi %gather3A, %shift_right_arithmetic3A_2597 : vector<16xi32>
        %add3A_2599 = arith.addi %mul3A_2595, %shift_right_arithmetic3A_2598 : vector<16xi32>
        tpu.vector_store_idx %arg8[%add3A_2599], %get3A_2577 : memref<1024xi32, #tpu.memory_space<vmem>>[vector<16xi32>], vector<16xi32>,
        tpu.vector_store_idx %arg10[%add3A_2599], %get3A_2581 : memref<1024xi32, #tpu.memory_space<vmem>>[vector<16xi32>], vector<16xi32>,
        %mul3A_2600 = arith.constant 4 : i32
        %mul3A_2601 = arith.muli %scan3A_2568, %mul3A_2600 : i32
        %add3A_2602 = arith.constant 1 : i32
        %add3A_2603 = arith.addi %mul3A_2601, %add3A_2602 : i32
        %mul3A_2604 = arith.constant 16 : i32
        %mul3A_2605 = arith.muli %add3A_2603, %mul3A_2604 : i32
        %get3A_2606 = arith.index_cast %mul3A_2605 : i32 to index
        %get3A_2607 = tpu.vector_load %arg9[%get3A_2606] {strides = array<i32>} : memref<1024xi32, #tpu.memory_space<vmem>>, vector<16xi32>,
        %mul3A_2608 = arith.constant 16 : i32
        %mul3A_2609 = arith.muli %add3A_2603, %mul3A_2608 : i32
        %get3A_2610 = arith.index_cast %mul3A_2609 : i32 to index
        %get3A_2611 = tpu.vector_load %arg11[%get3A_2610] {strides = array<i32>} : memref<1024xi32, #tpu.memory_space<vmem>>, vector<16xi32>,
        %shift_right_arithmetic3A_2612 = arith.constant 4 : i32
        %shift_right_arithmetic3A_2613 = vector.broadcast %shift_right_arithmetic3A_2612 : i32 to vector<16xi32>
        %shift_right_arithmetic3A_2614 = arith.shrsi %get3A_2607, %shift_right_arithmetic3A_2613 : vector<16xi32>
        %and3A_2615 = arith.constant 15 : i32
        %and3A_2616 = vector.broadcast %and3A_2615 : i32 to vector<16xi32>
        %and3A_2617 = arith.andi %shift_right_arithmetic3A_2614, %and3A_2616 : vector<16xi32>
        %mul3A_2618 = arith.constant 16 : i32
        %mul3A_2619 = vector.broadcast %mul3A_2618 : i32 to vector<16xi32>
        %mul3A_2620 = arith.muli %and3A_2617, %mul3A_2619 : vector<16xi32>
        %add3A_2621 = arith.addi %mul3A_2620, %iota3A : vector<16xi32>
        %gather3A_2622 = tpu.vector_load_idx %arg12[%add3A_2621] : memref<256xi32, #tpu.memory_space<vmem>>[vector<16xi32>], vector<16xi32>,
        tpu.vector_store_idx %arg12[%add3A_2621], %broadcast_in_dim3A_0 {add = true} : memref<256xi32, #tpu.memory_space<vmem>>[vector<16xi32>], vector<16xi32>,
        %and3A_2623 = arith.constant 63 : i32
        %and3A_2624 = vector.broadcast %and3A_2623 : i32 to vector<16xi32>
        %and3A_2625 = arith.andi %gather3A_2622, %and3A_2624 : vector<16xi32>
        %mul3A_2626 = arith.constant 16 : i32
        %mul3A_2627 = vector.broadcast %mul3A_2626 : i32 to vector<16xi32>
        %mul3A_2628 = arith.muli %and3A_2625, %mul3A_2627 : vector<16xi32>
        %shift_right_arithmetic3A_2629 = arith.constant 6 : i32
        %shift_right_arithmetic3A_2630 = vector.broadcast %shift_right_arithmetic3A_2629 : i32 to vector<16xi32>
        %shift_right_arithmetic3A_2631 = arith.shrsi %gather3A_2622, %shift_right_arithmetic3A_2630 : vector<16xi32>
        %add3A_2632 = arith.addi %mul3A_2628, %shift_right_arithmetic3A_2631 : vector<16xi32>
        tpu.vector_store_idx %arg8[%add3A_2632], %get3A_2607 : memref<1024xi32, #tpu.memory_space<vmem>>[vector<16xi32>], vector<16xi32>,
        tpu.vector_store_idx %arg10[%add3A_2632], %get3A_2611 : memref<1024xi32, #tpu.memory_space<vmem>>[vector<16xi32>], vector<16xi32>,
        %mul3A_2633 = arith.constant 4 : i32
        %mul3A_2634 = arith.muli %scan3A_2568, %mul3A_2633 : i32
        %add3A_2635 = arith.constant 2 : i32
        %add3A_2636 = arith.addi %mul3A_2634, %add3A_2635 : i32
        %mul3A_2637 = arith.constant 16 : i32
        %mul3A_2638 = arith.muli %add3A_2636, %mul3A_2637 : i32
        %get3A_2639 = arith.index_cast %mul3A_2638 : i32 to index
        %get3A_2640 = tpu.vector_load %arg9[%get3A_2639] {strides = array<i32>} : memref<1024xi32, #tpu.memory_space<vmem>>, vector<16xi32>,
        %mul3A_2641 = arith.constant 16 : i32
        %mul3A_2642 = arith.muli %add3A_2636, %mul3A_2641 : i32
        %get3A_2643 = arith.index_cast %mul3A_2642 : i32 to index
        %get3A_2644 = tpu.vector_load %arg11[%get3A_2643] {strides = array<i32>} : memref<1024xi32, #tpu.memory_space<vmem>>, vector<16xi32>,
        %shift_right_arithmetic3A_2645 = arith.constant 4 : i32
        %shift_right_arithmetic3A_2646 = vector.broadcast %shift_right_arithmetic3A_2645 : i32 to vector<16xi32>
        %shift_right_arithmetic3A_2647 = arith.shrsi %get3A_2640, %shift_right_arithmetic3A_2646 : vector<16xi32>
        %and3A_2648 = arith.constant 15 : i32
        %and3A_2649 = vector.broadcast %and3A_2648 : i32 to vector<16xi32>
        %and3A_2650 = arith.andi %shift_right_arithmetic3A_2647, %and3A_2649 : vector<16xi32>
        %mul3A_2651 = arith.constant 16 : i32
        %mul3A_2652 = vector.broadcast %mul3A_2651 : i32 to vector<16xi32>
        %mul3A_2653 = arith.muli %and3A_2650, %mul3A_2652 : vector<16xi32>
        %add3A_2654 = arith.addi %mul3A_2653, %iota3A : vector<16xi32>
        %gather3A_2655 = tpu.vector_load_idx %arg12[%add3A_2654] : memref<256xi32, #tpu.memory_space<vmem>>[vector<16xi32>], vector<16xi32>,
        tpu.vector_store_idx %arg12[%add3A_2654], %broadcast_in_dim3A_0 {add = true} : memref<256xi32, #tpu.memory_space<vmem>>[vector<16xi32>], vector<16xi32>,
        %and3A_2656 = arith.constant 63 : i32
        %and3A_2657 = vector.broadcast %and3A_2656 : i32 to vector<16xi32>
        %and3A_2658 = arith.andi %gather3A_2655, %and3A_2657 : vector<16xi32>
        %mul3A_2659 = arith.constant 16 : i32
        %mul3A_2660 = vector.broadcast %mul3A_2659 : i32 to vector<16xi32>
        %mul3A_2661 = arith.muli %and3A_2658, %mul3A_2660 : vector<16xi32>
        %shift_right_arithmetic3A_2662 = arith.constant 6 : i32
        %shift_right_arithmetic3A_2663 = vector.broadcast %shift_right_arithmetic3A_2662 : i32 to vector<16xi32>
        %shift_right_arithmetic3A_2664 = arith.shrsi %gather3A_2655, %shift_right_arithmetic3A_2663 : vector<16xi32>
        %add3A_2665 = arith.addi %mul3A_2661, %shift_right_arithmetic3A_2664 : vector<16xi32>
        tpu.vector_store_idx %arg8[%add3A_2665], %get3A_2640 : memref<1024xi32, #tpu.memory_space<vmem>>[vector<16xi32>], vector<16xi32>,
        tpu.vector_store_idx %arg10[%add3A_2665], %get3A_2644 : memref<1024xi32, #tpu.memory_space<vmem>>[vector<16xi32>], vector<16xi32>,
        %mul3A_2666 = arith.constant 4 : i32
        %mul3A_2667 = arith.muli %scan3A_2568, %mul3A_2666 : i32
        %add3A_2668 = arith.constant 3 : i32
        %add3A_2669 = arith.addi %mul3A_2667, %add3A_2668 : i32
        %mul3A_2670 = arith.constant 16 : i32
        %mul3A_2671 = arith.muli %add3A_2669, %mul3A_2670 : i32
        %get3A_2672 = arith.index_cast %mul3A_2671 : i32 to index
        %get3A_2673 = tpu.vector_load %arg9[%get3A_2672] {strides = array<i32>} : memref<1024xi32, #tpu.memory_space<vmem>>, vector<16xi32>,
        %mul3A_2674 = arith.constant 16 : i32
        %mul3A_2675 = arith.muli %add3A_2669, %mul3A_2674 : i32
        %get3A_2676 = arith.index_cast %mul3A_2675 : i32 to index
        %get3A_2677 = tpu.vector_load %arg11[%get3A_2676] {strides = array<i32>} : memref<1024xi32, #tpu.memory_space<vmem>>, vector<16xi32>,
        %shift_right_arithmetic3A_2678 = arith.constant 4 : i32
        %shift_right_arithmetic3A_2679 = vector.broadcast %shift_right_arithmetic3A_2678 : i32 to vector<16xi32>
        %shift_right_arithmetic3A_2680 = arith.shrsi %get3A_2673, %shift_right_arithmetic3A_2679 : vector<16xi32>
        %and3A_2681 = arith.constant 15 : i32
        %and3A_2682 = vector.broadcast %and3A_2681 : i32 to vector<16xi32>
        %and3A_2683 = arith.andi %shift_right_arithmetic3A_2680, %and3A_2682 : vector<16xi32>
        %mul3A_2684 = arith.constant 16 : i32
        %mul3A_2685 = vector.broadcast %mul3A_2684 : i32 to vector<16xi32>
        %mul3A_2686 = arith.muli %and3A_2683, %mul3A_2685 : vector<16xi32>
        %add3A_2687 = arith.addi %mul3A_2686, %iota3A : vector<16xi32>
        %gather3A_2688 = tpu.vector_load_idx %arg12[%add3A_2687] : memref<256xi32, #tpu.memory_space<vmem>>[vector<16xi32>], vector<16xi32>,
        tpu.vector_store_idx %arg12[%add3A_2687], %broadcast_in_dim3A_0 {add = true} : memref<256xi32, #tpu.memory_space<vmem>>[vector<16xi32>], vector<16xi32>,
        %and3A_2689 = arith.constant 63 : i32
        %and3A_2690 = vector.broadcast %and3A_2689 : i32 to vector<16xi32>
        %and3A_2691 = arith.andi %gather3A_2688, %and3A_2690 : vector<16xi32>
        %mul3A_2692 = arith.constant 16 : i32
        %mul3A_2693 = vector.broadcast %mul3A_2692 : i32 to vector<16xi32>
        %mul3A_2694 = arith.muli %and3A_2691, %mul3A_2693 : vector<16xi32>
        %shift_right_arithmetic3A_2695 = arith.constant 6 : i32
        %shift_right_arithmetic3A_2696 = vector.broadcast %shift_right_arithmetic3A_2695 : i32 to vector<16xi32>
        %shift_right_arithmetic3A_2697 = arith.shrsi %gather3A_2688, %shift_right_arithmetic3A_2696 : vector<16xi32>
        %add3A_2698 = arith.addi %mul3A_2694, %shift_right_arithmetic3A_2697 : vector<16xi32>
        tpu.vector_store_idx %arg8[%add3A_2698], %get3A_2673 : memref<1024xi32, #tpu.memory_space<vmem>>[vector<16xi32>], vector<16xi32>,
        tpu.vector_store_idx %arg10[%add3A_2698], %get3A_2677 : memref<1024xi32, #tpu.memory_space<vmem>>[vector<16xi32>], vector<16xi32>,
        %scan3A_2699 = arith.constant 0 : i32
        scf.yield %scan3A_2699 : i32
      }
      %scan3A_646 = arith.constant 16 : i32
      %broadcast_in_dim3A_647 = arith.constant 0 : i32
      %broadcast_in_dim3A_648 = vector.broadcast %broadcast_in_dim3A_647 : i32 to vector<16xi32>
      %swap3A_649 = arith.constant 0 : index
      %swap3A_650 = tpu.vector_load %arg12[%swap3A_649] {strides = array<i32>} : memref<256xi32, #tpu.memory_space<vmem>>, vector<16xi32>,
      tpu.vector_store %arg12[%swap3A_649], %broadcast_in_dim3A_648 {strides = array<i32>} : memref<256xi32, #tpu.memory_space<vmem>>, vector<16xi32>,
      %broadcast_in_dim3A_651 = arith.constant 0 : i32
      %broadcast_in_dim3A_652 = vector.broadcast %broadcast_in_dim3A_651 : i32 to vector<16xi32>
      %swap3A_653 = arith.constant 16 : index
      %swap3A_654 = tpu.vector_load %arg12[%swap3A_653] {strides = array<i32>} : memref<256xi32, #tpu.memory_space<vmem>>, vector<16xi32>,
      tpu.vector_store %arg12[%swap3A_653], %broadcast_in_dim3A_652 {strides = array<i32>} : memref<256xi32, #tpu.memory_space<vmem>>, vector<16xi32>,
      %broadcast_in_dim3A_655 = arith.constant 0 : i32
      %broadcast_in_dim3A_656 = vector.broadcast %broadcast_in_dim3A_655 : i32 to vector<16xi32>
      %swap3A_657 = arith.constant 32 : index
      %swap3A_658 = tpu.vector_load %arg12[%swap3A_657] {strides = array<i32>} : memref<256xi32, #tpu.memory_space<vmem>>, vector<16xi32>,
      tpu.vector_store %arg12[%swap3A_657], %broadcast_in_dim3A_656 {strides = array<i32>} : memref<256xi32, #tpu.memory_space<vmem>>, vector<16xi32>,
      %broadcast_in_dim3A_659 = arith.constant 0 : i32
      %broadcast_in_dim3A_660 = vector.broadcast %broadcast_in_dim3A_659 : i32 to vector<16xi32>
      %swap3A_661 = arith.constant 48 : index
      %swap3A_662 = tpu.vector_load %arg12[%swap3A_661] {strides = array<i32>} : memref<256xi32, #tpu.memory_space<vmem>>, vector<16xi32>,
      tpu.vector_store %arg12[%swap3A_661], %broadcast_in_dim3A_660 {strides = array<i32>} : memref<256xi32, #tpu.memory_space<vmem>>, vector<16xi32>,
      %broadcast_in_dim3A_663 = arith.constant 0 : i32
      %broadcast_in_dim3A_664 = vector.broadcast %broadcast_in_dim3A_663 : i32 to vector<16xi32>
      %swap3A_665 = arith.constant 64 : index
      %swap3A_666 = tpu.vector_load %arg12[%swap3A_665] {strides = array<i32>} : memref<256xi32, #tpu.memory_space<vmem>>, vector<16xi32>,
      tpu.vector_store %arg12[%swap3A_665], %broadcast_in_dim3A_664 {strides = array<i32>} : memref<256xi32, #tpu.memory_space<vmem>>, vector<16xi32>,
      %broadcast_in_dim3A_667 = arith.constant 0 : i32
      %broadcast_in_dim3A_668 = vector.broadcast %broadcast_in_dim3A_667 : i32 to vector<16xi32>
      %swap3A_669 = arith.constant 80 : index
      %swap3A_670 = tpu.vector_load %arg12[%swap3A_669] {strides = array<i32>} : memref<256xi32, #tpu.memory_space<vmem>>, vector<16xi32>,
      tpu.vector_store %arg12[%swap3A_669], %broadcast_in_dim3A_668 {strides = array<i32>} : memref<256xi32, #tpu.memory_space<vmem>>, vector<16xi32>,
      %broadcast_in_dim3A_671 = arith.constant 0 : i32
      %broadcast_in_dim3A_672 = vector.broadcast %broadcast_in_dim3A_671 : i32 to vector<16xi32>
      %swap3A_673 = arith.constant 96 : index
      %swap3A_674 = tpu.vector_load %arg12[%swap3A_673] {strides = array<i32>} : memref<256xi32, #tpu.memory_space<vmem>>, vector<16xi32>,
      tpu.vector_store %arg12[%swap3A_673], %broadcast_in_dim3A_672 {strides = array<i32>} : memref<256xi32, #tpu.memory_space<vmem>>, vector<16xi32>,
      %broadcast_in_dim3A_675 = arith.constant 0 : i32
      %broadcast_in_dim3A_676 = vector.broadcast %broadcast_in_dim3A_675 : i32 to vector<16xi32>
      %swap3A_677 = arith.constant 112 : index
      %swap3A_678 = tpu.vector_load %arg12[%swap3A_677] {strides = array<i32>} : memref<256xi32, #tpu.memory_space<vmem>>, vector<16xi32>,
      tpu.vector_store %arg12[%swap3A_677], %broadcast_in_dim3A_676 {strides = array<i32>} : memref<256xi32, #tpu.memory_space<vmem>>, vector<16xi32>,
      %broadcast_in_dim3A_679 = arith.constant 0 : i32
      %broadcast_in_dim3A_680 = vector.broadcast %broadcast_in_dim3A_679 : i32 to vector<16xi32>
      %swap3A_681 = arith.constant 128 : index
      %swap3A_682 = tpu.vector_load %arg12[%swap3A_681] {strides = array<i32>} : memref<256xi32, #tpu.memory_space<vmem>>, vector<16xi32>,
      tpu.vector_store %arg12[%swap3A_681], %broadcast_in_dim3A_680 {strides = array<i32>} : memref<256xi32, #tpu.memory_space<vmem>>, vector<16xi32>,
      %broadcast_in_dim3A_683 = arith.constant 0 : i32
      %broadcast_in_dim3A_684 = vector.broadcast %broadcast_in_dim3A_683 : i32 to vector<16xi32>
      %swap3A_685 = arith.constant 144 : index
      %swap3A_686 = tpu.vector_load %arg12[%swap3A_685] {strides = array<i32>} : memref<256xi32, #tpu.memory_space<vmem>>, vector<16xi32>,
      tpu.vector_store %arg12[%swap3A_685], %broadcast_in_dim3A_684 {strides = array<i32>} : memref<256xi32, #tpu.memory_space<vmem>>, vector<16xi32>,
      %broadcast_in_dim3A_687 = arith.constant 0 : i32
      %broadcast_in_dim3A_688 = vector.broadcast %broadcast_in_dim3A_687 : i32 to vector<16xi32>
      %swap3A_689 = arith.constant 160 : index
      %swap3A_690 = tpu.vector_load %arg12[%swap3A_689] {strides = array<i32>} : memref<256xi32, #tpu.memory_space<vmem>>, vector<16xi32>,
      tpu.vector_store %arg12[%swap3A_689], %broadcast_in_dim3A_688 {strides = array<i32>} : memref<256xi32, #tpu.memory_space<vmem>>, vector<16xi32>,
      %broadcast_in_dim3A_691 = arith.constant 0 : i32
      %broadcast_in_dim3A_692 = vector.broadcast %broadcast_in_dim3A_691 : i32 to vector<16xi32>
      %swap3A_693 = arith.constant 176 : index
      %swap3A_694 = tpu.vector_load %arg12[%swap3A_693] {strides = array<i32>} : memref<256xi32, #tpu.memory_space<vmem>>, vector<16xi32>,
      tpu.vector_store %arg12[%swap3A_693], %broadcast_in_dim3A_692 {strides = array<i32>} : memref<256xi32, #tpu.memory_space<vmem>>, vector<16xi32>,
      %broadcast_in_dim3A_695 = arith.constant 0 : i32
      %broadcast_in_dim3A_696 = vector.broadcast %broadcast_in_dim3A_695 : i32 to vector<16xi32>
      %swap3A_697 = arith.constant 192 : index
      %swap3A_698 = tpu.vector_load %arg12[%swap3A_697] {strides = array<i32>} : memref<256xi32, #tpu.memory_space<vmem>>, vector<16xi32>,
      tpu.vector_store %arg12[%swap3A_697], %broadcast_in_dim3A_696 {strides = array<i32>} : memref<256xi32, #tpu.memory_space<vmem>>, vector<16xi32>,
      %broadcast_in_dim3A_699 = arith.constant 0 : i32
      %broadcast_in_dim3A_700 = vector.broadcast %broadcast_in_dim3A_699 : i32 to vector<16xi32>
      %swap3A_701 = arith.constant 208 : index
      %swap3A_702 = tpu.vector_load %arg12[%swap3A_701] {strides = array<i32>} : memref<256xi32, #tpu.memory_space<vmem>>, vector<16xi32>,
      tpu.vector_store %arg12[%swap3A_701], %broadcast_in_dim3A_700 {strides = array<i32>} : memref<256xi32, #tpu.memory_space<vmem>>, vector<16xi32>,
      %broadcast_in_dim3A_703 = arith.constant 0 : i32
      %broadcast_in_dim3A_704 = vector.broadcast %broadcast_in_dim3A_703 : i32 to vector<16xi32>
      %swap3A_705 = arith.constant 224 : index
      %swap3A_706 = tpu.vector_load %arg12[%swap3A_705] {strides = array<i32>} : memref<256xi32, #tpu.memory_space<vmem>>, vector<16xi32>,
      tpu.vector_store %arg12[%swap3A_705], %broadcast_in_dim3A_704 {strides = array<i32>} : memref<256xi32, #tpu.memory_space<vmem>>, vector<16xi32>,
      %broadcast_in_dim3A_707 = arith.constant 0 : i32
      %broadcast_in_dim3A_708 = vector.broadcast %broadcast_in_dim3A_707 : i32 to vector<16xi32>
      %swap3A_709 = arith.constant 240 : index
      %swap3A_710 = tpu.vector_load %arg12[%swap3A_709] {strides = array<i32>} : memref<256xi32, #tpu.memory_space<vmem>>, vector<16xi32>,
      tpu.vector_store %arg12[%swap3A_709], %broadcast_in_dim3A_708 {strides = array<i32>} : memref<256xi32, #tpu.memory_space<vmem>>, vector<16xi32>,
      %scan3A_711 = arith.constant 0 : i32
      %scan3A_712 = arith.constant 0 : i32
      %scan3A_713 = arith.constant 16 : i32
      %scan3A_714 = arith.addi %scan3A_712, %scan3A_713 : i32
      %scan3A_715 = arith.constant 1 : i32
      %scan3A_716 = scf.for %scan3A_2568 = %scan3A_712 to %scan3A_714 step %scan3A_715 iter_args(%scan3A_2569 = %scan3A_711) -> (i32)  : i32 {
        %mul3A_2570 = arith.constant 4 : i32
        %mul3A_2571 = arith.muli %scan3A_2568, %mul3A_2570 : i32
        %add3A_2572 = arith.constant 0 : i32
        %add3A_2573 = arith.addi %mul3A_2571, %add3A_2572 : i32
        %mul3A_2574 = arith.constant 16 : i32
        %mul3A_2575 = arith.muli %add3A_2573, %mul3A_2574 : i32
        %get3A_2576 = arith.index_cast %mul3A_2575 : i32 to index
        %get3A_2577 = tpu.vector_load %arg8[%get3A_2576] {strides = array<i32>} : memref<1024xi32, #tpu.memory_space<vmem>>, vector<16xi32>,
        %shift_right_arithmetic3A = arith.constant 8 : i32
        %shift_right_arithmetic3A_2578 = vector.broadcast %shift_right_arithmetic3A : i32 to vector<16xi32>
        %shift_right_arithmetic3A_2579 = arith.shrsi %get3A_2577, %shift_right_arithmetic3A_2578 : vector<16xi32>
        %and3A = arith.constant 15 : i32
        %and3A_2580 = vector.broadcast %and3A : i32 to vector<16xi32>
        %and3A_2581 = arith.andi %shift_right_arithmetic3A_2579, %and3A_2580 : vector<16xi32>
        %mul3A_2582 = arith.constant 16 : i32
        %mul3A_2583 = vector.broadcast %mul3A_2582 : i32 to vector<16xi32>
        %mul3A_2584 = arith.muli %and3A_2581, %mul3A_2583 : vector<16xi32>
        %add3A_2585 = arith.addi %mul3A_2584, %iota3A : vector<16xi32>
        tpu.vector_store_idx %arg12[%add3A_2585], %broadcast_in_dim3A_0 {add = true} : memref<256xi32, #tpu.memory_space<vmem>>[vector<16xi32>], vector<16xi32>,
        %mul3A_2586 = arith.constant 4 : i32
        %mul3A_2587 = arith.muli %scan3A_2568, %mul3A_2586 : i32
        %add3A_2588 = arith.constant 1 : i32
        %add3A_2589 = arith.addi %mul3A_2587, %add3A_2588 : i32
        %mul3A_2590 = arith.constant 16 : i32
        %mul3A_2591 = arith.muli %add3A_2589, %mul3A_2590 : i32
        %get3A_2592 = arith.index_cast %mul3A_2591 : i32 to index
        %get3A_2593 = tpu.vector_load %arg8[%get3A_2592] {strides = array<i32>} : memref<1024xi32, #tpu.memory_space<vmem>>, vector<16xi32>,
        %shift_right_arithmetic3A_2594 = arith.constant 8 : i32
        %shift_right_arithmetic3A_2595 = vector.broadcast %shift_right_arithmetic3A_2594 : i32 to vector<16xi32>
        %shift_right_arithmetic3A_2596 = arith.shrsi %get3A_2593, %shift_right_arithmetic3A_2595 : vector<16xi32>
        %and3A_2597 = arith.constant 15 : i32
        %and3A_2598 = vector.broadcast %and3A_2597 : i32 to vector<16xi32>
        %and3A_2599 = arith.andi %shift_right_arithmetic3A_2596, %and3A_2598 : vector<16xi32>
        %mul3A_2600 = arith.constant 16 : i32
        %mul3A_2601 = vector.broadcast %mul3A_2600 : i32 to vector<16xi32>
        %mul3A_2602 = arith.muli %and3A_2599, %mul3A_2601 : vector<16xi32>
        %add3A_2603 = arith.addi %mul3A_2602, %iota3A : vector<16xi32>
        tpu.vector_store_idx %arg12[%add3A_2603], %broadcast_in_dim3A_0 {add = true} : memref<256xi32, #tpu.memory_space<vmem>>[vector<16xi32>], vector<16xi32>,
        %mul3A_2604 = arith.constant 4 : i32
        %mul3A_2605 = arith.muli %scan3A_2568, %mul3A_2604 : i32
        %add3A_2606 = arith.constant 2 : i32
        %add3A_2607 = arith.addi %mul3A_2605, %add3A_2606 : i32
        %mul3A_2608 = arith.constant 16 : i32
        %mul3A_2609 = arith.muli %add3A_2607, %mul3A_2608 : i32
        %get3A_2610 = arith.index_cast %mul3A_2609 : i32 to index
        %get3A_2611 = tpu.vector_load %arg8[%get3A_2610] {strides = array<i32>} : memref<1024xi32, #tpu.memory_space<vmem>>, vector<16xi32>,
        %shift_right_arithmetic3A_2612 = arith.constant 8 : i32
        %shift_right_arithmetic3A_2613 = vector.broadcast %shift_right_arithmetic3A_2612 : i32 to vector<16xi32>
        %shift_right_arithmetic3A_2614 = arith.shrsi %get3A_2611, %shift_right_arithmetic3A_2613 : vector<16xi32>
        %and3A_2615 = arith.constant 15 : i32
        %and3A_2616 = vector.broadcast %and3A_2615 : i32 to vector<16xi32>
        %and3A_2617 = arith.andi %shift_right_arithmetic3A_2614, %and3A_2616 : vector<16xi32>
        %mul3A_2618 = arith.constant 16 : i32
        %mul3A_2619 = vector.broadcast %mul3A_2618 : i32 to vector<16xi32>
        %mul3A_2620 = arith.muli %and3A_2617, %mul3A_2619 : vector<16xi32>
        %add3A_2621 = arith.addi %mul3A_2620, %iota3A : vector<16xi32>
        tpu.vector_store_idx %arg12[%add3A_2621], %broadcast_in_dim3A_0 {add = true} : memref<256xi32, #tpu.memory_space<vmem>>[vector<16xi32>], vector<16xi32>,
        %mul3A_2622 = arith.constant 4 : i32
        %mul3A_2623 = arith.muli %scan3A_2568, %mul3A_2622 : i32
        %add3A_2624 = arith.constant 3 : i32
        %add3A_2625 = arith.addi %mul3A_2623, %add3A_2624 : i32
        %mul3A_2626 = arith.constant 16 : i32
        %mul3A_2627 = arith.muli %add3A_2625, %mul3A_2626 : i32
        %get3A_2628 = arith.index_cast %mul3A_2627 : i32 to index
        %get3A_2629 = tpu.vector_load %arg8[%get3A_2628] {strides = array<i32>} : memref<1024xi32, #tpu.memory_space<vmem>>, vector<16xi32>,
        %shift_right_arithmetic3A_2630 = arith.constant 8 : i32
        %shift_right_arithmetic3A_2631 = vector.broadcast %shift_right_arithmetic3A_2630 : i32 to vector<16xi32>
        %shift_right_arithmetic3A_2632 = arith.shrsi %get3A_2629, %shift_right_arithmetic3A_2631 : vector<16xi32>
        %and3A_2633 = arith.constant 15 : i32
        %and3A_2634 = vector.broadcast %and3A_2633 : i32 to vector<16xi32>
        %and3A_2635 = arith.andi %shift_right_arithmetic3A_2632, %and3A_2634 : vector<16xi32>
        %mul3A_2636 = arith.constant 16 : i32
        %mul3A_2637 = vector.broadcast %mul3A_2636 : i32 to vector<16xi32>
        %mul3A_2638 = arith.muli %and3A_2635, %mul3A_2637 : vector<16xi32>
        %add3A_2639 = arith.addi %mul3A_2638, %iota3A : vector<16xi32>
        tpu.vector_store_idx %arg12[%add3A_2639], %broadcast_in_dim3A_0 {add = true} : memref<256xi32, #tpu.memory_space<vmem>>[vector<16xi32>], vector<16xi32>,
        %scan3A_2640 = arith.constant 0 : i32
        scf.yield %scan3A_2640 : i32
      }
      %scan3A_717 = arith.constant 16 : i32
      %get3A_718 = arith.constant 0 : index
      %get3A_719 = tpu.vector_load %arg12[%get3A_718] {strides = array<i32>} : memref<256xi32, #tpu.memory_space<vmem>>, vector<16xi32>,
      %cumsum3A_720 = arith.constant true
      %cumsum3A_721 = vector.broadcast %cumsum3A_720 : i1 to vector<16xi1>
      %cumsum3A_722 = tpu.scan <sum>, %get3A_719 masked %cumsum3A_721 : vector<16xi32>, vector<16xi1> -> vector<16xi32>
      %sub3A_723 = arith.subi %cumsum3A_722, %get3A_719 : vector<16xi32>
      %add3A_724 = arith.constant 0 : i32
      %add3A_725 = vector.broadcast %add3A_724 : i32 to vector<16xi32>
      %add3A_726 = arith.addi %sub3A_723, %add3A_725 : vector<16xi32>
      %swap3A_727 = arith.constant 0 : index
      %swap3A_728 = tpu.vector_load %arg12[%swap3A_727] {strides = array<i32>} : memref<256xi32, #tpu.memory_space<vmem>>, vector<16xi32>,
      tpu.vector_store %arg12[%swap3A_727], %add3A_726 {strides = array<i32>} : memref<256xi32, #tpu.memory_space<vmem>>, vector<16xi32>,
      %reduce_sum3A_729 = arith.constant true
      %reduce_sum3A_730 = vector.broadcast %reduce_sum3A_729 : i1 to vector<16xi1>
      %reduce_sum3A_731 = tpu.scan <sum>, %get3A_719 masked %reduce_sum3A_730 : vector<16xi32>, vector<16xi1> -> vector<16xi32>
      %reduce_sum3A_732 = vector.extract %reduce_sum3A_731[15] : i32 from vector<16xi32>
      %add3A_733 = arith.constant 0 : i32
      %add3A_734 = arith.addi %add3A_733, %reduce_sum3A_732 : i32
      %get3A_735 = arith.constant 16 : index
      %get3A_736 = tpu.vector_load %arg12[%get3A_735] {strides = array<i32>} : memref<256xi32, #tpu.memory_space<vmem>>, vector<16xi32>,
      %cumsum3A_737 = arith.constant true
      %cumsum3A_738 = vector.broadcast %cumsum3A_737 : i1 to vector<16xi1>
      %cumsum3A_739 = tpu.scan <sum>, %get3A_736 masked %cumsum3A_738 : vector<16xi32>, vector<16xi1> -> vector<16xi32>
      %sub3A_740 = arith.subi %cumsum3A_739, %get3A_736 : vector<16xi32>
      %add3A_741 = vector.broadcast %add3A_734 : i32 to vector<16xi32>
      %add3A_742 = arith.addi %sub3A_740, %add3A_741 : vector<16xi32>
      %swap3A_743 = arith.constant 16 : index
      %swap3A_744 = tpu.vector_load %arg12[%swap3A_743] {strides = array<i32>} : memref<256xi32, #tpu.memory_space<vmem>>, vector<16xi32>,
      tpu.vector_store %arg12[%swap3A_743], %add3A_742 {strides = array<i32>} : memref<256xi32, #tpu.memory_space<vmem>>, vector<16xi32>,
      %reduce_sum3A_745 = arith.constant true
      %reduce_sum3A_746 = vector.broadcast %reduce_sum3A_745 : i1 to vector<16xi1>
      %reduce_sum3A_747 = tpu.scan <sum>, %get3A_736 masked %reduce_sum3A_746 : vector<16xi32>, vector<16xi1> -> vector<16xi32>
      %reduce_sum3A_748 = vector.extract %reduce_sum3A_747[15] : i32 from vector<16xi32>
      %add3A_749 = arith.addi %add3A_734, %reduce_sum3A_748 : i32
      %get3A_750 = arith.constant 32 : index
      %get3A_751 = tpu.vector_load %arg12[%get3A_750] {strides = array<i32>} : memref<256xi32, #tpu.memory_space<vmem>>, vector<16xi32>,
      %cumsum3A_752 = arith.constant true
      %cumsum3A_753 = vector.broadcast %cumsum3A_752 : i1 to vector<16xi1>
      %cumsum3A_754 = tpu.scan <sum>, %get3A_751 masked %cumsum3A_753 : vector<16xi32>, vector<16xi1> -> vector<16xi32>
      %sub3A_755 = arith.subi %cumsum3A_754, %get3A_751 : vector<16xi32>
      %add3A_756 = vector.broadcast %add3A_749 : i32 to vector<16xi32>
      %add3A_757 = arith.addi %sub3A_755, %add3A_756 : vector<16xi32>
      %swap3A_758 = arith.constant 32 : index
      %swap3A_759 = tpu.vector_load %arg12[%swap3A_758] {strides = array<i32>} : memref<256xi32, #tpu.memory_space<vmem>>, vector<16xi32>,
      tpu.vector_store %arg12[%swap3A_758], %add3A_757 {strides = array<i32>} : memref<256xi32, #tpu.memory_space<vmem>>, vector<16xi32>,
      %reduce_sum3A_760 = arith.constant true
      %reduce_sum3A_761 = vector.broadcast %reduce_sum3A_760 : i1 to vector<16xi1>
      %reduce_sum3A_762 = tpu.scan <sum>, %get3A_751 masked %reduce_sum3A_761 : vector<16xi32>, vector<16xi1> -> vector<16xi32>
      %reduce_sum3A_763 = vector.extract %reduce_sum3A_762[15] : i32 from vector<16xi32>
      %add3A_764 = arith.addi %add3A_749, %reduce_sum3A_763 : i32
      %get3A_765 = arith.constant 48 : index
      %get3A_766 = tpu.vector_load %arg12[%get3A_765] {strides = array<i32>} : memref<256xi32, #tpu.memory_space<vmem>>, vector<16xi32>,
      %cumsum3A_767 = arith.constant true
      %cumsum3A_768 = vector.broadcast %cumsum3A_767 : i1 to vector<16xi1>
      %cumsum3A_769 = tpu.scan <sum>, %get3A_766 masked %cumsum3A_768 : vector<16xi32>, vector<16xi1> -> vector<16xi32>
      %sub3A_770 = arith.subi %cumsum3A_769, %get3A_766 : vector<16xi32>
      %add3A_771 = vector.broadcast %add3A_764 : i32 to vector<16xi32>
      %add3A_772 = arith.addi %sub3A_770, %add3A_771 : vector<16xi32>
      %swap3A_773 = arith.constant 48 : index
      %swap3A_774 = tpu.vector_load %arg12[%swap3A_773] {strides = array<i32>} : memref<256xi32, #tpu.memory_space<vmem>>, vector<16xi32>,
      tpu.vector_store %arg12[%swap3A_773], %add3A_772 {strides = array<i32>} : memref<256xi32, #tpu.memory_space<vmem>>, vector<16xi32>,
      %reduce_sum3A_775 = arith.constant true
      %reduce_sum3A_776 = vector.broadcast %reduce_sum3A_775 : i1 to vector<16xi1>
      %reduce_sum3A_777 = tpu.scan <sum>, %get3A_766 masked %reduce_sum3A_776 : vector<16xi32>, vector<16xi1> -> vector<16xi32>
      %reduce_sum3A_778 = vector.extract %reduce_sum3A_777[15] : i32 from vector<16xi32>
      %add3A_779 = arith.addi %add3A_764, %reduce_sum3A_778 : i32
      %get3A_780 = arith.constant 64 : index
      %get3A_781 = tpu.vector_load %arg12[%get3A_780] {strides = array<i32>} : memref<256xi32, #tpu.memory_space<vmem>>, vector<16xi32>,
      %cumsum3A_782 = arith.constant true
      %cumsum3A_783 = vector.broadcast %cumsum3A_782 : i1 to vector<16xi1>
      %cumsum3A_784 = tpu.scan <sum>, %get3A_781 masked %cumsum3A_783 : vector<16xi32>, vector<16xi1> -> vector<16xi32>
      %sub3A_785 = arith.subi %cumsum3A_784, %get3A_781 : vector<16xi32>
      %add3A_786 = vector.broadcast %add3A_779 : i32 to vector<16xi32>
      %add3A_787 = arith.addi %sub3A_785, %add3A_786 : vector<16xi32>
      %swap3A_788 = arith.constant 64 : index
      %swap3A_789 = tpu.vector_load %arg12[%swap3A_788] {strides = array<i32>} : memref<256xi32, #tpu.memory_space<vmem>>, vector<16xi32>,
      tpu.vector_store %arg12[%swap3A_788], %add3A_787 {strides = array<i32>} : memref<256xi32, #tpu.memory_space<vmem>>, vector<16xi32>,
      %reduce_sum3A_790 = arith.constant true
      %reduce_sum3A_791 = vector.broadcast %reduce_sum3A_790 : i1 to vector<16xi1>
      %reduce_sum3A_792 = tpu.scan <sum>, %get3A_781 masked %reduce_sum3A_791 : vector<16xi32>, vector<16xi1> -> vector<16xi32>
      %reduce_sum3A_793 = vector.extract %reduce_sum3A_792[15] : i32 from vector<16xi32>
      %add3A_794 = arith.addi %add3A_779, %reduce_sum3A_793 : i32
      %get3A_795 = arith.constant 80 : index
      %get3A_796 = tpu.vector_load %arg12[%get3A_795] {strides = array<i32>} : memref<256xi32, #tpu.memory_space<vmem>>, vector<16xi32>,
      %cumsum3A_797 = arith.constant true
      %cumsum3A_798 = vector.broadcast %cumsum3A_797 : i1 to vector<16xi1>
      %cumsum3A_799 = tpu.scan <sum>, %get3A_796 masked %cumsum3A_798 : vector<16xi32>, vector<16xi1> -> vector<16xi32>
      %sub3A_800 = arith.subi %cumsum3A_799, %get3A_796 : vector<16xi32>
      %add3A_801 = vector.broadcast %add3A_794 : i32 to vector<16xi32>
      %add3A_802 = arith.addi %sub3A_800, %add3A_801 : vector<16xi32>
      %swap3A_803 = arith.constant 80 : index
      %swap3A_804 = tpu.vector_load %arg12[%swap3A_803] {strides = array<i32>} : memref<256xi32, #tpu.memory_space<vmem>>, vector<16xi32>,
      tpu.vector_store %arg12[%swap3A_803], %add3A_802 {strides = array<i32>} : memref<256xi32, #tpu.memory_space<vmem>>, vector<16xi32>,
      %reduce_sum3A_805 = arith.constant true
      %reduce_sum3A_806 = vector.broadcast %reduce_sum3A_805 : i1 to vector<16xi1>
      %reduce_sum3A_807 = tpu.scan <sum>, %get3A_796 masked %reduce_sum3A_806 : vector<16xi32>, vector<16xi1> -> vector<16xi32>
      %reduce_sum3A_808 = vector.extract %reduce_sum3A_807[15] : i32 from vector<16xi32>
      %add3A_809 = arith.addi %add3A_794, %reduce_sum3A_808 : i32
      %get3A_810 = arith.constant 96 : index
      %get3A_811 = tpu.vector_load %arg12[%get3A_810] {strides = array<i32>} : memref<256xi32, #tpu.memory_space<vmem>>, vector<16xi32>,
      %cumsum3A_812 = arith.constant true
      %cumsum3A_813 = vector.broadcast %cumsum3A_812 : i1 to vector<16xi1>
      %cumsum3A_814 = tpu.scan <sum>, %get3A_811 masked %cumsum3A_813 : vector<16xi32>, vector<16xi1> -> vector<16xi32>
      %sub3A_815 = arith.subi %cumsum3A_814, %get3A_811 : vector<16xi32>
      %add3A_816 = vector.broadcast %add3A_809 : i32 to vector<16xi32>
      %add3A_817 = arith.addi %sub3A_815, %add3A_816 : vector<16xi32>
      %swap3A_818 = arith.constant 96 : index
      %swap3A_819 = tpu.vector_load %arg12[%swap3A_818] {strides = array<i32>} : memref<256xi32, #tpu.memory_space<vmem>>, vector<16xi32>,
      tpu.vector_store %arg12[%swap3A_818], %add3A_817 {strides = array<i32>} : memref<256xi32, #tpu.memory_space<vmem>>, vector<16xi32>,
      %reduce_sum3A_820 = arith.constant true
      %reduce_sum3A_821 = vector.broadcast %reduce_sum3A_820 : i1 to vector<16xi1>
      %reduce_sum3A_822 = tpu.scan <sum>, %get3A_811 masked %reduce_sum3A_821 : vector<16xi32>, vector<16xi1> -> vector<16xi32>
      %reduce_sum3A_823 = vector.extract %reduce_sum3A_822[15] : i32 from vector<16xi32>
      %add3A_824 = arith.addi %add3A_809, %reduce_sum3A_823 : i32
      %get3A_825 = arith.constant 112 : index
      %get3A_826 = tpu.vector_load %arg12[%get3A_825] {strides = array<i32>} : memref<256xi32, #tpu.memory_space<vmem>>, vector<16xi32>,
      %cumsum3A_827 = arith.constant true
      %cumsum3A_828 = vector.broadcast %cumsum3A_827 : i1 to vector<16xi1>
      %cumsum3A_829 = tpu.scan <sum>, %get3A_826 masked %cumsum3A_828 : vector<16xi32>, vector<16xi1> -> vector<16xi32>
      %sub3A_830 = arith.subi %cumsum3A_829, %get3A_826 : vector<16xi32>
      %add3A_831 = vector.broadcast %add3A_824 : i32 to vector<16xi32>
      %add3A_832 = arith.addi %sub3A_830, %add3A_831 : vector<16xi32>
      %swap3A_833 = arith.constant 112 : index
      %swap3A_834 = tpu.vector_load %arg12[%swap3A_833] {strides = array<i32>} : memref<256xi32, #tpu.memory_space<vmem>>, vector<16xi32>,
      tpu.vector_store %arg12[%swap3A_833], %add3A_832 {strides = array<i32>} : memref<256xi32, #tpu.memory_space<vmem>>, vector<16xi32>,
      %reduce_sum3A_835 = arith.constant true
      %reduce_sum3A_836 = vector.broadcast %reduce_sum3A_835 : i1 to vector<16xi1>
      %reduce_sum3A_837 = tpu.scan <sum>, %get3A_826 masked %reduce_sum3A_836 : vector<16xi32>, vector<16xi1> -> vector<16xi32>
      %reduce_sum3A_838 = vector.extract %reduce_sum3A_837[15] : i32 from vector<16xi32>
      %add3A_839 = arith.addi %add3A_824, %reduce_sum3A_838 : i32
      %get3A_840 = arith.constant 128 : index
      %get3A_841 = tpu.vector_load %arg12[%get3A_840] {strides = array<i32>} : memref<256xi32, #tpu.memory_space<vmem>>, vector<16xi32>,
      %cumsum3A_842 = arith.constant true
      %cumsum3A_843 = vector.broadcast %cumsum3A_842 : i1 to vector<16xi1>
      %cumsum3A_844 = tpu.scan <sum>, %get3A_841 masked %cumsum3A_843 : vector<16xi32>, vector<16xi1> -> vector<16xi32>
      %sub3A_845 = arith.subi %cumsum3A_844, %get3A_841 : vector<16xi32>
      %add3A_846 = vector.broadcast %add3A_839 : i32 to vector<16xi32>
      %add3A_847 = arith.addi %sub3A_845, %add3A_846 : vector<16xi32>
      %swap3A_848 = arith.constant 128 : index
      %swap3A_849 = tpu.vector_load %arg12[%swap3A_848] {strides = array<i32>} : memref<256xi32, #tpu.memory_space<vmem>>, vector<16xi32>,
      tpu.vector_store %arg12[%swap3A_848], %add3A_847 {strides = array<i32>} : memref<256xi32, #tpu.memory_space<vmem>>, vector<16xi32>,
      %reduce_sum3A_850 = arith.constant true
      %reduce_sum3A_851 = vector.broadcast %reduce_sum3A_850 : i1 to vector<16xi1>
      %reduce_sum3A_852 = tpu.scan <sum>, %get3A_841 masked %reduce_sum3A_851 : vector<16xi32>, vector<16xi1> -> vector<16xi32>
      %reduce_sum3A_853 = vector.extract %reduce_sum3A_852[15] : i32 from vector<16xi32>
      %add3A_854 = arith.addi %add3A_839, %reduce_sum3A_853 : i32
      %get3A_855 = arith.constant 144 : index
      %get3A_856 = tpu.vector_load %arg12[%get3A_855] {strides = array<i32>} : memref<256xi32, #tpu.memory_space<vmem>>, vector<16xi32>,
      %cumsum3A_857 = arith.constant true
      %cumsum3A_858 = vector.broadcast %cumsum3A_857 : i1 to vector<16xi1>
      %cumsum3A_859 = tpu.scan <sum>, %get3A_856 masked %cumsum3A_858 : vector<16xi32>, vector<16xi1> -> vector<16xi32>
      %sub3A_860 = arith.subi %cumsum3A_859, %get3A_856 : vector<16xi32>
      %add3A_861 = vector.broadcast %add3A_854 : i32 to vector<16xi32>
      %add3A_862 = arith.addi %sub3A_860, %add3A_861 : vector<16xi32>
      %swap3A_863 = arith.constant 144 : index
      %swap3A_864 = tpu.vector_load %arg12[%swap3A_863] {strides = array<i32>} : memref<256xi32, #tpu.memory_space<vmem>>, vector<16xi32>,
      tpu.vector_store %arg12[%swap3A_863], %add3A_862 {strides = array<i32>} : memref<256xi32, #tpu.memory_space<vmem>>, vector<16xi32>,
      %reduce_sum3A_865 = arith.constant true
      %reduce_sum3A_866 = vector.broadcast %reduce_sum3A_865 : i1 to vector<16xi1>
      %reduce_sum3A_867 = tpu.scan <sum>, %get3A_856 masked %reduce_sum3A_866 : vector<16xi32>, vector<16xi1> -> vector<16xi32>
      %reduce_sum3A_868 = vector.extract %reduce_sum3A_867[15] : i32 from vector<16xi32>
      %add3A_869 = arith.addi %add3A_854, %reduce_sum3A_868 : i32
      %get3A_870 = arith.constant 160 : index
      %get3A_871 = tpu.vector_load %arg12[%get3A_870] {strides = array<i32>} : memref<256xi32, #tpu.memory_space<vmem>>, vector<16xi32>,
      %cumsum3A_872 = arith.constant true
      %cumsum3A_873 = vector.broadcast %cumsum3A_872 : i1 to vector<16xi1>
      %cumsum3A_874 = tpu.scan <sum>, %get3A_871 masked %cumsum3A_873 : vector<16xi32>, vector<16xi1> -> vector<16xi32>
      %sub3A_875 = arith.subi %cumsum3A_874, %get3A_871 : vector<16xi32>
      %add3A_876 = vector.broadcast %add3A_869 : i32 to vector<16xi32>
      %add3A_877 = arith.addi %sub3A_875, %add3A_876 : vector<16xi32>
      %swap3A_878 = arith.constant 160 : index
      %swap3A_879 = tpu.vector_load %arg12[%swap3A_878] {strides = array<i32>} : memref<256xi32, #tpu.memory_space<vmem>>, vector<16xi32>,
      tpu.vector_store %arg12[%swap3A_878], %add3A_877 {strides = array<i32>} : memref<256xi32, #tpu.memory_space<vmem>>, vector<16xi32>,
      %reduce_sum3A_880 = arith.constant true
      %reduce_sum3A_881 = vector.broadcast %reduce_sum3A_880 : i1 to vector<16xi1>
      %reduce_sum3A_882 = tpu.scan <sum>, %get3A_871 masked %reduce_sum3A_881 : vector<16xi32>, vector<16xi1> -> vector<16xi32>
      %reduce_sum3A_883 = vector.extract %reduce_sum3A_882[15] : i32 from vector<16xi32>
      %add3A_884 = arith.addi %add3A_869, %reduce_sum3A_883 : i32
      %get3A_885 = arith.constant 176 : index
      %get3A_886 = tpu.vector_load %arg12[%get3A_885] {strides = array<i32>} : memref<256xi32, #tpu.memory_space<vmem>>, vector<16xi32>,
      %cumsum3A_887 = arith.constant true
      %cumsum3A_888 = vector.broadcast %cumsum3A_887 : i1 to vector<16xi1>
      %cumsum3A_889 = tpu.scan <sum>, %get3A_886 masked %cumsum3A_888 : vector<16xi32>, vector<16xi1> -> vector<16xi32>
      %sub3A_890 = arith.subi %cumsum3A_889, %get3A_886 : vector<16xi32>
      %add3A_891 = vector.broadcast %add3A_884 : i32 to vector<16xi32>
      %add3A_892 = arith.addi %sub3A_890, %add3A_891 : vector<16xi32>
      %swap3A_893 = arith.constant 176 : index
      %swap3A_894 = tpu.vector_load %arg12[%swap3A_893] {strides = array<i32>} : memref<256xi32, #tpu.memory_space<vmem>>, vector<16xi32>,
      tpu.vector_store %arg12[%swap3A_893], %add3A_892 {strides = array<i32>} : memref<256xi32, #tpu.memory_space<vmem>>, vector<16xi32>,
      %reduce_sum3A_895 = arith.constant true
      %reduce_sum3A_896 = vector.broadcast %reduce_sum3A_895 : i1 to vector<16xi1>
      %reduce_sum3A_897 = tpu.scan <sum>, %get3A_886 masked %reduce_sum3A_896 : vector<16xi32>, vector<16xi1> -> vector<16xi32>
      %reduce_sum3A_898 = vector.extract %reduce_sum3A_897[15] : i32 from vector<16xi32>
      %add3A_899 = arith.addi %add3A_884, %reduce_sum3A_898 : i32
      %get3A_900 = arith.constant 192 : index
      %get3A_901 = tpu.vector_load %arg12[%get3A_900] {strides = array<i32>} : memref<256xi32, #tpu.memory_space<vmem>>, vector<16xi32>,
      %cumsum3A_902 = arith.constant true
      %cumsum3A_903 = vector.broadcast %cumsum3A_902 : i1 to vector<16xi1>
      %cumsum3A_904 = tpu.scan <sum>, %get3A_901 masked %cumsum3A_903 : vector<16xi32>, vector<16xi1> -> vector<16xi32>
      %sub3A_905 = arith.subi %cumsum3A_904, %get3A_901 : vector<16xi32>
      %add3A_906 = vector.broadcast %add3A_899 : i32 to vector<16xi32>
      %add3A_907 = arith.addi %sub3A_905, %add3A_906 : vector<16xi32>
      %swap3A_908 = arith.constant 192 : index
      %swap3A_909 = tpu.vector_load %arg12[%swap3A_908] {strides = array<i32>} : memref<256xi32, #tpu.memory_space<vmem>>, vector<16xi32>,
      tpu.vector_store %arg12[%swap3A_908], %add3A_907 {strides = array<i32>} : memref<256xi32, #tpu.memory_space<vmem>>, vector<16xi32>,
      %reduce_sum3A_910 = arith.constant true
      %reduce_sum3A_911 = vector.broadcast %reduce_sum3A_910 : i1 to vector<16xi1>
      %reduce_sum3A_912 = tpu.scan <sum>, %get3A_901 masked %reduce_sum3A_911 : vector<16xi32>, vector<16xi1> -> vector<16xi32>
      %reduce_sum3A_913 = vector.extract %reduce_sum3A_912[15] : i32 from vector<16xi32>
      %add3A_914 = arith.addi %add3A_899, %reduce_sum3A_913 : i32
      %get3A_915 = arith.constant 208 : index
      %get3A_916 = tpu.vector_load %arg12[%get3A_915] {strides = array<i32>} : memref<256xi32, #tpu.memory_space<vmem>>, vector<16xi32>,
      %cumsum3A_917 = arith.constant true
      %cumsum3A_918 = vector.broadcast %cumsum3A_917 : i1 to vector<16xi1>
      %cumsum3A_919 = tpu.scan <sum>, %get3A_916 masked %cumsum3A_918 : vector<16xi32>, vector<16xi1> -> vector<16xi32>
      %sub3A_920 = arith.subi %cumsum3A_919, %get3A_916 : vector<16xi32>
      %add3A_921 = vector.broadcast %add3A_914 : i32 to vector<16xi32>
      %add3A_922 = arith.addi %sub3A_920, %add3A_921 : vector<16xi32>
      %swap3A_923 = arith.constant 208 : index
      %swap3A_924 = tpu.vector_load %arg12[%swap3A_923] {strides = array<i32>} : memref<256xi32, #tpu.memory_space<vmem>>, vector<16xi32>,
      tpu.vector_store %arg12[%swap3A_923], %add3A_922 {strides = array<i32>} : memref<256xi32, #tpu.memory_space<vmem>>, vector<16xi32>,
      %reduce_sum3A_925 = arith.constant true
      %reduce_sum3A_926 = vector.broadcast %reduce_sum3A_925 : i1 to vector<16xi1>
      %reduce_sum3A_927 = tpu.scan <sum>, %get3A_916 masked %reduce_sum3A_926 : vector<16xi32>, vector<16xi1> -> vector<16xi32>
      %reduce_sum3A_928 = vector.extract %reduce_sum3A_927[15] : i32 from vector<16xi32>
      %add3A_929 = arith.addi %add3A_914, %reduce_sum3A_928 : i32
      %get3A_930 = arith.constant 224 : index
      %get3A_931 = tpu.vector_load %arg12[%get3A_930] {strides = array<i32>} : memref<256xi32, #tpu.memory_space<vmem>>, vector<16xi32>,
      %cumsum3A_932 = arith.constant true
      %cumsum3A_933 = vector.broadcast %cumsum3A_932 : i1 to vector<16xi1>
      %cumsum3A_934 = tpu.scan <sum>, %get3A_931 masked %cumsum3A_933 : vector<16xi32>, vector<16xi1> -> vector<16xi32>
      %sub3A_935 = arith.subi %cumsum3A_934, %get3A_931 : vector<16xi32>
      %add3A_936 = vector.broadcast %add3A_929 : i32 to vector<16xi32>
      %add3A_937 = arith.addi %sub3A_935, %add3A_936 : vector<16xi32>
      %swap3A_938 = arith.constant 224 : index
      %swap3A_939 = tpu.vector_load %arg12[%swap3A_938] {strides = array<i32>} : memref<256xi32, #tpu.memory_space<vmem>>, vector<16xi32>,
      tpu.vector_store %arg12[%swap3A_938], %add3A_937 {strides = array<i32>} : memref<256xi32, #tpu.memory_space<vmem>>, vector<16xi32>,
      %reduce_sum3A_940 = arith.constant true
      %reduce_sum3A_941 = vector.broadcast %reduce_sum3A_940 : i1 to vector<16xi1>
      %reduce_sum3A_942 = tpu.scan <sum>, %get3A_931 masked %reduce_sum3A_941 : vector<16xi32>, vector<16xi1> -> vector<16xi32>
      %reduce_sum3A_943 = vector.extract %reduce_sum3A_942[15] : i32 from vector<16xi32>
      %add3A_944 = arith.addi %add3A_929, %reduce_sum3A_943 : i32
      %get3A_945 = arith.constant 240 : index
      %get3A_946 = tpu.vector_load %arg12[%get3A_945] {strides = array<i32>} : memref<256xi32, #tpu.memory_space<vmem>>, vector<16xi32>,
      %cumsum3A_947 = arith.constant true
      %cumsum3A_948 = vector.broadcast %cumsum3A_947 : i1 to vector<16xi1>
      %cumsum3A_949 = tpu.scan <sum>, %get3A_946 masked %cumsum3A_948 : vector<16xi32>, vector<16xi1> -> vector<16xi32>
      %sub3A_950 = arith.subi %cumsum3A_949, %get3A_946 : vector<16xi32>
      %add3A_951 = vector.broadcast %add3A_944 : i32 to vector<16xi32>
      %add3A_952 = arith.addi %sub3A_950, %add3A_951 : vector<16xi32>
      %swap3A_953 = arith.constant 240 : index
      %swap3A_954 = tpu.vector_load %arg12[%swap3A_953] {strides = array<i32>} : memref<256xi32, #tpu.memory_space<vmem>>, vector<16xi32>,
      tpu.vector_store %arg12[%swap3A_953], %add3A_952 {strides = array<i32>} : memref<256xi32, #tpu.memory_space<vmem>>, vector<16xi32>,
      %reduce_sum3A_955 = arith.constant true
      %reduce_sum3A_956 = vector.broadcast %reduce_sum3A_955 : i1 to vector<16xi1>
      %reduce_sum3A_957 = tpu.scan <sum>, %get3A_946 masked %reduce_sum3A_956 : vector<16xi32>, vector<16xi1> -> vector<16xi32>
      %reduce_sum3A_958 = vector.extract %reduce_sum3A_957[15] : i32 from vector<16xi32>
      %add3A_959 = arith.addi %add3A_944, %reduce_sum3A_958 : i32
      %scan3A_960 = arith.constant 0 : i32
      %scan3A_961 = arith.constant 0 : i32
      %scan3A_962 = arith.constant 16 : i32
      %scan3A_963 = arith.addi %scan3A_961, %scan3A_962 : i32
      %scan3A_964 = arith.constant 1 : i32
      %scan3A_965 = scf.for %scan3A_2568 = %scan3A_961 to %scan3A_963 step %scan3A_964 iter_args(%scan3A_2569 = %scan3A_960) -> (i32)  : i32 {
        %mul3A_2570 = arith.constant 4 : i32
        %mul3A_2571 = arith.muli %scan3A_2568, %mul3A_2570 : i32
        %add3A_2572 = arith.constant 0 : i32
        %add3A_2573 = arith.addi %mul3A_2571, %add3A_2572 : i32
        %mul3A_2574 = arith.constant 16 : i32
        %mul3A_2575 = arith.muli %add3A_2573, %mul3A_2574 : i32
        %get3A_2576 = arith.index_cast %mul3A_2575 : i32 to index
        %get3A_2577 = tpu.vector_load %arg8[%get3A_2576] {strides = array<i32>} : memref<1024xi32, #tpu.memory_space<vmem>>, vector<16xi32>,
        %mul3A_2578 = arith.constant 16 : i32
        %mul3A_2579 = arith.muli %add3A_2573, %mul3A_2578 : i32
        %get3A_2580 = arith.index_cast %mul3A_2579 : i32 to index
        %get3A_2581 = tpu.vector_load %arg10[%get3A_2580] {strides = array<i32>} : memref<1024xi32, #tpu.memory_space<vmem>>, vector<16xi32>,
        %shift_right_arithmetic3A = arith.constant 8 : i32
        %shift_right_arithmetic3A_2582 = vector.broadcast %shift_right_arithmetic3A : i32 to vector<16xi32>
        %shift_right_arithmetic3A_2583 = arith.shrsi %get3A_2577, %shift_right_arithmetic3A_2582 : vector<16xi32>
        %and3A = arith.constant 15 : i32
        %and3A_2584 = vector.broadcast %and3A : i32 to vector<16xi32>
        %and3A_2585 = arith.andi %shift_right_arithmetic3A_2583, %and3A_2584 : vector<16xi32>
        %mul3A_2586 = arith.constant 16 : i32
        %mul3A_2587 = vector.broadcast %mul3A_2586 : i32 to vector<16xi32>
        %mul3A_2588 = arith.muli %and3A_2585, %mul3A_2587 : vector<16xi32>
        %add3A_2589 = arith.addi %mul3A_2588, %iota3A : vector<16xi32>
        %gather3A = tpu.vector_load_idx %arg12[%add3A_2589] : memref<256xi32, #tpu.memory_space<vmem>>[vector<16xi32>], vector<16xi32>,
        tpu.vector_store_idx %arg12[%add3A_2589], %broadcast_in_dim3A_0 {add = true} : memref<256xi32, #tpu.memory_space<vmem>>[vector<16xi32>], vector<16xi32>,
        %and3A_2590 = arith.constant 63 : i32
        %and3A_2591 = vector.broadcast %and3A_2590 : i32 to vector<16xi32>
        %and3A_2592 = arith.andi %gather3A, %and3A_2591 : vector<16xi32>
        %mul3A_2593 = arith.constant 16 : i32
        %mul3A_2594 = vector.broadcast %mul3A_2593 : i32 to vector<16xi32>
        %mul3A_2595 = arith.muli %and3A_2592, %mul3A_2594 : vector<16xi32>
        %shift_right_arithmetic3A_2596 = arith.constant 6 : i32
        %shift_right_arithmetic3A_2597 = vector.broadcast %shift_right_arithmetic3A_2596 : i32 to vector<16xi32>
        %shift_right_arithmetic3A_2598 = arith.shrsi %gather3A, %shift_right_arithmetic3A_2597 : vector<16xi32>
        %add3A_2599 = arith.addi %mul3A_2595, %shift_right_arithmetic3A_2598 : vector<16xi32>
        tpu.vector_store_idx %arg9[%add3A_2599], %get3A_2577 : memref<1024xi32, #tpu.memory_space<vmem>>[vector<16xi32>], vector<16xi32>,
        tpu.vector_store_idx %arg11[%add3A_2599], %get3A_2581 : memref<1024xi32, #tpu.memory_space<vmem>>[vector<16xi32>], vector<16xi32>,
        %mul3A_2600 = arith.constant 4 : i32
        %mul3A_2601 = arith.muli %scan3A_2568, %mul3A_2600 : i32
        %add3A_2602 = arith.constant 1 : i32
        %add3A_2603 = arith.addi %mul3A_2601, %add3A_2602 : i32
        %mul3A_2604 = arith.constant 16 : i32
        %mul3A_2605 = arith.muli %add3A_2603, %mul3A_2604 : i32
        %get3A_2606 = arith.index_cast %mul3A_2605 : i32 to index
        %get3A_2607 = tpu.vector_load %arg8[%get3A_2606] {strides = array<i32>} : memref<1024xi32, #tpu.memory_space<vmem>>, vector<16xi32>,
        %mul3A_2608 = arith.constant 16 : i32
        %mul3A_2609 = arith.muli %add3A_2603, %mul3A_2608 : i32
        %get3A_2610 = arith.index_cast %mul3A_2609 : i32 to index
        %get3A_2611 = tpu.vector_load %arg10[%get3A_2610] {strides = array<i32>} : memref<1024xi32, #tpu.memory_space<vmem>>, vector<16xi32>,
        %shift_right_arithmetic3A_2612 = arith.constant 8 : i32
        %shift_right_arithmetic3A_2613 = vector.broadcast %shift_right_arithmetic3A_2612 : i32 to vector<16xi32>
        %shift_right_arithmetic3A_2614 = arith.shrsi %get3A_2607, %shift_right_arithmetic3A_2613 : vector<16xi32>
        %and3A_2615 = arith.constant 15 : i32
        %and3A_2616 = vector.broadcast %and3A_2615 : i32 to vector<16xi32>
        %and3A_2617 = arith.andi %shift_right_arithmetic3A_2614, %and3A_2616 : vector<16xi32>
        %mul3A_2618 = arith.constant 16 : i32
        %mul3A_2619 = vector.broadcast %mul3A_2618 : i32 to vector<16xi32>
        %mul3A_2620 = arith.muli %and3A_2617, %mul3A_2619 : vector<16xi32>
        %add3A_2621 = arith.addi %mul3A_2620, %iota3A : vector<16xi32>
        %gather3A_2622 = tpu.vector_load_idx %arg12[%add3A_2621] : memref<256xi32, #tpu.memory_space<vmem>>[vector<16xi32>], vector<16xi32>,
        tpu.vector_store_idx %arg12[%add3A_2621], %broadcast_in_dim3A_0 {add = true} : memref<256xi32, #tpu.memory_space<vmem>>[vector<16xi32>], vector<16xi32>,
        %and3A_2623 = arith.constant 63 : i32
        %and3A_2624 = vector.broadcast %and3A_2623 : i32 to vector<16xi32>
        %and3A_2625 = arith.andi %gather3A_2622, %and3A_2624 : vector<16xi32>
        %mul3A_2626 = arith.constant 16 : i32
        %mul3A_2627 = vector.broadcast %mul3A_2626 : i32 to vector<16xi32>
        %mul3A_2628 = arith.muli %and3A_2625, %mul3A_2627 : vector<16xi32>
        %shift_right_arithmetic3A_2629 = arith.constant 6 : i32
        %shift_right_arithmetic3A_2630 = vector.broadcast %shift_right_arithmetic3A_2629 : i32 to vector<16xi32>
        %shift_right_arithmetic3A_2631 = arith.shrsi %gather3A_2622, %shift_right_arithmetic3A_2630 : vector<16xi32>
        %add3A_2632 = arith.addi %mul3A_2628, %shift_right_arithmetic3A_2631 : vector<16xi32>
        tpu.vector_store_idx %arg9[%add3A_2632], %get3A_2607 : memref<1024xi32, #tpu.memory_space<vmem>>[vector<16xi32>], vector<16xi32>,
        tpu.vector_store_idx %arg11[%add3A_2632], %get3A_2611 : memref<1024xi32, #tpu.memory_space<vmem>>[vector<16xi32>], vector<16xi32>,
        %mul3A_2633 = arith.constant 4 : i32
        %mul3A_2634 = arith.muli %scan3A_2568, %mul3A_2633 : i32
        %add3A_2635 = arith.constant 2 : i32
        %add3A_2636 = arith.addi %mul3A_2634, %add3A_2635 : i32
        %mul3A_2637 = arith.constant 16 : i32
        %mul3A_2638 = arith.muli %add3A_2636, %mul3A_2637 : i32
        %get3A_2639 = arith.index_cast %mul3A_2638 : i32 to index
        %get3A_2640 = tpu.vector_load %arg8[%get3A_2639] {strides = array<i32>} : memref<1024xi32, #tpu.memory_space<vmem>>, vector<16xi32>,
        %mul3A_2641 = arith.constant 16 : i32
        %mul3A_2642 = arith.muli %add3A_2636, %mul3A_2641 : i32
        %get3A_2643 = arith.index_cast %mul3A_2642 : i32 to index
        %get3A_2644 = tpu.vector_load %arg10[%get3A_2643] {strides = array<i32>} : memref<1024xi32, #tpu.memory_space<vmem>>, vector<16xi32>,
        %shift_right_arithmetic3A_2645 = arith.constant 8 : i32
        %shift_right_arithmetic3A_2646 = vector.broadcast %shift_right_arithmetic3A_2645 : i32 to vector<16xi32>
        %shift_right_arithmetic3A_2647 = arith.shrsi %get3A_2640, %shift_right_arithmetic3A_2646 : vector<16xi32>
        %and3A_2648 = arith.constant 15 : i32
        %and3A_2649 = vector.broadcast %and3A_2648 : i32 to vector<16xi32>
        %and3A_2650 = arith.andi %shift_right_arithmetic3A_2647, %and3A_2649 : vector<16xi32>
        %mul3A_2651 = arith.constant 16 : i32
        %mul3A_2652 = vector.broadcast %mul3A_2651 : i32 to vector<16xi32>
        %mul3A_2653 = arith.muli %and3A_2650, %mul3A_2652 : vector<16xi32>
        %add3A_2654 = arith.addi %mul3A_2653, %iota3A : vector<16xi32>
        %gather3A_2655 = tpu.vector_load_idx %arg12[%add3A_2654] : memref<256xi32, #tpu.memory_space<vmem>>[vector<16xi32>], vector<16xi32>,
        tpu.vector_store_idx %arg12[%add3A_2654], %broadcast_in_dim3A_0 {add = true} : memref<256xi32, #tpu.memory_space<vmem>>[vector<16xi32>], vector<16xi32>,
        %and3A_2656 = arith.constant 63 : i32
        %and3A_2657 = vector.broadcast %and3A_2656 : i32 to vector<16xi32>
        %and3A_2658 = arith.andi %gather3A_2655, %and3A_2657 : vector<16xi32>
        %mul3A_2659 = arith.constant 16 : i32
        %mul3A_2660 = vector.broadcast %mul3A_2659 : i32 to vector<16xi32>
        %mul3A_2661 = arith.muli %and3A_2658, %mul3A_2660 : vector<16xi32>
        %shift_right_arithmetic3A_2662 = arith.constant 6 : i32
        %shift_right_arithmetic3A_2663 = vector.broadcast %shift_right_arithmetic3A_2662 : i32 to vector<16xi32>
        %shift_right_arithmetic3A_2664 = arith.shrsi %gather3A_2655, %shift_right_arithmetic3A_2663 : vector<16xi32>
        %add3A_2665 = arith.addi %mul3A_2661, %shift_right_arithmetic3A_2664 : vector<16xi32>
        tpu.vector_store_idx %arg9[%add3A_2665], %get3A_2640 : memref<1024xi32, #tpu.memory_space<vmem>>[vector<16xi32>], vector<16xi32>,
        tpu.vector_store_idx %arg11[%add3A_2665], %get3A_2644 : memref<1024xi32, #tpu.memory_space<vmem>>[vector<16xi32>], vector<16xi32>,
        %mul3A_2666 = arith.constant 4 : i32
        %mul3A_2667 = arith.muli %scan3A_2568, %mul3A_2666 : i32
        %add3A_2668 = arith.constant 3 : i32
        %add3A_2669 = arith.addi %mul3A_2667, %add3A_2668 : i32
        %mul3A_2670 = arith.constant 16 : i32
        %mul3A_2671 = arith.muli %add3A_2669, %mul3A_2670 : i32
        %get3A_2672 = arith.index_cast %mul3A_2671 : i32 to index
        %get3A_2673 = tpu.vector_load %arg8[%get3A_2672] {strides = array<i32>} : memref<1024xi32, #tpu.memory_space<vmem>>, vector<16xi32>,
        %mul3A_2674 = arith.constant 16 : i32
        %mul3A_2675 = arith.muli %add3A_2669, %mul3A_2674 : i32
        %get3A_2676 = arith.index_cast %mul3A_2675 : i32 to index
        %get3A_2677 = tpu.vector_load %arg10[%get3A_2676] {strides = array<i32>} : memref<1024xi32, #tpu.memory_space<vmem>>, vector<16xi32>,
        %shift_right_arithmetic3A_2678 = arith.constant 8 : i32
        %shift_right_arithmetic3A_2679 = vector.broadcast %shift_right_arithmetic3A_2678 : i32 to vector<16xi32>
        %shift_right_arithmetic3A_2680 = arith.shrsi %get3A_2673, %shift_right_arithmetic3A_2679 : vector<16xi32>
        %and3A_2681 = arith.constant 15 : i32
        %and3A_2682 = vector.broadcast %and3A_2681 : i32 to vector<16xi32>
        %and3A_2683 = arith.andi %shift_right_arithmetic3A_2680, %and3A_2682 : vector<16xi32>
        %mul3A_2684 = arith.constant 16 : i32
        %mul3A_2685 = vector.broadcast %mul3A_2684 : i32 to vector<16xi32>
        %mul3A_2686 = arith.muli %and3A_2683, %mul3A_2685 : vector<16xi32>
        %add3A_2687 = arith.addi %mul3A_2686, %iota3A : vector<16xi32>
        %gather3A_2688 = tpu.vector_load_idx %arg12[%add3A_2687] : memref<256xi32, #tpu.memory_space<vmem>>[vector<16xi32>], vector<16xi32>,
        tpu.vector_store_idx %arg12[%add3A_2687], %broadcast_in_dim3A_0 {add = true} : memref<256xi32, #tpu.memory_space<vmem>>[vector<16xi32>], vector<16xi32>,
        %and3A_2689 = arith.constant 63 : i32
        %and3A_2690 = vector.broadcast %and3A_2689 : i32 to vector<16xi32>
        %and3A_2691 = arith.andi %gather3A_2688, %and3A_2690 : vector<16xi32>
        %mul3A_2692 = arith.constant 16 : i32
        %mul3A_2693 = vector.broadcast %mul3A_2692 : i32 to vector<16xi32>
        %mul3A_2694 = arith.muli %and3A_2691, %mul3A_2693 : vector<16xi32>
        %shift_right_arithmetic3A_2695 = arith.constant 6 : i32
        %shift_right_arithmetic3A_2696 = vector.broadcast %shift_right_arithmetic3A_2695 : i32 to vector<16xi32>
        %shift_right_arithmetic3A_2697 = arith.shrsi %gather3A_2688, %shift_right_arithmetic3A_2696 : vector<16xi32>
        %add3A_2698 = arith.addi %mul3A_2694, %shift_right_arithmetic3A_2697 : vector<16xi32>
        tpu.vector_store_idx %arg9[%add3A_2698], %get3A_2673 : memref<1024xi32, #tpu.memory_space<vmem>>[vector<16xi32>], vector<16xi32>,
        tpu.vector_store_idx %arg11[%add3A_2698], %get3A_2677 : memref<1024xi32, #tpu.memory_space<vmem>>[vector<16xi32>], vector<16xi32>,
        %scan3A_2699 = arith.constant 0 : i32
        scf.yield %scan3A_2699 : i32
      }
      %scan3A_966 = arith.constant 16 : i32
      %broadcast_in_dim3A_967 = arith.constant 0 : i32
      %broadcast_in_dim3A_968 = vector.broadcast %broadcast_in_dim3A_967 : i32 to vector<16xi32>
      %swap3A_969 = arith.constant 0 : index
      %swap3A_970 = tpu.vector_load %arg12[%swap3A_969] {strides = array<i32>} : memref<256xi32, #tpu.memory_space<vmem>>, vector<16xi32>,
      tpu.vector_store %arg12[%swap3A_969], %broadcast_in_dim3A_968 {strides = array<i32>} : memref<256xi32, #tpu.memory_space<vmem>>, vector<16xi32>,
      %broadcast_in_dim3A_971 = arith.constant 0 : i32
      %broadcast_in_dim3A_972 = vector.broadcast %broadcast_in_dim3A_971 : i32 to vector<16xi32>
      %swap3A_973 = arith.constant 16 : index
      %swap3A_974 = tpu.vector_load %arg12[%swap3A_973] {strides = array<i32>} : memref<256xi32, #tpu.memory_space<vmem>>, vector<16xi32>,
      tpu.vector_store %arg12[%swap3A_973], %broadcast_in_dim3A_972 {strides = array<i32>} : memref<256xi32, #tpu.memory_space<vmem>>, vector<16xi32>,
      %broadcast_in_dim3A_975 = arith.constant 0 : i32
      %broadcast_in_dim3A_976 = vector.broadcast %broadcast_in_dim3A_975 : i32 to vector<16xi32>
      %swap3A_977 = arith.constant 32 : index
      %swap3A_978 = tpu.vector_load %arg12[%swap3A_977] {strides = array<i32>} : memref<256xi32, #tpu.memory_space<vmem>>, vector<16xi32>,
      tpu.vector_store %arg12[%swap3A_977], %broadcast_in_dim3A_976 {strides = array<i32>} : memref<256xi32, #tpu.memory_space<vmem>>, vector<16xi32>,
      %broadcast_in_dim3A_979 = arith.constant 0 : i32
      %broadcast_in_dim3A_980 = vector.broadcast %broadcast_in_dim3A_979 : i32 to vector<16xi32>
      %swap3A_981 = arith.constant 48 : index
      %swap3A_982 = tpu.vector_load %arg12[%swap3A_981] {strides = array<i32>} : memref<256xi32, #tpu.memory_space<vmem>>, vector<16xi32>,
      tpu.vector_store %arg12[%swap3A_981], %broadcast_in_dim3A_980 {strides = array<i32>} : memref<256xi32, #tpu.memory_space<vmem>>, vector<16xi32>,
      %broadcast_in_dim3A_983 = arith.constant 0 : i32
      %broadcast_in_dim3A_984 = vector.broadcast %broadcast_in_dim3A_983 : i32 to vector<16xi32>
      %swap3A_985 = arith.constant 64 : index
      %swap3A_986 = tpu.vector_load %arg12[%swap3A_985] {strides = array<i32>} : memref<256xi32, #tpu.memory_space<vmem>>, vector<16xi32>,
      tpu.vector_store %arg12[%swap3A_985], %broadcast_in_dim3A_984 {strides = array<i32>} : memref<256xi32, #tpu.memory_space<vmem>>, vector<16xi32>,
      %broadcast_in_dim3A_987 = arith.constant 0 : i32
      %broadcast_in_dim3A_988 = vector.broadcast %broadcast_in_dim3A_987 : i32 to vector<16xi32>
      %swap3A_989 = arith.constant 80 : index
      %swap3A_990 = tpu.vector_load %arg12[%swap3A_989] {strides = array<i32>} : memref<256xi32, #tpu.memory_space<vmem>>, vector<16xi32>,
      tpu.vector_store %arg12[%swap3A_989], %broadcast_in_dim3A_988 {strides = array<i32>} : memref<256xi32, #tpu.memory_space<vmem>>, vector<16xi32>,
      %broadcast_in_dim3A_991 = arith.constant 0 : i32
      %broadcast_in_dim3A_992 = vector.broadcast %broadcast_in_dim3A_991 : i32 to vector<16xi32>
      %swap3A_993 = arith.constant 96 : index
      %swap3A_994 = tpu.vector_load %arg12[%swap3A_993] {strides = array<i32>} : memref<256xi32, #tpu.memory_space<vmem>>, vector<16xi32>,
      tpu.vector_store %arg12[%swap3A_993], %broadcast_in_dim3A_992 {strides = array<i32>} : memref<256xi32, #tpu.memory_space<vmem>>, vector<16xi32>,
      %broadcast_in_dim3A_995 = arith.constant 0 : i32
      %broadcast_in_dim3A_996 = vector.broadcast %broadcast_in_dim3A_995 : i32 to vector<16xi32>
      %swap3A_997 = arith.constant 112 : index
      %swap3A_998 = tpu.vector_load %arg12[%swap3A_997] {strides = array<i32>} : memref<256xi32, #tpu.memory_space<vmem>>, vector<16xi32>,
      tpu.vector_store %arg12[%swap3A_997], %broadcast_in_dim3A_996 {strides = array<i32>} : memref<256xi32, #tpu.memory_space<vmem>>, vector<16xi32>,
      %broadcast_in_dim3A_999 = arith.constant 0 : i32
      %broadcast_in_dim3A_1000 = vector.broadcast %broadcast_in_dim3A_999 : i32 to vector<16xi32>
      %swap3A_1001 = arith.constant 128 : index
      %swap3A_1002 = tpu.vector_load %arg12[%swap3A_1001] {strides = array<i32>} : memref<256xi32, #tpu.memory_space<vmem>>, vector<16xi32>,
      tpu.vector_store %arg12[%swap3A_1001], %broadcast_in_dim3A_1000 {strides = array<i32>} : memref<256xi32, #tpu.memory_space<vmem>>, vector<16xi32>,
      %broadcast_in_dim3A_1003 = arith.constant 0 : i32
      %broadcast_in_dim3A_1004 = vector.broadcast %broadcast_in_dim3A_1003 : i32 to vector<16xi32>
      %swap3A_1005 = arith.constant 144 : index
      %swap3A_1006 = tpu.vector_load %arg12[%swap3A_1005] {strides = array<i32>} : memref<256xi32, #tpu.memory_space<vmem>>, vector<16xi32>,
      tpu.vector_store %arg12[%swap3A_1005], %broadcast_in_dim3A_1004 {strides = array<i32>} : memref<256xi32, #tpu.memory_space<vmem>>, vector<16xi32>,
      %broadcast_in_dim3A_1007 = arith.constant 0 : i32
      %broadcast_in_dim3A_1008 = vector.broadcast %broadcast_in_dim3A_1007 : i32 to vector<16xi32>
      %swap3A_1009 = arith.constant 160 : index
      %swap3A_1010 = tpu.vector_load %arg12[%swap3A_1009] {strides = array<i32>} : memref<256xi32, #tpu.memory_space<vmem>>, vector<16xi32>,
      tpu.vector_store %arg12[%swap3A_1009], %broadcast_in_dim3A_1008 {strides = array<i32>} : memref<256xi32, #tpu.memory_space<vmem>>, vector<16xi32>,
      %broadcast_in_dim3A_1011 = arith.constant 0 : i32
      %broadcast_in_dim3A_1012 = vector.broadcast %broadcast_in_dim3A_1011 : i32 to vector<16xi32>
      %swap3A_1013 = arith.constant 176 : index
      %swap3A_1014 = tpu.vector_load %arg12[%swap3A_1013] {strides = array<i32>} : memref<256xi32, #tpu.memory_space<vmem>>, vector<16xi32>,
      tpu.vector_store %arg12[%swap3A_1013], %broadcast_in_dim3A_1012 {strides = array<i32>} : memref<256xi32, #tpu.memory_space<vmem>>, vector<16xi32>,
      %broadcast_in_dim3A_1015 = arith.constant 0 : i32
      %broadcast_in_dim3A_1016 = vector.broadcast %broadcast_in_dim3A_1015 : i32 to vector<16xi32>
      %swap3A_1017 = arith.constant 192 : index
      %swap3A_1018 = tpu.vector_load %arg12[%swap3A_1017] {strides = array<i32>} : memref<256xi32, #tpu.memory_space<vmem>>, vector<16xi32>,
      tpu.vector_store %arg12[%swap3A_1017], %broadcast_in_dim3A_1016 {strides = array<i32>} : memref<256xi32, #tpu.memory_space<vmem>>, vector<16xi32>,
      %broadcast_in_dim3A_1019 = arith.constant 0 : i32
      %broadcast_in_dim3A_1020 = vector.broadcast %broadcast_in_dim3A_1019 : i32 to vector<16xi32>
      %swap3A_1021 = arith.constant 208 : index
      %swap3A_1022 = tpu.vector_load %arg12[%swap3A_1021] {strides = array<i32>} : memref<256xi32, #tpu.memory_space<vmem>>, vector<16xi32>,
      tpu.vector_store %arg12[%swap3A_1021], %broadcast_in_dim3A_1020 {strides = array<i32>} : memref<256xi32, #tpu.memory_space<vmem>>, vector<16xi32>,
      %broadcast_in_dim3A_1023 = arith.constant 0 : i32
      %broadcast_in_dim3A_1024 = vector.broadcast %broadcast_in_dim3A_1023 : i32 to vector<16xi32>
      %swap3A_1025 = arith.constant 224 : index
      %swap3A_1026 = tpu.vector_load %arg12[%swap3A_1025] {strides = array<i32>} : memref<256xi32, #tpu.memory_space<vmem>>, vector<16xi32>,
      tpu.vector_store %arg12[%swap3A_1025], %broadcast_in_dim3A_1024 {strides = array<i32>} : memref<256xi32, #tpu.memory_space<vmem>>, vector<16xi32>,
      %broadcast_in_dim3A_1027 = arith.constant 0 : i32
      %broadcast_in_dim3A_1028 = vector.broadcast %broadcast_in_dim3A_1027 : i32 to vector<16xi32>
      %swap3A_1029 = arith.constant 240 : index
      %swap3A_1030 = tpu.vector_load %arg12[%swap3A_1029] {strides = array<i32>} : memref<256xi32, #tpu.memory_space<vmem>>, vector<16xi32>,
      tpu.vector_store %arg12[%swap3A_1029], %broadcast_in_dim3A_1028 {strides = array<i32>} : memref<256xi32, #tpu.memory_space<vmem>>, vector<16xi32>,
      %scan3A_1031 = arith.constant 0 : i32
      %scan3A_1032 = arith.constant 0 : i32
      %scan3A_1033 = arith.constant 16 : i32
      %scan3A_1034 = arith.addi %scan3A_1032, %scan3A_1033 : i32
      %scan3A_1035 = arith.constant 1 : i32
      %scan3A_1036 = scf.for %scan3A_2568 = %scan3A_1032 to %scan3A_1034 step %scan3A_1035 iter_args(%scan3A_2569 = %scan3A_1031) -> (i32)  : i32 {
        %mul3A_2570 = arith.constant 4 : i32
        %mul3A_2571 = arith.muli %scan3A_2568, %mul3A_2570 : i32
        %add3A_2572 = arith.constant 0 : i32
        %add3A_2573 = arith.addi %mul3A_2571, %add3A_2572 : i32
        %mul3A_2574 = arith.constant 16 : i32
        %mul3A_2575 = arith.muli %add3A_2573, %mul3A_2574 : i32
        %get3A_2576 = arith.index_cast %mul3A_2575 : i32 to index
        %get3A_2577 = tpu.vector_load %arg9[%get3A_2576] {strides = array<i32>} : memref<1024xi32, #tpu.memory_space<vmem>>, vector<16xi32>,
        %shift_right_arithmetic3A = arith.constant 12 : i32
        %shift_right_arithmetic3A_2578 = vector.broadcast %shift_right_arithmetic3A : i32 to vector<16xi32>
        %shift_right_arithmetic3A_2579 = arith.shrsi %get3A_2577, %shift_right_arithmetic3A_2578 : vector<16xi32>
        %and3A = arith.constant 15 : i32
        %and3A_2580 = vector.broadcast %and3A : i32 to vector<16xi32>
        %and3A_2581 = arith.andi %shift_right_arithmetic3A_2579, %and3A_2580 : vector<16xi32>
        %mul3A_2582 = arith.constant 16 : i32
        %mul3A_2583 = vector.broadcast %mul3A_2582 : i32 to vector<16xi32>
        %mul3A_2584 = arith.muli %and3A_2581, %mul3A_2583 : vector<16xi32>
        %add3A_2585 = arith.addi %mul3A_2584, %iota3A : vector<16xi32>
        tpu.vector_store_idx %arg12[%add3A_2585], %broadcast_in_dim3A_0 {add = true} : memref<256xi32, #tpu.memory_space<vmem>>[vector<16xi32>], vector<16xi32>,
        %mul3A_2586 = arith.constant 4 : i32
        %mul3A_2587 = arith.muli %scan3A_2568, %mul3A_2586 : i32
        %add3A_2588 = arith.constant 1 : i32
        %add3A_2589 = arith.addi %mul3A_2587, %add3A_2588 : i32
        %mul3A_2590 = arith.constant 16 : i32
        %mul3A_2591 = arith.muli %add3A_2589, %mul3A_2590 : i32
        %get3A_2592 = arith.index_cast %mul3A_2591 : i32 to index
        %get3A_2593 = tpu.vector_load %arg9[%get3A_2592] {strides = array<i32>} : memref<1024xi32, #tpu.memory_space<vmem>>, vector<16xi32>,
        %shift_right_arithmetic3A_2594 = arith.constant 12 : i32
        %shift_right_arithmetic3A_2595 = vector.broadcast %shift_right_arithmetic3A_2594 : i32 to vector<16xi32>
        %shift_right_arithmetic3A_2596 = arith.shrsi %get3A_2593, %shift_right_arithmetic3A_2595 : vector<16xi32>
        %and3A_2597 = arith.constant 15 : i32
        %and3A_2598 = vector.broadcast %and3A_2597 : i32 to vector<16xi32>
        %and3A_2599 = arith.andi %shift_right_arithmetic3A_2596, %and3A_2598 : vector<16xi32>
        %mul3A_2600 = arith.constant 16 : i32
        %mul3A_2601 = vector.broadcast %mul3A_2600 : i32 to vector<16xi32>
        %mul3A_2602 = arith.muli %and3A_2599, %mul3A_2601 : vector<16xi32>
        %add3A_2603 = arith.addi %mul3A_2602, %iota3A : vector<16xi32>
        tpu.vector_store_idx %arg12[%add3A_2603], %broadcast_in_dim3A_0 {add = true} : memref<256xi32, #tpu.memory_space<vmem>>[vector<16xi32>], vector<16xi32>,
        %mul3A_2604 = arith.constant 4 : i32
        %mul3A_2605 = arith.muli %scan3A_2568, %mul3A_2604 : i32
        %add3A_2606 = arith.constant 2 : i32
        %add3A_2607 = arith.addi %mul3A_2605, %add3A_2606 : i32
        %mul3A_2608 = arith.constant 16 : i32
        %mul3A_2609 = arith.muli %add3A_2607, %mul3A_2608 : i32
        %get3A_2610 = arith.index_cast %mul3A_2609 : i32 to index
        %get3A_2611 = tpu.vector_load %arg9[%get3A_2610] {strides = array<i32>} : memref<1024xi32, #tpu.memory_space<vmem>>, vector<16xi32>,
        %shift_right_arithmetic3A_2612 = arith.constant 12 : i32
        %shift_right_arithmetic3A_2613 = vector.broadcast %shift_right_arithmetic3A_2612 : i32 to vector<16xi32>
        %shift_right_arithmetic3A_2614 = arith.shrsi %get3A_2611, %shift_right_arithmetic3A_2613 : vector<16xi32>
        %and3A_2615 = arith.constant 15 : i32
        %and3A_2616 = vector.broadcast %and3A_2615 : i32 to vector<16xi32>
        %and3A_2617 = arith.andi %shift_right_arithmetic3A_2614, %and3A_2616 : vector<16xi32>
        %mul3A_2618 = arith.constant 16 : i32
        %mul3A_2619 = vector.broadcast %mul3A_2618 : i32 to vector<16xi32>
        %mul3A_2620 = arith.muli %and3A_2617, %mul3A_2619 : vector<16xi32>
        %add3A_2621 = arith.addi %mul3A_2620, %iota3A : vector<16xi32>
        tpu.vector_store_idx %arg12[%add3A_2621], %broadcast_in_dim3A_0 {add = true} : memref<256xi32, #tpu.memory_space<vmem>>[vector<16xi32>], vector<16xi32>,
        %mul3A_2622 = arith.constant 4 : i32
        %mul3A_2623 = arith.muli %scan3A_2568, %mul3A_2622 : i32
        %add3A_2624 = arith.constant 3 : i32
        %add3A_2625 = arith.addi %mul3A_2623, %add3A_2624 : i32
        %mul3A_2626 = arith.constant 16 : i32
        %mul3A_2627 = arith.muli %add3A_2625, %mul3A_2626 : i32
        %get3A_2628 = arith.index_cast %mul3A_2627 : i32 to index
        %get3A_2629 = tpu.vector_load %arg9[%get3A_2628] {strides = array<i32>} : memref<1024xi32, #tpu.memory_space<vmem>>, vector<16xi32>,
        %shift_right_arithmetic3A_2630 = arith.constant 12 : i32
        %shift_right_arithmetic3A_2631 = vector.broadcast %shift_right_arithmetic3A_2630 : i32 to vector<16xi32>
        %shift_right_arithmetic3A_2632 = arith.shrsi %get3A_2629, %shift_right_arithmetic3A_2631 : vector<16xi32>
        %and3A_2633 = arith.constant 15 : i32
        %and3A_2634 = vector.broadcast %and3A_2633 : i32 to vector<16xi32>
        %and3A_2635 = arith.andi %shift_right_arithmetic3A_2632, %and3A_2634 : vector<16xi32>
        %mul3A_2636 = arith.constant 16 : i32
        %mul3A_2637 = vector.broadcast %mul3A_2636 : i32 to vector<16xi32>
        %mul3A_2638 = arith.muli %and3A_2635, %mul3A_2637 : vector<16xi32>
        %add3A_2639 = arith.addi %mul3A_2638, %iota3A : vector<16xi32>
        tpu.vector_store_idx %arg12[%add3A_2639], %broadcast_in_dim3A_0 {add = true} : memref<256xi32, #tpu.memory_space<vmem>>[vector<16xi32>], vector<16xi32>,
        %scan3A_2640 = arith.constant 0 : i32
        scf.yield %scan3A_2640 : i32
      }
      %scan3A_1037 = arith.constant 16 : i32
      %get3A_1038 = arith.constant 0 : index
      %get3A_1039 = tpu.vector_load %arg12[%get3A_1038] {strides = array<i32>} : memref<256xi32, #tpu.memory_space<vmem>>, vector<16xi32>,
      %cumsum3A_1040 = arith.constant true
      %cumsum3A_1041 = vector.broadcast %cumsum3A_1040 : i1 to vector<16xi1>
      %cumsum3A_1042 = tpu.scan <sum>, %get3A_1039 masked %cumsum3A_1041 : vector<16xi32>, vector<16xi1> -> vector<16xi32>
      %sub3A_1043 = arith.subi %cumsum3A_1042, %get3A_1039 : vector<16xi32>
      %add3A_1044 = arith.constant 0 : i32
      %add3A_1045 = vector.broadcast %add3A_1044 : i32 to vector<16xi32>
      %add3A_1046 = arith.addi %sub3A_1043, %add3A_1045 : vector<16xi32>
      %swap3A_1047 = arith.constant 0 : index
      %swap3A_1048 = tpu.vector_load %arg12[%swap3A_1047] {strides = array<i32>} : memref<256xi32, #tpu.memory_space<vmem>>, vector<16xi32>,
      tpu.vector_store %arg12[%swap3A_1047], %add3A_1046 {strides = array<i32>} : memref<256xi32, #tpu.memory_space<vmem>>, vector<16xi32>,
      %reduce_sum3A_1049 = arith.constant true
      %reduce_sum3A_1050 = vector.broadcast %reduce_sum3A_1049 : i1 to vector<16xi1>
      %reduce_sum3A_1051 = tpu.scan <sum>, %get3A_1039 masked %reduce_sum3A_1050 : vector<16xi32>, vector<16xi1> -> vector<16xi32>
      %reduce_sum3A_1052 = vector.extract %reduce_sum3A_1051[15] : i32 from vector<16xi32>
      %add3A_1053 = arith.constant 0 : i32
      %add3A_1054 = arith.addi %add3A_1053, %reduce_sum3A_1052 : i32
      %get3A_1055 = arith.constant 16 : index
      %get3A_1056 = tpu.vector_load %arg12[%get3A_1055] {strides = array<i32>} : memref<256xi32, #tpu.memory_space<vmem>>, vector<16xi32>,
      %cumsum3A_1057 = arith.constant true
      %cumsum3A_1058 = vector.broadcast %cumsum3A_1057 : i1 to vector<16xi1>
      %cumsum3A_1059 = tpu.scan <sum>, %get3A_1056 masked %cumsum3A_1058 : vector<16xi32>, vector<16xi1> -> vector<16xi32>
      %sub3A_1060 = arith.subi %cumsum3A_1059, %get3A_1056 : vector<16xi32>
      %add3A_1061 = vector.broadcast %add3A_1054 : i32 to vector<16xi32>
      %add3A_1062 = arith.addi %sub3A_1060, %add3A_1061 : vector<16xi32>
      %swap3A_1063 = arith.constant 16 : index
      %swap3A_1064 = tpu.vector_load %arg12[%swap3A_1063] {strides = array<i32>} : memref<256xi32, #tpu.memory_space<vmem>>, vector<16xi32>,
      tpu.vector_store %arg12[%swap3A_1063], %add3A_1062 {strides = array<i32>} : memref<256xi32, #tpu.memory_space<vmem>>, vector<16xi32>,
      %reduce_sum3A_1065 = arith.constant true
      %reduce_sum3A_1066 = vector.broadcast %reduce_sum3A_1065 : i1 to vector<16xi1>
      %reduce_sum3A_1067 = tpu.scan <sum>, %get3A_1056 masked %reduce_sum3A_1066 : vector<16xi32>, vector<16xi1> -> vector<16xi32>
      %reduce_sum3A_1068 = vector.extract %reduce_sum3A_1067[15] : i32 from vector<16xi32>
      %add3A_1069 = arith.addi %add3A_1054, %reduce_sum3A_1068 : i32
      %get3A_1070 = arith.constant 32 : index
      %get3A_1071 = tpu.vector_load %arg12[%get3A_1070] {strides = array<i32>} : memref<256xi32, #tpu.memory_space<vmem>>, vector<16xi32>,
      %cumsum3A_1072 = arith.constant true
      %cumsum3A_1073 = vector.broadcast %cumsum3A_1072 : i1 to vector<16xi1>
      %cumsum3A_1074 = tpu.scan <sum>, %get3A_1071 masked %cumsum3A_1073 : vector<16xi32>, vector<16xi1> -> vector<16xi32>
      %sub3A_1075 = arith.subi %cumsum3A_1074, %get3A_1071 : vector<16xi32>
      %add3A_1076 = vector.broadcast %add3A_1069 : i32 to vector<16xi32>
      %add3A_1077 = arith.addi %sub3A_1075, %add3A_1076 : vector<16xi32>
      %swap3A_1078 = arith.constant 32 : index
      %swap3A_1079 = tpu.vector_load %arg12[%swap3A_1078] {strides = array<i32>} : memref<256xi32, #tpu.memory_space<vmem>>, vector<16xi32>,
      tpu.vector_store %arg12[%swap3A_1078], %add3A_1077 {strides = array<i32>} : memref<256xi32, #tpu.memory_space<vmem>>, vector<16xi32>,
      %reduce_sum3A_1080 = arith.constant true
      %reduce_sum3A_1081 = vector.broadcast %reduce_sum3A_1080 : i1 to vector<16xi1>
      %reduce_sum3A_1082 = tpu.scan <sum>, %get3A_1071 masked %reduce_sum3A_1081 : vector<16xi32>, vector<16xi1> -> vector<16xi32>
      %reduce_sum3A_1083 = vector.extract %reduce_sum3A_1082[15] : i32 from vector<16xi32>
      %add3A_1084 = arith.addi %add3A_1069, %reduce_sum3A_1083 : i32
      %get3A_1085 = arith.constant 48 : index
      %get3A_1086 = tpu.vector_load %arg12[%get3A_1085] {strides = array<i32>} : memref<256xi32, #tpu.memory_space<vmem>>, vector<16xi32>,
      %cumsum3A_1087 = arith.constant true
      %cumsum3A_1088 = vector.broadcast %cumsum3A_1087 : i1 to vector<16xi1>
      %cumsum3A_1089 = tpu.scan <sum>, %get3A_1086 masked %cumsum3A_1088 : vector<16xi32>, vector<16xi1> -> vector<16xi32>
      %sub3A_1090 = arith.subi %cumsum3A_1089, %get3A_1086 : vector<16xi32>
      %add3A_1091 = vector.broadcast %add3A_1084 : i32 to vector<16xi32>
      %add3A_1092 = arith.addi %sub3A_1090, %add3A_1091 : vector<16xi32>
      %swap3A_1093 = arith.constant 48 : index
      %swap3A_1094 = tpu.vector_load %arg12[%swap3A_1093] {strides = array<i32>} : memref<256xi32, #tpu.memory_space<vmem>>, vector<16xi32>,
      tpu.vector_store %arg12[%swap3A_1093], %add3A_1092 {strides = array<i32>} : memref<256xi32, #tpu.memory_space<vmem>>, vector<16xi32>,
      %reduce_sum3A_1095 = arith.constant true
      %reduce_sum3A_1096 = vector.broadcast %reduce_sum3A_1095 : i1 to vector<16xi1>
      %reduce_sum3A_1097 = tpu.scan <sum>, %get3A_1086 masked %reduce_sum3A_1096 : vector<16xi32>, vector<16xi1> -> vector<16xi32>
      %reduce_sum3A_1098 = vector.extract %reduce_sum3A_1097[15] : i32 from vector<16xi32>
      %add3A_1099 = arith.addi %add3A_1084, %reduce_sum3A_1098 : i32
      %get3A_1100 = arith.constant 64 : index
      %get3A_1101 = tpu.vector_load %arg12[%get3A_1100] {strides = array<i32>} : memref<256xi32, #tpu.memory_space<vmem>>, vector<16xi32>,
      %cumsum3A_1102 = arith.constant true
      %cumsum3A_1103 = vector.broadcast %cumsum3A_1102 : i1 to vector<16xi1>
      %cumsum3A_1104 = tpu.scan <sum>, %get3A_1101 masked %cumsum3A_1103 : vector<16xi32>, vector<16xi1> -> vector<16xi32>
      %sub3A_1105 = arith.subi %cumsum3A_1104, %get3A_1101 : vector<16xi32>
      %add3A_1106 = vector.broadcast %add3A_1099 : i32 to vector<16xi32>
      %add3A_1107 = arith.addi %sub3A_1105, %add3A_1106 : vector<16xi32>
      %swap3A_1108 = arith.constant 64 : index
      %swap3A_1109 = tpu.vector_load %arg12[%swap3A_1108] {strides = array<i32>} : memref<256xi32, #tpu.memory_space<vmem>>, vector<16xi32>,
      tpu.vector_store %arg12[%swap3A_1108], %add3A_1107 {strides = array<i32>} : memref<256xi32, #tpu.memory_space<vmem>>, vector<16xi32>,
      %reduce_sum3A_1110 = arith.constant true
      %reduce_sum3A_1111 = vector.broadcast %reduce_sum3A_1110 : i1 to vector<16xi1>
      %reduce_sum3A_1112 = tpu.scan <sum>, %get3A_1101 masked %reduce_sum3A_1111 : vector<16xi32>, vector<16xi1> -> vector<16xi32>
      %reduce_sum3A_1113 = vector.extract %reduce_sum3A_1112[15] : i32 from vector<16xi32>
      %add3A_1114 = arith.addi %add3A_1099, %reduce_sum3A_1113 : i32
      %get3A_1115 = arith.constant 80 : index
      %get3A_1116 = tpu.vector_load %arg12[%get3A_1115] {strides = array<i32>} : memref<256xi32, #tpu.memory_space<vmem>>, vector<16xi32>,
      %cumsum3A_1117 = arith.constant true
      %cumsum3A_1118 = vector.broadcast %cumsum3A_1117 : i1 to vector<16xi1>
      %cumsum3A_1119 = tpu.scan <sum>, %get3A_1116 masked %cumsum3A_1118 : vector<16xi32>, vector<16xi1> -> vector<16xi32>
      %sub3A_1120 = arith.subi %cumsum3A_1119, %get3A_1116 : vector<16xi32>
      %add3A_1121 = vector.broadcast %add3A_1114 : i32 to vector<16xi32>
      %add3A_1122 = arith.addi %sub3A_1120, %add3A_1121 : vector<16xi32>
      %swap3A_1123 = arith.constant 80 : index
      %swap3A_1124 = tpu.vector_load %arg12[%swap3A_1123] {strides = array<i32>} : memref<256xi32, #tpu.memory_space<vmem>>, vector<16xi32>,
      tpu.vector_store %arg12[%swap3A_1123], %add3A_1122 {strides = array<i32>} : memref<256xi32, #tpu.memory_space<vmem>>, vector<16xi32>,
      %reduce_sum3A_1125 = arith.constant true
      %reduce_sum3A_1126 = vector.broadcast %reduce_sum3A_1125 : i1 to vector<16xi1>
      %reduce_sum3A_1127 = tpu.scan <sum>, %get3A_1116 masked %reduce_sum3A_1126 : vector<16xi32>, vector<16xi1> -> vector<16xi32>
      %reduce_sum3A_1128 = vector.extract %reduce_sum3A_1127[15] : i32 from vector<16xi32>
      %add3A_1129 = arith.addi %add3A_1114, %reduce_sum3A_1128 : i32
      %get3A_1130 = arith.constant 96 : index
      %get3A_1131 = tpu.vector_load %arg12[%get3A_1130] {strides = array<i32>} : memref<256xi32, #tpu.memory_space<vmem>>, vector<16xi32>,
      %cumsum3A_1132 = arith.constant true
      %cumsum3A_1133 = vector.broadcast %cumsum3A_1132 : i1 to vector<16xi1>
      %cumsum3A_1134 = tpu.scan <sum>, %get3A_1131 masked %cumsum3A_1133 : vector<16xi32>, vector<16xi1> -> vector<16xi32>
      %sub3A_1135 = arith.subi %cumsum3A_1134, %get3A_1131 : vector<16xi32>
      %add3A_1136 = vector.broadcast %add3A_1129 : i32 to vector<16xi32>
      %add3A_1137 = arith.addi %sub3A_1135, %add3A_1136 : vector<16xi32>
      %swap3A_1138 = arith.constant 96 : index
      %swap3A_1139 = tpu.vector_load %arg12[%swap3A_1138] {strides = array<i32>} : memref<256xi32, #tpu.memory_space<vmem>>, vector<16xi32>,
      tpu.vector_store %arg12[%swap3A_1138], %add3A_1137 {strides = array<i32>} : memref<256xi32, #tpu.memory_space<vmem>>, vector<16xi32>,
      %reduce_sum3A_1140 = arith.constant true
      %reduce_sum3A_1141 = vector.broadcast %reduce_sum3A_1140 : i1 to vector<16xi1>
      %reduce_sum3A_1142 = tpu.scan <sum>, %get3A_1131 masked %reduce_sum3A_1141 : vector<16xi32>, vector<16xi1> -> vector<16xi32>
      %reduce_sum3A_1143 = vector.extract %reduce_sum3A_1142[15] : i32 from vector<16xi32>
      %add3A_1144 = arith.addi %add3A_1129, %reduce_sum3A_1143 : i32
      %get3A_1145 = arith.constant 112 : index
      %get3A_1146 = tpu.vector_load %arg12[%get3A_1145] {strides = array<i32>} : memref<256xi32, #tpu.memory_space<vmem>>, vector<16xi32>,
      %cumsum3A_1147 = arith.constant true
      %cumsum3A_1148 = vector.broadcast %cumsum3A_1147 : i1 to vector<16xi1>
      %cumsum3A_1149 = tpu.scan <sum>, %get3A_1146 masked %cumsum3A_1148 : vector<16xi32>, vector<16xi1> -> vector<16xi32>
      %sub3A_1150 = arith.subi %cumsum3A_1149, %get3A_1146 : vector<16xi32>
      %add3A_1151 = vector.broadcast %add3A_1144 : i32 to vector<16xi32>
      %add3A_1152 = arith.addi %sub3A_1150, %add3A_1151 : vector<16xi32>
      %swap3A_1153 = arith.constant 112 : index
      %swap3A_1154 = tpu.vector_load %arg12[%swap3A_1153] {strides = array<i32>} : memref<256xi32, #tpu.memory_space<vmem>>, vector<16xi32>,
      tpu.vector_store %arg12[%swap3A_1153], %add3A_1152 {strides = array<i32>} : memref<256xi32, #tpu.memory_space<vmem>>, vector<16xi32>,
      %reduce_sum3A_1155 = arith.constant true
      %reduce_sum3A_1156 = vector.broadcast %reduce_sum3A_1155 : i1 to vector<16xi1>
      %reduce_sum3A_1157 = tpu.scan <sum>, %get3A_1146 masked %reduce_sum3A_1156 : vector<16xi32>, vector<16xi1> -> vector<16xi32>
      %reduce_sum3A_1158 = vector.extract %reduce_sum3A_1157[15] : i32 from vector<16xi32>
      %add3A_1159 = arith.addi %add3A_1144, %reduce_sum3A_1158 : i32
      %get3A_1160 = arith.constant 128 : index
      %get3A_1161 = tpu.vector_load %arg12[%get3A_1160] {strides = array<i32>} : memref<256xi32, #tpu.memory_space<vmem>>, vector<16xi32>,
      %cumsum3A_1162 = arith.constant true
      %cumsum3A_1163 = vector.broadcast %cumsum3A_1162 : i1 to vector<16xi1>
      %cumsum3A_1164 = tpu.scan <sum>, %get3A_1161 masked %cumsum3A_1163 : vector<16xi32>, vector<16xi1> -> vector<16xi32>
      %sub3A_1165 = arith.subi %cumsum3A_1164, %get3A_1161 : vector<16xi32>
      %add3A_1166 = vector.broadcast %add3A_1159 : i32 to vector<16xi32>
      %add3A_1167 = arith.addi %sub3A_1165, %add3A_1166 : vector<16xi32>
      %swap3A_1168 = arith.constant 128 : index
      %swap3A_1169 = tpu.vector_load %arg12[%swap3A_1168] {strides = array<i32>} : memref<256xi32, #tpu.memory_space<vmem>>, vector<16xi32>,
      tpu.vector_store %arg12[%swap3A_1168], %add3A_1167 {strides = array<i32>} : memref<256xi32, #tpu.memory_space<vmem>>, vector<16xi32>,
      %reduce_sum3A_1170 = arith.constant true
      %reduce_sum3A_1171 = vector.broadcast %reduce_sum3A_1170 : i1 to vector<16xi1>
      %reduce_sum3A_1172 = tpu.scan <sum>, %get3A_1161 masked %reduce_sum3A_1171 : vector<16xi32>, vector<16xi1> -> vector<16xi32>
      %reduce_sum3A_1173 = vector.extract %reduce_sum3A_1172[15] : i32 from vector<16xi32>
      %add3A_1174 = arith.addi %add3A_1159, %reduce_sum3A_1173 : i32
      %get3A_1175 = arith.constant 144 : index
      %get3A_1176 = tpu.vector_load %arg12[%get3A_1175] {strides = array<i32>} : memref<256xi32, #tpu.memory_space<vmem>>, vector<16xi32>,
      %cumsum3A_1177 = arith.constant true
      %cumsum3A_1178 = vector.broadcast %cumsum3A_1177 : i1 to vector<16xi1>
      %cumsum3A_1179 = tpu.scan <sum>, %get3A_1176 masked %cumsum3A_1178 : vector<16xi32>, vector<16xi1> -> vector<16xi32>
      %sub3A_1180 = arith.subi %cumsum3A_1179, %get3A_1176 : vector<16xi32>
      %add3A_1181 = vector.broadcast %add3A_1174 : i32 to vector<16xi32>
      %add3A_1182 = arith.addi %sub3A_1180, %add3A_1181 : vector<16xi32>
      %swap3A_1183 = arith.constant 144 : index
      %swap3A_1184 = tpu.vector_load %arg12[%swap3A_1183] {strides = array<i32>} : memref<256xi32, #tpu.memory_space<vmem>>, vector<16xi32>,
      tpu.vector_store %arg12[%swap3A_1183], %add3A_1182 {strides = array<i32>} : memref<256xi32, #tpu.memory_space<vmem>>, vector<16xi32>,
      %reduce_sum3A_1185 = arith.constant true
      %reduce_sum3A_1186 = vector.broadcast %reduce_sum3A_1185 : i1 to vector<16xi1>
      %reduce_sum3A_1187 = tpu.scan <sum>, %get3A_1176 masked %reduce_sum3A_1186 : vector<16xi32>, vector<16xi1> -> vector<16xi32>
      %reduce_sum3A_1188 = vector.extract %reduce_sum3A_1187[15] : i32 from vector<16xi32>
      %add3A_1189 = arith.addi %add3A_1174, %reduce_sum3A_1188 : i32
      %get3A_1190 = arith.constant 160 : index
      %get3A_1191 = tpu.vector_load %arg12[%get3A_1190] {strides = array<i32>} : memref<256xi32, #tpu.memory_space<vmem>>, vector<16xi32>,
      %cumsum3A_1192 = arith.constant true
      %cumsum3A_1193 = vector.broadcast %cumsum3A_1192 : i1 to vector<16xi1>
      %cumsum3A_1194 = tpu.scan <sum>, %get3A_1191 masked %cumsum3A_1193 : vector<16xi32>, vector<16xi1> -> vector<16xi32>
      %sub3A_1195 = arith.subi %cumsum3A_1194, %get3A_1191 : vector<16xi32>
      %add3A_1196 = vector.broadcast %add3A_1189 : i32 to vector<16xi32>
      %add3A_1197 = arith.addi %sub3A_1195, %add3A_1196 : vector<16xi32>
      %swap3A_1198 = arith.constant 160 : index
      %swap3A_1199 = tpu.vector_load %arg12[%swap3A_1198] {strides = array<i32>} : memref<256xi32, #tpu.memory_space<vmem>>, vector<16xi32>,
      tpu.vector_store %arg12[%swap3A_1198], %add3A_1197 {strides = array<i32>} : memref<256xi32, #tpu.memory_space<vmem>>, vector<16xi32>,
      %reduce_sum3A_1200 = arith.constant true
      %reduce_sum3A_1201 = vector.broadcast %reduce_sum3A_1200 : i1 to vector<16xi1>
      %reduce_sum3A_1202 = tpu.scan <sum>, %get3A_1191 masked %reduce_sum3A_1201 : vector<16xi32>, vector<16xi1> -> vector<16xi32>
      %reduce_sum3A_1203 = vector.extract %reduce_sum3A_1202[15] : i32 from vector<16xi32>
      %add3A_1204 = arith.addi %add3A_1189, %reduce_sum3A_1203 : i32
      %get3A_1205 = arith.constant 176 : index
      %get3A_1206 = tpu.vector_load %arg12[%get3A_1205] {strides = array<i32>} : memref<256xi32, #tpu.memory_space<vmem>>, vector<16xi32>,
      %cumsum3A_1207 = arith.constant true
      %cumsum3A_1208 = vector.broadcast %cumsum3A_1207 : i1 to vector<16xi1>
      %cumsum3A_1209 = tpu.scan <sum>, %get3A_1206 masked %cumsum3A_1208 : vector<16xi32>, vector<16xi1> -> vector<16xi32>
      %sub3A_1210 = arith.subi %cumsum3A_1209, %get3A_1206 : vector<16xi32>
      %add3A_1211 = vector.broadcast %add3A_1204 : i32 to vector<16xi32>
      %add3A_1212 = arith.addi %sub3A_1210, %add3A_1211 : vector<16xi32>
      %swap3A_1213 = arith.constant 176 : index
      %swap3A_1214 = tpu.vector_load %arg12[%swap3A_1213] {strides = array<i32>} : memref<256xi32, #tpu.memory_space<vmem>>, vector<16xi32>,
      tpu.vector_store %arg12[%swap3A_1213], %add3A_1212 {strides = array<i32>} : memref<256xi32, #tpu.memory_space<vmem>>, vector<16xi32>,
      %reduce_sum3A_1215 = arith.constant true
      %reduce_sum3A_1216 = vector.broadcast %reduce_sum3A_1215 : i1 to vector<16xi1>
      %reduce_sum3A_1217 = tpu.scan <sum>, %get3A_1206 masked %reduce_sum3A_1216 : vector<16xi32>, vector<16xi1> -> vector<16xi32>
      %reduce_sum3A_1218 = vector.extract %reduce_sum3A_1217[15] : i32 from vector<16xi32>
      %add3A_1219 = arith.addi %add3A_1204, %reduce_sum3A_1218 : i32
      %get3A_1220 = arith.constant 192 : index
      %get3A_1221 = tpu.vector_load %arg12[%get3A_1220] {strides = array<i32>} : memref<256xi32, #tpu.memory_space<vmem>>, vector<16xi32>,
      %cumsum3A_1222 = arith.constant true
      %cumsum3A_1223 = vector.broadcast %cumsum3A_1222 : i1 to vector<16xi1>
      %cumsum3A_1224 = tpu.scan <sum>, %get3A_1221 masked %cumsum3A_1223 : vector<16xi32>, vector<16xi1> -> vector<16xi32>
      %sub3A_1225 = arith.subi %cumsum3A_1224, %get3A_1221 : vector<16xi32>
      %add3A_1226 = vector.broadcast %add3A_1219 : i32 to vector<16xi32>
      %add3A_1227 = arith.addi %sub3A_1225, %add3A_1226 : vector<16xi32>
      %swap3A_1228 = arith.constant 192 : index
      %swap3A_1229 = tpu.vector_load %arg12[%swap3A_1228] {strides = array<i32>} : memref<256xi32, #tpu.memory_space<vmem>>, vector<16xi32>,
      tpu.vector_store %arg12[%swap3A_1228], %add3A_1227 {strides = array<i32>} : memref<256xi32, #tpu.memory_space<vmem>>, vector<16xi32>,
      %reduce_sum3A_1230 = arith.constant true
      %reduce_sum3A_1231 = vector.broadcast %reduce_sum3A_1230 : i1 to vector<16xi1>
      %reduce_sum3A_1232 = tpu.scan <sum>, %get3A_1221 masked %reduce_sum3A_1231 : vector<16xi32>, vector<16xi1> -> vector<16xi32>
      %reduce_sum3A_1233 = vector.extract %reduce_sum3A_1232[15] : i32 from vector<16xi32>
      %add3A_1234 = arith.addi %add3A_1219, %reduce_sum3A_1233 : i32
      %get3A_1235 = arith.constant 208 : index
      %get3A_1236 = tpu.vector_load %arg12[%get3A_1235] {strides = array<i32>} : memref<256xi32, #tpu.memory_space<vmem>>, vector<16xi32>,
      %cumsum3A_1237 = arith.constant true
      %cumsum3A_1238 = vector.broadcast %cumsum3A_1237 : i1 to vector<16xi1>
      %cumsum3A_1239 = tpu.scan <sum>, %get3A_1236 masked %cumsum3A_1238 : vector<16xi32>, vector<16xi1> -> vector<16xi32>
      %sub3A_1240 = arith.subi %cumsum3A_1239, %get3A_1236 : vector<16xi32>
      %add3A_1241 = vector.broadcast %add3A_1234 : i32 to vector<16xi32>
      %add3A_1242 = arith.addi %sub3A_1240, %add3A_1241 : vector<16xi32>
      %swap3A_1243 = arith.constant 208 : index
      %swap3A_1244 = tpu.vector_load %arg12[%swap3A_1243] {strides = array<i32>} : memref<256xi32, #tpu.memory_space<vmem>>, vector<16xi32>,
      tpu.vector_store %arg12[%swap3A_1243], %add3A_1242 {strides = array<i32>} : memref<256xi32, #tpu.memory_space<vmem>>, vector<16xi32>,
      %reduce_sum3A_1245 = arith.constant true
      %reduce_sum3A_1246 = vector.broadcast %reduce_sum3A_1245 : i1 to vector<16xi1>
      %reduce_sum3A_1247 = tpu.scan <sum>, %get3A_1236 masked %reduce_sum3A_1246 : vector<16xi32>, vector<16xi1> -> vector<16xi32>
      %reduce_sum3A_1248 = vector.extract %reduce_sum3A_1247[15] : i32 from vector<16xi32>
      %add3A_1249 = arith.addi %add3A_1234, %reduce_sum3A_1248 : i32
      %get3A_1250 = arith.constant 224 : index
      %get3A_1251 = tpu.vector_load %arg12[%get3A_1250] {strides = array<i32>} : memref<256xi32, #tpu.memory_space<vmem>>, vector<16xi32>,
      %cumsum3A_1252 = arith.constant true
      %cumsum3A_1253 = vector.broadcast %cumsum3A_1252 : i1 to vector<16xi1>
      %cumsum3A_1254 = tpu.scan <sum>, %get3A_1251 masked %cumsum3A_1253 : vector<16xi32>, vector<16xi1> -> vector<16xi32>
      %sub3A_1255 = arith.subi %cumsum3A_1254, %get3A_1251 : vector<16xi32>
      %add3A_1256 = vector.broadcast %add3A_1249 : i32 to vector<16xi32>
      %add3A_1257 = arith.addi %sub3A_1255, %add3A_1256 : vector<16xi32>
      %swap3A_1258 = arith.constant 224 : index
      %swap3A_1259 = tpu.vector_load %arg12[%swap3A_1258] {strides = array<i32>} : memref<256xi32, #tpu.memory_space<vmem>>, vector<16xi32>,
      tpu.vector_store %arg12[%swap3A_1258], %add3A_1257 {strides = array<i32>} : memref<256xi32, #tpu.memory_space<vmem>>, vector<16xi32>,
      %reduce_sum3A_1260 = arith.constant true
      %reduce_sum3A_1261 = vector.broadcast %reduce_sum3A_1260 : i1 to vector<16xi1>
      %reduce_sum3A_1262 = tpu.scan <sum>, %get3A_1251 masked %reduce_sum3A_1261 : vector<16xi32>, vector<16xi1> -> vector<16xi32>
      %reduce_sum3A_1263 = vector.extract %reduce_sum3A_1262[15] : i32 from vector<16xi32>
      %add3A_1264 = arith.addi %add3A_1249, %reduce_sum3A_1263 : i32
      %get3A_1265 = arith.constant 240 : index
      %get3A_1266 = tpu.vector_load %arg12[%get3A_1265] {strides = array<i32>} : memref<256xi32, #tpu.memory_space<vmem>>, vector<16xi32>,
      %cumsum3A_1267 = arith.constant true
      %cumsum3A_1268 = vector.broadcast %cumsum3A_1267 : i1 to vector<16xi1>
      %cumsum3A_1269 = tpu.scan <sum>, %get3A_1266 masked %cumsum3A_1268 : vector<16xi32>, vector<16xi1> -> vector<16xi32>
      %sub3A_1270 = arith.subi %cumsum3A_1269, %get3A_1266 : vector<16xi32>
      %add3A_1271 = vector.broadcast %add3A_1264 : i32 to vector<16xi32>
      %add3A_1272 = arith.addi %sub3A_1270, %add3A_1271 : vector<16xi32>
      %swap3A_1273 = arith.constant 240 : index
      %swap3A_1274 = tpu.vector_load %arg12[%swap3A_1273] {strides = array<i32>} : memref<256xi32, #tpu.memory_space<vmem>>, vector<16xi32>,
      tpu.vector_store %arg12[%swap3A_1273], %add3A_1272 {strides = array<i32>} : memref<256xi32, #tpu.memory_space<vmem>>, vector<16xi32>,
      %reduce_sum3A_1275 = arith.constant true
      %reduce_sum3A_1276 = vector.broadcast %reduce_sum3A_1275 : i1 to vector<16xi1>
      %reduce_sum3A_1277 = tpu.scan <sum>, %get3A_1266 masked %reduce_sum3A_1276 : vector<16xi32>, vector<16xi1> -> vector<16xi32>
      %reduce_sum3A_1278 = vector.extract %reduce_sum3A_1277[15] : i32 from vector<16xi32>
      %add3A_1279 = arith.addi %add3A_1264, %reduce_sum3A_1278 : i32
      %scan3A_1280 = arith.constant 0 : i32
      %scan3A_1281 = arith.constant 0 : i32
      %scan3A_1282 = arith.constant 16 : i32
      %scan3A_1283 = arith.addi %scan3A_1281, %scan3A_1282 : i32
      %scan3A_1284 = arith.constant 1 : i32
      %scan3A_1285 = scf.for %scan3A_2568 = %scan3A_1281 to %scan3A_1283 step %scan3A_1284 iter_args(%scan3A_2569 = %scan3A_1280) -> (i32)  : i32 {
        %mul3A_2570 = arith.constant 4 : i32
        %mul3A_2571 = arith.muli %scan3A_2568, %mul3A_2570 : i32
        %add3A_2572 = arith.constant 0 : i32
        %add3A_2573 = arith.addi %mul3A_2571, %add3A_2572 : i32
        %mul3A_2574 = arith.constant 16 : i32
        %mul3A_2575 = arith.muli %add3A_2573, %mul3A_2574 : i32
        %get3A_2576 = arith.index_cast %mul3A_2575 : i32 to index
        %get3A_2577 = tpu.vector_load %arg9[%get3A_2576] {strides = array<i32>} : memref<1024xi32, #tpu.memory_space<vmem>>, vector<16xi32>,
        %mul3A_2578 = arith.constant 16 : i32
        %mul3A_2579 = arith.muli %add3A_2573, %mul3A_2578 : i32
        %get3A_2580 = arith.index_cast %mul3A_2579 : i32 to index
        %get3A_2581 = tpu.vector_load %arg11[%get3A_2580] {strides = array<i32>} : memref<1024xi32, #tpu.memory_space<vmem>>, vector<16xi32>,
        %shift_right_arithmetic3A = arith.constant 12 : i32
        %shift_right_arithmetic3A_2582 = vector.broadcast %shift_right_arithmetic3A : i32 to vector<16xi32>
        %shift_right_arithmetic3A_2583 = arith.shrsi %get3A_2577, %shift_right_arithmetic3A_2582 : vector<16xi32>
        %and3A = arith.constant 15 : i32
        %and3A_2584 = vector.broadcast %and3A : i32 to vector<16xi32>
        %and3A_2585 = arith.andi %shift_right_arithmetic3A_2583, %and3A_2584 : vector<16xi32>
        %mul3A_2586 = arith.constant 16 : i32
        %mul3A_2587 = vector.broadcast %mul3A_2586 : i32 to vector<16xi32>
        %mul3A_2588 = arith.muli %and3A_2585, %mul3A_2587 : vector<16xi32>
        %add3A_2589 = arith.addi %mul3A_2588, %iota3A : vector<16xi32>
        %gather3A = tpu.vector_load_idx %arg12[%add3A_2589] : memref<256xi32, #tpu.memory_space<vmem>>[vector<16xi32>], vector<16xi32>,
        tpu.vector_store_idx %arg12[%add3A_2589], %broadcast_in_dim3A_0 {add = true} : memref<256xi32, #tpu.memory_space<vmem>>[vector<16xi32>], vector<16xi32>,
        %and3A_2590 = arith.constant 63 : i32
        %and3A_2591 = vector.broadcast %and3A_2590 : i32 to vector<16xi32>
        %and3A_2592 = arith.andi %gather3A, %and3A_2591 : vector<16xi32>
        %mul3A_2593 = arith.constant 16 : i32
        %mul3A_2594 = vector.broadcast %mul3A_2593 : i32 to vector<16xi32>
        %mul3A_2595 = arith.muli %and3A_2592, %mul3A_2594 : vector<16xi32>
        %shift_right_arithmetic3A_2596 = arith.constant 6 : i32
        %shift_right_arithmetic3A_2597 = vector.broadcast %shift_right_arithmetic3A_2596 : i32 to vector<16xi32>
        %shift_right_arithmetic3A_2598 = arith.shrsi %gather3A, %shift_right_arithmetic3A_2597 : vector<16xi32>
        %add3A_2599 = arith.addi %mul3A_2595, %shift_right_arithmetic3A_2598 : vector<16xi32>
        tpu.vector_store_idx %arg8[%add3A_2599], %get3A_2577 : memref<1024xi32, #tpu.memory_space<vmem>>[vector<16xi32>], vector<16xi32>,
        tpu.vector_store_idx %arg10[%add3A_2599], %get3A_2581 : memref<1024xi32, #tpu.memory_space<vmem>>[vector<16xi32>], vector<16xi32>,
        %mul3A_2600 = arith.constant 4 : i32
        %mul3A_2601 = arith.muli %scan3A_2568, %mul3A_2600 : i32
        %add3A_2602 = arith.constant 1 : i32
        %add3A_2603 = arith.addi %mul3A_2601, %add3A_2602 : i32
        %mul3A_2604 = arith.constant 16 : i32
        %mul3A_2605 = arith.muli %add3A_2603, %mul3A_2604 : i32
        %get3A_2606 = arith.index_cast %mul3A_2605 : i32 to index
        %get3A_2607 = tpu.vector_load %arg9[%get3A_2606] {strides = array<i32>} : memref<1024xi32, #tpu.memory_space<vmem>>, vector<16xi32>,
        %mul3A_2608 = arith.constant 16 : i32
        %mul3A_2609 = arith.muli %add3A_2603, %mul3A_2608 : i32
        %get3A_2610 = arith.index_cast %mul3A_2609 : i32 to index
        %get3A_2611 = tpu.vector_load %arg11[%get3A_2610] {strides = array<i32>} : memref<1024xi32, #tpu.memory_space<vmem>>, vector<16xi32>,
        %shift_right_arithmetic3A_2612 = arith.constant 12 : i32
        %shift_right_arithmetic3A_2613 = vector.broadcast %shift_right_arithmetic3A_2612 : i32 to vector<16xi32>
        %shift_right_arithmetic3A_2614 = arith.shrsi %get3A_2607, %shift_right_arithmetic3A_2613 : vector<16xi32>
        %and3A_2615 = arith.constant 15 : i32
        %and3A_2616 = vector.broadcast %and3A_2615 : i32 to vector<16xi32>
        %and3A_2617 = arith.andi %shift_right_arithmetic3A_2614, %and3A_2616 : vector<16xi32>
        %mul3A_2618 = arith.constant 16 : i32
        %mul3A_2619 = vector.broadcast %mul3A_2618 : i32 to vector<16xi32>
        %mul3A_2620 = arith.muli %and3A_2617, %mul3A_2619 : vector<16xi32>
        %add3A_2621 = arith.addi %mul3A_2620, %iota3A : vector<16xi32>
        %gather3A_2622 = tpu.vector_load_idx %arg12[%add3A_2621] : memref<256xi32, #tpu.memory_space<vmem>>[vector<16xi32>], vector<16xi32>,
        tpu.vector_store_idx %arg12[%add3A_2621], %broadcast_in_dim3A_0 {add = true} : memref<256xi32, #tpu.memory_space<vmem>>[vector<16xi32>], vector<16xi32>,
        %and3A_2623 = arith.constant 63 : i32
        %and3A_2624 = vector.broadcast %and3A_2623 : i32 to vector<16xi32>
        %and3A_2625 = arith.andi %gather3A_2622, %and3A_2624 : vector<16xi32>
        %mul3A_2626 = arith.constant 16 : i32
        %mul3A_2627 = vector.broadcast %mul3A_2626 : i32 to vector<16xi32>
        %mul3A_2628 = arith.muli %and3A_2625, %mul3A_2627 : vector<16xi32>
        %shift_right_arithmetic3A_2629 = arith.constant 6 : i32
        %shift_right_arithmetic3A_2630 = vector.broadcast %shift_right_arithmetic3A_2629 : i32 to vector<16xi32>
        %shift_right_arithmetic3A_2631 = arith.shrsi %gather3A_2622, %shift_right_arithmetic3A_2630 : vector<16xi32>
        %add3A_2632 = arith.addi %mul3A_2628, %shift_right_arithmetic3A_2631 : vector<16xi32>
        tpu.vector_store_idx %arg8[%add3A_2632], %get3A_2607 : memref<1024xi32, #tpu.memory_space<vmem>>[vector<16xi32>], vector<16xi32>,
        tpu.vector_store_idx %arg10[%add3A_2632], %get3A_2611 : memref<1024xi32, #tpu.memory_space<vmem>>[vector<16xi32>], vector<16xi32>,
        %mul3A_2633 = arith.constant 4 : i32
        %mul3A_2634 = arith.muli %scan3A_2568, %mul3A_2633 : i32
        %add3A_2635 = arith.constant 2 : i32
        %add3A_2636 = arith.addi %mul3A_2634, %add3A_2635 : i32
        %mul3A_2637 = arith.constant 16 : i32
        %mul3A_2638 = arith.muli %add3A_2636, %mul3A_2637 : i32
        %get3A_2639 = arith.index_cast %mul3A_2638 : i32 to index
        %get3A_2640 = tpu.vector_load %arg9[%get3A_2639] {strides = array<i32>} : memref<1024xi32, #tpu.memory_space<vmem>>, vector<16xi32>,
        %mul3A_2641 = arith.constant 16 : i32
        %mul3A_2642 = arith.muli %add3A_2636, %mul3A_2641 : i32
        %get3A_2643 = arith.index_cast %mul3A_2642 : i32 to index
        %get3A_2644 = tpu.vector_load %arg11[%get3A_2643] {strides = array<i32>} : memref<1024xi32, #tpu.memory_space<vmem>>, vector<16xi32>,
        %shift_right_arithmetic3A_2645 = arith.constant 12 : i32
        %shift_right_arithmetic3A_2646 = vector.broadcast %shift_right_arithmetic3A_2645 : i32 to vector<16xi32>
        %shift_right_arithmetic3A_2647 = arith.shrsi %get3A_2640, %shift_right_arithmetic3A_2646 : vector<16xi32>
        %and3A_2648 = arith.constant 15 : i32
        %and3A_2649 = vector.broadcast %and3A_2648 : i32 to vector<16xi32>
        %and3A_2650 = arith.andi %shift_right_arithmetic3A_2647, %and3A_2649 : vector<16xi32>
        %mul3A_2651 = arith.constant 16 : i32
        %mul3A_2652 = vector.broadcast %mul3A_2651 : i32 to vector<16xi32>
        %mul3A_2653 = arith.muli %and3A_2650, %mul3A_2652 : vector<16xi32>
        %add3A_2654 = arith.addi %mul3A_2653, %iota3A : vector<16xi32>
        %gather3A_2655 = tpu.vector_load_idx %arg12[%add3A_2654] : memref<256xi32, #tpu.memory_space<vmem>>[vector<16xi32>], vector<16xi32>,
        tpu.vector_store_idx %arg12[%add3A_2654], %broadcast_in_dim3A_0 {add = true} : memref<256xi32, #tpu.memory_space<vmem>>[vector<16xi32>], vector<16xi32>,
        %and3A_2656 = arith.constant 63 : i32
        %and3A_2657 = vector.broadcast %and3A_2656 : i32 to vector<16xi32>
        %and3A_2658 = arith.andi %gather3A_2655, %and3A_2657 : vector<16xi32>
        %mul3A_2659 = arith.constant 16 : i32
        %mul3A_2660 = vector.broadcast %mul3A_2659 : i32 to vector<16xi32>
        %mul3A_2661 = arith.muli %and3A_2658, %mul3A_2660 : vector<16xi32>
        %shift_right_arithmetic3A_2662 = arith.constant 6 : i32
        %shift_right_arithmetic3A_2663 = vector.broadcast %shift_right_arithmetic3A_2662 : i32 to vector<16xi32>
        %shift_right_arithmetic3A_2664 = arith.shrsi %gather3A_2655, %shift_right_arithmetic3A_2663 : vector<16xi32>
        %add3A_2665 = arith.addi %mul3A_2661, %shift_right_arithmetic3A_2664 : vector<16xi32>
        tpu.vector_store_idx %arg8[%add3A_2665], %get3A_2640 : memref<1024xi32, #tpu.memory_space<vmem>>[vector<16xi32>], vector<16xi32>,
        tpu.vector_store_idx %arg10[%add3A_2665], %get3A_2644 : memref<1024xi32, #tpu.memory_space<vmem>>[vector<16xi32>], vector<16xi32>,
        %mul3A_2666 = arith.constant 4 : i32
        %mul3A_2667 = arith.muli %scan3A_2568, %mul3A_2666 : i32
        %add3A_2668 = arith.constant 3 : i32
        %add3A_2669 = arith.addi %mul3A_2667, %add3A_2668 : i32
        %mul3A_2670 = arith.constant 16 : i32
        %mul3A_2671 = arith.muli %add3A_2669, %mul3A_2670 : i32
        %get3A_2672 = arith.index_cast %mul3A_2671 : i32 to index
        %get3A_2673 = tpu.vector_load %arg9[%get3A_2672] {strides = array<i32>} : memref<1024xi32, #tpu.memory_space<vmem>>, vector<16xi32>,
        %mul3A_2674 = arith.constant 16 : i32
        %mul3A_2675 = arith.muli %add3A_2669, %mul3A_2674 : i32
        %get3A_2676 = arith.index_cast %mul3A_2675 : i32 to index
        %get3A_2677 = tpu.vector_load %arg11[%get3A_2676] {strides = array<i32>} : memref<1024xi32, #tpu.memory_space<vmem>>, vector<16xi32>,
        %shift_right_arithmetic3A_2678 = arith.constant 12 : i32
        %shift_right_arithmetic3A_2679 = vector.broadcast %shift_right_arithmetic3A_2678 : i32 to vector<16xi32>
        %shift_right_arithmetic3A_2680 = arith.shrsi %get3A_2673, %shift_right_arithmetic3A_2679 : vector<16xi32>
        %and3A_2681 = arith.constant 15 : i32
        %and3A_2682 = vector.broadcast %and3A_2681 : i32 to vector<16xi32>
        %and3A_2683 = arith.andi %shift_right_arithmetic3A_2680, %and3A_2682 : vector<16xi32>
        %mul3A_2684 = arith.constant 16 : i32
        %mul3A_2685 = vector.broadcast %mul3A_2684 : i32 to vector<16xi32>
        %mul3A_2686 = arith.muli %and3A_2683, %mul3A_2685 : vector<16xi32>
        %add3A_2687 = arith.addi %mul3A_2686, %iota3A : vector<16xi32>
        %gather3A_2688 = tpu.vector_load_idx %arg12[%add3A_2687] : memref<256xi32, #tpu.memory_space<vmem>>[vector<16xi32>], vector<16xi32>,
        tpu.vector_store_idx %arg12[%add3A_2687], %broadcast_in_dim3A_0 {add = true} : memref<256xi32, #tpu.memory_space<vmem>>[vector<16xi32>], vector<16xi32>,
        %and3A_2689 = arith.constant 63 : i32
        %and3A_2690 = vector.broadcast %and3A_2689 : i32 to vector<16xi32>
        %and3A_2691 = arith.andi %gather3A_2688, %and3A_2690 : vector<16xi32>
        %mul3A_2692 = arith.constant 16 : i32
        %mul3A_2693 = vector.broadcast %mul3A_2692 : i32 to vector<16xi32>
        %mul3A_2694 = arith.muli %and3A_2691, %mul3A_2693 : vector<16xi32>
        %shift_right_arithmetic3A_2695 = arith.constant 6 : i32
        %shift_right_arithmetic3A_2696 = vector.broadcast %shift_right_arithmetic3A_2695 : i32 to vector<16xi32>
        %shift_right_arithmetic3A_2697 = arith.shrsi %gather3A_2688, %shift_right_arithmetic3A_2696 : vector<16xi32>
        %add3A_2698 = arith.addi %mul3A_2694, %shift_right_arithmetic3A_2697 : vector<16xi32>
        tpu.vector_store_idx %arg8[%add3A_2698], %get3A_2673 : memref<1024xi32, #tpu.memory_space<vmem>>[vector<16xi32>], vector<16xi32>,
        tpu.vector_store_idx %arg10[%add3A_2698], %get3A_2677 : memref<1024xi32, #tpu.memory_space<vmem>>[vector<16xi32>], vector<16xi32>,
        %scan3A_2699 = arith.constant 0 : i32
        scf.yield %scan3A_2699 : i32
      }
      %scan3A_1286 = arith.constant 16 : i32
      %broadcast_in_dim3A_1287 = arith.constant 0 : i32
      %broadcast_in_dim3A_1288 = vector.broadcast %broadcast_in_dim3A_1287 : i32 to vector<16xi32>
      %swap3A_1289 = arith.constant 0 : index
      %swap3A_1290 = tpu.vector_load %arg12[%swap3A_1289] {strides = array<i32>} : memref<256xi32, #tpu.memory_space<vmem>>, vector<16xi32>,
      tpu.vector_store %arg12[%swap3A_1289], %broadcast_in_dim3A_1288 {strides = array<i32>} : memref<256xi32, #tpu.memory_space<vmem>>, vector<16xi32>,
      %broadcast_in_dim3A_1291 = arith.constant 0 : i32
      %broadcast_in_dim3A_1292 = vector.broadcast %broadcast_in_dim3A_1291 : i32 to vector<16xi32>
      %swap3A_1293 = arith.constant 16 : index
      %swap3A_1294 = tpu.vector_load %arg12[%swap3A_1293] {strides = array<i32>} : memref<256xi32, #tpu.memory_space<vmem>>, vector<16xi32>,
      tpu.vector_store %arg12[%swap3A_1293], %broadcast_in_dim3A_1292 {strides = array<i32>} : memref<256xi32, #tpu.memory_space<vmem>>, vector<16xi32>,
      %broadcast_in_dim3A_1295 = arith.constant 0 : i32
      %broadcast_in_dim3A_1296 = vector.broadcast %broadcast_in_dim3A_1295 : i32 to vector<16xi32>
      %swap3A_1297 = arith.constant 32 : index
      %swap3A_1298 = tpu.vector_load %arg12[%swap3A_1297] {strides = array<i32>} : memref<256xi32, #tpu.memory_space<vmem>>, vector<16xi32>,
      tpu.vector_store %arg12[%swap3A_1297], %broadcast_in_dim3A_1296 {strides = array<i32>} : memref<256xi32, #tpu.memory_space<vmem>>, vector<16xi32>,
      %broadcast_in_dim3A_1299 = arith.constant 0 : i32
      %broadcast_in_dim3A_1300 = vector.broadcast %broadcast_in_dim3A_1299 : i32 to vector<16xi32>
      %swap3A_1301 = arith.constant 48 : index
      %swap3A_1302 = tpu.vector_load %arg12[%swap3A_1301] {strides = array<i32>} : memref<256xi32, #tpu.memory_space<vmem>>, vector<16xi32>,
      tpu.vector_store %arg12[%swap3A_1301], %broadcast_in_dim3A_1300 {strides = array<i32>} : memref<256xi32, #tpu.memory_space<vmem>>, vector<16xi32>,
      %broadcast_in_dim3A_1303 = arith.constant 0 : i32
      %broadcast_in_dim3A_1304 = vector.broadcast %broadcast_in_dim3A_1303 : i32 to vector<16xi32>
      %swap3A_1305 = arith.constant 64 : index
      %swap3A_1306 = tpu.vector_load %arg12[%swap3A_1305] {strides = array<i32>} : memref<256xi32, #tpu.memory_space<vmem>>, vector<16xi32>,
      tpu.vector_store %arg12[%swap3A_1305], %broadcast_in_dim3A_1304 {strides = array<i32>} : memref<256xi32, #tpu.memory_space<vmem>>, vector<16xi32>,
      %broadcast_in_dim3A_1307 = arith.constant 0 : i32
      %broadcast_in_dim3A_1308 = vector.broadcast %broadcast_in_dim3A_1307 : i32 to vector<16xi32>
      %swap3A_1309 = arith.constant 80 : index
      %swap3A_1310 = tpu.vector_load %arg12[%swap3A_1309] {strides = array<i32>} : memref<256xi32, #tpu.memory_space<vmem>>, vector<16xi32>,
      tpu.vector_store %arg12[%swap3A_1309], %broadcast_in_dim3A_1308 {strides = array<i32>} : memref<256xi32, #tpu.memory_space<vmem>>, vector<16xi32>,
      %broadcast_in_dim3A_1311 = arith.constant 0 : i32
      %broadcast_in_dim3A_1312 = vector.broadcast %broadcast_in_dim3A_1311 : i32 to vector<16xi32>
      %swap3A_1313 = arith.constant 96 : index
      %swap3A_1314 = tpu.vector_load %arg12[%swap3A_1313] {strides = array<i32>} : memref<256xi32, #tpu.memory_space<vmem>>, vector<16xi32>,
      tpu.vector_store %arg12[%swap3A_1313], %broadcast_in_dim3A_1312 {strides = array<i32>} : memref<256xi32, #tpu.memory_space<vmem>>, vector<16xi32>,
      %broadcast_in_dim3A_1315 = arith.constant 0 : i32
      %broadcast_in_dim3A_1316 = vector.broadcast %broadcast_in_dim3A_1315 : i32 to vector<16xi32>
      %swap3A_1317 = arith.constant 112 : index
      %swap3A_1318 = tpu.vector_load %arg12[%swap3A_1317] {strides = array<i32>} : memref<256xi32, #tpu.memory_space<vmem>>, vector<16xi32>,
      tpu.vector_store %arg12[%swap3A_1317], %broadcast_in_dim3A_1316 {strides = array<i32>} : memref<256xi32, #tpu.memory_space<vmem>>, vector<16xi32>,
      %broadcast_in_dim3A_1319 = arith.constant 0 : i32
      %broadcast_in_dim3A_1320 = vector.broadcast %broadcast_in_dim3A_1319 : i32 to vector<16xi32>
      %swap3A_1321 = arith.constant 128 : index
      %swap3A_1322 = tpu.vector_load %arg12[%swap3A_1321] {strides = array<i32>} : memref<256xi32, #tpu.memory_space<vmem>>, vector<16xi32>,
      tpu.vector_store %arg12[%swap3A_1321], %broadcast_in_dim3A_1320 {strides = array<i32>} : memref<256xi32, #tpu.memory_space<vmem>>, vector<16xi32>,
      %broadcast_in_dim3A_1323 = arith.constant 0 : i32
      %broadcast_in_dim3A_1324 = vector.broadcast %broadcast_in_dim3A_1323 : i32 to vector<16xi32>
      %swap3A_1325 = arith.constant 144 : index
      %swap3A_1326 = tpu.vector_load %arg12[%swap3A_1325] {strides = array<i32>} : memref<256xi32, #tpu.memory_space<vmem>>, vector<16xi32>,
      tpu.vector_store %arg12[%swap3A_1325], %broadcast_in_dim3A_1324 {strides = array<i32>} : memref<256xi32, #tpu.memory_space<vmem>>, vector<16xi32>,
      %broadcast_in_dim3A_1327 = arith.constant 0 : i32
      %broadcast_in_dim3A_1328 = vector.broadcast %broadcast_in_dim3A_1327 : i32 to vector<16xi32>
      %swap3A_1329 = arith.constant 160 : index
      %swap3A_1330 = tpu.vector_load %arg12[%swap3A_1329] {strides = array<i32>} : memref<256xi32, #tpu.memory_space<vmem>>, vector<16xi32>,
      tpu.vector_store %arg12[%swap3A_1329], %broadcast_in_dim3A_1328 {strides = array<i32>} : memref<256xi32, #tpu.memory_space<vmem>>, vector<16xi32>,
      %broadcast_in_dim3A_1331 = arith.constant 0 : i32
      %broadcast_in_dim3A_1332 = vector.broadcast %broadcast_in_dim3A_1331 : i32 to vector<16xi32>
      %swap3A_1333 = arith.constant 176 : index
      %swap3A_1334 = tpu.vector_load %arg12[%swap3A_1333] {strides = array<i32>} : memref<256xi32, #tpu.memory_space<vmem>>, vector<16xi32>,
      tpu.vector_store %arg12[%swap3A_1333], %broadcast_in_dim3A_1332 {strides = array<i32>} : memref<256xi32, #tpu.memory_space<vmem>>, vector<16xi32>,
      %broadcast_in_dim3A_1335 = arith.constant 0 : i32
      %broadcast_in_dim3A_1336 = vector.broadcast %broadcast_in_dim3A_1335 : i32 to vector<16xi32>
      %swap3A_1337 = arith.constant 192 : index
      %swap3A_1338 = tpu.vector_load %arg12[%swap3A_1337] {strides = array<i32>} : memref<256xi32, #tpu.memory_space<vmem>>, vector<16xi32>,
      tpu.vector_store %arg12[%swap3A_1337], %broadcast_in_dim3A_1336 {strides = array<i32>} : memref<256xi32, #tpu.memory_space<vmem>>, vector<16xi32>,
      %broadcast_in_dim3A_1339 = arith.constant 0 : i32
      %broadcast_in_dim3A_1340 = vector.broadcast %broadcast_in_dim3A_1339 : i32 to vector<16xi32>
      %swap3A_1341 = arith.constant 208 : index
      %swap3A_1342 = tpu.vector_load %arg12[%swap3A_1341] {strides = array<i32>} : memref<256xi32, #tpu.memory_space<vmem>>, vector<16xi32>,
      tpu.vector_store %arg12[%swap3A_1341], %broadcast_in_dim3A_1340 {strides = array<i32>} : memref<256xi32, #tpu.memory_space<vmem>>, vector<16xi32>,
      %broadcast_in_dim3A_1343 = arith.constant 0 : i32
      %broadcast_in_dim3A_1344 = vector.broadcast %broadcast_in_dim3A_1343 : i32 to vector<16xi32>
      %swap3A_1345 = arith.constant 224 : index
      %swap3A_1346 = tpu.vector_load %arg12[%swap3A_1345] {strides = array<i32>} : memref<256xi32, #tpu.memory_space<vmem>>, vector<16xi32>,
      tpu.vector_store %arg12[%swap3A_1345], %broadcast_in_dim3A_1344 {strides = array<i32>} : memref<256xi32, #tpu.memory_space<vmem>>, vector<16xi32>,
      %broadcast_in_dim3A_1347 = arith.constant 0 : i32
      %broadcast_in_dim3A_1348 = vector.broadcast %broadcast_in_dim3A_1347 : i32 to vector<16xi32>
      %swap3A_1349 = arith.constant 240 : index
      %swap3A_1350 = tpu.vector_load %arg12[%swap3A_1349] {strides = array<i32>} : memref<256xi32, #tpu.memory_space<vmem>>, vector<16xi32>,
      tpu.vector_store %arg12[%swap3A_1349], %broadcast_in_dim3A_1348 {strides = array<i32>} : memref<256xi32, #tpu.memory_space<vmem>>, vector<16xi32>,
      %scan3A_1351 = arith.constant 0 : i32
      %scan3A_1352 = arith.constant 0 : i32
      %scan3A_1353 = arith.constant 16 : i32
      %scan3A_1354 = arith.addi %scan3A_1352, %scan3A_1353 : i32
      %scan3A_1355 = arith.constant 1 : i32
      %scan3A_1356 = scf.for %scan3A_2568 = %scan3A_1352 to %scan3A_1354 step %scan3A_1355 iter_args(%scan3A_2569 = %scan3A_1351) -> (i32)  : i32 {
        %mul3A_2570 = arith.constant 4 : i32
        %mul3A_2571 = arith.muli %scan3A_2568, %mul3A_2570 : i32
        %add3A_2572 = arith.constant 0 : i32
        %add3A_2573 = arith.addi %mul3A_2571, %add3A_2572 : i32
        %mul3A_2574 = arith.constant 16 : i32
        %mul3A_2575 = arith.muli %add3A_2573, %mul3A_2574 : i32
        %get3A_2576 = arith.index_cast %mul3A_2575 : i32 to index
        %get3A_2577 = tpu.vector_load %arg8[%get3A_2576] {strides = array<i32>} : memref<1024xi32, #tpu.memory_space<vmem>>, vector<16xi32>,
        %shift_right_arithmetic3A = arith.constant 16 : i32
        %shift_right_arithmetic3A_2578 = vector.broadcast %shift_right_arithmetic3A : i32 to vector<16xi32>
        %shift_right_arithmetic3A_2579 = arith.shrsi %get3A_2577, %shift_right_arithmetic3A_2578 : vector<16xi32>
        %and3A = arith.constant 15 : i32
        %and3A_2580 = vector.broadcast %and3A : i32 to vector<16xi32>
        %and3A_2581 = arith.andi %shift_right_arithmetic3A_2579, %and3A_2580 : vector<16xi32>
        %mul3A_2582 = arith.constant 16 : i32
        %mul3A_2583 = vector.broadcast %mul3A_2582 : i32 to vector<16xi32>
        %mul3A_2584 = arith.muli %and3A_2581, %mul3A_2583 : vector<16xi32>
        %add3A_2585 = arith.addi %mul3A_2584, %iota3A : vector<16xi32>
        tpu.vector_store_idx %arg12[%add3A_2585], %broadcast_in_dim3A_0 {add = true} : memref<256xi32, #tpu.memory_space<vmem>>[vector<16xi32>], vector<16xi32>,
        %mul3A_2586 = arith.constant 4 : i32
        %mul3A_2587 = arith.muli %scan3A_2568, %mul3A_2586 : i32
        %add3A_2588 = arith.constant 1 : i32
        %add3A_2589 = arith.addi %mul3A_2587, %add3A_2588 : i32
        %mul3A_2590 = arith.constant 16 : i32
        %mul3A_2591 = arith.muli %add3A_2589, %mul3A_2590 : i32
        %get3A_2592 = arith.index_cast %mul3A_2591 : i32 to index
        %get3A_2593 = tpu.vector_load %arg8[%get3A_2592] {strides = array<i32>} : memref<1024xi32, #tpu.memory_space<vmem>>, vector<16xi32>,
        %shift_right_arithmetic3A_2594 = arith.constant 16 : i32
        %shift_right_arithmetic3A_2595 = vector.broadcast %shift_right_arithmetic3A_2594 : i32 to vector<16xi32>
        %shift_right_arithmetic3A_2596 = arith.shrsi %get3A_2593, %shift_right_arithmetic3A_2595 : vector<16xi32>
        %and3A_2597 = arith.constant 15 : i32
        %and3A_2598 = vector.broadcast %and3A_2597 : i32 to vector<16xi32>
        %and3A_2599 = arith.andi %shift_right_arithmetic3A_2596, %and3A_2598 : vector<16xi32>
        %mul3A_2600 = arith.constant 16 : i32
        %mul3A_2601 = vector.broadcast %mul3A_2600 : i32 to vector<16xi32>
        %mul3A_2602 = arith.muli %and3A_2599, %mul3A_2601 : vector<16xi32>
        %add3A_2603 = arith.addi %mul3A_2602, %iota3A : vector<16xi32>
        tpu.vector_store_idx %arg12[%add3A_2603], %broadcast_in_dim3A_0 {add = true} : memref<256xi32, #tpu.memory_space<vmem>>[vector<16xi32>], vector<16xi32>,
        %mul3A_2604 = arith.constant 4 : i32
        %mul3A_2605 = arith.muli %scan3A_2568, %mul3A_2604 : i32
        %add3A_2606 = arith.constant 2 : i32
        %add3A_2607 = arith.addi %mul3A_2605, %add3A_2606 : i32
        %mul3A_2608 = arith.constant 16 : i32
        %mul3A_2609 = arith.muli %add3A_2607, %mul3A_2608 : i32
        %get3A_2610 = arith.index_cast %mul3A_2609 : i32 to index
        %get3A_2611 = tpu.vector_load %arg8[%get3A_2610] {strides = array<i32>} : memref<1024xi32, #tpu.memory_space<vmem>>, vector<16xi32>,
        %shift_right_arithmetic3A_2612 = arith.constant 16 : i32
        %shift_right_arithmetic3A_2613 = vector.broadcast %shift_right_arithmetic3A_2612 : i32 to vector<16xi32>
        %shift_right_arithmetic3A_2614 = arith.shrsi %get3A_2611, %shift_right_arithmetic3A_2613 : vector<16xi32>
        %and3A_2615 = arith.constant 15 : i32
        %and3A_2616 = vector.broadcast %and3A_2615 : i32 to vector<16xi32>
        %and3A_2617 = arith.andi %shift_right_arithmetic3A_2614, %and3A_2616 : vector<16xi32>
        %mul3A_2618 = arith.constant 16 : i32
        %mul3A_2619 = vector.broadcast %mul3A_2618 : i32 to vector<16xi32>
        %mul3A_2620 = arith.muli %and3A_2617, %mul3A_2619 : vector<16xi32>
        %add3A_2621 = arith.addi %mul3A_2620, %iota3A : vector<16xi32>
        tpu.vector_store_idx %arg12[%add3A_2621], %broadcast_in_dim3A_0 {add = true} : memref<256xi32, #tpu.memory_space<vmem>>[vector<16xi32>], vector<16xi32>,
        %mul3A_2622 = arith.constant 4 : i32
        %mul3A_2623 = arith.muli %scan3A_2568, %mul3A_2622 : i32
        %add3A_2624 = arith.constant 3 : i32
        %add3A_2625 = arith.addi %mul3A_2623, %add3A_2624 : i32
        %mul3A_2626 = arith.constant 16 : i32
        %mul3A_2627 = arith.muli %add3A_2625, %mul3A_2626 : i32
        %get3A_2628 = arith.index_cast %mul3A_2627 : i32 to index
        %get3A_2629 = tpu.vector_load %arg8[%get3A_2628] {strides = array<i32>} : memref<1024xi32, #tpu.memory_space<vmem>>, vector<16xi32>,
        %shift_right_arithmetic3A_2630 = arith.constant 16 : i32
        %shift_right_arithmetic3A_2631 = vector.broadcast %shift_right_arithmetic3A_2630 : i32 to vector<16xi32>
        %shift_right_arithmetic3A_2632 = arith.shrsi %get3A_2629, %shift_right_arithmetic3A_2631 : vector<16xi32>
        %and3A_2633 = arith.constant 15 : i32
        %and3A_2634 = vector.broadcast %and3A_2633 : i32 to vector<16xi32>
        %and3A_2635 = arith.andi %shift_right_arithmetic3A_2632, %and3A_2634 : vector<16xi32>
        %mul3A_2636 = arith.constant 16 : i32
        %mul3A_2637 = vector.broadcast %mul3A_2636 : i32 to vector<16xi32>
        %mul3A_2638 = arith.muli %and3A_2635, %mul3A_2637 : vector<16xi32>
        %add3A_2639 = arith.addi %mul3A_2638, %iota3A : vector<16xi32>
        tpu.vector_store_idx %arg12[%add3A_2639], %broadcast_in_dim3A_0 {add = true} : memref<256xi32, #tpu.memory_space<vmem>>[vector<16xi32>], vector<16xi32>,
        %scan3A_2640 = arith.constant 0 : i32
        scf.yield %scan3A_2640 : i32
      }
      %scan3A_1357 = arith.constant 16 : i32
      %get3A_1358 = arith.constant 0 : index
      %get3A_1359 = tpu.vector_load %arg12[%get3A_1358] {strides = array<i32>} : memref<256xi32, #tpu.memory_space<vmem>>, vector<16xi32>,
      %cumsum3A_1360 = arith.constant true
      %cumsum3A_1361 = vector.broadcast %cumsum3A_1360 : i1 to vector<16xi1>
      %cumsum3A_1362 = tpu.scan <sum>, %get3A_1359 masked %cumsum3A_1361 : vector<16xi32>, vector<16xi1> -> vector<16xi32>
      %sub3A_1363 = arith.subi %cumsum3A_1362, %get3A_1359 : vector<16xi32>
      %add3A_1364 = arith.constant 0 : i32
      %add3A_1365 = vector.broadcast %add3A_1364 : i32 to vector<16xi32>
      %add3A_1366 = arith.addi %sub3A_1363, %add3A_1365 : vector<16xi32>
      %swap3A_1367 = arith.constant 0 : index
      %swap3A_1368 = tpu.vector_load %arg12[%swap3A_1367] {strides = array<i32>} : memref<256xi32, #tpu.memory_space<vmem>>, vector<16xi32>,
      tpu.vector_store %arg12[%swap3A_1367], %add3A_1366 {strides = array<i32>} : memref<256xi32, #tpu.memory_space<vmem>>, vector<16xi32>,
      %reduce_sum3A_1369 = arith.constant true
      %reduce_sum3A_1370 = vector.broadcast %reduce_sum3A_1369 : i1 to vector<16xi1>
      %reduce_sum3A_1371 = tpu.scan <sum>, %get3A_1359 masked %reduce_sum3A_1370 : vector<16xi32>, vector<16xi1> -> vector<16xi32>
      %reduce_sum3A_1372 = vector.extract %reduce_sum3A_1371[15] : i32 from vector<16xi32>
      %add3A_1373 = arith.constant 0 : i32
      %add3A_1374 = arith.addi %add3A_1373, %reduce_sum3A_1372 : i32
      %get3A_1375 = arith.constant 16 : index
      %get3A_1376 = tpu.vector_load %arg12[%get3A_1375] {strides = array<i32>} : memref<256xi32, #tpu.memory_space<vmem>>, vector<16xi32>,
      %cumsum3A_1377 = arith.constant true
      %cumsum3A_1378 = vector.broadcast %cumsum3A_1377 : i1 to vector<16xi1>
      %cumsum3A_1379 = tpu.scan <sum>, %get3A_1376 masked %cumsum3A_1378 : vector<16xi32>, vector<16xi1> -> vector<16xi32>
      %sub3A_1380 = arith.subi %cumsum3A_1379, %get3A_1376 : vector<16xi32>
      %add3A_1381 = vector.broadcast %add3A_1374 : i32 to vector<16xi32>
      %add3A_1382 = arith.addi %sub3A_1380, %add3A_1381 : vector<16xi32>
      %swap3A_1383 = arith.constant 16 : index
      %swap3A_1384 = tpu.vector_load %arg12[%swap3A_1383] {strides = array<i32>} : memref<256xi32, #tpu.memory_space<vmem>>, vector<16xi32>,
      tpu.vector_store %arg12[%swap3A_1383], %add3A_1382 {strides = array<i32>} : memref<256xi32, #tpu.memory_space<vmem>>, vector<16xi32>,
      %reduce_sum3A_1385 = arith.constant true
      %reduce_sum3A_1386 = vector.broadcast %reduce_sum3A_1385 : i1 to vector<16xi1>
      %reduce_sum3A_1387 = tpu.scan <sum>, %get3A_1376 masked %reduce_sum3A_1386 : vector<16xi32>, vector<16xi1> -> vector<16xi32>
      %reduce_sum3A_1388 = vector.extract %reduce_sum3A_1387[15] : i32 from vector<16xi32>
      %add3A_1389 = arith.addi %add3A_1374, %reduce_sum3A_1388 : i32
      %get3A_1390 = arith.constant 32 : index
      %get3A_1391 = tpu.vector_load %arg12[%get3A_1390] {strides = array<i32>} : memref<256xi32, #tpu.memory_space<vmem>>, vector<16xi32>,
      %cumsum3A_1392 = arith.constant true
      %cumsum3A_1393 = vector.broadcast %cumsum3A_1392 : i1 to vector<16xi1>
      %cumsum3A_1394 = tpu.scan <sum>, %get3A_1391 masked %cumsum3A_1393 : vector<16xi32>, vector<16xi1> -> vector<16xi32>
      %sub3A_1395 = arith.subi %cumsum3A_1394, %get3A_1391 : vector<16xi32>
      %add3A_1396 = vector.broadcast %add3A_1389 : i32 to vector<16xi32>
      %add3A_1397 = arith.addi %sub3A_1395, %add3A_1396 : vector<16xi32>
      %swap3A_1398 = arith.constant 32 : index
      %swap3A_1399 = tpu.vector_load %arg12[%swap3A_1398] {strides = array<i32>} : memref<256xi32, #tpu.memory_space<vmem>>, vector<16xi32>,
      tpu.vector_store %arg12[%swap3A_1398], %add3A_1397 {strides = array<i32>} : memref<256xi32, #tpu.memory_space<vmem>>, vector<16xi32>,
      %reduce_sum3A_1400 = arith.constant true
      %reduce_sum3A_1401 = vector.broadcast %reduce_sum3A_1400 : i1 to vector<16xi1>
      %reduce_sum3A_1402 = tpu.scan <sum>, %get3A_1391 masked %reduce_sum3A_1401 : vector<16xi32>, vector<16xi1> -> vector<16xi32>
      %reduce_sum3A_1403 = vector.extract %reduce_sum3A_1402[15] : i32 from vector<16xi32>
      %add3A_1404 = arith.addi %add3A_1389, %reduce_sum3A_1403 : i32
      %get3A_1405 = arith.constant 48 : index
      %get3A_1406 = tpu.vector_load %arg12[%get3A_1405] {strides = array<i32>} : memref<256xi32, #tpu.memory_space<vmem>>, vector<16xi32>,
      %cumsum3A_1407 = arith.constant true
      %cumsum3A_1408 = vector.broadcast %cumsum3A_1407 : i1 to vector<16xi1>
      %cumsum3A_1409 = tpu.scan <sum>, %get3A_1406 masked %cumsum3A_1408 : vector<16xi32>, vector<16xi1> -> vector<16xi32>
      %sub3A_1410 = arith.subi %cumsum3A_1409, %get3A_1406 : vector<16xi32>
      %add3A_1411 = vector.broadcast %add3A_1404 : i32 to vector<16xi32>
      %add3A_1412 = arith.addi %sub3A_1410, %add3A_1411 : vector<16xi32>
      %swap3A_1413 = arith.constant 48 : index
      %swap3A_1414 = tpu.vector_load %arg12[%swap3A_1413] {strides = array<i32>} : memref<256xi32, #tpu.memory_space<vmem>>, vector<16xi32>,
      tpu.vector_store %arg12[%swap3A_1413], %add3A_1412 {strides = array<i32>} : memref<256xi32, #tpu.memory_space<vmem>>, vector<16xi32>,
      %reduce_sum3A_1415 = arith.constant true
      %reduce_sum3A_1416 = vector.broadcast %reduce_sum3A_1415 : i1 to vector<16xi1>
      %reduce_sum3A_1417 = tpu.scan <sum>, %get3A_1406 masked %reduce_sum3A_1416 : vector<16xi32>, vector<16xi1> -> vector<16xi32>
      %reduce_sum3A_1418 = vector.extract %reduce_sum3A_1417[15] : i32 from vector<16xi32>
      %add3A_1419 = arith.addi %add3A_1404, %reduce_sum3A_1418 : i32
      %get3A_1420 = arith.constant 64 : index
      %get3A_1421 = tpu.vector_load %arg12[%get3A_1420] {strides = array<i32>} : memref<256xi32, #tpu.memory_space<vmem>>, vector<16xi32>,
      %cumsum3A_1422 = arith.constant true
      %cumsum3A_1423 = vector.broadcast %cumsum3A_1422 : i1 to vector<16xi1>
      %cumsum3A_1424 = tpu.scan <sum>, %get3A_1421 masked %cumsum3A_1423 : vector<16xi32>, vector<16xi1> -> vector<16xi32>
      %sub3A_1425 = arith.subi %cumsum3A_1424, %get3A_1421 : vector<16xi32>
      %add3A_1426 = vector.broadcast %add3A_1419 : i32 to vector<16xi32>
      %add3A_1427 = arith.addi %sub3A_1425, %add3A_1426 : vector<16xi32>
      %swap3A_1428 = arith.constant 64 : index
      %swap3A_1429 = tpu.vector_load %arg12[%swap3A_1428] {strides = array<i32>} : memref<256xi32, #tpu.memory_space<vmem>>, vector<16xi32>,
      tpu.vector_store %arg12[%swap3A_1428], %add3A_1427 {strides = array<i32>} : memref<256xi32, #tpu.memory_space<vmem>>, vector<16xi32>,
      %reduce_sum3A_1430 = arith.constant true
      %reduce_sum3A_1431 = vector.broadcast %reduce_sum3A_1430 : i1 to vector<16xi1>
      %reduce_sum3A_1432 = tpu.scan <sum>, %get3A_1421 masked %reduce_sum3A_1431 : vector<16xi32>, vector<16xi1> -> vector<16xi32>
      %reduce_sum3A_1433 = vector.extract %reduce_sum3A_1432[15] : i32 from vector<16xi32>
      %add3A_1434 = arith.addi %add3A_1419, %reduce_sum3A_1433 : i32
      %get3A_1435 = arith.constant 80 : index
      %get3A_1436 = tpu.vector_load %arg12[%get3A_1435] {strides = array<i32>} : memref<256xi32, #tpu.memory_space<vmem>>, vector<16xi32>,
      %cumsum3A_1437 = arith.constant true
      %cumsum3A_1438 = vector.broadcast %cumsum3A_1437 : i1 to vector<16xi1>
      %cumsum3A_1439 = tpu.scan <sum>, %get3A_1436 masked %cumsum3A_1438 : vector<16xi32>, vector<16xi1> -> vector<16xi32>
      %sub3A_1440 = arith.subi %cumsum3A_1439, %get3A_1436 : vector<16xi32>
      %add3A_1441 = vector.broadcast %add3A_1434 : i32 to vector<16xi32>
      %add3A_1442 = arith.addi %sub3A_1440, %add3A_1441 : vector<16xi32>
      %swap3A_1443 = arith.constant 80 : index
      %swap3A_1444 = tpu.vector_load %arg12[%swap3A_1443] {strides = array<i32>} : memref<256xi32, #tpu.memory_space<vmem>>, vector<16xi32>,
      tpu.vector_store %arg12[%swap3A_1443], %add3A_1442 {strides = array<i32>} : memref<256xi32, #tpu.memory_space<vmem>>, vector<16xi32>,
      %reduce_sum3A_1445 = arith.constant true
      %reduce_sum3A_1446 = vector.broadcast %reduce_sum3A_1445 : i1 to vector<16xi1>
      %reduce_sum3A_1447 = tpu.scan <sum>, %get3A_1436 masked %reduce_sum3A_1446 : vector<16xi32>, vector<16xi1> -> vector<16xi32>
      %reduce_sum3A_1448 = vector.extract %reduce_sum3A_1447[15] : i32 from vector<16xi32>
      %add3A_1449 = arith.addi %add3A_1434, %reduce_sum3A_1448 : i32
      %get3A_1450 = arith.constant 96 : index
      %get3A_1451 = tpu.vector_load %arg12[%get3A_1450] {strides = array<i32>} : memref<256xi32, #tpu.memory_space<vmem>>, vector<16xi32>,
      %cumsum3A_1452 = arith.constant true
      %cumsum3A_1453 = vector.broadcast %cumsum3A_1452 : i1 to vector<16xi1>
      %cumsum3A_1454 = tpu.scan <sum>, %get3A_1451 masked %cumsum3A_1453 : vector<16xi32>, vector<16xi1> -> vector<16xi32>
      %sub3A_1455 = arith.subi %cumsum3A_1454, %get3A_1451 : vector<16xi32>
      %add3A_1456 = vector.broadcast %add3A_1449 : i32 to vector<16xi32>
      %add3A_1457 = arith.addi %sub3A_1455, %add3A_1456 : vector<16xi32>
      %swap3A_1458 = arith.constant 96 : index
      %swap3A_1459 = tpu.vector_load %arg12[%swap3A_1458] {strides = array<i32>} : memref<256xi32, #tpu.memory_space<vmem>>, vector<16xi32>,
      tpu.vector_store %arg12[%swap3A_1458], %add3A_1457 {strides = array<i32>} : memref<256xi32, #tpu.memory_space<vmem>>, vector<16xi32>,
      %reduce_sum3A_1460 = arith.constant true
      %reduce_sum3A_1461 = vector.broadcast %reduce_sum3A_1460 : i1 to vector<16xi1>
      %reduce_sum3A_1462 = tpu.scan <sum>, %get3A_1451 masked %reduce_sum3A_1461 : vector<16xi32>, vector<16xi1> -> vector<16xi32>
      %reduce_sum3A_1463 = vector.extract %reduce_sum3A_1462[15] : i32 from vector<16xi32>
      %add3A_1464 = arith.addi %add3A_1449, %reduce_sum3A_1463 : i32
      %get3A_1465 = arith.constant 112 : index
      %get3A_1466 = tpu.vector_load %arg12[%get3A_1465] {strides = array<i32>} : memref<256xi32, #tpu.memory_space<vmem>>, vector<16xi32>,
      %cumsum3A_1467 = arith.constant true
      %cumsum3A_1468 = vector.broadcast %cumsum3A_1467 : i1 to vector<16xi1>
      %cumsum3A_1469 = tpu.scan <sum>, %get3A_1466 masked %cumsum3A_1468 : vector<16xi32>, vector<16xi1> -> vector<16xi32>
      %sub3A_1470 = arith.subi %cumsum3A_1469, %get3A_1466 : vector<16xi32>
      %add3A_1471 = vector.broadcast %add3A_1464 : i32 to vector<16xi32>
      %add3A_1472 = arith.addi %sub3A_1470, %add3A_1471 : vector<16xi32>
      %swap3A_1473 = arith.constant 112 : index
      %swap3A_1474 = tpu.vector_load %arg12[%swap3A_1473] {strides = array<i32>} : memref<256xi32, #tpu.memory_space<vmem>>, vector<16xi32>,
      tpu.vector_store %arg12[%swap3A_1473], %add3A_1472 {strides = array<i32>} : memref<256xi32, #tpu.memory_space<vmem>>, vector<16xi32>,
      %reduce_sum3A_1475 = arith.constant true
      %reduce_sum3A_1476 = vector.broadcast %reduce_sum3A_1475 : i1 to vector<16xi1>
      %reduce_sum3A_1477 = tpu.scan <sum>, %get3A_1466 masked %reduce_sum3A_1476 : vector<16xi32>, vector<16xi1> -> vector<16xi32>
      %reduce_sum3A_1478 = vector.extract %reduce_sum3A_1477[15] : i32 from vector<16xi32>
      %add3A_1479 = arith.addi %add3A_1464, %reduce_sum3A_1478 : i32
      %get3A_1480 = arith.constant 128 : index
      %get3A_1481 = tpu.vector_load %arg12[%get3A_1480] {strides = array<i32>} : memref<256xi32, #tpu.memory_space<vmem>>, vector<16xi32>,
      %cumsum3A_1482 = arith.constant true
      %cumsum3A_1483 = vector.broadcast %cumsum3A_1482 : i1 to vector<16xi1>
      %cumsum3A_1484 = tpu.scan <sum>, %get3A_1481 masked %cumsum3A_1483 : vector<16xi32>, vector<16xi1> -> vector<16xi32>
      %sub3A_1485 = arith.subi %cumsum3A_1484, %get3A_1481 : vector<16xi32>
      %add3A_1486 = vector.broadcast %add3A_1479 : i32 to vector<16xi32>
      %add3A_1487 = arith.addi %sub3A_1485, %add3A_1486 : vector<16xi32>
      %swap3A_1488 = arith.constant 128 : index
      %swap3A_1489 = tpu.vector_load %arg12[%swap3A_1488] {strides = array<i32>} : memref<256xi32, #tpu.memory_space<vmem>>, vector<16xi32>,
      tpu.vector_store %arg12[%swap3A_1488], %add3A_1487 {strides = array<i32>} : memref<256xi32, #tpu.memory_space<vmem>>, vector<16xi32>,
      %reduce_sum3A_1490 = arith.constant true
      %reduce_sum3A_1491 = vector.broadcast %reduce_sum3A_1490 : i1 to vector<16xi1>
      %reduce_sum3A_1492 = tpu.scan <sum>, %get3A_1481 masked %reduce_sum3A_1491 : vector<16xi32>, vector<16xi1> -> vector<16xi32>
      %reduce_sum3A_1493 = vector.extract %reduce_sum3A_1492[15] : i32 from vector<16xi32>
      %add3A_1494 = arith.addi %add3A_1479, %reduce_sum3A_1493 : i32
      %get3A_1495 = arith.constant 144 : index
      %get3A_1496 = tpu.vector_load %arg12[%get3A_1495] {strides = array<i32>} : memref<256xi32, #tpu.memory_space<vmem>>, vector<16xi32>,
      %cumsum3A_1497 = arith.constant true
      %cumsum3A_1498 = vector.broadcast %cumsum3A_1497 : i1 to vector<16xi1>
      %cumsum3A_1499 = tpu.scan <sum>, %get3A_1496 masked %cumsum3A_1498 : vector<16xi32>, vector<16xi1> -> vector<16xi32>
      %sub3A_1500 = arith.subi %cumsum3A_1499, %get3A_1496 : vector<16xi32>
      %add3A_1501 = vector.broadcast %add3A_1494 : i32 to vector<16xi32>
      %add3A_1502 = arith.addi %sub3A_1500, %add3A_1501 : vector<16xi32>
      %swap3A_1503 = arith.constant 144 : index
      %swap3A_1504 = tpu.vector_load %arg12[%swap3A_1503] {strides = array<i32>} : memref<256xi32, #tpu.memory_space<vmem>>, vector<16xi32>,
      tpu.vector_store %arg12[%swap3A_1503], %add3A_1502 {strides = array<i32>} : memref<256xi32, #tpu.memory_space<vmem>>, vector<16xi32>,
      %reduce_sum3A_1505 = arith.constant true
      %reduce_sum3A_1506 = vector.broadcast %reduce_sum3A_1505 : i1 to vector<16xi1>
      %reduce_sum3A_1507 = tpu.scan <sum>, %get3A_1496 masked %reduce_sum3A_1506 : vector<16xi32>, vector<16xi1> -> vector<16xi32>
      %reduce_sum3A_1508 = vector.extract %reduce_sum3A_1507[15] : i32 from vector<16xi32>
      %add3A_1509 = arith.addi %add3A_1494, %reduce_sum3A_1508 : i32
      %get3A_1510 = arith.constant 160 : index
      %get3A_1511 = tpu.vector_load %arg12[%get3A_1510] {strides = array<i32>} : memref<256xi32, #tpu.memory_space<vmem>>, vector<16xi32>,
      %cumsum3A_1512 = arith.constant true
      %cumsum3A_1513 = vector.broadcast %cumsum3A_1512 : i1 to vector<16xi1>
      %cumsum3A_1514 = tpu.scan <sum>, %get3A_1511 masked %cumsum3A_1513 : vector<16xi32>, vector<16xi1> -> vector<16xi32>
      %sub3A_1515 = arith.subi %cumsum3A_1514, %get3A_1511 : vector<16xi32>
      %add3A_1516 = vector.broadcast %add3A_1509 : i32 to vector<16xi32>
      %add3A_1517 = arith.addi %sub3A_1515, %add3A_1516 : vector<16xi32>
      %swap3A_1518 = arith.constant 160 : index
      %swap3A_1519 = tpu.vector_load %arg12[%swap3A_1518] {strides = array<i32>} : memref<256xi32, #tpu.memory_space<vmem>>, vector<16xi32>,
      tpu.vector_store %arg12[%swap3A_1518], %add3A_1517 {strides = array<i32>} : memref<256xi32, #tpu.memory_space<vmem>>, vector<16xi32>,
      %reduce_sum3A_1520 = arith.constant true
      %reduce_sum3A_1521 = vector.broadcast %reduce_sum3A_1520 : i1 to vector<16xi1>
      %reduce_sum3A_1522 = tpu.scan <sum>, %get3A_1511 masked %reduce_sum3A_1521 : vector<16xi32>, vector<16xi1> -> vector<16xi32>
      %reduce_sum3A_1523 = vector.extract %reduce_sum3A_1522[15] : i32 from vector<16xi32>
      %add3A_1524 = arith.addi %add3A_1509, %reduce_sum3A_1523 : i32
      %get3A_1525 = arith.constant 176 : index
      %get3A_1526 = tpu.vector_load %arg12[%get3A_1525] {strides = array<i32>} : memref<256xi32, #tpu.memory_space<vmem>>, vector<16xi32>,
      %cumsum3A_1527 = arith.constant true
      %cumsum3A_1528 = vector.broadcast %cumsum3A_1527 : i1 to vector<16xi1>
      %cumsum3A_1529 = tpu.scan <sum>, %get3A_1526 masked %cumsum3A_1528 : vector<16xi32>, vector<16xi1> -> vector<16xi32>
      %sub3A_1530 = arith.subi %cumsum3A_1529, %get3A_1526 : vector<16xi32>
      %add3A_1531 = vector.broadcast %add3A_1524 : i32 to vector<16xi32>
      %add3A_1532 = arith.addi %sub3A_1530, %add3A_1531 : vector<16xi32>
      %swap3A_1533 = arith.constant 176 : index
      %swap3A_1534 = tpu.vector_load %arg12[%swap3A_1533] {strides = array<i32>} : memref<256xi32, #tpu.memory_space<vmem>>, vector<16xi32>,
      tpu.vector_store %arg12[%swap3A_1533], %add3A_1532 {strides = array<i32>} : memref<256xi32, #tpu.memory_space<vmem>>, vector<16xi32>,
      %reduce_sum3A_1535 = arith.constant true
      %reduce_sum3A_1536 = vector.broadcast %reduce_sum3A_1535 : i1 to vector<16xi1>
      %reduce_sum3A_1537 = tpu.scan <sum>, %get3A_1526 masked %reduce_sum3A_1536 : vector<16xi32>, vector<16xi1> -> vector<16xi32>
      %reduce_sum3A_1538 = vector.extract %reduce_sum3A_1537[15] : i32 from vector<16xi32>
      %add3A_1539 = arith.addi %add3A_1524, %reduce_sum3A_1538 : i32
      %get3A_1540 = arith.constant 192 : index
      %get3A_1541 = tpu.vector_load %arg12[%get3A_1540] {strides = array<i32>} : memref<256xi32, #tpu.memory_space<vmem>>, vector<16xi32>,
      %cumsum3A_1542 = arith.constant true
      %cumsum3A_1543 = vector.broadcast %cumsum3A_1542 : i1 to vector<16xi1>
      %cumsum3A_1544 = tpu.scan <sum>, %get3A_1541 masked %cumsum3A_1543 : vector<16xi32>, vector<16xi1> -> vector<16xi32>
      %sub3A_1545 = arith.subi %cumsum3A_1544, %get3A_1541 : vector<16xi32>
      %add3A_1546 = vector.broadcast %add3A_1539 : i32 to vector<16xi32>
      %add3A_1547 = arith.addi %sub3A_1545, %add3A_1546 : vector<16xi32>
      %swap3A_1548 = arith.constant 192 : index
      %swap3A_1549 = tpu.vector_load %arg12[%swap3A_1548] {strides = array<i32>} : memref<256xi32, #tpu.memory_space<vmem>>, vector<16xi32>,
      tpu.vector_store %arg12[%swap3A_1548], %add3A_1547 {strides = array<i32>} : memref<256xi32, #tpu.memory_space<vmem>>, vector<16xi32>,
      %reduce_sum3A_1550 = arith.constant true
      %reduce_sum3A_1551 = vector.broadcast %reduce_sum3A_1550 : i1 to vector<16xi1>
      %reduce_sum3A_1552 = tpu.scan <sum>, %get3A_1541 masked %reduce_sum3A_1551 : vector<16xi32>, vector<16xi1> -> vector<16xi32>
      %reduce_sum3A_1553 = vector.extract %reduce_sum3A_1552[15] : i32 from vector<16xi32>
      %add3A_1554 = arith.addi %add3A_1539, %reduce_sum3A_1553 : i32
      %get3A_1555 = arith.constant 208 : index
      %get3A_1556 = tpu.vector_load %arg12[%get3A_1555] {strides = array<i32>} : memref<256xi32, #tpu.memory_space<vmem>>, vector<16xi32>,
      %cumsum3A_1557 = arith.constant true
      %cumsum3A_1558 = vector.broadcast %cumsum3A_1557 : i1 to vector<16xi1>
      %cumsum3A_1559 = tpu.scan <sum>, %get3A_1556 masked %cumsum3A_1558 : vector<16xi32>, vector<16xi1> -> vector<16xi32>
      %sub3A_1560 = arith.subi %cumsum3A_1559, %get3A_1556 : vector<16xi32>
      %add3A_1561 = vector.broadcast %add3A_1554 : i32 to vector<16xi32>
      %add3A_1562 = arith.addi %sub3A_1560, %add3A_1561 : vector<16xi32>
      %swap3A_1563 = arith.constant 208 : index
      %swap3A_1564 = tpu.vector_load %arg12[%swap3A_1563] {strides = array<i32>} : memref<256xi32, #tpu.memory_space<vmem>>, vector<16xi32>,
      tpu.vector_store %arg12[%swap3A_1563], %add3A_1562 {strides = array<i32>} : memref<256xi32, #tpu.memory_space<vmem>>, vector<16xi32>,
      %reduce_sum3A_1565 = arith.constant true
      %reduce_sum3A_1566 = vector.broadcast %reduce_sum3A_1565 : i1 to vector<16xi1>
      %reduce_sum3A_1567 = tpu.scan <sum>, %get3A_1556 masked %reduce_sum3A_1566 : vector<16xi32>, vector<16xi1> -> vector<16xi32>
      %reduce_sum3A_1568 = vector.extract %reduce_sum3A_1567[15] : i32 from vector<16xi32>
      %add3A_1569 = arith.addi %add3A_1554, %reduce_sum3A_1568 : i32
      %get3A_1570 = arith.constant 224 : index
      %get3A_1571 = tpu.vector_load %arg12[%get3A_1570] {strides = array<i32>} : memref<256xi32, #tpu.memory_space<vmem>>, vector<16xi32>,
      %cumsum3A_1572 = arith.constant true
      %cumsum3A_1573 = vector.broadcast %cumsum3A_1572 : i1 to vector<16xi1>
      %cumsum3A_1574 = tpu.scan <sum>, %get3A_1571 masked %cumsum3A_1573 : vector<16xi32>, vector<16xi1> -> vector<16xi32>
      %sub3A_1575 = arith.subi %cumsum3A_1574, %get3A_1571 : vector<16xi32>
      %add3A_1576 = vector.broadcast %add3A_1569 : i32 to vector<16xi32>
      %add3A_1577 = arith.addi %sub3A_1575, %add3A_1576 : vector<16xi32>
      %swap3A_1578 = arith.constant 224 : index
      %swap3A_1579 = tpu.vector_load %arg12[%swap3A_1578] {strides = array<i32>} : memref<256xi32, #tpu.memory_space<vmem>>, vector<16xi32>,
      tpu.vector_store %arg12[%swap3A_1578], %add3A_1577 {strides = array<i32>} : memref<256xi32, #tpu.memory_space<vmem>>, vector<16xi32>,
      %reduce_sum3A_1580 = arith.constant true
      %reduce_sum3A_1581 = vector.broadcast %reduce_sum3A_1580 : i1 to vector<16xi1>
      %reduce_sum3A_1582 = tpu.scan <sum>, %get3A_1571 masked %reduce_sum3A_1581 : vector<16xi32>, vector<16xi1> -> vector<16xi32>
      %reduce_sum3A_1583 = vector.extract %reduce_sum3A_1582[15] : i32 from vector<16xi32>
      %add3A_1584 = arith.addi %add3A_1569, %reduce_sum3A_1583 : i32
      %get3A_1585 = arith.constant 240 : index
      %get3A_1586 = tpu.vector_load %arg12[%get3A_1585] {strides = array<i32>} : memref<256xi32, #tpu.memory_space<vmem>>, vector<16xi32>,
      %cumsum3A_1587 = arith.constant true
      %cumsum3A_1588 = vector.broadcast %cumsum3A_1587 : i1 to vector<16xi1>
      %cumsum3A_1589 = tpu.scan <sum>, %get3A_1586 masked %cumsum3A_1588 : vector<16xi32>, vector<16xi1> -> vector<16xi32>
      %sub3A_1590 = arith.subi %cumsum3A_1589, %get3A_1586 : vector<16xi32>
      %add3A_1591 = vector.broadcast %add3A_1584 : i32 to vector<16xi32>
      %add3A_1592 = arith.addi %sub3A_1590, %add3A_1591 : vector<16xi32>
      %swap3A_1593 = arith.constant 240 : index
      %swap3A_1594 = tpu.vector_load %arg12[%swap3A_1593] {strides = array<i32>} : memref<256xi32, #tpu.memory_space<vmem>>, vector<16xi32>,
      tpu.vector_store %arg12[%swap3A_1593], %add3A_1592 {strides = array<i32>} : memref<256xi32, #tpu.memory_space<vmem>>, vector<16xi32>,
      %reduce_sum3A_1595 = arith.constant true
      %reduce_sum3A_1596 = vector.broadcast %reduce_sum3A_1595 : i1 to vector<16xi1>
      %reduce_sum3A_1597 = tpu.scan <sum>, %get3A_1586 masked %reduce_sum3A_1596 : vector<16xi32>, vector<16xi1> -> vector<16xi32>
      %reduce_sum3A_1598 = vector.extract %reduce_sum3A_1597[15] : i32 from vector<16xi32>
      %add3A_1599 = arith.addi %add3A_1584, %reduce_sum3A_1598 : i32
      %scan3A_1600 = arith.constant 0 : i32
      %scan3A_1601 = arith.constant 0 : i32
      %scan3A_1602 = arith.constant 16 : i32
      %scan3A_1603 = arith.addi %scan3A_1601, %scan3A_1602 : i32
      %scan3A_1604 = arith.constant 1 : i32
      %scan3A_1605 = scf.for %scan3A_2568 = %scan3A_1601 to %scan3A_1603 step %scan3A_1604 iter_args(%scan3A_2569 = %scan3A_1600) -> (i32)  : i32 {
        %mul3A_2570 = arith.constant 4 : i32
        %mul3A_2571 = arith.muli %scan3A_2568, %mul3A_2570 : i32
        %add3A_2572 = arith.constant 0 : i32
        %add3A_2573 = arith.addi %mul3A_2571, %add3A_2572 : i32
        %mul3A_2574 = arith.constant 16 : i32
        %mul3A_2575 = arith.muli %add3A_2573, %mul3A_2574 : i32
        %get3A_2576 = arith.index_cast %mul3A_2575 : i32 to index
        %get3A_2577 = tpu.vector_load %arg8[%get3A_2576] {strides = array<i32>} : memref<1024xi32, #tpu.memory_space<vmem>>, vector<16xi32>,
        %mul3A_2578 = arith.constant 16 : i32
        %mul3A_2579 = arith.muli %add3A_2573, %mul3A_2578 : i32
        %get3A_2580 = arith.index_cast %mul3A_2579 : i32 to index
        %get3A_2581 = tpu.vector_load %arg10[%get3A_2580] {strides = array<i32>} : memref<1024xi32, #tpu.memory_space<vmem>>, vector<16xi32>,
        %shift_right_arithmetic3A = arith.constant 16 : i32
        %shift_right_arithmetic3A_2582 = vector.broadcast %shift_right_arithmetic3A : i32 to vector<16xi32>
        %shift_right_arithmetic3A_2583 = arith.shrsi %get3A_2577, %shift_right_arithmetic3A_2582 : vector<16xi32>
        %and3A = arith.constant 15 : i32
        %and3A_2584 = vector.broadcast %and3A : i32 to vector<16xi32>
        %and3A_2585 = arith.andi %shift_right_arithmetic3A_2583, %and3A_2584 : vector<16xi32>
        %mul3A_2586 = arith.constant 16 : i32
        %mul3A_2587 = vector.broadcast %mul3A_2586 : i32 to vector<16xi32>
        %mul3A_2588 = arith.muli %and3A_2585, %mul3A_2587 : vector<16xi32>
        %add3A_2589 = arith.addi %mul3A_2588, %iota3A : vector<16xi32>
        %gather3A = tpu.vector_load_idx %arg12[%add3A_2589] : memref<256xi32, #tpu.memory_space<vmem>>[vector<16xi32>], vector<16xi32>,
        tpu.vector_store_idx %arg12[%add3A_2589], %broadcast_in_dim3A_0 {add = true} : memref<256xi32, #tpu.memory_space<vmem>>[vector<16xi32>], vector<16xi32>,
        %and3A_2590 = arith.constant 63 : i32
        %and3A_2591 = vector.broadcast %and3A_2590 : i32 to vector<16xi32>
        %and3A_2592 = arith.andi %gather3A, %and3A_2591 : vector<16xi32>
        %mul3A_2593 = arith.constant 16 : i32
        %mul3A_2594 = vector.broadcast %mul3A_2593 : i32 to vector<16xi32>
        %mul3A_2595 = arith.muli %and3A_2592, %mul3A_2594 : vector<16xi32>
        %shift_right_arithmetic3A_2596 = arith.constant 6 : i32
        %shift_right_arithmetic3A_2597 = vector.broadcast %shift_right_arithmetic3A_2596 : i32 to vector<16xi32>
        %shift_right_arithmetic3A_2598 = arith.shrsi %gather3A, %shift_right_arithmetic3A_2597 : vector<16xi32>
        %add3A_2599 = arith.addi %mul3A_2595, %shift_right_arithmetic3A_2598 : vector<16xi32>
        tpu.vector_store_idx %arg9[%add3A_2599], %get3A_2577 : memref<1024xi32, #tpu.memory_space<vmem>>[vector<16xi32>], vector<16xi32>,
        tpu.vector_store_idx %arg11[%add3A_2599], %get3A_2581 : memref<1024xi32, #tpu.memory_space<vmem>>[vector<16xi32>], vector<16xi32>,
        %mul3A_2600 = arith.constant 4 : i32
        %mul3A_2601 = arith.muli %scan3A_2568, %mul3A_2600 : i32
        %add3A_2602 = arith.constant 1 : i32
        %add3A_2603 = arith.addi %mul3A_2601, %add3A_2602 : i32
        %mul3A_2604 = arith.constant 16 : i32
        %mul3A_2605 = arith.muli %add3A_2603, %mul3A_2604 : i32
        %get3A_2606 = arith.index_cast %mul3A_2605 : i32 to index
        %get3A_2607 = tpu.vector_load %arg8[%get3A_2606] {strides = array<i32>} : memref<1024xi32, #tpu.memory_space<vmem>>, vector<16xi32>,
        %mul3A_2608 = arith.constant 16 : i32
        %mul3A_2609 = arith.muli %add3A_2603, %mul3A_2608 : i32
        %get3A_2610 = arith.index_cast %mul3A_2609 : i32 to index
        %get3A_2611 = tpu.vector_load %arg10[%get3A_2610] {strides = array<i32>} : memref<1024xi32, #tpu.memory_space<vmem>>, vector<16xi32>,
        %shift_right_arithmetic3A_2612 = arith.constant 16 : i32
        %shift_right_arithmetic3A_2613 = vector.broadcast %shift_right_arithmetic3A_2612 : i32 to vector<16xi32>
        %shift_right_arithmetic3A_2614 = arith.shrsi %get3A_2607, %shift_right_arithmetic3A_2613 : vector<16xi32>
        %and3A_2615 = arith.constant 15 : i32
        %and3A_2616 = vector.broadcast %and3A_2615 : i32 to vector<16xi32>
        %and3A_2617 = arith.andi %shift_right_arithmetic3A_2614, %and3A_2616 : vector<16xi32>
        %mul3A_2618 = arith.constant 16 : i32
        %mul3A_2619 = vector.broadcast %mul3A_2618 : i32 to vector<16xi32>
        %mul3A_2620 = arith.muli %and3A_2617, %mul3A_2619 : vector<16xi32>
        %add3A_2621 = arith.addi %mul3A_2620, %iota3A : vector<16xi32>
        %gather3A_2622 = tpu.vector_load_idx %arg12[%add3A_2621] : memref<256xi32, #tpu.memory_space<vmem>>[vector<16xi32>], vector<16xi32>,
        tpu.vector_store_idx %arg12[%add3A_2621], %broadcast_in_dim3A_0 {add = true} : memref<256xi32, #tpu.memory_space<vmem>>[vector<16xi32>], vector<16xi32>,
        %and3A_2623 = arith.constant 63 : i32
        %and3A_2624 = vector.broadcast %and3A_2623 : i32 to vector<16xi32>
        %and3A_2625 = arith.andi %gather3A_2622, %and3A_2624 : vector<16xi32>
        %mul3A_2626 = arith.constant 16 : i32
        %mul3A_2627 = vector.broadcast %mul3A_2626 : i32 to vector<16xi32>
        %mul3A_2628 = arith.muli %and3A_2625, %mul3A_2627 : vector<16xi32>
        %shift_right_arithmetic3A_2629 = arith.constant 6 : i32
        %shift_right_arithmetic3A_2630 = vector.broadcast %shift_right_arithmetic3A_2629 : i32 to vector<16xi32>
        %shift_right_arithmetic3A_2631 = arith.shrsi %gather3A_2622, %shift_right_arithmetic3A_2630 : vector<16xi32>
        %add3A_2632 = arith.addi %mul3A_2628, %shift_right_arithmetic3A_2631 : vector<16xi32>
        tpu.vector_store_idx %arg9[%add3A_2632], %get3A_2607 : memref<1024xi32, #tpu.memory_space<vmem>>[vector<16xi32>], vector<16xi32>,
        tpu.vector_store_idx %arg11[%add3A_2632], %get3A_2611 : memref<1024xi32, #tpu.memory_space<vmem>>[vector<16xi32>], vector<16xi32>,
        %mul3A_2633 = arith.constant 4 : i32
        %mul3A_2634 = arith.muli %scan3A_2568, %mul3A_2633 : i32
        %add3A_2635 = arith.constant 2 : i32
        %add3A_2636 = arith.addi %mul3A_2634, %add3A_2635 : i32
        %mul3A_2637 = arith.constant 16 : i32
        %mul3A_2638 = arith.muli %add3A_2636, %mul3A_2637 : i32
        %get3A_2639 = arith.index_cast %mul3A_2638 : i32 to index
        %get3A_2640 = tpu.vector_load %arg8[%get3A_2639] {strides = array<i32>} : memref<1024xi32, #tpu.memory_space<vmem>>, vector<16xi32>,
        %mul3A_2641 = arith.constant 16 : i32
        %mul3A_2642 = arith.muli %add3A_2636, %mul3A_2641 : i32
        %get3A_2643 = arith.index_cast %mul3A_2642 : i32 to index
        %get3A_2644 = tpu.vector_load %arg10[%get3A_2643] {strides = array<i32>} : memref<1024xi32, #tpu.memory_space<vmem>>, vector<16xi32>,
        %shift_right_arithmetic3A_2645 = arith.constant 16 : i32
        %shift_right_arithmetic3A_2646 = vector.broadcast %shift_right_arithmetic3A_2645 : i32 to vector<16xi32>
        %shift_right_arithmetic3A_2647 = arith.shrsi %get3A_2640, %shift_right_arithmetic3A_2646 : vector<16xi32>
        %and3A_2648 = arith.constant 15 : i32
        %and3A_2649 = vector.broadcast %and3A_2648 : i32 to vector<16xi32>
        %and3A_2650 = arith.andi %shift_right_arithmetic3A_2647, %and3A_2649 : vector<16xi32>
        %mul3A_2651 = arith.constant 16 : i32
        %mul3A_2652 = vector.broadcast %mul3A_2651 : i32 to vector<16xi32>
        %mul3A_2653 = arith.muli %and3A_2650, %mul3A_2652 : vector<16xi32>
        %add3A_2654 = arith.addi %mul3A_2653, %iota3A : vector<16xi32>
        %gather3A_2655 = tpu.vector_load_idx %arg12[%add3A_2654] : memref<256xi32, #tpu.memory_space<vmem>>[vector<16xi32>], vector<16xi32>,
        tpu.vector_store_idx %arg12[%add3A_2654], %broadcast_in_dim3A_0 {add = true} : memref<256xi32, #tpu.memory_space<vmem>>[vector<16xi32>], vector<16xi32>,
        %and3A_2656 = arith.constant 63 : i32
        %and3A_2657 = vector.broadcast %and3A_2656 : i32 to vector<16xi32>
        %and3A_2658 = arith.andi %gather3A_2655, %and3A_2657 : vector<16xi32>
        %mul3A_2659 = arith.constant 16 : i32
        %mul3A_2660 = vector.broadcast %mul3A_2659 : i32 to vector<16xi32>
        %mul3A_2661 = arith.muli %and3A_2658, %mul3A_2660 : vector<16xi32>
        %shift_right_arithmetic3A_2662 = arith.constant 6 : i32
        %shift_right_arithmetic3A_2663 = vector.broadcast %shift_right_arithmetic3A_2662 : i32 to vector<16xi32>
        %shift_right_arithmetic3A_2664 = arith.shrsi %gather3A_2655, %shift_right_arithmetic3A_2663 : vector<16xi32>
        %add3A_2665 = arith.addi %mul3A_2661, %shift_right_arithmetic3A_2664 : vector<16xi32>
        tpu.vector_store_idx %arg9[%add3A_2665], %get3A_2640 : memref<1024xi32, #tpu.memory_space<vmem>>[vector<16xi32>], vector<16xi32>,
        tpu.vector_store_idx %arg11[%add3A_2665], %get3A_2644 : memref<1024xi32, #tpu.memory_space<vmem>>[vector<16xi32>], vector<16xi32>,
        %mul3A_2666 = arith.constant 4 : i32
        %mul3A_2667 = arith.muli %scan3A_2568, %mul3A_2666 : i32
        %add3A_2668 = arith.constant 3 : i32
        %add3A_2669 = arith.addi %mul3A_2667, %add3A_2668 : i32
        %mul3A_2670 = arith.constant 16 : i32
        %mul3A_2671 = arith.muli %add3A_2669, %mul3A_2670 : i32
        %get3A_2672 = arith.index_cast %mul3A_2671 : i32 to index
        %get3A_2673 = tpu.vector_load %arg8[%get3A_2672] {strides = array<i32>} : memref<1024xi32, #tpu.memory_space<vmem>>, vector<16xi32>,
        %mul3A_2674 = arith.constant 16 : i32
        %mul3A_2675 = arith.muli %add3A_2669, %mul3A_2674 : i32
        %get3A_2676 = arith.index_cast %mul3A_2675 : i32 to index
        %get3A_2677 = tpu.vector_load %arg10[%get3A_2676] {strides = array<i32>} : memref<1024xi32, #tpu.memory_space<vmem>>, vector<16xi32>,
        %shift_right_arithmetic3A_2678 = arith.constant 16 : i32
        %shift_right_arithmetic3A_2679 = vector.broadcast %shift_right_arithmetic3A_2678 : i32 to vector<16xi32>
        %shift_right_arithmetic3A_2680 = arith.shrsi %get3A_2673, %shift_right_arithmetic3A_2679 : vector<16xi32>
        %and3A_2681 = arith.constant 15 : i32
        %and3A_2682 = vector.broadcast %and3A_2681 : i32 to vector<16xi32>
        %and3A_2683 = arith.andi %shift_right_arithmetic3A_2680, %and3A_2682 : vector<16xi32>
        %mul3A_2684 = arith.constant 16 : i32
        %mul3A_2685 = vector.broadcast %mul3A_2684 : i32 to vector<16xi32>
        %mul3A_2686 = arith.muli %and3A_2683, %mul3A_2685 : vector<16xi32>
        %add3A_2687 = arith.addi %mul3A_2686, %iota3A : vector<16xi32>
        %gather3A_2688 = tpu.vector_load_idx %arg12[%add3A_2687] : memref<256xi32, #tpu.memory_space<vmem>>[vector<16xi32>], vector<16xi32>,
        tpu.vector_store_idx %arg12[%add3A_2687], %broadcast_in_dim3A_0 {add = true} : memref<256xi32, #tpu.memory_space<vmem>>[vector<16xi32>], vector<16xi32>,
        %and3A_2689 = arith.constant 63 : i32
        %and3A_2690 = vector.broadcast %and3A_2689 : i32 to vector<16xi32>
        %and3A_2691 = arith.andi %gather3A_2688, %and3A_2690 : vector<16xi32>
        %mul3A_2692 = arith.constant 16 : i32
        %mul3A_2693 = vector.broadcast %mul3A_2692 : i32 to vector<16xi32>
        %mul3A_2694 = arith.muli %and3A_2691, %mul3A_2693 : vector<16xi32>
        %shift_right_arithmetic3A_2695 = arith.constant 6 : i32
        %shift_right_arithmetic3A_2696 = vector.broadcast %shift_right_arithmetic3A_2695 : i32 to vector<16xi32>
        %shift_right_arithmetic3A_2697 = arith.shrsi %gather3A_2688, %shift_right_arithmetic3A_2696 : vector<16xi32>
        %add3A_2698 = arith.addi %mul3A_2694, %shift_right_arithmetic3A_2697 : vector<16xi32>
        tpu.vector_store_idx %arg9[%add3A_2698], %get3A_2673 : memref<1024xi32, #tpu.memory_space<vmem>>[vector<16xi32>], vector<16xi32>,
        tpu.vector_store_idx %arg11[%add3A_2698], %get3A_2677 : memref<1024xi32, #tpu.memory_space<vmem>>[vector<16xi32>], vector<16xi32>,
        %scan3A_2699 = arith.constant 0 : i32
        scf.yield %scan3A_2699 : i32
      }
      %scan3A_1606 = arith.constant 16 : i32
      %broadcast_in_dim3A_1607 = arith.constant 0 : i32
      %broadcast_in_dim3A_1608 = vector.broadcast %broadcast_in_dim3A_1607 : i32 to vector<16xi32>
      %swap3A_1609 = arith.constant 0 : index
      %swap3A_1610 = tpu.vector_load %arg12[%swap3A_1609] {strides = array<i32>} : memref<256xi32, #tpu.memory_space<vmem>>, vector<16xi32>,
      tpu.vector_store %arg12[%swap3A_1609], %broadcast_in_dim3A_1608 {strides = array<i32>} : memref<256xi32, #tpu.memory_space<vmem>>, vector<16xi32>,
      %broadcast_in_dim3A_1611 = arith.constant 0 : i32
      %broadcast_in_dim3A_1612 = vector.broadcast %broadcast_in_dim3A_1611 : i32 to vector<16xi32>
      %swap3A_1613 = arith.constant 16 : index
      %swap3A_1614 = tpu.vector_load %arg12[%swap3A_1613] {strides = array<i32>} : memref<256xi32, #tpu.memory_space<vmem>>, vector<16xi32>,
      tpu.vector_store %arg12[%swap3A_1613], %broadcast_in_dim3A_1612 {strides = array<i32>} : memref<256xi32, #tpu.memory_space<vmem>>, vector<16xi32>,
      %broadcast_in_dim3A_1615 = arith.constant 0 : i32
      %broadcast_in_dim3A_1616 = vector.broadcast %broadcast_in_dim3A_1615 : i32 to vector<16xi32>
      %swap3A_1617 = arith.constant 32 : index
      %swap3A_1618 = tpu.vector_load %arg12[%swap3A_1617] {strides = array<i32>} : memref<256xi32, #tpu.memory_space<vmem>>, vector<16xi32>,
      tpu.vector_store %arg12[%swap3A_1617], %broadcast_in_dim3A_1616 {strides = array<i32>} : memref<256xi32, #tpu.memory_space<vmem>>, vector<16xi32>,
      %broadcast_in_dim3A_1619 = arith.constant 0 : i32
      %broadcast_in_dim3A_1620 = vector.broadcast %broadcast_in_dim3A_1619 : i32 to vector<16xi32>
      %swap3A_1621 = arith.constant 48 : index
      %swap3A_1622 = tpu.vector_load %arg12[%swap3A_1621] {strides = array<i32>} : memref<256xi32, #tpu.memory_space<vmem>>, vector<16xi32>,
      tpu.vector_store %arg12[%swap3A_1621], %broadcast_in_dim3A_1620 {strides = array<i32>} : memref<256xi32, #tpu.memory_space<vmem>>, vector<16xi32>,
      %broadcast_in_dim3A_1623 = arith.constant 0 : i32
      %broadcast_in_dim3A_1624 = vector.broadcast %broadcast_in_dim3A_1623 : i32 to vector<16xi32>
      %swap3A_1625 = arith.constant 64 : index
      %swap3A_1626 = tpu.vector_load %arg12[%swap3A_1625] {strides = array<i32>} : memref<256xi32, #tpu.memory_space<vmem>>, vector<16xi32>,
      tpu.vector_store %arg12[%swap3A_1625], %broadcast_in_dim3A_1624 {strides = array<i32>} : memref<256xi32, #tpu.memory_space<vmem>>, vector<16xi32>,
      %broadcast_in_dim3A_1627 = arith.constant 0 : i32
      %broadcast_in_dim3A_1628 = vector.broadcast %broadcast_in_dim3A_1627 : i32 to vector<16xi32>
      %swap3A_1629 = arith.constant 80 : index
      %swap3A_1630 = tpu.vector_load %arg12[%swap3A_1629] {strides = array<i32>} : memref<256xi32, #tpu.memory_space<vmem>>, vector<16xi32>,
      tpu.vector_store %arg12[%swap3A_1629], %broadcast_in_dim3A_1628 {strides = array<i32>} : memref<256xi32, #tpu.memory_space<vmem>>, vector<16xi32>,
      %broadcast_in_dim3A_1631 = arith.constant 0 : i32
      %broadcast_in_dim3A_1632 = vector.broadcast %broadcast_in_dim3A_1631 : i32 to vector<16xi32>
      %swap3A_1633 = arith.constant 96 : index
      %swap3A_1634 = tpu.vector_load %arg12[%swap3A_1633] {strides = array<i32>} : memref<256xi32, #tpu.memory_space<vmem>>, vector<16xi32>,
      tpu.vector_store %arg12[%swap3A_1633], %broadcast_in_dim3A_1632 {strides = array<i32>} : memref<256xi32, #tpu.memory_space<vmem>>, vector<16xi32>,
      %broadcast_in_dim3A_1635 = arith.constant 0 : i32
      %broadcast_in_dim3A_1636 = vector.broadcast %broadcast_in_dim3A_1635 : i32 to vector<16xi32>
      %swap3A_1637 = arith.constant 112 : index
      %swap3A_1638 = tpu.vector_load %arg12[%swap3A_1637] {strides = array<i32>} : memref<256xi32, #tpu.memory_space<vmem>>, vector<16xi32>,
      tpu.vector_store %arg12[%swap3A_1637], %broadcast_in_dim3A_1636 {strides = array<i32>} : memref<256xi32, #tpu.memory_space<vmem>>, vector<16xi32>,
      %broadcast_in_dim3A_1639 = arith.constant 0 : i32
      %broadcast_in_dim3A_1640 = vector.broadcast %broadcast_in_dim3A_1639 : i32 to vector<16xi32>
      %swap3A_1641 = arith.constant 128 : index
      %swap3A_1642 = tpu.vector_load %arg12[%swap3A_1641] {strides = array<i32>} : memref<256xi32, #tpu.memory_space<vmem>>, vector<16xi32>,
      tpu.vector_store %arg12[%swap3A_1641], %broadcast_in_dim3A_1640 {strides = array<i32>} : memref<256xi32, #tpu.memory_space<vmem>>, vector<16xi32>,
      %broadcast_in_dim3A_1643 = arith.constant 0 : i32
      %broadcast_in_dim3A_1644 = vector.broadcast %broadcast_in_dim3A_1643 : i32 to vector<16xi32>
      %swap3A_1645 = arith.constant 144 : index
      %swap3A_1646 = tpu.vector_load %arg12[%swap3A_1645] {strides = array<i32>} : memref<256xi32, #tpu.memory_space<vmem>>, vector<16xi32>,
      tpu.vector_store %arg12[%swap3A_1645], %broadcast_in_dim3A_1644 {strides = array<i32>} : memref<256xi32, #tpu.memory_space<vmem>>, vector<16xi32>,
      %broadcast_in_dim3A_1647 = arith.constant 0 : i32
      %broadcast_in_dim3A_1648 = vector.broadcast %broadcast_in_dim3A_1647 : i32 to vector<16xi32>
      %swap3A_1649 = arith.constant 160 : index
      %swap3A_1650 = tpu.vector_load %arg12[%swap3A_1649] {strides = array<i32>} : memref<256xi32, #tpu.memory_space<vmem>>, vector<16xi32>,
      tpu.vector_store %arg12[%swap3A_1649], %broadcast_in_dim3A_1648 {strides = array<i32>} : memref<256xi32, #tpu.memory_space<vmem>>, vector<16xi32>,
      %broadcast_in_dim3A_1651 = arith.constant 0 : i32
      %broadcast_in_dim3A_1652 = vector.broadcast %broadcast_in_dim3A_1651 : i32 to vector<16xi32>
      %swap3A_1653 = arith.constant 176 : index
      %swap3A_1654 = tpu.vector_load %arg12[%swap3A_1653] {strides = array<i32>} : memref<256xi32, #tpu.memory_space<vmem>>, vector<16xi32>,
      tpu.vector_store %arg12[%swap3A_1653], %broadcast_in_dim3A_1652 {strides = array<i32>} : memref<256xi32, #tpu.memory_space<vmem>>, vector<16xi32>,
      %broadcast_in_dim3A_1655 = arith.constant 0 : i32
      %broadcast_in_dim3A_1656 = vector.broadcast %broadcast_in_dim3A_1655 : i32 to vector<16xi32>
      %swap3A_1657 = arith.constant 192 : index
      %swap3A_1658 = tpu.vector_load %arg12[%swap3A_1657] {strides = array<i32>} : memref<256xi32, #tpu.memory_space<vmem>>, vector<16xi32>,
      tpu.vector_store %arg12[%swap3A_1657], %broadcast_in_dim3A_1656 {strides = array<i32>} : memref<256xi32, #tpu.memory_space<vmem>>, vector<16xi32>,
      %broadcast_in_dim3A_1659 = arith.constant 0 : i32
      %broadcast_in_dim3A_1660 = vector.broadcast %broadcast_in_dim3A_1659 : i32 to vector<16xi32>
      %swap3A_1661 = arith.constant 208 : index
      %swap3A_1662 = tpu.vector_load %arg12[%swap3A_1661] {strides = array<i32>} : memref<256xi32, #tpu.memory_space<vmem>>, vector<16xi32>,
      tpu.vector_store %arg12[%swap3A_1661], %broadcast_in_dim3A_1660 {strides = array<i32>} : memref<256xi32, #tpu.memory_space<vmem>>, vector<16xi32>,
      %broadcast_in_dim3A_1663 = arith.constant 0 : i32
      %broadcast_in_dim3A_1664 = vector.broadcast %broadcast_in_dim3A_1663 : i32 to vector<16xi32>
      %swap3A_1665 = arith.constant 224 : index
      %swap3A_1666 = tpu.vector_load %arg12[%swap3A_1665] {strides = array<i32>} : memref<256xi32, #tpu.memory_space<vmem>>, vector<16xi32>,
      tpu.vector_store %arg12[%swap3A_1665], %broadcast_in_dim3A_1664 {strides = array<i32>} : memref<256xi32, #tpu.memory_space<vmem>>, vector<16xi32>,
      %broadcast_in_dim3A_1667 = arith.constant 0 : i32
      %broadcast_in_dim3A_1668 = vector.broadcast %broadcast_in_dim3A_1667 : i32 to vector<16xi32>
      %swap3A_1669 = arith.constant 240 : index
      %swap3A_1670 = tpu.vector_load %arg12[%swap3A_1669] {strides = array<i32>} : memref<256xi32, #tpu.memory_space<vmem>>, vector<16xi32>,
      tpu.vector_store %arg12[%swap3A_1669], %broadcast_in_dim3A_1668 {strides = array<i32>} : memref<256xi32, #tpu.memory_space<vmem>>, vector<16xi32>,
      %scan3A_1671 = arith.constant 0 : i32
      %scan3A_1672 = arith.constant 0 : i32
      %scan3A_1673 = arith.constant 16 : i32
      %scan3A_1674 = arith.addi %scan3A_1672, %scan3A_1673 : i32
      %scan3A_1675 = arith.constant 1 : i32
      %scan3A_1676 = scf.for %scan3A_2568 = %scan3A_1672 to %scan3A_1674 step %scan3A_1675 iter_args(%scan3A_2569 = %scan3A_1671) -> (i32)  : i32 {
        %mul3A_2570 = arith.constant 4 : i32
        %mul3A_2571 = arith.muli %scan3A_2568, %mul3A_2570 : i32
        %add3A_2572 = arith.constant 0 : i32
        %add3A_2573 = arith.addi %mul3A_2571, %add3A_2572 : i32
        %mul3A_2574 = arith.constant 16 : i32
        %mul3A_2575 = arith.muli %add3A_2573, %mul3A_2574 : i32
        %get3A_2576 = arith.index_cast %mul3A_2575 : i32 to index
        %get3A_2577 = tpu.vector_load %arg9[%get3A_2576] {strides = array<i32>} : memref<1024xi32, #tpu.memory_space<vmem>>, vector<16xi32>,
        %shift_right_arithmetic3A = arith.constant 20 : i32
        %shift_right_arithmetic3A_2578 = vector.broadcast %shift_right_arithmetic3A : i32 to vector<16xi32>
        %shift_right_arithmetic3A_2579 = arith.shrsi %get3A_2577, %shift_right_arithmetic3A_2578 : vector<16xi32>
        %and3A = arith.constant 15 : i32
        %and3A_2580 = vector.broadcast %and3A : i32 to vector<16xi32>
        %and3A_2581 = arith.andi %shift_right_arithmetic3A_2579, %and3A_2580 : vector<16xi32>
        %mul3A_2582 = arith.constant 16 : i32
        %mul3A_2583 = vector.broadcast %mul3A_2582 : i32 to vector<16xi32>
        %mul3A_2584 = arith.muli %and3A_2581, %mul3A_2583 : vector<16xi32>
        %add3A_2585 = arith.addi %mul3A_2584, %iota3A : vector<16xi32>
        tpu.vector_store_idx %arg12[%add3A_2585], %broadcast_in_dim3A_0 {add = true} : memref<256xi32, #tpu.memory_space<vmem>>[vector<16xi32>], vector<16xi32>,
        %mul3A_2586 = arith.constant 4 : i32
        %mul3A_2587 = arith.muli %scan3A_2568, %mul3A_2586 : i32
        %add3A_2588 = arith.constant 1 : i32
        %add3A_2589 = arith.addi %mul3A_2587, %add3A_2588 : i32
        %mul3A_2590 = arith.constant 16 : i32
        %mul3A_2591 = arith.muli %add3A_2589, %mul3A_2590 : i32
        %get3A_2592 = arith.index_cast %mul3A_2591 : i32 to index
        %get3A_2593 = tpu.vector_load %arg9[%get3A_2592] {strides = array<i32>} : memref<1024xi32, #tpu.memory_space<vmem>>, vector<16xi32>,
        %shift_right_arithmetic3A_2594 = arith.constant 20 : i32
        %shift_right_arithmetic3A_2595 = vector.broadcast %shift_right_arithmetic3A_2594 : i32 to vector<16xi32>
        %shift_right_arithmetic3A_2596 = arith.shrsi %get3A_2593, %shift_right_arithmetic3A_2595 : vector<16xi32>
        %and3A_2597 = arith.constant 15 : i32
        %and3A_2598 = vector.broadcast %and3A_2597 : i32 to vector<16xi32>
        %and3A_2599 = arith.andi %shift_right_arithmetic3A_2596, %and3A_2598 : vector<16xi32>
        %mul3A_2600 = arith.constant 16 : i32
        %mul3A_2601 = vector.broadcast %mul3A_2600 : i32 to vector<16xi32>
        %mul3A_2602 = arith.muli %and3A_2599, %mul3A_2601 : vector<16xi32>
        %add3A_2603 = arith.addi %mul3A_2602, %iota3A : vector<16xi32>
        tpu.vector_store_idx %arg12[%add3A_2603], %broadcast_in_dim3A_0 {add = true} : memref<256xi32, #tpu.memory_space<vmem>>[vector<16xi32>], vector<16xi32>,
        %mul3A_2604 = arith.constant 4 : i32
        %mul3A_2605 = arith.muli %scan3A_2568, %mul3A_2604 : i32
        %add3A_2606 = arith.constant 2 : i32
        %add3A_2607 = arith.addi %mul3A_2605, %add3A_2606 : i32
        %mul3A_2608 = arith.constant 16 : i32
        %mul3A_2609 = arith.muli %add3A_2607, %mul3A_2608 : i32
        %get3A_2610 = arith.index_cast %mul3A_2609 : i32 to index
        %get3A_2611 = tpu.vector_load %arg9[%get3A_2610] {strides = array<i32>} : memref<1024xi32, #tpu.memory_space<vmem>>, vector<16xi32>,
        %shift_right_arithmetic3A_2612 = arith.constant 20 : i32
        %shift_right_arithmetic3A_2613 = vector.broadcast %shift_right_arithmetic3A_2612 : i32 to vector<16xi32>
        %shift_right_arithmetic3A_2614 = arith.shrsi %get3A_2611, %shift_right_arithmetic3A_2613 : vector<16xi32>
        %and3A_2615 = arith.constant 15 : i32
        %and3A_2616 = vector.broadcast %and3A_2615 : i32 to vector<16xi32>
        %and3A_2617 = arith.andi %shift_right_arithmetic3A_2614, %and3A_2616 : vector<16xi32>
        %mul3A_2618 = arith.constant 16 : i32
        %mul3A_2619 = vector.broadcast %mul3A_2618 : i32 to vector<16xi32>
        %mul3A_2620 = arith.muli %and3A_2617, %mul3A_2619 : vector<16xi32>
        %add3A_2621 = arith.addi %mul3A_2620, %iota3A : vector<16xi32>
        tpu.vector_store_idx %arg12[%add3A_2621], %broadcast_in_dim3A_0 {add = true} : memref<256xi32, #tpu.memory_space<vmem>>[vector<16xi32>], vector<16xi32>,
        %mul3A_2622 = arith.constant 4 : i32
        %mul3A_2623 = arith.muli %scan3A_2568, %mul3A_2622 : i32
        %add3A_2624 = arith.constant 3 : i32
        %add3A_2625 = arith.addi %mul3A_2623, %add3A_2624 : i32
        %mul3A_2626 = arith.constant 16 : i32
        %mul3A_2627 = arith.muli %add3A_2625, %mul3A_2626 : i32
        %get3A_2628 = arith.index_cast %mul3A_2627 : i32 to index
        %get3A_2629 = tpu.vector_load %arg9[%get3A_2628] {strides = array<i32>} : memref<1024xi32, #tpu.memory_space<vmem>>, vector<16xi32>,
        %shift_right_arithmetic3A_2630 = arith.constant 20 : i32
        %shift_right_arithmetic3A_2631 = vector.broadcast %shift_right_arithmetic3A_2630 : i32 to vector<16xi32>
        %shift_right_arithmetic3A_2632 = arith.shrsi %get3A_2629, %shift_right_arithmetic3A_2631 : vector<16xi32>
        %and3A_2633 = arith.constant 15 : i32
        %and3A_2634 = vector.broadcast %and3A_2633 : i32 to vector<16xi32>
        %and3A_2635 = arith.andi %shift_right_arithmetic3A_2632, %and3A_2634 : vector<16xi32>
        %mul3A_2636 = arith.constant 16 : i32
        %mul3A_2637 = vector.broadcast %mul3A_2636 : i32 to vector<16xi32>
        %mul3A_2638 = arith.muli %and3A_2635, %mul3A_2637 : vector<16xi32>
        %add3A_2639 = arith.addi %mul3A_2638, %iota3A : vector<16xi32>
        tpu.vector_store_idx %arg12[%add3A_2639], %broadcast_in_dim3A_0 {add = true} : memref<256xi32, #tpu.memory_space<vmem>>[vector<16xi32>], vector<16xi32>,
        %scan3A_2640 = arith.constant 0 : i32
        scf.yield %scan3A_2640 : i32
      }
      %scan3A_1677 = arith.constant 16 : i32
      %get3A_1678 = arith.constant 0 : index
      %get3A_1679 = tpu.vector_load %arg12[%get3A_1678] {strides = array<i32>} : memref<256xi32, #tpu.memory_space<vmem>>, vector<16xi32>,
      %cumsum3A_1680 = arith.constant true
      %cumsum3A_1681 = vector.broadcast %cumsum3A_1680 : i1 to vector<16xi1>
      %cumsum3A_1682 = tpu.scan <sum>, %get3A_1679 masked %cumsum3A_1681 : vector<16xi32>, vector<16xi1> -> vector<16xi32>
      %sub3A_1683 = arith.subi %cumsum3A_1682, %get3A_1679 : vector<16xi32>
      %add3A_1684 = arith.constant 0 : i32
      %add3A_1685 = vector.broadcast %add3A_1684 : i32 to vector<16xi32>
      %add3A_1686 = arith.addi %sub3A_1683, %add3A_1685 : vector<16xi32>
      %swap3A_1687 = arith.constant 0 : index
      %swap3A_1688 = tpu.vector_load %arg12[%swap3A_1687] {strides = array<i32>} : memref<256xi32, #tpu.memory_space<vmem>>, vector<16xi32>,
      tpu.vector_store %arg12[%swap3A_1687], %add3A_1686 {strides = array<i32>} : memref<256xi32, #tpu.memory_space<vmem>>, vector<16xi32>,
      %reduce_sum3A_1689 = arith.constant true
      %reduce_sum3A_1690 = vector.broadcast %reduce_sum3A_1689 : i1 to vector<16xi1>
      %reduce_sum3A_1691 = tpu.scan <sum>, %get3A_1679 masked %reduce_sum3A_1690 : vector<16xi32>, vector<16xi1> -> vector<16xi32>
      %reduce_sum3A_1692 = vector.extract %reduce_sum3A_1691[15] : i32 from vector<16xi32>
      %add3A_1693 = arith.constant 0 : i32
      %add3A_1694 = arith.addi %add3A_1693, %reduce_sum3A_1692 : i32
      %get3A_1695 = arith.constant 16 : index
      %get3A_1696 = tpu.vector_load %arg12[%get3A_1695] {strides = array<i32>} : memref<256xi32, #tpu.memory_space<vmem>>, vector<16xi32>,
      %cumsum3A_1697 = arith.constant true
      %cumsum3A_1698 = vector.broadcast %cumsum3A_1697 : i1 to vector<16xi1>
      %cumsum3A_1699 = tpu.scan <sum>, %get3A_1696 masked %cumsum3A_1698 : vector<16xi32>, vector<16xi1> -> vector<16xi32>
      %sub3A_1700 = arith.subi %cumsum3A_1699, %get3A_1696 : vector<16xi32>
      %add3A_1701 = vector.broadcast %add3A_1694 : i32 to vector<16xi32>
      %add3A_1702 = arith.addi %sub3A_1700, %add3A_1701 : vector<16xi32>
      %swap3A_1703 = arith.constant 16 : index
      %swap3A_1704 = tpu.vector_load %arg12[%swap3A_1703] {strides = array<i32>} : memref<256xi32, #tpu.memory_space<vmem>>, vector<16xi32>,
      tpu.vector_store %arg12[%swap3A_1703], %add3A_1702 {strides = array<i32>} : memref<256xi32, #tpu.memory_space<vmem>>, vector<16xi32>,
      %reduce_sum3A_1705 = arith.constant true
      %reduce_sum3A_1706 = vector.broadcast %reduce_sum3A_1705 : i1 to vector<16xi1>
      %reduce_sum3A_1707 = tpu.scan <sum>, %get3A_1696 masked %reduce_sum3A_1706 : vector<16xi32>, vector<16xi1> -> vector<16xi32>
      %reduce_sum3A_1708 = vector.extract %reduce_sum3A_1707[15] : i32 from vector<16xi32>
      %add3A_1709 = arith.addi %add3A_1694, %reduce_sum3A_1708 : i32
      %get3A_1710 = arith.constant 32 : index
      %get3A_1711 = tpu.vector_load %arg12[%get3A_1710] {strides = array<i32>} : memref<256xi32, #tpu.memory_space<vmem>>, vector<16xi32>,
      %cumsum3A_1712 = arith.constant true
      %cumsum3A_1713 = vector.broadcast %cumsum3A_1712 : i1 to vector<16xi1>
      %cumsum3A_1714 = tpu.scan <sum>, %get3A_1711 masked %cumsum3A_1713 : vector<16xi32>, vector<16xi1> -> vector<16xi32>
      %sub3A_1715 = arith.subi %cumsum3A_1714, %get3A_1711 : vector<16xi32>
      %add3A_1716 = vector.broadcast %add3A_1709 : i32 to vector<16xi32>
      %add3A_1717 = arith.addi %sub3A_1715, %add3A_1716 : vector<16xi32>
      %swap3A_1718 = arith.constant 32 : index
      %swap3A_1719 = tpu.vector_load %arg12[%swap3A_1718] {strides = array<i32>} : memref<256xi32, #tpu.memory_space<vmem>>, vector<16xi32>,
      tpu.vector_store %arg12[%swap3A_1718], %add3A_1717 {strides = array<i32>} : memref<256xi32, #tpu.memory_space<vmem>>, vector<16xi32>,
      %reduce_sum3A_1720 = arith.constant true
      %reduce_sum3A_1721 = vector.broadcast %reduce_sum3A_1720 : i1 to vector<16xi1>
      %reduce_sum3A_1722 = tpu.scan <sum>, %get3A_1711 masked %reduce_sum3A_1721 : vector<16xi32>, vector<16xi1> -> vector<16xi32>
      %reduce_sum3A_1723 = vector.extract %reduce_sum3A_1722[15] : i32 from vector<16xi32>
      %add3A_1724 = arith.addi %add3A_1709, %reduce_sum3A_1723 : i32
      %get3A_1725 = arith.constant 48 : index
      %get3A_1726 = tpu.vector_load %arg12[%get3A_1725] {strides = array<i32>} : memref<256xi32, #tpu.memory_space<vmem>>, vector<16xi32>,
      %cumsum3A_1727 = arith.constant true
      %cumsum3A_1728 = vector.broadcast %cumsum3A_1727 : i1 to vector<16xi1>
      %cumsum3A_1729 = tpu.scan <sum>, %get3A_1726 masked %cumsum3A_1728 : vector<16xi32>, vector<16xi1> -> vector<16xi32>
      %sub3A_1730 = arith.subi %cumsum3A_1729, %get3A_1726 : vector<16xi32>
      %add3A_1731 = vector.broadcast %add3A_1724 : i32 to vector<16xi32>
      %add3A_1732 = arith.addi %sub3A_1730, %add3A_1731 : vector<16xi32>
      %swap3A_1733 = arith.constant 48 : index
      %swap3A_1734 = tpu.vector_load %arg12[%swap3A_1733] {strides = array<i32>} : memref<256xi32, #tpu.memory_space<vmem>>, vector<16xi32>,
      tpu.vector_store %arg12[%swap3A_1733], %add3A_1732 {strides = array<i32>} : memref<256xi32, #tpu.memory_space<vmem>>, vector<16xi32>,
      %reduce_sum3A_1735 = arith.constant true
      %reduce_sum3A_1736 = vector.broadcast %reduce_sum3A_1735 : i1 to vector<16xi1>
      %reduce_sum3A_1737 = tpu.scan <sum>, %get3A_1726 masked %reduce_sum3A_1736 : vector<16xi32>, vector<16xi1> -> vector<16xi32>
      %reduce_sum3A_1738 = vector.extract %reduce_sum3A_1737[15] : i32 from vector<16xi32>
      %add3A_1739 = arith.addi %add3A_1724, %reduce_sum3A_1738 : i32
      %get3A_1740 = arith.constant 64 : index
      %get3A_1741 = tpu.vector_load %arg12[%get3A_1740] {strides = array<i32>} : memref<256xi32, #tpu.memory_space<vmem>>, vector<16xi32>,
      %cumsum3A_1742 = arith.constant true
      %cumsum3A_1743 = vector.broadcast %cumsum3A_1742 : i1 to vector<16xi1>
      %cumsum3A_1744 = tpu.scan <sum>, %get3A_1741 masked %cumsum3A_1743 : vector<16xi32>, vector<16xi1> -> vector<16xi32>
      %sub3A_1745 = arith.subi %cumsum3A_1744, %get3A_1741 : vector<16xi32>
      %add3A_1746 = vector.broadcast %add3A_1739 : i32 to vector<16xi32>
      %add3A_1747 = arith.addi %sub3A_1745, %add3A_1746 : vector<16xi32>
      %swap3A_1748 = arith.constant 64 : index
      %swap3A_1749 = tpu.vector_load %arg12[%swap3A_1748] {strides = array<i32>} : memref<256xi32, #tpu.memory_space<vmem>>, vector<16xi32>,
      tpu.vector_store %arg12[%swap3A_1748], %add3A_1747 {strides = array<i32>} : memref<256xi32, #tpu.memory_space<vmem>>, vector<16xi32>,
      %reduce_sum3A_1750 = arith.constant true
      %reduce_sum3A_1751 = vector.broadcast %reduce_sum3A_1750 : i1 to vector<16xi1>
      %reduce_sum3A_1752 = tpu.scan <sum>, %get3A_1741 masked %reduce_sum3A_1751 : vector<16xi32>, vector<16xi1> -> vector<16xi32>
      %reduce_sum3A_1753 = vector.extract %reduce_sum3A_1752[15] : i32 from vector<16xi32>
      %add3A_1754 = arith.addi %add3A_1739, %reduce_sum3A_1753 : i32
      %get3A_1755 = arith.constant 80 : index
      %get3A_1756 = tpu.vector_load %arg12[%get3A_1755] {strides = array<i32>} : memref<256xi32, #tpu.memory_space<vmem>>, vector<16xi32>,
      %cumsum3A_1757 = arith.constant true
      %cumsum3A_1758 = vector.broadcast %cumsum3A_1757 : i1 to vector<16xi1>
      %cumsum3A_1759 = tpu.scan <sum>, %get3A_1756 masked %cumsum3A_1758 : vector<16xi32>, vector<16xi1> -> vector<16xi32>
      %sub3A_1760 = arith.subi %cumsum3A_1759, %get3A_1756 : vector<16xi32>
      %add3A_1761 = vector.broadcast %add3A_1754 : i32 to vector<16xi32>
      %add3A_1762 = arith.addi %sub3A_1760, %add3A_1761 : vector<16xi32>
      %swap3A_1763 = arith.constant 80 : index
      %swap3A_1764 = tpu.vector_load %arg12[%swap3A_1763] {strides = array<i32>} : memref<256xi32, #tpu.memory_space<vmem>>, vector<16xi32>,
      tpu.vector_store %arg12[%swap3A_1763], %add3A_1762 {strides = array<i32>} : memref<256xi32, #tpu.memory_space<vmem>>, vector<16xi32>,
      %reduce_sum3A_1765 = arith.constant true
      %reduce_sum3A_1766 = vector.broadcast %reduce_sum3A_1765 : i1 to vector<16xi1>
      %reduce_sum3A_1767 = tpu.scan <sum>, %get3A_1756 masked %reduce_sum3A_1766 : vector<16xi32>, vector<16xi1> -> vector<16xi32>
      %reduce_sum3A_1768 = vector.extract %reduce_sum3A_1767[15] : i32 from vector<16xi32>
      %add3A_1769 = arith.addi %add3A_1754, %reduce_sum3A_1768 : i32
      %get3A_1770 = arith.constant 96 : index
      %get3A_1771 = tpu.vector_load %arg12[%get3A_1770] {strides = array<i32>} : memref<256xi32, #tpu.memory_space<vmem>>, vector<16xi32>,
      %cumsum3A_1772 = arith.constant true
      %cumsum3A_1773 = vector.broadcast %cumsum3A_1772 : i1 to vector<16xi1>
      %cumsum3A_1774 = tpu.scan <sum>, %get3A_1771 masked %cumsum3A_1773 : vector<16xi32>, vector<16xi1> -> vector<16xi32>
      %sub3A_1775 = arith.subi %cumsum3A_1774, %get3A_1771 : vector<16xi32>
      %add3A_1776 = vector.broadcast %add3A_1769 : i32 to vector<16xi32>
      %add3A_1777 = arith.addi %sub3A_1775, %add3A_1776 : vector<16xi32>
      %swap3A_1778 = arith.constant 96 : index
      %swap3A_1779 = tpu.vector_load %arg12[%swap3A_1778] {strides = array<i32>} : memref<256xi32, #tpu.memory_space<vmem>>, vector<16xi32>,
      tpu.vector_store %arg12[%swap3A_1778], %add3A_1777 {strides = array<i32>} : memref<256xi32, #tpu.memory_space<vmem>>, vector<16xi32>,
      %reduce_sum3A_1780 = arith.constant true
      %reduce_sum3A_1781 = vector.broadcast %reduce_sum3A_1780 : i1 to vector<16xi1>
      %reduce_sum3A_1782 = tpu.scan <sum>, %get3A_1771 masked %reduce_sum3A_1781 : vector<16xi32>, vector<16xi1> -> vector<16xi32>
      %reduce_sum3A_1783 = vector.extract %reduce_sum3A_1782[15] : i32 from vector<16xi32>
      %add3A_1784 = arith.addi %add3A_1769, %reduce_sum3A_1783 : i32
      %get3A_1785 = arith.constant 112 : index
      %get3A_1786 = tpu.vector_load %arg12[%get3A_1785] {strides = array<i32>} : memref<256xi32, #tpu.memory_space<vmem>>, vector<16xi32>,
      %cumsum3A_1787 = arith.constant true
      %cumsum3A_1788 = vector.broadcast %cumsum3A_1787 : i1 to vector<16xi1>
      %cumsum3A_1789 = tpu.scan <sum>, %get3A_1786 masked %cumsum3A_1788 : vector<16xi32>, vector<16xi1> -> vector<16xi32>
      %sub3A_1790 = arith.subi %cumsum3A_1789, %get3A_1786 : vector<16xi32>
      %add3A_1791 = vector.broadcast %add3A_1784 : i32 to vector<16xi32>
      %add3A_1792 = arith.addi %sub3A_1790, %add3A_1791 : vector<16xi32>
      %swap3A_1793 = arith.constant 112 : index
      %swap3A_1794 = tpu.vector_load %arg12[%swap3A_1793] {strides = array<i32>} : memref<256xi32, #tpu.memory_space<vmem>>, vector<16xi32>,
      tpu.vector_store %arg12[%swap3A_1793], %add3A_1792 {strides = array<i32>} : memref<256xi32, #tpu.memory_space<vmem>>, vector<16xi32>,
      %reduce_sum3A_1795 = arith.constant true
      %reduce_sum3A_1796 = vector.broadcast %reduce_sum3A_1795 : i1 to vector<16xi1>
      %reduce_sum3A_1797 = tpu.scan <sum>, %get3A_1786 masked %reduce_sum3A_1796 : vector<16xi32>, vector<16xi1> -> vector<16xi32>
      %reduce_sum3A_1798 = vector.extract %reduce_sum3A_1797[15] : i32 from vector<16xi32>
      %add3A_1799 = arith.addi %add3A_1784, %reduce_sum3A_1798 : i32
      %get3A_1800 = arith.constant 128 : index
      %get3A_1801 = tpu.vector_load %arg12[%get3A_1800] {strides = array<i32>} : memref<256xi32, #tpu.memory_space<vmem>>, vector<16xi32>,
      %cumsum3A_1802 = arith.constant true
      %cumsum3A_1803 = vector.broadcast %cumsum3A_1802 : i1 to vector<16xi1>
      %cumsum3A_1804 = tpu.scan <sum>, %get3A_1801 masked %cumsum3A_1803 : vector<16xi32>, vector<16xi1> -> vector<16xi32>
      %sub3A_1805 = arith.subi %cumsum3A_1804, %get3A_1801 : vector<16xi32>
      %add3A_1806 = vector.broadcast %add3A_1799 : i32 to vector<16xi32>
      %add3A_1807 = arith.addi %sub3A_1805, %add3A_1806 : vector<16xi32>
      %swap3A_1808 = arith.constant 128 : index
      %swap3A_1809 = tpu.vector_load %arg12[%swap3A_1808] {strides = array<i32>} : memref<256xi32, #tpu.memory_space<vmem>>, vector<16xi32>,
      tpu.vector_store %arg12[%swap3A_1808], %add3A_1807 {strides = array<i32>} : memref<256xi32, #tpu.memory_space<vmem>>, vector<16xi32>,
      %reduce_sum3A_1810 = arith.constant true
      %reduce_sum3A_1811 = vector.broadcast %reduce_sum3A_1810 : i1 to vector<16xi1>
      %reduce_sum3A_1812 = tpu.scan <sum>, %get3A_1801 masked %reduce_sum3A_1811 : vector<16xi32>, vector<16xi1> -> vector<16xi32>
      %reduce_sum3A_1813 = vector.extract %reduce_sum3A_1812[15] : i32 from vector<16xi32>
      %add3A_1814 = arith.addi %add3A_1799, %reduce_sum3A_1813 : i32
      %get3A_1815 = arith.constant 144 : index
      %get3A_1816 = tpu.vector_load %arg12[%get3A_1815] {strides = array<i32>} : memref<256xi32, #tpu.memory_space<vmem>>, vector<16xi32>,
      %cumsum3A_1817 = arith.constant true
      %cumsum3A_1818 = vector.broadcast %cumsum3A_1817 : i1 to vector<16xi1>
      %cumsum3A_1819 = tpu.scan <sum>, %get3A_1816 masked %cumsum3A_1818 : vector<16xi32>, vector<16xi1> -> vector<16xi32>
      %sub3A_1820 = arith.subi %cumsum3A_1819, %get3A_1816 : vector<16xi32>
      %add3A_1821 = vector.broadcast %add3A_1814 : i32 to vector<16xi32>
      %add3A_1822 = arith.addi %sub3A_1820, %add3A_1821 : vector<16xi32>
      %swap3A_1823 = arith.constant 144 : index
      %swap3A_1824 = tpu.vector_load %arg12[%swap3A_1823] {strides = array<i32>} : memref<256xi32, #tpu.memory_space<vmem>>, vector<16xi32>,
      tpu.vector_store %arg12[%swap3A_1823], %add3A_1822 {strides = array<i32>} : memref<256xi32, #tpu.memory_space<vmem>>, vector<16xi32>,
      %reduce_sum3A_1825 = arith.constant true
      %reduce_sum3A_1826 = vector.broadcast %reduce_sum3A_1825 : i1 to vector<16xi1>
      %reduce_sum3A_1827 = tpu.scan <sum>, %get3A_1816 masked %reduce_sum3A_1826 : vector<16xi32>, vector<16xi1> -> vector<16xi32>
      %reduce_sum3A_1828 = vector.extract %reduce_sum3A_1827[15] : i32 from vector<16xi32>
      %add3A_1829 = arith.addi %add3A_1814, %reduce_sum3A_1828 : i32
      %get3A_1830 = arith.constant 160 : index
      %get3A_1831 = tpu.vector_load %arg12[%get3A_1830] {strides = array<i32>} : memref<256xi32, #tpu.memory_space<vmem>>, vector<16xi32>,
      %cumsum3A_1832 = arith.constant true
      %cumsum3A_1833 = vector.broadcast %cumsum3A_1832 : i1 to vector<16xi1>
      %cumsum3A_1834 = tpu.scan <sum>, %get3A_1831 masked %cumsum3A_1833 : vector<16xi32>, vector<16xi1> -> vector<16xi32>
      %sub3A_1835 = arith.subi %cumsum3A_1834, %get3A_1831 : vector<16xi32>
      %add3A_1836 = vector.broadcast %add3A_1829 : i32 to vector<16xi32>
      %add3A_1837 = arith.addi %sub3A_1835, %add3A_1836 : vector<16xi32>
      %swap3A_1838 = arith.constant 160 : index
      %swap3A_1839 = tpu.vector_load %arg12[%swap3A_1838] {strides = array<i32>} : memref<256xi32, #tpu.memory_space<vmem>>, vector<16xi32>,
      tpu.vector_store %arg12[%swap3A_1838], %add3A_1837 {strides = array<i32>} : memref<256xi32, #tpu.memory_space<vmem>>, vector<16xi32>,
      %reduce_sum3A_1840 = arith.constant true
      %reduce_sum3A_1841 = vector.broadcast %reduce_sum3A_1840 : i1 to vector<16xi1>
      %reduce_sum3A_1842 = tpu.scan <sum>, %get3A_1831 masked %reduce_sum3A_1841 : vector<16xi32>, vector<16xi1> -> vector<16xi32>
      %reduce_sum3A_1843 = vector.extract %reduce_sum3A_1842[15] : i32 from vector<16xi32>
      %add3A_1844 = arith.addi %add3A_1829, %reduce_sum3A_1843 : i32
      %get3A_1845 = arith.constant 176 : index
      %get3A_1846 = tpu.vector_load %arg12[%get3A_1845] {strides = array<i32>} : memref<256xi32, #tpu.memory_space<vmem>>, vector<16xi32>,
      %cumsum3A_1847 = arith.constant true
      %cumsum3A_1848 = vector.broadcast %cumsum3A_1847 : i1 to vector<16xi1>
      %cumsum3A_1849 = tpu.scan <sum>, %get3A_1846 masked %cumsum3A_1848 : vector<16xi32>, vector<16xi1> -> vector<16xi32>
      %sub3A_1850 = arith.subi %cumsum3A_1849, %get3A_1846 : vector<16xi32>
      %add3A_1851 = vector.broadcast %add3A_1844 : i32 to vector<16xi32>
      %add3A_1852 = arith.addi %sub3A_1850, %add3A_1851 : vector<16xi32>
      %swap3A_1853 = arith.constant 176 : index
      %swap3A_1854 = tpu.vector_load %arg12[%swap3A_1853] {strides = array<i32>} : memref<256xi32, #tpu.memory_space<vmem>>, vector<16xi32>,
      tpu.vector_store %arg12[%swap3A_1853], %add3A_1852 {strides = array<i32>} : memref<256xi32, #tpu.memory_space<vmem>>, vector<16xi32>,
      %reduce_sum3A_1855 = arith.constant true
      %reduce_sum3A_1856 = vector.broadcast %reduce_sum3A_1855 : i1 to vector<16xi1>
      %reduce_sum3A_1857 = tpu.scan <sum>, %get3A_1846 masked %reduce_sum3A_1856 : vector<16xi32>, vector<16xi1> -> vector<16xi32>
      %reduce_sum3A_1858 = vector.extract %reduce_sum3A_1857[15] : i32 from vector<16xi32>
      %add3A_1859 = arith.addi %add3A_1844, %reduce_sum3A_1858 : i32
      %get3A_1860 = arith.constant 192 : index
      %get3A_1861 = tpu.vector_load %arg12[%get3A_1860] {strides = array<i32>} : memref<256xi32, #tpu.memory_space<vmem>>, vector<16xi32>,
      %cumsum3A_1862 = arith.constant true
      %cumsum3A_1863 = vector.broadcast %cumsum3A_1862 : i1 to vector<16xi1>
      %cumsum3A_1864 = tpu.scan <sum>, %get3A_1861 masked %cumsum3A_1863 : vector<16xi32>, vector<16xi1> -> vector<16xi32>
      %sub3A_1865 = arith.subi %cumsum3A_1864, %get3A_1861 : vector<16xi32>
      %add3A_1866 = vector.broadcast %add3A_1859 : i32 to vector<16xi32>
      %add3A_1867 = arith.addi %sub3A_1865, %add3A_1866 : vector<16xi32>
      %swap3A_1868 = arith.constant 192 : index
      %swap3A_1869 = tpu.vector_load %arg12[%swap3A_1868] {strides = array<i32>} : memref<256xi32, #tpu.memory_space<vmem>>, vector<16xi32>,
      tpu.vector_store %arg12[%swap3A_1868], %add3A_1867 {strides = array<i32>} : memref<256xi32, #tpu.memory_space<vmem>>, vector<16xi32>,
      %reduce_sum3A_1870 = arith.constant true
      %reduce_sum3A_1871 = vector.broadcast %reduce_sum3A_1870 : i1 to vector<16xi1>
      %reduce_sum3A_1872 = tpu.scan <sum>, %get3A_1861 masked %reduce_sum3A_1871 : vector<16xi32>, vector<16xi1> -> vector<16xi32>
      %reduce_sum3A_1873 = vector.extract %reduce_sum3A_1872[15] : i32 from vector<16xi32>
      %add3A_1874 = arith.addi %add3A_1859, %reduce_sum3A_1873 : i32
      %get3A_1875 = arith.constant 208 : index
      %get3A_1876 = tpu.vector_load %arg12[%get3A_1875] {strides = array<i32>} : memref<256xi32, #tpu.memory_space<vmem>>, vector<16xi32>,
      %cumsum3A_1877 = arith.constant true
      %cumsum3A_1878 = vector.broadcast %cumsum3A_1877 : i1 to vector<16xi1>
      %cumsum3A_1879 = tpu.scan <sum>, %get3A_1876 masked %cumsum3A_1878 : vector<16xi32>, vector<16xi1> -> vector<16xi32>
      %sub3A_1880 = arith.subi %cumsum3A_1879, %get3A_1876 : vector<16xi32>
      %add3A_1881 = vector.broadcast %add3A_1874 : i32 to vector<16xi32>
      %add3A_1882 = arith.addi %sub3A_1880, %add3A_1881 : vector<16xi32>
      %swap3A_1883 = arith.constant 208 : index
      %swap3A_1884 = tpu.vector_load %arg12[%swap3A_1883] {strides = array<i32>} : memref<256xi32, #tpu.memory_space<vmem>>, vector<16xi32>,
      tpu.vector_store %arg12[%swap3A_1883], %add3A_1882 {strides = array<i32>} : memref<256xi32, #tpu.memory_space<vmem>>, vector<16xi32>,
      %reduce_sum3A_1885 = arith.constant true
      %reduce_sum3A_1886 = vector.broadcast %reduce_sum3A_1885 : i1 to vector<16xi1>
      %reduce_sum3A_1887 = tpu.scan <sum>, %get3A_1876 masked %reduce_sum3A_1886 : vector<16xi32>, vector<16xi1> -> vector<16xi32>
      %reduce_sum3A_1888 = vector.extract %reduce_sum3A_1887[15] : i32 from vector<16xi32>
      %add3A_1889 = arith.addi %add3A_1874, %reduce_sum3A_1888 : i32
      %get3A_1890 = arith.constant 224 : index
      %get3A_1891 = tpu.vector_load %arg12[%get3A_1890] {strides = array<i32>} : memref<256xi32, #tpu.memory_space<vmem>>, vector<16xi32>,
      %cumsum3A_1892 = arith.constant true
      %cumsum3A_1893 = vector.broadcast %cumsum3A_1892 : i1 to vector<16xi1>
      %cumsum3A_1894 = tpu.scan <sum>, %get3A_1891 masked %cumsum3A_1893 : vector<16xi32>, vector<16xi1> -> vector<16xi32>
      %sub3A_1895 = arith.subi %cumsum3A_1894, %get3A_1891 : vector<16xi32>
      %add3A_1896 = vector.broadcast %add3A_1889 : i32 to vector<16xi32>
      %add3A_1897 = arith.addi %sub3A_1895, %add3A_1896 : vector<16xi32>
      %swap3A_1898 = arith.constant 224 : index
      %swap3A_1899 = tpu.vector_load %arg12[%swap3A_1898] {strides = array<i32>} : memref<256xi32, #tpu.memory_space<vmem>>, vector<16xi32>,
      tpu.vector_store %arg12[%swap3A_1898], %add3A_1897 {strides = array<i32>} : memref<256xi32, #tpu.memory_space<vmem>>, vector<16xi32>,
      %reduce_sum3A_1900 = arith.constant true
      %reduce_sum3A_1901 = vector.broadcast %reduce_sum3A_1900 : i1 to vector<16xi1>
      %reduce_sum3A_1902 = tpu.scan <sum>, %get3A_1891 masked %reduce_sum3A_1901 : vector<16xi32>, vector<16xi1> -> vector<16xi32>
      %reduce_sum3A_1903 = vector.extract %reduce_sum3A_1902[15] : i32 from vector<16xi32>
      %add3A_1904 = arith.addi %add3A_1889, %reduce_sum3A_1903 : i32
      %get3A_1905 = arith.constant 240 : index
      %get3A_1906 = tpu.vector_load %arg12[%get3A_1905] {strides = array<i32>} : memref<256xi32, #tpu.memory_space<vmem>>, vector<16xi32>,
      %cumsum3A_1907 = arith.constant true
      %cumsum3A_1908 = vector.broadcast %cumsum3A_1907 : i1 to vector<16xi1>
      %cumsum3A_1909 = tpu.scan <sum>, %get3A_1906 masked %cumsum3A_1908 : vector<16xi32>, vector<16xi1> -> vector<16xi32>
      %sub3A_1910 = arith.subi %cumsum3A_1909, %get3A_1906 : vector<16xi32>
      %add3A_1911 = vector.broadcast %add3A_1904 : i32 to vector<16xi32>
      %add3A_1912 = arith.addi %sub3A_1910, %add3A_1911 : vector<16xi32>
      %swap3A_1913 = arith.constant 240 : index
      %swap3A_1914 = tpu.vector_load %arg12[%swap3A_1913] {strides = array<i32>} : memref<256xi32, #tpu.memory_space<vmem>>, vector<16xi32>,
      tpu.vector_store %arg12[%swap3A_1913], %add3A_1912 {strides = array<i32>} : memref<256xi32, #tpu.memory_space<vmem>>, vector<16xi32>,
      %reduce_sum3A_1915 = arith.constant true
      %reduce_sum3A_1916 = vector.broadcast %reduce_sum3A_1915 : i1 to vector<16xi1>
      %reduce_sum3A_1917 = tpu.scan <sum>, %get3A_1906 masked %reduce_sum3A_1916 : vector<16xi32>, vector<16xi1> -> vector<16xi32>
      %reduce_sum3A_1918 = vector.extract %reduce_sum3A_1917[15] : i32 from vector<16xi32>
      %add3A_1919 = arith.addi %add3A_1904, %reduce_sum3A_1918 : i32
      %scan3A_1920 = arith.constant 0 : i32
      %scan3A_1921 = arith.constant 0 : i32
      %scan3A_1922 = arith.constant 16 : i32
      %scan3A_1923 = arith.addi %scan3A_1921, %scan3A_1922 : i32
      %scan3A_1924 = arith.constant 1 : i32
      %scan3A_1925 = scf.for %scan3A_2568 = %scan3A_1921 to %scan3A_1923 step %scan3A_1924 iter_args(%scan3A_2569 = %scan3A_1920) -> (i32)  : i32 {
        %mul3A_2570 = arith.constant 4 : i32
        %mul3A_2571 = arith.muli %scan3A_2568, %mul3A_2570 : i32
        %add3A_2572 = arith.constant 0 : i32
        %add3A_2573 = arith.addi %mul3A_2571, %add3A_2572 : i32
        %mul3A_2574 = arith.constant 16 : i32
        %mul3A_2575 = arith.muli %add3A_2573, %mul3A_2574 : i32
        %get3A_2576 = arith.index_cast %mul3A_2575 : i32 to index
        %get3A_2577 = tpu.vector_load %arg9[%get3A_2576] {strides = array<i32>} : memref<1024xi32, #tpu.memory_space<vmem>>, vector<16xi32>,
        %mul3A_2578 = arith.constant 16 : i32
        %mul3A_2579 = arith.muli %add3A_2573, %mul3A_2578 : i32
        %get3A_2580 = arith.index_cast %mul3A_2579 : i32 to index
        %get3A_2581 = tpu.vector_load %arg11[%get3A_2580] {strides = array<i32>} : memref<1024xi32, #tpu.memory_space<vmem>>, vector<16xi32>,
        %shift_right_arithmetic3A = arith.constant 20 : i32
        %shift_right_arithmetic3A_2582 = vector.broadcast %shift_right_arithmetic3A : i32 to vector<16xi32>
        %shift_right_arithmetic3A_2583 = arith.shrsi %get3A_2577, %shift_right_arithmetic3A_2582 : vector<16xi32>
        %and3A = arith.constant 15 : i32
        %and3A_2584 = vector.broadcast %and3A : i32 to vector<16xi32>
        %and3A_2585 = arith.andi %shift_right_arithmetic3A_2583, %and3A_2584 : vector<16xi32>
        %mul3A_2586 = arith.constant 16 : i32
        %mul3A_2587 = vector.broadcast %mul3A_2586 : i32 to vector<16xi32>
        %mul3A_2588 = arith.muli %and3A_2585, %mul3A_2587 : vector<16xi32>
        %add3A_2589 = arith.addi %mul3A_2588, %iota3A : vector<16xi32>
        %gather3A = tpu.vector_load_idx %arg12[%add3A_2589] : memref<256xi32, #tpu.memory_space<vmem>>[vector<16xi32>], vector<16xi32>,
        tpu.vector_store_idx %arg12[%add3A_2589], %broadcast_in_dim3A_0 {add = true} : memref<256xi32, #tpu.memory_space<vmem>>[vector<16xi32>], vector<16xi32>,
        %and3A_2590 = arith.constant 63 : i32
        %and3A_2591 = vector.broadcast %and3A_2590 : i32 to vector<16xi32>
        %and3A_2592 = arith.andi %gather3A, %and3A_2591 : vector<16xi32>
        %mul3A_2593 = arith.constant 16 : i32
        %mul3A_2594 = vector.broadcast %mul3A_2593 : i32 to vector<16xi32>
        %mul3A_2595 = arith.muli %and3A_2592, %mul3A_2594 : vector<16xi32>
        %shift_right_arithmetic3A_2596 = arith.constant 6 : i32
        %shift_right_arithmetic3A_2597 = vector.broadcast %shift_right_arithmetic3A_2596 : i32 to vector<16xi32>
        %shift_right_arithmetic3A_2598 = arith.shrsi %gather3A, %shift_right_arithmetic3A_2597 : vector<16xi32>
        %add3A_2599 = arith.addi %mul3A_2595, %shift_right_arithmetic3A_2598 : vector<16xi32>
        tpu.vector_store_idx %arg8[%add3A_2599], %get3A_2577 : memref<1024xi32, #tpu.memory_space<vmem>>[vector<16xi32>], vector<16xi32>,
        tpu.vector_store_idx %arg10[%add3A_2599], %get3A_2581 : memref<1024xi32, #tpu.memory_space<vmem>>[vector<16xi32>], vector<16xi32>,
        %mul3A_2600 = arith.constant 4 : i32
        %mul3A_2601 = arith.muli %scan3A_2568, %mul3A_2600 : i32
        %add3A_2602 = arith.constant 1 : i32
        %add3A_2603 = arith.addi %mul3A_2601, %add3A_2602 : i32
        %mul3A_2604 = arith.constant 16 : i32
        %mul3A_2605 = arith.muli %add3A_2603, %mul3A_2604 : i32
        %get3A_2606 = arith.index_cast %mul3A_2605 : i32 to index
        %get3A_2607 = tpu.vector_load %arg9[%get3A_2606] {strides = array<i32>} : memref<1024xi32, #tpu.memory_space<vmem>>, vector<16xi32>,
        %mul3A_2608 = arith.constant 16 : i32
        %mul3A_2609 = arith.muli %add3A_2603, %mul3A_2608 : i32
        %get3A_2610 = arith.index_cast %mul3A_2609 : i32 to index
        %get3A_2611 = tpu.vector_load %arg11[%get3A_2610] {strides = array<i32>} : memref<1024xi32, #tpu.memory_space<vmem>>, vector<16xi32>,
        %shift_right_arithmetic3A_2612 = arith.constant 20 : i32
        %shift_right_arithmetic3A_2613 = vector.broadcast %shift_right_arithmetic3A_2612 : i32 to vector<16xi32>
        %shift_right_arithmetic3A_2614 = arith.shrsi %get3A_2607, %shift_right_arithmetic3A_2613 : vector<16xi32>
        %and3A_2615 = arith.constant 15 : i32
        %and3A_2616 = vector.broadcast %and3A_2615 : i32 to vector<16xi32>
        %and3A_2617 = arith.andi %shift_right_arithmetic3A_2614, %and3A_2616 : vector<16xi32>
        %mul3A_2618 = arith.constant 16 : i32
        %mul3A_2619 = vector.broadcast %mul3A_2618 : i32 to vector<16xi32>
        %mul3A_2620 = arith.muli %and3A_2617, %mul3A_2619 : vector<16xi32>
        %add3A_2621 = arith.addi %mul3A_2620, %iota3A : vector<16xi32>
        %gather3A_2622 = tpu.vector_load_idx %arg12[%add3A_2621] : memref<256xi32, #tpu.memory_space<vmem>>[vector<16xi32>], vector<16xi32>,
        tpu.vector_store_idx %arg12[%add3A_2621], %broadcast_in_dim3A_0 {add = true} : memref<256xi32, #tpu.memory_space<vmem>>[vector<16xi32>], vector<16xi32>,
        %and3A_2623 = arith.constant 63 : i32
        %and3A_2624 = vector.broadcast %and3A_2623 : i32 to vector<16xi32>
        %and3A_2625 = arith.andi %gather3A_2622, %and3A_2624 : vector<16xi32>
        %mul3A_2626 = arith.constant 16 : i32
        %mul3A_2627 = vector.broadcast %mul3A_2626 : i32 to vector<16xi32>
        %mul3A_2628 = arith.muli %and3A_2625, %mul3A_2627 : vector<16xi32>
        %shift_right_arithmetic3A_2629 = arith.constant 6 : i32
        %shift_right_arithmetic3A_2630 = vector.broadcast %shift_right_arithmetic3A_2629 : i32 to vector<16xi32>
        %shift_right_arithmetic3A_2631 = arith.shrsi %gather3A_2622, %shift_right_arithmetic3A_2630 : vector<16xi32>
        %add3A_2632 = arith.addi %mul3A_2628, %shift_right_arithmetic3A_2631 : vector<16xi32>
        tpu.vector_store_idx %arg8[%add3A_2632], %get3A_2607 : memref<1024xi32, #tpu.memory_space<vmem>>[vector<16xi32>], vector<16xi32>,
        tpu.vector_store_idx %arg10[%add3A_2632], %get3A_2611 : memref<1024xi32, #tpu.memory_space<vmem>>[vector<16xi32>], vector<16xi32>,
        %mul3A_2633 = arith.constant 4 : i32
        %mul3A_2634 = arith.muli %scan3A_2568, %mul3A_2633 : i32
        %add3A_2635 = arith.constant 2 : i32
        %add3A_2636 = arith.addi %mul3A_2634, %add3A_2635 : i32
        %mul3A_2637 = arith.constant 16 : i32
        %mul3A_2638 = arith.muli %add3A_2636, %mul3A_2637 : i32
        %get3A_2639 = arith.index_cast %mul3A_2638 : i32 to index
        %get3A_2640 = tpu.vector_load %arg9[%get3A_2639] {strides = array<i32>} : memref<1024xi32, #tpu.memory_space<vmem>>, vector<16xi32>,
        %mul3A_2641 = arith.constant 16 : i32
        %mul3A_2642 = arith.muli %add3A_2636, %mul3A_2641 : i32
        %get3A_2643 = arith.index_cast %mul3A_2642 : i32 to index
        %get3A_2644 = tpu.vector_load %arg11[%get3A_2643] {strides = array<i32>} : memref<1024xi32, #tpu.memory_space<vmem>>, vector<16xi32>,
        %shift_right_arithmetic3A_2645 = arith.constant 20 : i32
        %shift_right_arithmetic3A_2646 = vector.broadcast %shift_right_arithmetic3A_2645 : i32 to vector<16xi32>
        %shift_right_arithmetic3A_2647 = arith.shrsi %get3A_2640, %shift_right_arithmetic3A_2646 : vector<16xi32>
        %and3A_2648 = arith.constant 15 : i32
        %and3A_2649 = vector.broadcast %and3A_2648 : i32 to vector<16xi32>
        %and3A_2650 = arith.andi %shift_right_arithmetic3A_2647, %and3A_2649 : vector<16xi32>
        %mul3A_2651 = arith.constant 16 : i32
        %mul3A_2652 = vector.broadcast %mul3A_2651 : i32 to vector<16xi32>
        %mul3A_2653 = arith.muli %and3A_2650, %mul3A_2652 : vector<16xi32>
        %add3A_2654 = arith.addi %mul3A_2653, %iota3A : vector<16xi32>
        %gather3A_2655 = tpu.vector_load_idx %arg12[%add3A_2654] : memref<256xi32, #tpu.memory_space<vmem>>[vector<16xi32>], vector<16xi32>,
        tpu.vector_store_idx %arg12[%add3A_2654], %broadcast_in_dim3A_0 {add = true} : memref<256xi32, #tpu.memory_space<vmem>>[vector<16xi32>], vector<16xi32>,
        %and3A_2656 = arith.constant 63 : i32
        %and3A_2657 = vector.broadcast %and3A_2656 : i32 to vector<16xi32>
        %and3A_2658 = arith.andi %gather3A_2655, %and3A_2657 : vector<16xi32>
        %mul3A_2659 = arith.constant 16 : i32
        %mul3A_2660 = vector.broadcast %mul3A_2659 : i32 to vector<16xi32>
        %mul3A_2661 = arith.muli %and3A_2658, %mul3A_2660 : vector<16xi32>
        %shift_right_arithmetic3A_2662 = arith.constant 6 : i32
        %shift_right_arithmetic3A_2663 = vector.broadcast %shift_right_arithmetic3A_2662 : i32 to vector<16xi32>
        %shift_right_arithmetic3A_2664 = arith.shrsi %gather3A_2655, %shift_right_arithmetic3A_2663 : vector<16xi32>
        %add3A_2665 = arith.addi %mul3A_2661, %shift_right_arithmetic3A_2664 : vector<16xi32>
        tpu.vector_store_idx %arg8[%add3A_2665], %get3A_2640 : memref<1024xi32, #tpu.memory_space<vmem>>[vector<16xi32>], vector<16xi32>,
        tpu.vector_store_idx %arg10[%add3A_2665], %get3A_2644 : memref<1024xi32, #tpu.memory_space<vmem>>[vector<16xi32>], vector<16xi32>,
        %mul3A_2666 = arith.constant 4 : i32
        %mul3A_2667 = arith.muli %scan3A_2568, %mul3A_2666 : i32
        %add3A_2668 = arith.constant 3 : i32
        %add3A_2669 = arith.addi %mul3A_2667, %add3A_2668 : i32
        %mul3A_2670 = arith.constant 16 : i32
        %mul3A_2671 = arith.muli %add3A_2669, %mul3A_2670 : i32
        %get3A_2672 = arith.index_cast %mul3A_2671 : i32 to index
        %get3A_2673 = tpu.vector_load %arg9[%get3A_2672] {strides = array<i32>} : memref<1024xi32, #tpu.memory_space<vmem>>, vector<16xi32>,
        %mul3A_2674 = arith.constant 16 : i32
        %mul3A_2675 = arith.muli %add3A_2669, %mul3A_2674 : i32
        %get3A_2676 = arith.index_cast %mul3A_2675 : i32 to index
        %get3A_2677 = tpu.vector_load %arg11[%get3A_2676] {strides = array<i32>} : memref<1024xi32, #tpu.memory_space<vmem>>, vector<16xi32>,
        %shift_right_arithmetic3A_2678 = arith.constant 20 : i32
        %shift_right_arithmetic3A_2679 = vector.broadcast %shift_right_arithmetic3A_2678 : i32 to vector<16xi32>
        %shift_right_arithmetic3A_2680 = arith.shrsi %get3A_2673, %shift_right_arithmetic3A_2679 : vector<16xi32>
        %and3A_2681 = arith.constant 15 : i32
        %and3A_2682 = vector.broadcast %and3A_2681 : i32 to vector<16xi32>
        %and3A_2683 = arith.andi %shift_right_arithmetic3A_2680, %and3A_2682 : vector<16xi32>
        %mul3A_2684 = arith.constant 16 : i32
        %mul3A_2685 = vector.broadcast %mul3A_2684 : i32 to vector<16xi32>
        %mul3A_2686 = arith.muli %and3A_2683, %mul3A_2685 : vector<16xi32>
        %add3A_2687 = arith.addi %mul3A_2686, %iota3A : vector<16xi32>
        %gather3A_2688 = tpu.vector_load_idx %arg12[%add3A_2687] : memref<256xi32, #tpu.memory_space<vmem>>[vector<16xi32>], vector<16xi32>,
        tpu.vector_store_idx %arg12[%add3A_2687], %broadcast_in_dim3A_0 {add = true} : memref<256xi32, #tpu.memory_space<vmem>>[vector<16xi32>], vector<16xi32>,
        %and3A_2689 = arith.constant 63 : i32
        %and3A_2690 = vector.broadcast %and3A_2689 : i32 to vector<16xi32>
        %and3A_2691 = arith.andi %gather3A_2688, %and3A_2690 : vector<16xi32>
        %mul3A_2692 = arith.constant 16 : i32
        %mul3A_2693 = vector.broadcast %mul3A_2692 : i32 to vector<16xi32>
        %mul3A_2694 = arith.muli %and3A_2691, %mul3A_2693 : vector<16xi32>
        %shift_right_arithmetic3A_2695 = arith.constant 6 : i32
        %shift_right_arithmetic3A_2696 = vector.broadcast %shift_right_arithmetic3A_2695 : i32 to vector<16xi32>
        %shift_right_arithmetic3A_2697 = arith.shrsi %gather3A_2688, %shift_right_arithmetic3A_2696 : vector<16xi32>
        %add3A_2698 = arith.addi %mul3A_2694, %shift_right_arithmetic3A_2697 : vector<16xi32>
        tpu.vector_store_idx %arg8[%add3A_2698], %get3A_2673 : memref<1024xi32, #tpu.memory_space<vmem>>[vector<16xi32>], vector<16xi32>,
        tpu.vector_store_idx %arg10[%add3A_2698], %get3A_2677 : memref<1024xi32, #tpu.memory_space<vmem>>[vector<16xi32>], vector<16xi32>,
        %scan3A_2699 = arith.constant 0 : i32
        scf.yield %scan3A_2699 : i32
      }
      %scan3A_1926 = arith.constant 16 : i32
      %broadcast_in_dim3A_1927 = arith.constant 0 : i32
      %broadcast_in_dim3A_1928 = vector.broadcast %broadcast_in_dim3A_1927 : i32 to vector<16xi32>
      %swap3A_1929 = arith.constant 0 : index
      %swap3A_1930 = tpu.vector_load %arg12[%swap3A_1929] {strides = array<i32>} : memref<256xi32, #tpu.memory_space<vmem>>, vector<16xi32>,
      tpu.vector_store %arg12[%swap3A_1929], %broadcast_in_dim3A_1928 {strides = array<i32>} : memref<256xi32, #tpu.memory_space<vmem>>, vector<16xi32>,
      %broadcast_in_dim3A_1931 = arith.constant 0 : i32
      %broadcast_in_dim3A_1932 = vector.broadcast %broadcast_in_dim3A_1931 : i32 to vector<16xi32>
      %swap3A_1933 = arith.constant 16 : index
      %swap3A_1934 = tpu.vector_load %arg12[%swap3A_1933] {strides = array<i32>} : memref<256xi32, #tpu.memory_space<vmem>>, vector<16xi32>,
      tpu.vector_store %arg12[%swap3A_1933], %broadcast_in_dim3A_1932 {strides = array<i32>} : memref<256xi32, #tpu.memory_space<vmem>>, vector<16xi32>,
      %broadcast_in_dim3A_1935 = arith.constant 0 : i32
      %broadcast_in_dim3A_1936 = vector.broadcast %broadcast_in_dim3A_1935 : i32 to vector<16xi32>
      %swap3A_1937 = arith.constant 32 : index
      %swap3A_1938 = tpu.vector_load %arg12[%swap3A_1937] {strides = array<i32>} : memref<256xi32, #tpu.memory_space<vmem>>, vector<16xi32>,
      tpu.vector_store %arg12[%swap3A_1937], %broadcast_in_dim3A_1936 {strides = array<i32>} : memref<256xi32, #tpu.memory_space<vmem>>, vector<16xi32>,
      %broadcast_in_dim3A_1939 = arith.constant 0 : i32
      %broadcast_in_dim3A_1940 = vector.broadcast %broadcast_in_dim3A_1939 : i32 to vector<16xi32>
      %swap3A_1941 = arith.constant 48 : index
      %swap3A_1942 = tpu.vector_load %arg12[%swap3A_1941] {strides = array<i32>} : memref<256xi32, #tpu.memory_space<vmem>>, vector<16xi32>,
      tpu.vector_store %arg12[%swap3A_1941], %broadcast_in_dim3A_1940 {strides = array<i32>} : memref<256xi32, #tpu.memory_space<vmem>>, vector<16xi32>,
      %broadcast_in_dim3A_1943 = arith.constant 0 : i32
      %broadcast_in_dim3A_1944 = vector.broadcast %broadcast_in_dim3A_1943 : i32 to vector<16xi32>
      %swap3A_1945 = arith.constant 64 : index
      %swap3A_1946 = tpu.vector_load %arg12[%swap3A_1945] {strides = array<i32>} : memref<256xi32, #tpu.memory_space<vmem>>, vector<16xi32>,
      tpu.vector_store %arg12[%swap3A_1945], %broadcast_in_dim3A_1944 {strides = array<i32>} : memref<256xi32, #tpu.memory_space<vmem>>, vector<16xi32>,
      %broadcast_in_dim3A_1947 = arith.constant 0 : i32
      %broadcast_in_dim3A_1948 = vector.broadcast %broadcast_in_dim3A_1947 : i32 to vector<16xi32>
      %swap3A_1949 = arith.constant 80 : index
      %swap3A_1950 = tpu.vector_load %arg12[%swap3A_1949] {strides = array<i32>} : memref<256xi32, #tpu.memory_space<vmem>>, vector<16xi32>,
      tpu.vector_store %arg12[%swap3A_1949], %broadcast_in_dim3A_1948 {strides = array<i32>} : memref<256xi32, #tpu.memory_space<vmem>>, vector<16xi32>,
      %broadcast_in_dim3A_1951 = arith.constant 0 : i32
      %broadcast_in_dim3A_1952 = vector.broadcast %broadcast_in_dim3A_1951 : i32 to vector<16xi32>
      %swap3A_1953 = arith.constant 96 : index
      %swap3A_1954 = tpu.vector_load %arg12[%swap3A_1953] {strides = array<i32>} : memref<256xi32, #tpu.memory_space<vmem>>, vector<16xi32>,
      tpu.vector_store %arg12[%swap3A_1953], %broadcast_in_dim3A_1952 {strides = array<i32>} : memref<256xi32, #tpu.memory_space<vmem>>, vector<16xi32>,
      %broadcast_in_dim3A_1955 = arith.constant 0 : i32
      %broadcast_in_dim3A_1956 = vector.broadcast %broadcast_in_dim3A_1955 : i32 to vector<16xi32>
      %swap3A_1957 = arith.constant 112 : index
      %swap3A_1958 = tpu.vector_load %arg12[%swap3A_1957] {strides = array<i32>} : memref<256xi32, #tpu.memory_space<vmem>>, vector<16xi32>,
      tpu.vector_store %arg12[%swap3A_1957], %broadcast_in_dim3A_1956 {strides = array<i32>} : memref<256xi32, #tpu.memory_space<vmem>>, vector<16xi32>,
      %broadcast_in_dim3A_1959 = arith.constant 0 : i32
      %broadcast_in_dim3A_1960 = vector.broadcast %broadcast_in_dim3A_1959 : i32 to vector<16xi32>
      %swap3A_1961 = arith.constant 128 : index
      %swap3A_1962 = tpu.vector_load %arg12[%swap3A_1961] {strides = array<i32>} : memref<256xi32, #tpu.memory_space<vmem>>, vector<16xi32>,
      tpu.vector_store %arg12[%swap3A_1961], %broadcast_in_dim3A_1960 {strides = array<i32>} : memref<256xi32, #tpu.memory_space<vmem>>, vector<16xi32>,
      %broadcast_in_dim3A_1963 = arith.constant 0 : i32
      %broadcast_in_dim3A_1964 = vector.broadcast %broadcast_in_dim3A_1963 : i32 to vector<16xi32>
      %swap3A_1965 = arith.constant 144 : index
      %swap3A_1966 = tpu.vector_load %arg12[%swap3A_1965] {strides = array<i32>} : memref<256xi32, #tpu.memory_space<vmem>>, vector<16xi32>,
      tpu.vector_store %arg12[%swap3A_1965], %broadcast_in_dim3A_1964 {strides = array<i32>} : memref<256xi32, #tpu.memory_space<vmem>>, vector<16xi32>,
      %broadcast_in_dim3A_1967 = arith.constant 0 : i32
      %broadcast_in_dim3A_1968 = vector.broadcast %broadcast_in_dim3A_1967 : i32 to vector<16xi32>
      %swap3A_1969 = arith.constant 160 : index
      %swap3A_1970 = tpu.vector_load %arg12[%swap3A_1969] {strides = array<i32>} : memref<256xi32, #tpu.memory_space<vmem>>, vector<16xi32>,
      tpu.vector_store %arg12[%swap3A_1969], %broadcast_in_dim3A_1968 {strides = array<i32>} : memref<256xi32, #tpu.memory_space<vmem>>, vector<16xi32>,
      %broadcast_in_dim3A_1971 = arith.constant 0 : i32
      %broadcast_in_dim3A_1972 = vector.broadcast %broadcast_in_dim3A_1971 : i32 to vector<16xi32>
      %swap3A_1973 = arith.constant 176 : index
      %swap3A_1974 = tpu.vector_load %arg12[%swap3A_1973] {strides = array<i32>} : memref<256xi32, #tpu.memory_space<vmem>>, vector<16xi32>,
      tpu.vector_store %arg12[%swap3A_1973], %broadcast_in_dim3A_1972 {strides = array<i32>} : memref<256xi32, #tpu.memory_space<vmem>>, vector<16xi32>,
      %broadcast_in_dim3A_1975 = arith.constant 0 : i32
      %broadcast_in_dim3A_1976 = vector.broadcast %broadcast_in_dim3A_1975 : i32 to vector<16xi32>
      %swap3A_1977 = arith.constant 192 : index
      %swap3A_1978 = tpu.vector_load %arg12[%swap3A_1977] {strides = array<i32>} : memref<256xi32, #tpu.memory_space<vmem>>, vector<16xi32>,
      tpu.vector_store %arg12[%swap3A_1977], %broadcast_in_dim3A_1976 {strides = array<i32>} : memref<256xi32, #tpu.memory_space<vmem>>, vector<16xi32>,
      %broadcast_in_dim3A_1979 = arith.constant 0 : i32
      %broadcast_in_dim3A_1980 = vector.broadcast %broadcast_in_dim3A_1979 : i32 to vector<16xi32>
      %swap3A_1981 = arith.constant 208 : index
      %swap3A_1982 = tpu.vector_load %arg12[%swap3A_1981] {strides = array<i32>} : memref<256xi32, #tpu.memory_space<vmem>>, vector<16xi32>,
      tpu.vector_store %arg12[%swap3A_1981], %broadcast_in_dim3A_1980 {strides = array<i32>} : memref<256xi32, #tpu.memory_space<vmem>>, vector<16xi32>,
      %broadcast_in_dim3A_1983 = arith.constant 0 : i32
      %broadcast_in_dim3A_1984 = vector.broadcast %broadcast_in_dim3A_1983 : i32 to vector<16xi32>
      %swap3A_1985 = arith.constant 224 : index
      %swap3A_1986 = tpu.vector_load %arg12[%swap3A_1985] {strides = array<i32>} : memref<256xi32, #tpu.memory_space<vmem>>, vector<16xi32>,
      tpu.vector_store %arg12[%swap3A_1985], %broadcast_in_dim3A_1984 {strides = array<i32>} : memref<256xi32, #tpu.memory_space<vmem>>, vector<16xi32>,
      %broadcast_in_dim3A_1987 = arith.constant 0 : i32
      %broadcast_in_dim3A_1988 = vector.broadcast %broadcast_in_dim3A_1987 : i32 to vector<16xi32>
      %swap3A_1989 = arith.constant 240 : index
      %swap3A_1990 = tpu.vector_load %arg12[%swap3A_1989] {strides = array<i32>} : memref<256xi32, #tpu.memory_space<vmem>>, vector<16xi32>,
      tpu.vector_store %arg12[%swap3A_1989], %broadcast_in_dim3A_1988 {strides = array<i32>} : memref<256xi32, #tpu.memory_space<vmem>>, vector<16xi32>,
      %scan3A_1991 = arith.constant 0 : i32
      %scan3A_1992 = arith.constant 0 : i32
      %scan3A_1993 = arith.constant 16 : i32
      %scan3A_1994 = arith.addi %scan3A_1992, %scan3A_1993 : i32
      %scan3A_1995 = arith.constant 1 : i32
      %scan3A_1996 = scf.for %scan3A_2568 = %scan3A_1992 to %scan3A_1994 step %scan3A_1995 iter_args(%scan3A_2569 = %scan3A_1991) -> (i32)  : i32 {
        %mul3A_2570 = arith.constant 4 : i32
        %mul3A_2571 = arith.muli %scan3A_2568, %mul3A_2570 : i32
        %add3A_2572 = arith.constant 0 : i32
        %add3A_2573 = arith.addi %mul3A_2571, %add3A_2572 : i32
        %mul3A_2574 = arith.constant 16 : i32
        %mul3A_2575 = arith.muli %add3A_2573, %mul3A_2574 : i32
        %get3A_2576 = arith.index_cast %mul3A_2575 : i32 to index
        %get3A_2577 = tpu.vector_load %arg8[%get3A_2576] {strides = array<i32>} : memref<1024xi32, #tpu.memory_space<vmem>>, vector<16xi32>,
        %shift_right_arithmetic3A = arith.constant 24 : i32
        %shift_right_arithmetic3A_2578 = vector.broadcast %shift_right_arithmetic3A : i32 to vector<16xi32>
        %shift_right_arithmetic3A_2579 = arith.shrsi %get3A_2577, %shift_right_arithmetic3A_2578 : vector<16xi32>
        %and3A = arith.constant 15 : i32
        %and3A_2580 = vector.broadcast %and3A : i32 to vector<16xi32>
        %and3A_2581 = arith.andi %shift_right_arithmetic3A_2579, %and3A_2580 : vector<16xi32>
        %mul3A_2582 = arith.constant 16 : i32
        %mul3A_2583 = vector.broadcast %mul3A_2582 : i32 to vector<16xi32>
        %mul3A_2584 = arith.muli %and3A_2581, %mul3A_2583 : vector<16xi32>
        %add3A_2585 = arith.addi %mul3A_2584, %iota3A : vector<16xi32>
        tpu.vector_store_idx %arg12[%add3A_2585], %broadcast_in_dim3A_0 {add = true} : memref<256xi32, #tpu.memory_space<vmem>>[vector<16xi32>], vector<16xi32>,
        %mul3A_2586 = arith.constant 4 : i32
        %mul3A_2587 = arith.muli %scan3A_2568, %mul3A_2586 : i32
        %add3A_2588 = arith.constant 1 : i32
        %add3A_2589 = arith.addi %mul3A_2587, %add3A_2588 : i32
        %mul3A_2590 = arith.constant 16 : i32
        %mul3A_2591 = arith.muli %add3A_2589, %mul3A_2590 : i32
        %get3A_2592 = arith.index_cast %mul3A_2591 : i32 to index
        %get3A_2593 = tpu.vector_load %arg8[%get3A_2592] {strides = array<i32>} : memref<1024xi32, #tpu.memory_space<vmem>>, vector<16xi32>,
        %shift_right_arithmetic3A_2594 = arith.constant 24 : i32
        %shift_right_arithmetic3A_2595 = vector.broadcast %shift_right_arithmetic3A_2594 : i32 to vector<16xi32>
        %shift_right_arithmetic3A_2596 = arith.shrsi %get3A_2593, %shift_right_arithmetic3A_2595 : vector<16xi32>
        %and3A_2597 = arith.constant 15 : i32
        %and3A_2598 = vector.broadcast %and3A_2597 : i32 to vector<16xi32>
        %and3A_2599 = arith.andi %shift_right_arithmetic3A_2596, %and3A_2598 : vector<16xi32>
        %mul3A_2600 = arith.constant 16 : i32
        %mul3A_2601 = vector.broadcast %mul3A_2600 : i32 to vector<16xi32>
        %mul3A_2602 = arith.muli %and3A_2599, %mul3A_2601 : vector<16xi32>
        %add3A_2603 = arith.addi %mul3A_2602, %iota3A : vector<16xi32>
        tpu.vector_store_idx %arg12[%add3A_2603], %broadcast_in_dim3A_0 {add = true} : memref<256xi32, #tpu.memory_space<vmem>>[vector<16xi32>], vector<16xi32>,
        %mul3A_2604 = arith.constant 4 : i32
        %mul3A_2605 = arith.muli %scan3A_2568, %mul3A_2604 : i32
        %add3A_2606 = arith.constant 2 : i32
        %add3A_2607 = arith.addi %mul3A_2605, %add3A_2606 : i32
        %mul3A_2608 = arith.constant 16 : i32
        %mul3A_2609 = arith.muli %add3A_2607, %mul3A_2608 : i32
        %get3A_2610 = arith.index_cast %mul3A_2609 : i32 to index
        %get3A_2611 = tpu.vector_load %arg8[%get3A_2610] {strides = array<i32>} : memref<1024xi32, #tpu.memory_space<vmem>>, vector<16xi32>,
        %shift_right_arithmetic3A_2612 = arith.constant 24 : i32
        %shift_right_arithmetic3A_2613 = vector.broadcast %shift_right_arithmetic3A_2612 : i32 to vector<16xi32>
        %shift_right_arithmetic3A_2614 = arith.shrsi %get3A_2611, %shift_right_arithmetic3A_2613 : vector<16xi32>
        %and3A_2615 = arith.constant 15 : i32
        %and3A_2616 = vector.broadcast %and3A_2615 : i32 to vector<16xi32>
        %and3A_2617 = arith.andi %shift_right_arithmetic3A_2614, %and3A_2616 : vector<16xi32>
        %mul3A_2618 = arith.constant 16 : i32
        %mul3A_2619 = vector.broadcast %mul3A_2618 : i32 to vector<16xi32>
        %mul3A_2620 = arith.muli %and3A_2617, %mul3A_2619 : vector<16xi32>
        %add3A_2621 = arith.addi %mul3A_2620, %iota3A : vector<16xi32>
        tpu.vector_store_idx %arg12[%add3A_2621], %broadcast_in_dim3A_0 {add = true} : memref<256xi32, #tpu.memory_space<vmem>>[vector<16xi32>], vector<16xi32>,
        %mul3A_2622 = arith.constant 4 : i32
        %mul3A_2623 = arith.muli %scan3A_2568, %mul3A_2622 : i32
        %add3A_2624 = arith.constant 3 : i32
        %add3A_2625 = arith.addi %mul3A_2623, %add3A_2624 : i32
        %mul3A_2626 = arith.constant 16 : i32
        %mul3A_2627 = arith.muli %add3A_2625, %mul3A_2626 : i32
        %get3A_2628 = arith.index_cast %mul3A_2627 : i32 to index
        %get3A_2629 = tpu.vector_load %arg8[%get3A_2628] {strides = array<i32>} : memref<1024xi32, #tpu.memory_space<vmem>>, vector<16xi32>,
        %shift_right_arithmetic3A_2630 = arith.constant 24 : i32
        %shift_right_arithmetic3A_2631 = vector.broadcast %shift_right_arithmetic3A_2630 : i32 to vector<16xi32>
        %shift_right_arithmetic3A_2632 = arith.shrsi %get3A_2629, %shift_right_arithmetic3A_2631 : vector<16xi32>
        %and3A_2633 = arith.constant 15 : i32
        %and3A_2634 = vector.broadcast %and3A_2633 : i32 to vector<16xi32>
        %and3A_2635 = arith.andi %shift_right_arithmetic3A_2632, %and3A_2634 : vector<16xi32>
        %mul3A_2636 = arith.constant 16 : i32
        %mul3A_2637 = vector.broadcast %mul3A_2636 : i32 to vector<16xi32>
        %mul3A_2638 = arith.muli %and3A_2635, %mul3A_2637 : vector<16xi32>
        %add3A_2639 = arith.addi %mul3A_2638, %iota3A : vector<16xi32>
        tpu.vector_store_idx %arg12[%add3A_2639], %broadcast_in_dim3A_0 {add = true} : memref<256xi32, #tpu.memory_space<vmem>>[vector<16xi32>], vector<16xi32>,
        %scan3A_2640 = arith.constant 0 : i32
        scf.yield %scan3A_2640 : i32
      }
      %scan3A_1997 = arith.constant 16 : i32
      %get3A_1998 = arith.constant 0 : index
      %get3A_1999 = tpu.vector_load %arg12[%get3A_1998] {strides = array<i32>} : memref<256xi32, #tpu.memory_space<vmem>>, vector<16xi32>,
      %cumsum3A_2000 = arith.constant true
      %cumsum3A_2001 = vector.broadcast %cumsum3A_2000 : i1 to vector<16xi1>
      %cumsum3A_2002 = tpu.scan <sum>, %get3A_1999 masked %cumsum3A_2001 : vector<16xi32>, vector<16xi1> -> vector<16xi32>
      %sub3A_2003 = arith.subi %cumsum3A_2002, %get3A_1999 : vector<16xi32>
      %add3A_2004 = arith.constant 0 : i32
      %add3A_2005 = vector.broadcast %add3A_2004 : i32 to vector<16xi32>
      %add3A_2006 = arith.addi %sub3A_2003, %add3A_2005 : vector<16xi32>
      %swap3A_2007 = arith.constant 0 : index
      %swap3A_2008 = tpu.vector_load %arg12[%swap3A_2007] {strides = array<i32>} : memref<256xi32, #tpu.memory_space<vmem>>, vector<16xi32>,
      tpu.vector_store %arg12[%swap3A_2007], %add3A_2006 {strides = array<i32>} : memref<256xi32, #tpu.memory_space<vmem>>, vector<16xi32>,
      %reduce_sum3A_2009 = arith.constant true
      %reduce_sum3A_2010 = vector.broadcast %reduce_sum3A_2009 : i1 to vector<16xi1>
      %reduce_sum3A_2011 = tpu.scan <sum>, %get3A_1999 masked %reduce_sum3A_2010 : vector<16xi32>, vector<16xi1> -> vector<16xi32>
      %reduce_sum3A_2012 = vector.extract %reduce_sum3A_2011[15] : i32 from vector<16xi32>
      %add3A_2013 = arith.constant 0 : i32
      %add3A_2014 = arith.addi %add3A_2013, %reduce_sum3A_2012 : i32
      %get3A_2015 = arith.constant 16 : index
      %get3A_2016 = tpu.vector_load %arg12[%get3A_2015] {strides = array<i32>} : memref<256xi32, #tpu.memory_space<vmem>>, vector<16xi32>,
      %cumsum3A_2017 = arith.constant true
      %cumsum3A_2018 = vector.broadcast %cumsum3A_2017 : i1 to vector<16xi1>
      %cumsum3A_2019 = tpu.scan <sum>, %get3A_2016 masked %cumsum3A_2018 : vector<16xi32>, vector<16xi1> -> vector<16xi32>
      %sub3A_2020 = arith.subi %cumsum3A_2019, %get3A_2016 : vector<16xi32>
      %add3A_2021 = vector.broadcast %add3A_2014 : i32 to vector<16xi32>
      %add3A_2022 = arith.addi %sub3A_2020, %add3A_2021 : vector<16xi32>
      %swap3A_2023 = arith.constant 16 : index
      %swap3A_2024 = tpu.vector_load %arg12[%swap3A_2023] {strides = array<i32>} : memref<256xi32, #tpu.memory_space<vmem>>, vector<16xi32>,
      tpu.vector_store %arg12[%swap3A_2023], %add3A_2022 {strides = array<i32>} : memref<256xi32, #tpu.memory_space<vmem>>, vector<16xi32>,
      %reduce_sum3A_2025 = arith.constant true
      %reduce_sum3A_2026 = vector.broadcast %reduce_sum3A_2025 : i1 to vector<16xi1>
      %reduce_sum3A_2027 = tpu.scan <sum>, %get3A_2016 masked %reduce_sum3A_2026 : vector<16xi32>, vector<16xi1> -> vector<16xi32>
      %reduce_sum3A_2028 = vector.extract %reduce_sum3A_2027[15] : i32 from vector<16xi32>
      %add3A_2029 = arith.addi %add3A_2014, %reduce_sum3A_2028 : i32
      %get3A_2030 = arith.constant 32 : index
      %get3A_2031 = tpu.vector_load %arg12[%get3A_2030] {strides = array<i32>} : memref<256xi32, #tpu.memory_space<vmem>>, vector<16xi32>,
      %cumsum3A_2032 = arith.constant true
      %cumsum3A_2033 = vector.broadcast %cumsum3A_2032 : i1 to vector<16xi1>
      %cumsum3A_2034 = tpu.scan <sum>, %get3A_2031 masked %cumsum3A_2033 : vector<16xi32>, vector<16xi1> -> vector<16xi32>
      %sub3A_2035 = arith.subi %cumsum3A_2034, %get3A_2031 : vector<16xi32>
      %add3A_2036 = vector.broadcast %add3A_2029 : i32 to vector<16xi32>
      %add3A_2037 = arith.addi %sub3A_2035, %add3A_2036 : vector<16xi32>
      %swap3A_2038 = arith.constant 32 : index
      %swap3A_2039 = tpu.vector_load %arg12[%swap3A_2038] {strides = array<i32>} : memref<256xi32, #tpu.memory_space<vmem>>, vector<16xi32>,
      tpu.vector_store %arg12[%swap3A_2038], %add3A_2037 {strides = array<i32>} : memref<256xi32, #tpu.memory_space<vmem>>, vector<16xi32>,
      %reduce_sum3A_2040 = arith.constant true
      %reduce_sum3A_2041 = vector.broadcast %reduce_sum3A_2040 : i1 to vector<16xi1>
      %reduce_sum3A_2042 = tpu.scan <sum>, %get3A_2031 masked %reduce_sum3A_2041 : vector<16xi32>, vector<16xi1> -> vector<16xi32>
      %reduce_sum3A_2043 = vector.extract %reduce_sum3A_2042[15] : i32 from vector<16xi32>
      %add3A_2044 = arith.addi %add3A_2029, %reduce_sum3A_2043 : i32
      %get3A_2045 = arith.constant 48 : index
      %get3A_2046 = tpu.vector_load %arg12[%get3A_2045] {strides = array<i32>} : memref<256xi32, #tpu.memory_space<vmem>>, vector<16xi32>,
      %cumsum3A_2047 = arith.constant true
      %cumsum3A_2048 = vector.broadcast %cumsum3A_2047 : i1 to vector<16xi1>
      %cumsum3A_2049 = tpu.scan <sum>, %get3A_2046 masked %cumsum3A_2048 : vector<16xi32>, vector<16xi1> -> vector<16xi32>
      %sub3A_2050 = arith.subi %cumsum3A_2049, %get3A_2046 : vector<16xi32>
      %add3A_2051 = vector.broadcast %add3A_2044 : i32 to vector<16xi32>
      %add3A_2052 = arith.addi %sub3A_2050, %add3A_2051 : vector<16xi32>
      %swap3A_2053 = arith.constant 48 : index
      %swap3A_2054 = tpu.vector_load %arg12[%swap3A_2053] {strides = array<i32>} : memref<256xi32, #tpu.memory_space<vmem>>, vector<16xi32>,
      tpu.vector_store %arg12[%swap3A_2053], %add3A_2052 {strides = array<i32>} : memref<256xi32, #tpu.memory_space<vmem>>, vector<16xi32>,
      %reduce_sum3A_2055 = arith.constant true
      %reduce_sum3A_2056 = vector.broadcast %reduce_sum3A_2055 : i1 to vector<16xi1>
      %reduce_sum3A_2057 = tpu.scan <sum>, %get3A_2046 masked %reduce_sum3A_2056 : vector<16xi32>, vector<16xi1> -> vector<16xi32>
      %reduce_sum3A_2058 = vector.extract %reduce_sum3A_2057[15] : i32 from vector<16xi32>
      %add3A_2059 = arith.addi %add3A_2044, %reduce_sum3A_2058 : i32
      %get3A_2060 = arith.constant 64 : index
      %get3A_2061 = tpu.vector_load %arg12[%get3A_2060] {strides = array<i32>} : memref<256xi32, #tpu.memory_space<vmem>>, vector<16xi32>,
      %cumsum3A_2062 = arith.constant true
      %cumsum3A_2063 = vector.broadcast %cumsum3A_2062 : i1 to vector<16xi1>
      %cumsum3A_2064 = tpu.scan <sum>, %get3A_2061 masked %cumsum3A_2063 : vector<16xi32>, vector<16xi1> -> vector<16xi32>
      %sub3A_2065 = arith.subi %cumsum3A_2064, %get3A_2061 : vector<16xi32>
      %add3A_2066 = vector.broadcast %add3A_2059 : i32 to vector<16xi32>
      %add3A_2067 = arith.addi %sub3A_2065, %add3A_2066 : vector<16xi32>
      %swap3A_2068 = arith.constant 64 : index
      %swap3A_2069 = tpu.vector_load %arg12[%swap3A_2068] {strides = array<i32>} : memref<256xi32, #tpu.memory_space<vmem>>, vector<16xi32>,
      tpu.vector_store %arg12[%swap3A_2068], %add3A_2067 {strides = array<i32>} : memref<256xi32, #tpu.memory_space<vmem>>, vector<16xi32>,
      %reduce_sum3A_2070 = arith.constant true
      %reduce_sum3A_2071 = vector.broadcast %reduce_sum3A_2070 : i1 to vector<16xi1>
      %reduce_sum3A_2072 = tpu.scan <sum>, %get3A_2061 masked %reduce_sum3A_2071 : vector<16xi32>, vector<16xi1> -> vector<16xi32>
      %reduce_sum3A_2073 = vector.extract %reduce_sum3A_2072[15] : i32 from vector<16xi32>
      %add3A_2074 = arith.addi %add3A_2059, %reduce_sum3A_2073 : i32
      %get3A_2075 = arith.constant 80 : index
      %get3A_2076 = tpu.vector_load %arg12[%get3A_2075] {strides = array<i32>} : memref<256xi32, #tpu.memory_space<vmem>>, vector<16xi32>,
      %cumsum3A_2077 = arith.constant true
      %cumsum3A_2078 = vector.broadcast %cumsum3A_2077 : i1 to vector<16xi1>
      %cumsum3A_2079 = tpu.scan <sum>, %get3A_2076 masked %cumsum3A_2078 : vector<16xi32>, vector<16xi1> -> vector<16xi32>
      %sub3A_2080 = arith.subi %cumsum3A_2079, %get3A_2076 : vector<16xi32>
      %add3A_2081 = vector.broadcast %add3A_2074 : i32 to vector<16xi32>
      %add3A_2082 = arith.addi %sub3A_2080, %add3A_2081 : vector<16xi32>
      %swap3A_2083 = arith.constant 80 : index
      %swap3A_2084 = tpu.vector_load %arg12[%swap3A_2083] {strides = array<i32>} : memref<256xi32, #tpu.memory_space<vmem>>, vector<16xi32>,
      tpu.vector_store %arg12[%swap3A_2083], %add3A_2082 {strides = array<i32>} : memref<256xi32, #tpu.memory_space<vmem>>, vector<16xi32>,
      %reduce_sum3A_2085 = arith.constant true
      %reduce_sum3A_2086 = vector.broadcast %reduce_sum3A_2085 : i1 to vector<16xi1>
      %reduce_sum3A_2087 = tpu.scan <sum>, %get3A_2076 masked %reduce_sum3A_2086 : vector<16xi32>, vector<16xi1> -> vector<16xi32>
      %reduce_sum3A_2088 = vector.extract %reduce_sum3A_2087[15] : i32 from vector<16xi32>
      %add3A_2089 = arith.addi %add3A_2074, %reduce_sum3A_2088 : i32
      %get3A_2090 = arith.constant 96 : index
      %get3A_2091 = tpu.vector_load %arg12[%get3A_2090] {strides = array<i32>} : memref<256xi32, #tpu.memory_space<vmem>>, vector<16xi32>,
      %cumsum3A_2092 = arith.constant true
      %cumsum3A_2093 = vector.broadcast %cumsum3A_2092 : i1 to vector<16xi1>
      %cumsum3A_2094 = tpu.scan <sum>, %get3A_2091 masked %cumsum3A_2093 : vector<16xi32>, vector<16xi1> -> vector<16xi32>
      %sub3A_2095 = arith.subi %cumsum3A_2094, %get3A_2091 : vector<16xi32>
      %add3A_2096 = vector.broadcast %add3A_2089 : i32 to vector<16xi32>
      %add3A_2097 = arith.addi %sub3A_2095, %add3A_2096 : vector<16xi32>
      %swap3A_2098 = arith.constant 96 : index
      %swap3A_2099 = tpu.vector_load %arg12[%swap3A_2098] {strides = array<i32>} : memref<256xi32, #tpu.memory_space<vmem>>, vector<16xi32>,
      tpu.vector_store %arg12[%swap3A_2098], %add3A_2097 {strides = array<i32>} : memref<256xi32, #tpu.memory_space<vmem>>, vector<16xi32>,
      %reduce_sum3A_2100 = arith.constant true
      %reduce_sum3A_2101 = vector.broadcast %reduce_sum3A_2100 : i1 to vector<16xi1>
      %reduce_sum3A_2102 = tpu.scan <sum>, %get3A_2091 masked %reduce_sum3A_2101 : vector<16xi32>, vector<16xi1> -> vector<16xi32>
      %reduce_sum3A_2103 = vector.extract %reduce_sum3A_2102[15] : i32 from vector<16xi32>
      %add3A_2104 = arith.addi %add3A_2089, %reduce_sum3A_2103 : i32
      %get3A_2105 = arith.constant 112 : index
      %get3A_2106 = tpu.vector_load %arg12[%get3A_2105] {strides = array<i32>} : memref<256xi32, #tpu.memory_space<vmem>>, vector<16xi32>,
      %cumsum3A_2107 = arith.constant true
      %cumsum3A_2108 = vector.broadcast %cumsum3A_2107 : i1 to vector<16xi1>
      %cumsum3A_2109 = tpu.scan <sum>, %get3A_2106 masked %cumsum3A_2108 : vector<16xi32>, vector<16xi1> -> vector<16xi32>
      %sub3A_2110 = arith.subi %cumsum3A_2109, %get3A_2106 : vector<16xi32>
      %add3A_2111 = vector.broadcast %add3A_2104 : i32 to vector<16xi32>
      %add3A_2112 = arith.addi %sub3A_2110, %add3A_2111 : vector<16xi32>
      %swap3A_2113 = arith.constant 112 : index
      %swap3A_2114 = tpu.vector_load %arg12[%swap3A_2113] {strides = array<i32>} : memref<256xi32, #tpu.memory_space<vmem>>, vector<16xi32>,
      tpu.vector_store %arg12[%swap3A_2113], %add3A_2112 {strides = array<i32>} : memref<256xi32, #tpu.memory_space<vmem>>, vector<16xi32>,
      %reduce_sum3A_2115 = arith.constant true
      %reduce_sum3A_2116 = vector.broadcast %reduce_sum3A_2115 : i1 to vector<16xi1>
      %reduce_sum3A_2117 = tpu.scan <sum>, %get3A_2106 masked %reduce_sum3A_2116 : vector<16xi32>, vector<16xi1> -> vector<16xi32>
      %reduce_sum3A_2118 = vector.extract %reduce_sum3A_2117[15] : i32 from vector<16xi32>
      %add3A_2119 = arith.addi %add3A_2104, %reduce_sum3A_2118 : i32
      %get3A_2120 = arith.constant 128 : index
      %get3A_2121 = tpu.vector_load %arg12[%get3A_2120] {strides = array<i32>} : memref<256xi32, #tpu.memory_space<vmem>>, vector<16xi32>,
      %cumsum3A_2122 = arith.constant true
      %cumsum3A_2123 = vector.broadcast %cumsum3A_2122 : i1 to vector<16xi1>
      %cumsum3A_2124 = tpu.scan <sum>, %get3A_2121 masked %cumsum3A_2123 : vector<16xi32>, vector<16xi1> -> vector<16xi32>
      %sub3A_2125 = arith.subi %cumsum3A_2124, %get3A_2121 : vector<16xi32>
      %add3A_2126 = vector.broadcast %add3A_2119 : i32 to vector<16xi32>
      %add3A_2127 = arith.addi %sub3A_2125, %add3A_2126 : vector<16xi32>
      %swap3A_2128 = arith.constant 128 : index
      %swap3A_2129 = tpu.vector_load %arg12[%swap3A_2128] {strides = array<i32>} : memref<256xi32, #tpu.memory_space<vmem>>, vector<16xi32>,
      tpu.vector_store %arg12[%swap3A_2128], %add3A_2127 {strides = array<i32>} : memref<256xi32, #tpu.memory_space<vmem>>, vector<16xi32>,
      %reduce_sum3A_2130 = arith.constant true
      %reduce_sum3A_2131 = vector.broadcast %reduce_sum3A_2130 : i1 to vector<16xi1>
      %reduce_sum3A_2132 = tpu.scan <sum>, %get3A_2121 masked %reduce_sum3A_2131 : vector<16xi32>, vector<16xi1> -> vector<16xi32>
      %reduce_sum3A_2133 = vector.extract %reduce_sum3A_2132[15] : i32 from vector<16xi32>
      %add3A_2134 = arith.addi %add3A_2119, %reduce_sum3A_2133 : i32
      %get3A_2135 = arith.constant 144 : index
      %get3A_2136 = tpu.vector_load %arg12[%get3A_2135] {strides = array<i32>} : memref<256xi32, #tpu.memory_space<vmem>>, vector<16xi32>,
      %cumsum3A_2137 = arith.constant true
      %cumsum3A_2138 = vector.broadcast %cumsum3A_2137 : i1 to vector<16xi1>
      %cumsum3A_2139 = tpu.scan <sum>, %get3A_2136 masked %cumsum3A_2138 : vector<16xi32>, vector<16xi1> -> vector<16xi32>
      %sub3A_2140 = arith.subi %cumsum3A_2139, %get3A_2136 : vector<16xi32>
      %add3A_2141 = vector.broadcast %add3A_2134 : i32 to vector<16xi32>
      %add3A_2142 = arith.addi %sub3A_2140, %add3A_2141 : vector<16xi32>
      %swap3A_2143 = arith.constant 144 : index
      %swap3A_2144 = tpu.vector_load %arg12[%swap3A_2143] {strides = array<i32>} : memref<256xi32, #tpu.memory_space<vmem>>, vector<16xi32>,
      tpu.vector_store %arg12[%swap3A_2143], %add3A_2142 {strides = array<i32>} : memref<256xi32, #tpu.memory_space<vmem>>, vector<16xi32>,
      %reduce_sum3A_2145 = arith.constant true
      %reduce_sum3A_2146 = vector.broadcast %reduce_sum3A_2145 : i1 to vector<16xi1>
      %reduce_sum3A_2147 = tpu.scan <sum>, %get3A_2136 masked %reduce_sum3A_2146 : vector<16xi32>, vector<16xi1> -> vector<16xi32>
      %reduce_sum3A_2148 = vector.extract %reduce_sum3A_2147[15] : i32 from vector<16xi32>
      %add3A_2149 = arith.addi %add3A_2134, %reduce_sum3A_2148 : i32
      %get3A_2150 = arith.constant 160 : index
      %get3A_2151 = tpu.vector_load %arg12[%get3A_2150] {strides = array<i32>} : memref<256xi32, #tpu.memory_space<vmem>>, vector<16xi32>,
      %cumsum3A_2152 = arith.constant true
      %cumsum3A_2153 = vector.broadcast %cumsum3A_2152 : i1 to vector<16xi1>
      %cumsum3A_2154 = tpu.scan <sum>, %get3A_2151 masked %cumsum3A_2153 : vector<16xi32>, vector<16xi1> -> vector<16xi32>
      %sub3A_2155 = arith.subi %cumsum3A_2154, %get3A_2151 : vector<16xi32>
      %add3A_2156 = vector.broadcast %add3A_2149 : i32 to vector<16xi32>
      %add3A_2157 = arith.addi %sub3A_2155, %add3A_2156 : vector<16xi32>
      %swap3A_2158 = arith.constant 160 : index
      %swap3A_2159 = tpu.vector_load %arg12[%swap3A_2158] {strides = array<i32>} : memref<256xi32, #tpu.memory_space<vmem>>, vector<16xi32>,
      tpu.vector_store %arg12[%swap3A_2158], %add3A_2157 {strides = array<i32>} : memref<256xi32, #tpu.memory_space<vmem>>, vector<16xi32>,
      %reduce_sum3A_2160 = arith.constant true
      %reduce_sum3A_2161 = vector.broadcast %reduce_sum3A_2160 : i1 to vector<16xi1>
      %reduce_sum3A_2162 = tpu.scan <sum>, %get3A_2151 masked %reduce_sum3A_2161 : vector<16xi32>, vector<16xi1> -> vector<16xi32>
      %reduce_sum3A_2163 = vector.extract %reduce_sum3A_2162[15] : i32 from vector<16xi32>
      %add3A_2164 = arith.addi %add3A_2149, %reduce_sum3A_2163 : i32
      %get3A_2165 = arith.constant 176 : index
      %get3A_2166 = tpu.vector_load %arg12[%get3A_2165] {strides = array<i32>} : memref<256xi32, #tpu.memory_space<vmem>>, vector<16xi32>,
      %cumsum3A_2167 = arith.constant true
      %cumsum3A_2168 = vector.broadcast %cumsum3A_2167 : i1 to vector<16xi1>
      %cumsum3A_2169 = tpu.scan <sum>, %get3A_2166 masked %cumsum3A_2168 : vector<16xi32>, vector<16xi1> -> vector<16xi32>
      %sub3A_2170 = arith.subi %cumsum3A_2169, %get3A_2166 : vector<16xi32>
      %add3A_2171 = vector.broadcast %add3A_2164 : i32 to vector<16xi32>
      %add3A_2172 = arith.addi %sub3A_2170, %add3A_2171 : vector<16xi32>
      %swap3A_2173 = arith.constant 176 : index
      %swap3A_2174 = tpu.vector_load %arg12[%swap3A_2173] {strides = array<i32>} : memref<256xi32, #tpu.memory_space<vmem>>, vector<16xi32>,
      tpu.vector_store %arg12[%swap3A_2173], %add3A_2172 {strides = array<i32>} : memref<256xi32, #tpu.memory_space<vmem>>, vector<16xi32>,
      %reduce_sum3A_2175 = arith.constant true
      %reduce_sum3A_2176 = vector.broadcast %reduce_sum3A_2175 : i1 to vector<16xi1>
      %reduce_sum3A_2177 = tpu.scan <sum>, %get3A_2166 masked %reduce_sum3A_2176 : vector<16xi32>, vector<16xi1> -> vector<16xi32>
      %reduce_sum3A_2178 = vector.extract %reduce_sum3A_2177[15] : i32 from vector<16xi32>
      %add3A_2179 = arith.addi %add3A_2164, %reduce_sum3A_2178 : i32
      %get3A_2180 = arith.constant 192 : index
      %get3A_2181 = tpu.vector_load %arg12[%get3A_2180] {strides = array<i32>} : memref<256xi32, #tpu.memory_space<vmem>>, vector<16xi32>,
      %cumsum3A_2182 = arith.constant true
      %cumsum3A_2183 = vector.broadcast %cumsum3A_2182 : i1 to vector<16xi1>
      %cumsum3A_2184 = tpu.scan <sum>, %get3A_2181 masked %cumsum3A_2183 : vector<16xi32>, vector<16xi1> -> vector<16xi32>
      %sub3A_2185 = arith.subi %cumsum3A_2184, %get3A_2181 : vector<16xi32>
      %add3A_2186 = vector.broadcast %add3A_2179 : i32 to vector<16xi32>
      %add3A_2187 = arith.addi %sub3A_2185, %add3A_2186 : vector<16xi32>
      %swap3A_2188 = arith.constant 192 : index
      %swap3A_2189 = tpu.vector_load %arg12[%swap3A_2188] {strides = array<i32>} : memref<256xi32, #tpu.memory_space<vmem>>, vector<16xi32>,
      tpu.vector_store %arg12[%swap3A_2188], %add3A_2187 {strides = array<i32>} : memref<256xi32, #tpu.memory_space<vmem>>, vector<16xi32>,
      %reduce_sum3A_2190 = arith.constant true
      %reduce_sum3A_2191 = vector.broadcast %reduce_sum3A_2190 : i1 to vector<16xi1>
      %reduce_sum3A_2192 = tpu.scan <sum>, %get3A_2181 masked %reduce_sum3A_2191 : vector<16xi32>, vector<16xi1> -> vector<16xi32>
      %reduce_sum3A_2193 = vector.extract %reduce_sum3A_2192[15] : i32 from vector<16xi32>
      %add3A_2194 = arith.addi %add3A_2179, %reduce_sum3A_2193 : i32
      %get3A_2195 = arith.constant 208 : index
      %get3A_2196 = tpu.vector_load %arg12[%get3A_2195] {strides = array<i32>} : memref<256xi32, #tpu.memory_space<vmem>>, vector<16xi32>,
      %cumsum3A_2197 = arith.constant true
      %cumsum3A_2198 = vector.broadcast %cumsum3A_2197 : i1 to vector<16xi1>
      %cumsum3A_2199 = tpu.scan <sum>, %get3A_2196 masked %cumsum3A_2198 : vector<16xi32>, vector<16xi1> -> vector<16xi32>
      %sub3A_2200 = arith.subi %cumsum3A_2199, %get3A_2196 : vector<16xi32>
      %add3A_2201 = vector.broadcast %add3A_2194 : i32 to vector<16xi32>
      %add3A_2202 = arith.addi %sub3A_2200, %add3A_2201 : vector<16xi32>
      %swap3A_2203 = arith.constant 208 : index
      %swap3A_2204 = tpu.vector_load %arg12[%swap3A_2203] {strides = array<i32>} : memref<256xi32, #tpu.memory_space<vmem>>, vector<16xi32>,
      tpu.vector_store %arg12[%swap3A_2203], %add3A_2202 {strides = array<i32>} : memref<256xi32, #tpu.memory_space<vmem>>, vector<16xi32>,
      %reduce_sum3A_2205 = arith.constant true
      %reduce_sum3A_2206 = vector.broadcast %reduce_sum3A_2205 : i1 to vector<16xi1>
      %reduce_sum3A_2207 = tpu.scan <sum>, %get3A_2196 masked %reduce_sum3A_2206 : vector<16xi32>, vector<16xi1> -> vector<16xi32>
      %reduce_sum3A_2208 = vector.extract %reduce_sum3A_2207[15] : i32 from vector<16xi32>
      %add3A_2209 = arith.addi %add3A_2194, %reduce_sum3A_2208 : i32
      %get3A_2210 = arith.constant 224 : index
      %get3A_2211 = tpu.vector_load %arg12[%get3A_2210] {strides = array<i32>} : memref<256xi32, #tpu.memory_space<vmem>>, vector<16xi32>,
      %cumsum3A_2212 = arith.constant true
      %cumsum3A_2213 = vector.broadcast %cumsum3A_2212 : i1 to vector<16xi1>
      %cumsum3A_2214 = tpu.scan <sum>, %get3A_2211 masked %cumsum3A_2213 : vector<16xi32>, vector<16xi1> -> vector<16xi32>
      %sub3A_2215 = arith.subi %cumsum3A_2214, %get3A_2211 : vector<16xi32>
      %add3A_2216 = vector.broadcast %add3A_2209 : i32 to vector<16xi32>
      %add3A_2217 = arith.addi %sub3A_2215, %add3A_2216 : vector<16xi32>
      %swap3A_2218 = arith.constant 224 : index
      %swap3A_2219 = tpu.vector_load %arg12[%swap3A_2218] {strides = array<i32>} : memref<256xi32, #tpu.memory_space<vmem>>, vector<16xi32>,
      tpu.vector_store %arg12[%swap3A_2218], %add3A_2217 {strides = array<i32>} : memref<256xi32, #tpu.memory_space<vmem>>, vector<16xi32>,
      %reduce_sum3A_2220 = arith.constant true
      %reduce_sum3A_2221 = vector.broadcast %reduce_sum3A_2220 : i1 to vector<16xi1>
      %reduce_sum3A_2222 = tpu.scan <sum>, %get3A_2211 masked %reduce_sum3A_2221 : vector<16xi32>, vector<16xi1> -> vector<16xi32>
      %reduce_sum3A_2223 = vector.extract %reduce_sum3A_2222[15] : i32 from vector<16xi32>
      %add3A_2224 = arith.addi %add3A_2209, %reduce_sum3A_2223 : i32
      %get3A_2225 = arith.constant 240 : index
      %get3A_2226 = tpu.vector_load %arg12[%get3A_2225] {strides = array<i32>} : memref<256xi32, #tpu.memory_space<vmem>>, vector<16xi32>,
      %cumsum3A_2227 = arith.constant true
      %cumsum3A_2228 = vector.broadcast %cumsum3A_2227 : i1 to vector<16xi1>
      %cumsum3A_2229 = tpu.scan <sum>, %get3A_2226 masked %cumsum3A_2228 : vector<16xi32>, vector<16xi1> -> vector<16xi32>
      %sub3A_2230 = arith.subi %cumsum3A_2229, %get3A_2226 : vector<16xi32>
      %add3A_2231 = vector.broadcast %add3A_2224 : i32 to vector<16xi32>
      %add3A_2232 = arith.addi %sub3A_2230, %add3A_2231 : vector<16xi32>
      %swap3A_2233 = arith.constant 240 : index
      %swap3A_2234 = tpu.vector_load %arg12[%swap3A_2233] {strides = array<i32>} : memref<256xi32, #tpu.memory_space<vmem>>, vector<16xi32>,
      tpu.vector_store %arg12[%swap3A_2233], %add3A_2232 {strides = array<i32>} : memref<256xi32, #tpu.memory_space<vmem>>, vector<16xi32>,
      %reduce_sum3A_2235 = arith.constant true
      %reduce_sum3A_2236 = vector.broadcast %reduce_sum3A_2235 : i1 to vector<16xi1>
      %reduce_sum3A_2237 = tpu.scan <sum>, %get3A_2226 masked %reduce_sum3A_2236 : vector<16xi32>, vector<16xi1> -> vector<16xi32>
      %reduce_sum3A_2238 = vector.extract %reduce_sum3A_2237[15] : i32 from vector<16xi32>
      %add3A_2239 = arith.addi %add3A_2224, %reduce_sum3A_2238 : i32
      %scan3A_2240 = arith.constant 0 : i32
      %scan3A_2241 = arith.constant 0 : i32
      %scan3A_2242 = arith.constant 16 : i32
      %scan3A_2243 = arith.addi %scan3A_2241, %scan3A_2242 : i32
      %scan3A_2244 = arith.constant 1 : i32
      %scan3A_2245 = scf.for %scan3A_2568 = %scan3A_2241 to %scan3A_2243 step %scan3A_2244 iter_args(%scan3A_2569 = %scan3A_2240) -> (i32)  : i32 {
        %mul3A_2570 = arith.constant 4 : i32
        %mul3A_2571 = arith.muli %scan3A_2568, %mul3A_2570 : i32
        %add3A_2572 = arith.constant 0 : i32
        %add3A_2573 = arith.addi %mul3A_2571, %add3A_2572 : i32
        %mul3A_2574 = arith.constant 16 : i32
        %mul3A_2575 = arith.muli %add3A_2573, %mul3A_2574 : i32
        %get3A_2576 = arith.index_cast %mul3A_2575 : i32 to index
        %get3A_2577 = tpu.vector_load %arg8[%get3A_2576] {strides = array<i32>} : memref<1024xi32, #tpu.memory_space<vmem>>, vector<16xi32>,
        %mul3A_2578 = arith.constant 16 : i32
        %mul3A_2579 = arith.muli %add3A_2573, %mul3A_2578 : i32
        %get3A_2580 = arith.index_cast %mul3A_2579 : i32 to index
        %get3A_2581 = tpu.vector_load %arg10[%get3A_2580] {strides = array<i32>} : memref<1024xi32, #tpu.memory_space<vmem>>, vector<16xi32>,
        %shift_right_arithmetic3A = arith.constant 24 : i32
        %shift_right_arithmetic3A_2582 = vector.broadcast %shift_right_arithmetic3A : i32 to vector<16xi32>
        %shift_right_arithmetic3A_2583 = arith.shrsi %get3A_2577, %shift_right_arithmetic3A_2582 : vector<16xi32>
        %and3A = arith.constant 15 : i32
        %and3A_2584 = vector.broadcast %and3A : i32 to vector<16xi32>
        %and3A_2585 = arith.andi %shift_right_arithmetic3A_2583, %and3A_2584 : vector<16xi32>
        %mul3A_2586 = arith.constant 16 : i32
        %mul3A_2587 = vector.broadcast %mul3A_2586 : i32 to vector<16xi32>
        %mul3A_2588 = arith.muli %and3A_2585, %mul3A_2587 : vector<16xi32>
        %add3A_2589 = arith.addi %mul3A_2588, %iota3A : vector<16xi32>
        %gather3A = tpu.vector_load_idx %arg12[%add3A_2589] : memref<256xi32, #tpu.memory_space<vmem>>[vector<16xi32>], vector<16xi32>,
        tpu.vector_store_idx %arg12[%add3A_2589], %broadcast_in_dim3A_0 {add = true} : memref<256xi32, #tpu.memory_space<vmem>>[vector<16xi32>], vector<16xi32>,
        %and3A_2590 = arith.constant 63 : i32
        %and3A_2591 = vector.broadcast %and3A_2590 : i32 to vector<16xi32>
        %and3A_2592 = arith.andi %gather3A, %and3A_2591 : vector<16xi32>
        %mul3A_2593 = arith.constant 16 : i32
        %mul3A_2594 = vector.broadcast %mul3A_2593 : i32 to vector<16xi32>
        %mul3A_2595 = arith.muli %and3A_2592, %mul3A_2594 : vector<16xi32>
        %shift_right_arithmetic3A_2596 = arith.constant 6 : i32
        %shift_right_arithmetic3A_2597 = vector.broadcast %shift_right_arithmetic3A_2596 : i32 to vector<16xi32>
        %shift_right_arithmetic3A_2598 = arith.shrsi %gather3A, %shift_right_arithmetic3A_2597 : vector<16xi32>
        %add3A_2599 = arith.addi %mul3A_2595, %shift_right_arithmetic3A_2598 : vector<16xi32>
        tpu.vector_store_idx %arg9[%add3A_2599], %get3A_2577 : memref<1024xi32, #tpu.memory_space<vmem>>[vector<16xi32>], vector<16xi32>,
        tpu.vector_store_idx %arg11[%add3A_2599], %get3A_2581 : memref<1024xi32, #tpu.memory_space<vmem>>[vector<16xi32>], vector<16xi32>,
        %mul3A_2600 = arith.constant 4 : i32
        %mul3A_2601 = arith.muli %scan3A_2568, %mul3A_2600 : i32
        %add3A_2602 = arith.constant 1 : i32
        %add3A_2603 = arith.addi %mul3A_2601, %add3A_2602 : i32
        %mul3A_2604 = arith.constant 16 : i32
        %mul3A_2605 = arith.muli %add3A_2603, %mul3A_2604 : i32
        %get3A_2606 = arith.index_cast %mul3A_2605 : i32 to index
        %get3A_2607 = tpu.vector_load %arg8[%get3A_2606] {strides = array<i32>} : memref<1024xi32, #tpu.memory_space<vmem>>, vector<16xi32>,
        %mul3A_2608 = arith.constant 16 : i32
        %mul3A_2609 = arith.muli %add3A_2603, %mul3A_2608 : i32
        %get3A_2610 = arith.index_cast %mul3A_2609 : i32 to index
        %get3A_2611 = tpu.vector_load %arg10[%get3A_2610] {strides = array<i32>} : memref<1024xi32, #tpu.memory_space<vmem>>, vector<16xi32>,
        %shift_right_arithmetic3A_2612 = arith.constant 24 : i32
        %shift_right_arithmetic3A_2613 = vector.broadcast %shift_right_arithmetic3A_2612 : i32 to vector<16xi32>
        %shift_right_arithmetic3A_2614 = arith.shrsi %get3A_2607, %shift_right_arithmetic3A_2613 : vector<16xi32>
        %and3A_2615 = arith.constant 15 : i32
        %and3A_2616 = vector.broadcast %and3A_2615 : i32 to vector<16xi32>
        %and3A_2617 = arith.andi %shift_right_arithmetic3A_2614, %and3A_2616 : vector<16xi32>
        %mul3A_2618 = arith.constant 16 : i32
        %mul3A_2619 = vector.broadcast %mul3A_2618 : i32 to vector<16xi32>
        %mul3A_2620 = arith.muli %and3A_2617, %mul3A_2619 : vector<16xi32>
        %add3A_2621 = arith.addi %mul3A_2620, %iota3A : vector<16xi32>
        %gather3A_2622 = tpu.vector_load_idx %arg12[%add3A_2621] : memref<256xi32, #tpu.memory_space<vmem>>[vector<16xi32>], vector<16xi32>,
        tpu.vector_store_idx %arg12[%add3A_2621], %broadcast_in_dim3A_0 {add = true} : memref<256xi32, #tpu.memory_space<vmem>>[vector<16xi32>], vector<16xi32>,
        %and3A_2623 = arith.constant 63 : i32
        %and3A_2624 = vector.broadcast %and3A_2623 : i32 to vector<16xi32>
        %and3A_2625 = arith.andi %gather3A_2622, %and3A_2624 : vector<16xi32>
        %mul3A_2626 = arith.constant 16 : i32
        %mul3A_2627 = vector.broadcast %mul3A_2626 : i32 to vector<16xi32>
        %mul3A_2628 = arith.muli %and3A_2625, %mul3A_2627 : vector<16xi32>
        %shift_right_arithmetic3A_2629 = arith.constant 6 : i32
        %shift_right_arithmetic3A_2630 = vector.broadcast %shift_right_arithmetic3A_2629 : i32 to vector<16xi32>
        %shift_right_arithmetic3A_2631 = arith.shrsi %gather3A_2622, %shift_right_arithmetic3A_2630 : vector<16xi32>
        %add3A_2632 = arith.addi %mul3A_2628, %shift_right_arithmetic3A_2631 : vector<16xi32>
        tpu.vector_store_idx %arg9[%add3A_2632], %get3A_2607 : memref<1024xi32, #tpu.memory_space<vmem>>[vector<16xi32>], vector<16xi32>,
        tpu.vector_store_idx %arg11[%add3A_2632], %get3A_2611 : memref<1024xi32, #tpu.memory_space<vmem>>[vector<16xi32>], vector<16xi32>,
        %mul3A_2633 = arith.constant 4 : i32
        %mul3A_2634 = arith.muli %scan3A_2568, %mul3A_2633 : i32
        %add3A_2635 = arith.constant 2 : i32
        %add3A_2636 = arith.addi %mul3A_2634, %add3A_2635 : i32
        %mul3A_2637 = arith.constant 16 : i32
        %mul3A_2638 = arith.muli %add3A_2636, %mul3A_2637 : i32
        %get3A_2639 = arith.index_cast %mul3A_2638 : i32 to index
        %get3A_2640 = tpu.vector_load %arg8[%get3A_2639] {strides = array<i32>} : memref<1024xi32, #tpu.memory_space<vmem>>, vector<16xi32>,
        %mul3A_2641 = arith.constant 16 : i32
        %mul3A_2642 = arith.muli %add3A_2636, %mul3A_2641 : i32
        %get3A_2643 = arith.index_cast %mul3A_2642 : i32 to index
        %get3A_2644 = tpu.vector_load %arg10[%get3A_2643] {strides = array<i32>} : memref<1024xi32, #tpu.memory_space<vmem>>, vector<16xi32>,
        %shift_right_arithmetic3A_2645 = arith.constant 24 : i32
        %shift_right_arithmetic3A_2646 = vector.broadcast %shift_right_arithmetic3A_2645 : i32 to vector<16xi32>
        %shift_right_arithmetic3A_2647 = arith.shrsi %get3A_2640, %shift_right_arithmetic3A_2646 : vector<16xi32>
        %and3A_2648 = arith.constant 15 : i32
        %and3A_2649 = vector.broadcast %and3A_2648 : i32 to vector<16xi32>
        %and3A_2650 = arith.andi %shift_right_arithmetic3A_2647, %and3A_2649 : vector<16xi32>
        %mul3A_2651 = arith.constant 16 : i32
        %mul3A_2652 = vector.broadcast %mul3A_2651 : i32 to vector<16xi32>
        %mul3A_2653 = arith.muli %and3A_2650, %mul3A_2652 : vector<16xi32>
        %add3A_2654 = arith.addi %mul3A_2653, %iota3A : vector<16xi32>
        %gather3A_2655 = tpu.vector_load_idx %arg12[%add3A_2654] : memref<256xi32, #tpu.memory_space<vmem>>[vector<16xi32>], vector<16xi32>,
        tpu.vector_store_idx %arg12[%add3A_2654], %broadcast_in_dim3A_0 {add = true} : memref<256xi32, #tpu.memory_space<vmem>>[vector<16xi32>], vector<16xi32>,
        %and3A_2656 = arith.constant 63 : i32
        %and3A_2657 = vector.broadcast %and3A_2656 : i32 to vector<16xi32>
        %and3A_2658 = arith.andi %gather3A_2655, %and3A_2657 : vector<16xi32>
        %mul3A_2659 = arith.constant 16 : i32
        %mul3A_2660 = vector.broadcast %mul3A_2659 : i32 to vector<16xi32>
        %mul3A_2661 = arith.muli %and3A_2658, %mul3A_2660 : vector<16xi32>
        %shift_right_arithmetic3A_2662 = arith.constant 6 : i32
        %shift_right_arithmetic3A_2663 = vector.broadcast %shift_right_arithmetic3A_2662 : i32 to vector<16xi32>
        %shift_right_arithmetic3A_2664 = arith.shrsi %gather3A_2655, %shift_right_arithmetic3A_2663 : vector<16xi32>
        %add3A_2665 = arith.addi %mul3A_2661, %shift_right_arithmetic3A_2664 : vector<16xi32>
        tpu.vector_store_idx %arg9[%add3A_2665], %get3A_2640 : memref<1024xi32, #tpu.memory_space<vmem>>[vector<16xi32>], vector<16xi32>,
        tpu.vector_store_idx %arg11[%add3A_2665], %get3A_2644 : memref<1024xi32, #tpu.memory_space<vmem>>[vector<16xi32>], vector<16xi32>,
        %mul3A_2666 = arith.constant 4 : i32
        %mul3A_2667 = arith.muli %scan3A_2568, %mul3A_2666 : i32
        %add3A_2668 = arith.constant 3 : i32
        %add3A_2669 = arith.addi %mul3A_2667, %add3A_2668 : i32
        %mul3A_2670 = arith.constant 16 : i32
        %mul3A_2671 = arith.muli %add3A_2669, %mul3A_2670 : i32
        %get3A_2672 = arith.index_cast %mul3A_2671 : i32 to index
        %get3A_2673 = tpu.vector_load %arg8[%get3A_2672] {strides = array<i32>} : memref<1024xi32, #tpu.memory_space<vmem>>, vector<16xi32>,
        %mul3A_2674 = arith.constant 16 : i32
        %mul3A_2675 = arith.muli %add3A_2669, %mul3A_2674 : i32
        %get3A_2676 = arith.index_cast %mul3A_2675 : i32 to index
        %get3A_2677 = tpu.vector_load %arg10[%get3A_2676] {strides = array<i32>} : memref<1024xi32, #tpu.memory_space<vmem>>, vector<16xi32>,
        %shift_right_arithmetic3A_2678 = arith.constant 24 : i32
        %shift_right_arithmetic3A_2679 = vector.broadcast %shift_right_arithmetic3A_2678 : i32 to vector<16xi32>
        %shift_right_arithmetic3A_2680 = arith.shrsi %get3A_2673, %shift_right_arithmetic3A_2679 : vector<16xi32>
        %and3A_2681 = arith.constant 15 : i32
        %and3A_2682 = vector.broadcast %and3A_2681 : i32 to vector<16xi32>
        %and3A_2683 = arith.andi %shift_right_arithmetic3A_2680, %and3A_2682 : vector<16xi32>
        %mul3A_2684 = arith.constant 16 : i32
        %mul3A_2685 = vector.broadcast %mul3A_2684 : i32 to vector<16xi32>
        %mul3A_2686 = arith.muli %and3A_2683, %mul3A_2685 : vector<16xi32>
        %add3A_2687 = arith.addi %mul3A_2686, %iota3A : vector<16xi32>
        %gather3A_2688 = tpu.vector_load_idx %arg12[%add3A_2687] : memref<256xi32, #tpu.memory_space<vmem>>[vector<16xi32>], vector<16xi32>,
        tpu.vector_store_idx %arg12[%add3A_2687], %broadcast_in_dim3A_0 {add = true} : memref<256xi32, #tpu.memory_space<vmem>>[vector<16xi32>], vector<16xi32>,
        %and3A_2689 = arith.constant 63 : i32
        %and3A_2690 = vector.broadcast %and3A_2689 : i32 to vector<16xi32>
        %and3A_2691 = arith.andi %gather3A_2688, %and3A_2690 : vector<16xi32>
        %mul3A_2692 = arith.constant 16 : i32
        %mul3A_2693 = vector.broadcast %mul3A_2692 : i32 to vector<16xi32>
        %mul3A_2694 = arith.muli %and3A_2691, %mul3A_2693 : vector<16xi32>
        %shift_right_arithmetic3A_2695 = arith.constant 6 : i32
        %shift_right_arithmetic3A_2696 = vector.broadcast %shift_right_arithmetic3A_2695 : i32 to vector<16xi32>
        %shift_right_arithmetic3A_2697 = arith.shrsi %gather3A_2688, %shift_right_arithmetic3A_2696 : vector<16xi32>
        %add3A_2698 = arith.addi %mul3A_2694, %shift_right_arithmetic3A_2697 : vector<16xi32>
        tpu.vector_store_idx %arg9[%add3A_2698], %get3A_2673 : memref<1024xi32, #tpu.memory_space<vmem>>[vector<16xi32>], vector<16xi32>,
        tpu.vector_store_idx %arg11[%add3A_2698], %get3A_2677 : memref<1024xi32, #tpu.memory_space<vmem>>[vector<16xi32>], vector<16xi32>,
        %scan3A_2699 = arith.constant 0 : i32
        scf.yield %scan3A_2699 : i32
      }
      %scan3A_2246 = arith.constant 16 : i32
      %broadcast_in_dim3A_2247 = arith.constant 0 : i32
      %broadcast_in_dim3A_2248 = vector.broadcast %broadcast_in_dim3A_2247 : i32 to vector<16xi32>
      %swap3A_2249 = arith.constant 0 : index
      %swap3A_2250 = tpu.vector_load %arg12[%swap3A_2249] {strides = array<i32>} : memref<256xi32, #tpu.memory_space<vmem>>, vector<16xi32>,
      tpu.vector_store %arg12[%swap3A_2249], %broadcast_in_dim3A_2248 {strides = array<i32>} : memref<256xi32, #tpu.memory_space<vmem>>, vector<16xi32>,
      %broadcast_in_dim3A_2251 = arith.constant 0 : i32
      %broadcast_in_dim3A_2252 = vector.broadcast %broadcast_in_dim3A_2251 : i32 to vector<16xi32>
      %swap3A_2253 = arith.constant 16 : index
      %swap3A_2254 = tpu.vector_load %arg12[%swap3A_2253] {strides = array<i32>} : memref<256xi32, #tpu.memory_space<vmem>>, vector<16xi32>,
      tpu.vector_store %arg12[%swap3A_2253], %broadcast_in_dim3A_2252 {strides = array<i32>} : memref<256xi32, #tpu.memory_space<vmem>>, vector<16xi32>,
      %broadcast_in_dim3A_2255 = arith.constant 0 : i32
      %broadcast_in_dim3A_2256 = vector.broadcast %broadcast_in_dim3A_2255 : i32 to vector<16xi32>
      %swap3A_2257 = arith.constant 32 : index
      %swap3A_2258 = tpu.vector_load %arg12[%swap3A_2257] {strides = array<i32>} : memref<256xi32, #tpu.memory_space<vmem>>, vector<16xi32>,
      tpu.vector_store %arg12[%swap3A_2257], %broadcast_in_dim3A_2256 {strides = array<i32>} : memref<256xi32, #tpu.memory_space<vmem>>, vector<16xi32>,
      %broadcast_in_dim3A_2259 = arith.constant 0 : i32
      %broadcast_in_dim3A_2260 = vector.broadcast %broadcast_in_dim3A_2259 : i32 to vector<16xi32>
      %swap3A_2261 = arith.constant 48 : index
      %swap3A_2262 = tpu.vector_load %arg12[%swap3A_2261] {strides = array<i32>} : memref<256xi32, #tpu.memory_space<vmem>>, vector<16xi32>,
      tpu.vector_store %arg12[%swap3A_2261], %broadcast_in_dim3A_2260 {strides = array<i32>} : memref<256xi32, #tpu.memory_space<vmem>>, vector<16xi32>,
      %broadcast_in_dim3A_2263 = arith.constant 0 : i32
      %broadcast_in_dim3A_2264 = vector.broadcast %broadcast_in_dim3A_2263 : i32 to vector<16xi32>
      %swap3A_2265 = arith.constant 64 : index
      %swap3A_2266 = tpu.vector_load %arg12[%swap3A_2265] {strides = array<i32>} : memref<256xi32, #tpu.memory_space<vmem>>, vector<16xi32>,
      tpu.vector_store %arg12[%swap3A_2265], %broadcast_in_dim3A_2264 {strides = array<i32>} : memref<256xi32, #tpu.memory_space<vmem>>, vector<16xi32>,
      %broadcast_in_dim3A_2267 = arith.constant 0 : i32
      %broadcast_in_dim3A_2268 = vector.broadcast %broadcast_in_dim3A_2267 : i32 to vector<16xi32>
      %swap3A_2269 = arith.constant 80 : index
      %swap3A_2270 = tpu.vector_load %arg12[%swap3A_2269] {strides = array<i32>} : memref<256xi32, #tpu.memory_space<vmem>>, vector<16xi32>,
      tpu.vector_store %arg12[%swap3A_2269], %broadcast_in_dim3A_2268 {strides = array<i32>} : memref<256xi32, #tpu.memory_space<vmem>>, vector<16xi32>,
      %broadcast_in_dim3A_2271 = arith.constant 0 : i32
      %broadcast_in_dim3A_2272 = vector.broadcast %broadcast_in_dim3A_2271 : i32 to vector<16xi32>
      %swap3A_2273 = arith.constant 96 : index
      %swap3A_2274 = tpu.vector_load %arg12[%swap3A_2273] {strides = array<i32>} : memref<256xi32, #tpu.memory_space<vmem>>, vector<16xi32>,
      tpu.vector_store %arg12[%swap3A_2273], %broadcast_in_dim3A_2272 {strides = array<i32>} : memref<256xi32, #tpu.memory_space<vmem>>, vector<16xi32>,
      %broadcast_in_dim3A_2275 = arith.constant 0 : i32
      %broadcast_in_dim3A_2276 = vector.broadcast %broadcast_in_dim3A_2275 : i32 to vector<16xi32>
      %swap3A_2277 = arith.constant 112 : index
      %swap3A_2278 = tpu.vector_load %arg12[%swap3A_2277] {strides = array<i32>} : memref<256xi32, #tpu.memory_space<vmem>>, vector<16xi32>,
      tpu.vector_store %arg12[%swap3A_2277], %broadcast_in_dim3A_2276 {strides = array<i32>} : memref<256xi32, #tpu.memory_space<vmem>>, vector<16xi32>,
      %broadcast_in_dim3A_2279 = arith.constant 0 : i32
      %broadcast_in_dim3A_2280 = vector.broadcast %broadcast_in_dim3A_2279 : i32 to vector<16xi32>
      %swap3A_2281 = arith.constant 128 : index
      %swap3A_2282 = tpu.vector_load %arg12[%swap3A_2281] {strides = array<i32>} : memref<256xi32, #tpu.memory_space<vmem>>, vector<16xi32>,
      tpu.vector_store %arg12[%swap3A_2281], %broadcast_in_dim3A_2280 {strides = array<i32>} : memref<256xi32, #tpu.memory_space<vmem>>, vector<16xi32>,
      %broadcast_in_dim3A_2283 = arith.constant 0 : i32
      %broadcast_in_dim3A_2284 = vector.broadcast %broadcast_in_dim3A_2283 : i32 to vector<16xi32>
      %swap3A_2285 = arith.constant 144 : index
      %swap3A_2286 = tpu.vector_load %arg12[%swap3A_2285] {strides = array<i32>} : memref<256xi32, #tpu.memory_space<vmem>>, vector<16xi32>,
      tpu.vector_store %arg12[%swap3A_2285], %broadcast_in_dim3A_2284 {strides = array<i32>} : memref<256xi32, #tpu.memory_space<vmem>>, vector<16xi32>,
      %broadcast_in_dim3A_2287 = arith.constant 0 : i32
      %broadcast_in_dim3A_2288 = vector.broadcast %broadcast_in_dim3A_2287 : i32 to vector<16xi32>
      %swap3A_2289 = arith.constant 160 : index
      %swap3A_2290 = tpu.vector_load %arg12[%swap3A_2289] {strides = array<i32>} : memref<256xi32, #tpu.memory_space<vmem>>, vector<16xi32>,
      tpu.vector_store %arg12[%swap3A_2289], %broadcast_in_dim3A_2288 {strides = array<i32>} : memref<256xi32, #tpu.memory_space<vmem>>, vector<16xi32>,
      %broadcast_in_dim3A_2291 = arith.constant 0 : i32
      %broadcast_in_dim3A_2292 = vector.broadcast %broadcast_in_dim3A_2291 : i32 to vector<16xi32>
      %swap3A_2293 = arith.constant 176 : index
      %swap3A_2294 = tpu.vector_load %arg12[%swap3A_2293] {strides = array<i32>} : memref<256xi32, #tpu.memory_space<vmem>>, vector<16xi32>,
      tpu.vector_store %arg12[%swap3A_2293], %broadcast_in_dim3A_2292 {strides = array<i32>} : memref<256xi32, #tpu.memory_space<vmem>>, vector<16xi32>,
      %broadcast_in_dim3A_2295 = arith.constant 0 : i32
      %broadcast_in_dim3A_2296 = vector.broadcast %broadcast_in_dim3A_2295 : i32 to vector<16xi32>
      %swap3A_2297 = arith.constant 192 : index
      %swap3A_2298 = tpu.vector_load %arg12[%swap3A_2297] {strides = array<i32>} : memref<256xi32, #tpu.memory_space<vmem>>, vector<16xi32>,
      tpu.vector_store %arg12[%swap3A_2297], %broadcast_in_dim3A_2296 {strides = array<i32>} : memref<256xi32, #tpu.memory_space<vmem>>, vector<16xi32>,
      %broadcast_in_dim3A_2299 = arith.constant 0 : i32
      %broadcast_in_dim3A_2300 = vector.broadcast %broadcast_in_dim3A_2299 : i32 to vector<16xi32>
      %swap3A_2301 = arith.constant 208 : index
      %swap3A_2302 = tpu.vector_load %arg12[%swap3A_2301] {strides = array<i32>} : memref<256xi32, #tpu.memory_space<vmem>>, vector<16xi32>,
      tpu.vector_store %arg12[%swap3A_2301], %broadcast_in_dim3A_2300 {strides = array<i32>} : memref<256xi32, #tpu.memory_space<vmem>>, vector<16xi32>,
      %broadcast_in_dim3A_2303 = arith.constant 0 : i32
      %broadcast_in_dim3A_2304 = vector.broadcast %broadcast_in_dim3A_2303 : i32 to vector<16xi32>
      %swap3A_2305 = arith.constant 224 : index
      %swap3A_2306 = tpu.vector_load %arg12[%swap3A_2305] {strides = array<i32>} : memref<256xi32, #tpu.memory_space<vmem>>, vector<16xi32>,
      tpu.vector_store %arg12[%swap3A_2305], %broadcast_in_dim3A_2304 {strides = array<i32>} : memref<256xi32, #tpu.memory_space<vmem>>, vector<16xi32>,
      %broadcast_in_dim3A_2307 = arith.constant 0 : i32
      %broadcast_in_dim3A_2308 = vector.broadcast %broadcast_in_dim3A_2307 : i32 to vector<16xi32>
      %swap3A_2309 = arith.constant 240 : index
      %swap3A_2310 = tpu.vector_load %arg12[%swap3A_2309] {strides = array<i32>} : memref<256xi32, #tpu.memory_space<vmem>>, vector<16xi32>,
      tpu.vector_store %arg12[%swap3A_2309], %broadcast_in_dim3A_2308 {strides = array<i32>} : memref<256xi32, #tpu.memory_space<vmem>>, vector<16xi32>,
      %scan3A_2311 = arith.constant 0 : i32
      %scan3A_2312 = arith.constant 0 : i32
      %scan3A_2313 = arith.constant 16 : i32
      %scan3A_2314 = arith.addi %scan3A_2312, %scan3A_2313 : i32
      %scan3A_2315 = arith.constant 1 : i32
      %scan3A_2316 = scf.for %scan3A_2568 = %scan3A_2312 to %scan3A_2314 step %scan3A_2315 iter_args(%scan3A_2569 = %scan3A_2311) -> (i32)  : i32 {
        %mul3A_2570 = arith.constant 4 : i32
        %mul3A_2571 = arith.muli %scan3A_2568, %mul3A_2570 : i32
        %add3A_2572 = arith.constant 0 : i32
        %add3A_2573 = arith.addi %mul3A_2571, %add3A_2572 : i32
        %mul3A_2574 = arith.constant 16 : i32
        %mul3A_2575 = arith.muli %add3A_2573, %mul3A_2574 : i32
        %get3A_2576 = arith.index_cast %mul3A_2575 : i32 to index
        %get3A_2577 = tpu.vector_load %arg9[%get3A_2576] {strides = array<i32>} : memref<1024xi32, #tpu.memory_space<vmem>>, vector<16xi32>,
        %shift_right_arithmetic3A = arith.constant 28 : i32
        %shift_right_arithmetic3A_2578 = vector.broadcast %shift_right_arithmetic3A : i32 to vector<16xi32>
        %shift_right_arithmetic3A_2579 = arith.shrsi %get3A_2577, %shift_right_arithmetic3A_2578 : vector<16xi32>
        %and3A = arith.constant 15 : i32
        %and3A_2580 = vector.broadcast %and3A : i32 to vector<16xi32>
        %and3A_2581 = arith.andi %shift_right_arithmetic3A_2579, %and3A_2580 : vector<16xi32>
        %mul3A_2582 = arith.constant 16 : i32
        %mul3A_2583 = vector.broadcast %mul3A_2582 : i32 to vector<16xi32>
        %mul3A_2584 = arith.muli %and3A_2581, %mul3A_2583 : vector<16xi32>
        %add3A_2585 = arith.addi %mul3A_2584, %iota3A : vector<16xi32>
        tpu.vector_store_idx %arg12[%add3A_2585], %broadcast_in_dim3A_0 {add = true} : memref<256xi32, #tpu.memory_space<vmem>>[vector<16xi32>], vector<16xi32>,
        %mul3A_2586 = arith.constant 4 : i32
        %mul3A_2587 = arith.muli %scan3A_2568, %mul3A_2586 : i32
        %add3A_2588 = arith.constant 1 : i32
        %add3A_2589 = arith.addi %mul3A_2587, %add3A_2588 : i32
        %mul3A_2590 = arith.constant 16 : i32
        %mul3A_2591 = arith.muli %add3A_2589, %mul3A_2590 : i32
        %get3A_2592 = arith.index_cast %mul3A_2591 : i32 to index
        %get3A_2593 = tpu.vector_load %arg9[%get3A_2592] {strides = array<i32>} : memref<1024xi32, #tpu.memory_space<vmem>>, vector<16xi32>,
        %shift_right_arithmetic3A_2594 = arith.constant 28 : i32
        %shift_right_arithmetic3A_2595 = vector.broadcast %shift_right_arithmetic3A_2594 : i32 to vector<16xi32>
        %shift_right_arithmetic3A_2596 = arith.shrsi %get3A_2593, %shift_right_arithmetic3A_2595 : vector<16xi32>
        %and3A_2597 = arith.constant 15 : i32
        %and3A_2598 = vector.broadcast %and3A_2597 : i32 to vector<16xi32>
        %and3A_2599 = arith.andi %shift_right_arithmetic3A_2596, %and3A_2598 : vector<16xi32>
        %mul3A_2600 = arith.constant 16 : i32
        %mul3A_2601 = vector.broadcast %mul3A_2600 : i32 to vector<16xi32>
        %mul3A_2602 = arith.muli %and3A_2599, %mul3A_2601 : vector<16xi32>
        %add3A_2603 = arith.addi %mul3A_2602, %iota3A : vector<16xi32>
        tpu.vector_store_idx %arg12[%add3A_2603], %broadcast_in_dim3A_0 {add = true} : memref<256xi32, #tpu.memory_space<vmem>>[vector<16xi32>], vector<16xi32>,
        %mul3A_2604 = arith.constant 4 : i32
        %mul3A_2605 = arith.muli %scan3A_2568, %mul3A_2604 : i32
        %add3A_2606 = arith.constant 2 : i32
        %add3A_2607 = arith.addi %mul3A_2605, %add3A_2606 : i32
        %mul3A_2608 = arith.constant 16 : i32
        %mul3A_2609 = arith.muli %add3A_2607, %mul3A_2608 : i32
        %get3A_2610 = arith.index_cast %mul3A_2609 : i32 to index
        %get3A_2611 = tpu.vector_load %arg9[%get3A_2610] {strides = array<i32>} : memref<1024xi32, #tpu.memory_space<vmem>>, vector<16xi32>,
        %shift_right_arithmetic3A_2612 = arith.constant 28 : i32
        %shift_right_arithmetic3A_2613 = vector.broadcast %shift_right_arithmetic3A_2612 : i32 to vector<16xi32>
        %shift_right_arithmetic3A_2614 = arith.shrsi %get3A_2611, %shift_right_arithmetic3A_2613 : vector<16xi32>
        %and3A_2615 = arith.constant 15 : i32
        %and3A_2616 = vector.broadcast %and3A_2615 : i32 to vector<16xi32>
        %and3A_2617 = arith.andi %shift_right_arithmetic3A_2614, %and3A_2616 : vector<16xi32>
        %mul3A_2618 = arith.constant 16 : i32
        %mul3A_2619 = vector.broadcast %mul3A_2618 : i32 to vector<16xi32>
        %mul3A_2620 = arith.muli %and3A_2617, %mul3A_2619 : vector<16xi32>
        %add3A_2621 = arith.addi %mul3A_2620, %iota3A : vector<16xi32>
        tpu.vector_store_idx %arg12[%add3A_2621], %broadcast_in_dim3A_0 {add = true} : memref<256xi32, #tpu.memory_space<vmem>>[vector<16xi32>], vector<16xi32>,
        %mul3A_2622 = arith.constant 4 : i32
        %mul3A_2623 = arith.muli %scan3A_2568, %mul3A_2622 : i32
        %add3A_2624 = arith.constant 3 : i32
        %add3A_2625 = arith.addi %mul3A_2623, %add3A_2624 : i32
        %mul3A_2626 = arith.constant 16 : i32
        %mul3A_2627 = arith.muli %add3A_2625, %mul3A_2626 : i32
        %get3A_2628 = arith.index_cast %mul3A_2627 : i32 to index
        %get3A_2629 = tpu.vector_load %arg9[%get3A_2628] {strides = array<i32>} : memref<1024xi32, #tpu.memory_space<vmem>>, vector<16xi32>,
        %shift_right_arithmetic3A_2630 = arith.constant 28 : i32
        %shift_right_arithmetic3A_2631 = vector.broadcast %shift_right_arithmetic3A_2630 : i32 to vector<16xi32>
        %shift_right_arithmetic3A_2632 = arith.shrsi %get3A_2629, %shift_right_arithmetic3A_2631 : vector<16xi32>
        %and3A_2633 = arith.constant 15 : i32
        %and3A_2634 = vector.broadcast %and3A_2633 : i32 to vector<16xi32>
        %and3A_2635 = arith.andi %shift_right_arithmetic3A_2632, %and3A_2634 : vector<16xi32>
        %mul3A_2636 = arith.constant 16 : i32
        %mul3A_2637 = vector.broadcast %mul3A_2636 : i32 to vector<16xi32>
        %mul3A_2638 = arith.muli %and3A_2635, %mul3A_2637 : vector<16xi32>
        %add3A_2639 = arith.addi %mul3A_2638, %iota3A : vector<16xi32>
        tpu.vector_store_idx %arg12[%add3A_2639], %broadcast_in_dim3A_0 {add = true} : memref<256xi32, #tpu.memory_space<vmem>>[vector<16xi32>], vector<16xi32>,
        %scan3A_2640 = arith.constant 0 : i32
        scf.yield %scan3A_2640 : i32
      }
      %scan3A_2317 = arith.constant 16 : i32
      %get3A_2318 = arith.constant 0 : index
      %get3A_2319 = tpu.vector_load %arg12[%get3A_2318] {strides = array<i32>} : memref<256xi32, #tpu.memory_space<vmem>>, vector<16xi32>,
      %cumsum3A_2320 = arith.constant true
      %cumsum3A_2321 = vector.broadcast %cumsum3A_2320 : i1 to vector<16xi1>
      %cumsum3A_2322 = tpu.scan <sum>, %get3A_2319 masked %cumsum3A_2321 : vector<16xi32>, vector<16xi1> -> vector<16xi32>
      %sub3A_2323 = arith.subi %cumsum3A_2322, %get3A_2319 : vector<16xi32>
      %add3A_2324 = arith.constant 0 : i32
      %add3A_2325 = vector.broadcast %add3A_2324 : i32 to vector<16xi32>
      %add3A_2326 = arith.addi %sub3A_2323, %add3A_2325 : vector<16xi32>
      %swap3A_2327 = arith.constant 0 : index
      %swap3A_2328 = tpu.vector_load %arg12[%swap3A_2327] {strides = array<i32>} : memref<256xi32, #tpu.memory_space<vmem>>, vector<16xi32>,
      tpu.vector_store %arg12[%swap3A_2327], %add3A_2326 {strides = array<i32>} : memref<256xi32, #tpu.memory_space<vmem>>, vector<16xi32>,
      %reduce_sum3A_2329 = arith.constant true
      %reduce_sum3A_2330 = vector.broadcast %reduce_sum3A_2329 : i1 to vector<16xi1>
      %reduce_sum3A_2331 = tpu.scan <sum>, %get3A_2319 masked %reduce_sum3A_2330 : vector<16xi32>, vector<16xi1> -> vector<16xi32>
      %reduce_sum3A_2332 = vector.extract %reduce_sum3A_2331[15] : i32 from vector<16xi32>
      %add3A_2333 = arith.constant 0 : i32
      %add3A_2334 = arith.addi %add3A_2333, %reduce_sum3A_2332 : i32
      %get3A_2335 = arith.constant 16 : index
      %get3A_2336 = tpu.vector_load %arg12[%get3A_2335] {strides = array<i32>} : memref<256xi32, #tpu.memory_space<vmem>>, vector<16xi32>,
      %cumsum3A_2337 = arith.constant true
      %cumsum3A_2338 = vector.broadcast %cumsum3A_2337 : i1 to vector<16xi1>
      %cumsum3A_2339 = tpu.scan <sum>, %get3A_2336 masked %cumsum3A_2338 : vector<16xi32>, vector<16xi1> -> vector<16xi32>
      %sub3A_2340 = arith.subi %cumsum3A_2339, %get3A_2336 : vector<16xi32>
      %add3A_2341 = vector.broadcast %add3A_2334 : i32 to vector<16xi32>
      %add3A_2342 = arith.addi %sub3A_2340, %add3A_2341 : vector<16xi32>
      %swap3A_2343 = arith.constant 16 : index
      %swap3A_2344 = tpu.vector_load %arg12[%swap3A_2343] {strides = array<i32>} : memref<256xi32, #tpu.memory_space<vmem>>, vector<16xi32>,
      tpu.vector_store %arg12[%swap3A_2343], %add3A_2342 {strides = array<i32>} : memref<256xi32, #tpu.memory_space<vmem>>, vector<16xi32>,
      %reduce_sum3A_2345 = arith.constant true
      %reduce_sum3A_2346 = vector.broadcast %reduce_sum3A_2345 : i1 to vector<16xi1>
      %reduce_sum3A_2347 = tpu.scan <sum>, %get3A_2336 masked %reduce_sum3A_2346 : vector<16xi32>, vector<16xi1> -> vector<16xi32>
      %reduce_sum3A_2348 = vector.extract %reduce_sum3A_2347[15] : i32 from vector<16xi32>
      %add3A_2349 = arith.addi %add3A_2334, %reduce_sum3A_2348 : i32
      %get3A_2350 = arith.constant 32 : index
      %get3A_2351 = tpu.vector_load %arg12[%get3A_2350] {strides = array<i32>} : memref<256xi32, #tpu.memory_space<vmem>>, vector<16xi32>,
      %cumsum3A_2352 = arith.constant true
      %cumsum3A_2353 = vector.broadcast %cumsum3A_2352 : i1 to vector<16xi1>
      %cumsum3A_2354 = tpu.scan <sum>, %get3A_2351 masked %cumsum3A_2353 : vector<16xi32>, vector<16xi1> -> vector<16xi32>
      %sub3A_2355 = arith.subi %cumsum3A_2354, %get3A_2351 : vector<16xi32>
      %add3A_2356 = vector.broadcast %add3A_2349 : i32 to vector<16xi32>
      %add3A_2357 = arith.addi %sub3A_2355, %add3A_2356 : vector<16xi32>
      %swap3A_2358 = arith.constant 32 : index
      %swap3A_2359 = tpu.vector_load %arg12[%swap3A_2358] {strides = array<i32>} : memref<256xi32, #tpu.memory_space<vmem>>, vector<16xi32>,
      tpu.vector_store %arg12[%swap3A_2358], %add3A_2357 {strides = array<i32>} : memref<256xi32, #tpu.memory_space<vmem>>, vector<16xi32>,
      %reduce_sum3A_2360 = arith.constant true
      %reduce_sum3A_2361 = vector.broadcast %reduce_sum3A_2360 : i1 to vector<16xi1>
      %reduce_sum3A_2362 = tpu.scan <sum>, %get3A_2351 masked %reduce_sum3A_2361 : vector<16xi32>, vector<16xi1> -> vector<16xi32>
      %reduce_sum3A_2363 = vector.extract %reduce_sum3A_2362[15] : i32 from vector<16xi32>
      %add3A_2364 = arith.addi %add3A_2349, %reduce_sum3A_2363 : i32
      %get3A_2365 = arith.constant 48 : index
      %get3A_2366 = tpu.vector_load %arg12[%get3A_2365] {strides = array<i32>} : memref<256xi32, #tpu.memory_space<vmem>>, vector<16xi32>,
      %cumsum3A_2367 = arith.constant true
      %cumsum3A_2368 = vector.broadcast %cumsum3A_2367 : i1 to vector<16xi1>
      %cumsum3A_2369 = tpu.scan <sum>, %get3A_2366 masked %cumsum3A_2368 : vector<16xi32>, vector<16xi1> -> vector<16xi32>
      %sub3A_2370 = arith.subi %cumsum3A_2369, %get3A_2366 : vector<16xi32>
      %add3A_2371 = vector.broadcast %add3A_2364 : i32 to vector<16xi32>
      %add3A_2372 = arith.addi %sub3A_2370, %add3A_2371 : vector<16xi32>
      %swap3A_2373 = arith.constant 48 : index
      %swap3A_2374 = tpu.vector_load %arg12[%swap3A_2373] {strides = array<i32>} : memref<256xi32, #tpu.memory_space<vmem>>, vector<16xi32>,
      tpu.vector_store %arg12[%swap3A_2373], %add3A_2372 {strides = array<i32>} : memref<256xi32, #tpu.memory_space<vmem>>, vector<16xi32>,
      %reduce_sum3A_2375 = arith.constant true
      %reduce_sum3A_2376 = vector.broadcast %reduce_sum3A_2375 : i1 to vector<16xi1>
      %reduce_sum3A_2377 = tpu.scan <sum>, %get3A_2366 masked %reduce_sum3A_2376 : vector<16xi32>, vector<16xi1> -> vector<16xi32>
      %reduce_sum3A_2378 = vector.extract %reduce_sum3A_2377[15] : i32 from vector<16xi32>
      %add3A_2379 = arith.addi %add3A_2364, %reduce_sum3A_2378 : i32
      %get3A_2380 = arith.constant 64 : index
      %get3A_2381 = tpu.vector_load %arg12[%get3A_2380] {strides = array<i32>} : memref<256xi32, #tpu.memory_space<vmem>>, vector<16xi32>,
      %cumsum3A_2382 = arith.constant true
      %cumsum3A_2383 = vector.broadcast %cumsum3A_2382 : i1 to vector<16xi1>
      %cumsum3A_2384 = tpu.scan <sum>, %get3A_2381 masked %cumsum3A_2383 : vector<16xi32>, vector<16xi1> -> vector<16xi32>
      %sub3A_2385 = arith.subi %cumsum3A_2384, %get3A_2381 : vector<16xi32>
      %add3A_2386 = vector.broadcast %add3A_2379 : i32 to vector<16xi32>
      %add3A_2387 = arith.addi %sub3A_2385, %add3A_2386 : vector<16xi32>
      %swap3A_2388 = arith.constant 64 : index
      %swap3A_2389 = tpu.vector_load %arg12[%swap3A_2388] {strides = array<i32>} : memref<256xi32, #tpu.memory_space<vmem>>, vector<16xi32>,
      tpu.vector_store %arg12[%swap3A_2388], %add3A_2387 {strides = array<i32>} : memref<256xi32, #tpu.memory_space<vmem>>, vector<16xi32>,
      %reduce_sum3A_2390 = arith.constant true
      %reduce_sum3A_2391 = vector.broadcast %reduce_sum3A_2390 : i1 to vector<16xi1>
      %reduce_sum3A_2392 = tpu.scan <sum>, %get3A_2381 masked %reduce_sum3A_2391 : vector<16xi32>, vector<16xi1> -> vector<16xi32>
      %reduce_sum3A_2393 = vector.extract %reduce_sum3A_2392[15] : i32 from vector<16xi32>
      %add3A_2394 = arith.addi %add3A_2379, %reduce_sum3A_2393 : i32
      %get3A_2395 = arith.constant 80 : index
      %get3A_2396 = tpu.vector_load %arg12[%get3A_2395] {strides = array<i32>} : memref<256xi32, #tpu.memory_space<vmem>>, vector<16xi32>,
      %cumsum3A_2397 = arith.constant true
      %cumsum3A_2398 = vector.broadcast %cumsum3A_2397 : i1 to vector<16xi1>
      %cumsum3A_2399 = tpu.scan <sum>, %get3A_2396 masked %cumsum3A_2398 : vector<16xi32>, vector<16xi1> -> vector<16xi32>
      %sub3A_2400 = arith.subi %cumsum3A_2399, %get3A_2396 : vector<16xi32>
      %add3A_2401 = vector.broadcast %add3A_2394 : i32 to vector<16xi32>
      %add3A_2402 = arith.addi %sub3A_2400, %add3A_2401 : vector<16xi32>
      %swap3A_2403 = arith.constant 80 : index
      %swap3A_2404 = tpu.vector_load %arg12[%swap3A_2403] {strides = array<i32>} : memref<256xi32, #tpu.memory_space<vmem>>, vector<16xi32>,
      tpu.vector_store %arg12[%swap3A_2403], %add3A_2402 {strides = array<i32>} : memref<256xi32, #tpu.memory_space<vmem>>, vector<16xi32>,
      %reduce_sum3A_2405 = arith.constant true
      %reduce_sum3A_2406 = vector.broadcast %reduce_sum3A_2405 : i1 to vector<16xi1>
      %reduce_sum3A_2407 = tpu.scan <sum>, %get3A_2396 masked %reduce_sum3A_2406 : vector<16xi32>, vector<16xi1> -> vector<16xi32>
      %reduce_sum3A_2408 = vector.extract %reduce_sum3A_2407[15] : i32 from vector<16xi32>
      %add3A_2409 = arith.addi %add3A_2394, %reduce_sum3A_2408 : i32
      %get3A_2410 = arith.constant 96 : index
      %get3A_2411 = tpu.vector_load %arg12[%get3A_2410] {strides = array<i32>} : memref<256xi32, #tpu.memory_space<vmem>>, vector<16xi32>,
      %cumsum3A_2412 = arith.constant true
      %cumsum3A_2413 = vector.broadcast %cumsum3A_2412 : i1 to vector<16xi1>
      %cumsum3A_2414 = tpu.scan <sum>, %get3A_2411 masked %cumsum3A_2413 : vector<16xi32>, vector<16xi1> -> vector<16xi32>
      %sub3A_2415 = arith.subi %cumsum3A_2414, %get3A_2411 : vector<16xi32>
      %add3A_2416 = vector.broadcast %add3A_2409 : i32 to vector<16xi32>
      %add3A_2417 = arith.addi %sub3A_2415, %add3A_2416 : vector<16xi32>
      %swap3A_2418 = arith.constant 96 : index
      %swap3A_2419 = tpu.vector_load %arg12[%swap3A_2418] {strides = array<i32>} : memref<256xi32, #tpu.memory_space<vmem>>, vector<16xi32>,
      tpu.vector_store %arg12[%swap3A_2418], %add3A_2417 {strides = array<i32>} : memref<256xi32, #tpu.memory_space<vmem>>, vector<16xi32>,
      %reduce_sum3A_2420 = arith.constant true
      %reduce_sum3A_2421 = vector.broadcast %reduce_sum3A_2420 : i1 to vector<16xi1>
      %reduce_sum3A_2422 = tpu.scan <sum>, %get3A_2411 masked %reduce_sum3A_2421 : vector<16xi32>, vector<16xi1> -> vector<16xi32>
      %reduce_sum3A_2423 = vector.extract %reduce_sum3A_2422[15] : i32 from vector<16xi32>
      %add3A_2424 = arith.addi %add3A_2409, %reduce_sum3A_2423 : i32
      %get3A_2425 = arith.constant 112 : index
      %get3A_2426 = tpu.vector_load %arg12[%get3A_2425] {strides = array<i32>} : memref<256xi32, #tpu.memory_space<vmem>>, vector<16xi32>,
      %cumsum3A_2427 = arith.constant true
      %cumsum3A_2428 = vector.broadcast %cumsum3A_2427 : i1 to vector<16xi1>
      %cumsum3A_2429 = tpu.scan <sum>, %get3A_2426 masked %cumsum3A_2428 : vector<16xi32>, vector<16xi1> -> vector<16xi32>
      %sub3A_2430 = arith.subi %cumsum3A_2429, %get3A_2426 : vector<16xi32>
      %add3A_2431 = vector.broadcast %add3A_2424 : i32 to vector<16xi32>
      %add3A_2432 = arith.addi %sub3A_2430, %add3A_2431 : vector<16xi32>
      %swap3A_2433 = arith.constant 112 : index
      %swap3A_2434 = tpu.vector_load %arg12[%swap3A_2433] {strides = array<i32>} : memref<256xi32, #tpu.memory_space<vmem>>, vector<16xi32>,
      tpu.vector_store %arg12[%swap3A_2433], %add3A_2432 {strides = array<i32>} : memref<256xi32, #tpu.memory_space<vmem>>, vector<16xi32>,
      %reduce_sum3A_2435 = arith.constant true
      %reduce_sum3A_2436 = vector.broadcast %reduce_sum3A_2435 : i1 to vector<16xi1>
      %reduce_sum3A_2437 = tpu.scan <sum>, %get3A_2426 masked %reduce_sum3A_2436 : vector<16xi32>, vector<16xi1> -> vector<16xi32>
      %reduce_sum3A_2438 = vector.extract %reduce_sum3A_2437[15] : i32 from vector<16xi32>
      %add3A_2439 = arith.addi %add3A_2424, %reduce_sum3A_2438 : i32
      %get3A_2440 = arith.constant 128 : index
      %get3A_2441 = tpu.vector_load %arg12[%get3A_2440] {strides = array<i32>} : memref<256xi32, #tpu.memory_space<vmem>>, vector<16xi32>,
      %cumsum3A_2442 = arith.constant true
      %cumsum3A_2443 = vector.broadcast %cumsum3A_2442 : i1 to vector<16xi1>
      %cumsum3A_2444 = tpu.scan <sum>, %get3A_2441 masked %cumsum3A_2443 : vector<16xi32>, vector<16xi1> -> vector<16xi32>
      %sub3A_2445 = arith.subi %cumsum3A_2444, %get3A_2441 : vector<16xi32>
      %add3A_2446 = vector.broadcast %add3A_2439 : i32 to vector<16xi32>
      %add3A_2447 = arith.addi %sub3A_2445, %add3A_2446 : vector<16xi32>
      %swap3A_2448 = arith.constant 128 : index
      %swap3A_2449 = tpu.vector_load %arg12[%swap3A_2448] {strides = array<i32>} : memref<256xi32, #tpu.memory_space<vmem>>, vector<16xi32>,
      tpu.vector_store %arg12[%swap3A_2448], %add3A_2447 {strides = array<i32>} : memref<256xi32, #tpu.memory_space<vmem>>, vector<16xi32>,
      %reduce_sum3A_2450 = arith.constant true
      %reduce_sum3A_2451 = vector.broadcast %reduce_sum3A_2450 : i1 to vector<16xi1>
      %reduce_sum3A_2452 = tpu.scan <sum>, %get3A_2441 masked %reduce_sum3A_2451 : vector<16xi32>, vector<16xi1> -> vector<16xi32>
      %reduce_sum3A_2453 = vector.extract %reduce_sum3A_2452[15] : i32 from vector<16xi32>
      %add3A_2454 = arith.addi %add3A_2439, %reduce_sum3A_2453 : i32
      %get3A_2455 = arith.constant 144 : index
      %get3A_2456 = tpu.vector_load %arg12[%get3A_2455] {strides = array<i32>} : memref<256xi32, #tpu.memory_space<vmem>>, vector<16xi32>,
      %cumsum3A_2457 = arith.constant true
      %cumsum3A_2458 = vector.broadcast %cumsum3A_2457 : i1 to vector<16xi1>
      %cumsum3A_2459 = tpu.scan <sum>, %get3A_2456 masked %cumsum3A_2458 : vector<16xi32>, vector<16xi1> -> vector<16xi32>
      %sub3A_2460 = arith.subi %cumsum3A_2459, %get3A_2456 : vector<16xi32>
      %add3A_2461 = vector.broadcast %add3A_2454 : i32 to vector<16xi32>
      %add3A_2462 = arith.addi %sub3A_2460, %add3A_2461 : vector<16xi32>
      %swap3A_2463 = arith.constant 144 : index
      %swap3A_2464 = tpu.vector_load %arg12[%swap3A_2463] {strides = array<i32>} : memref<256xi32, #tpu.memory_space<vmem>>, vector<16xi32>,
      tpu.vector_store %arg12[%swap3A_2463], %add3A_2462 {strides = array<i32>} : memref<256xi32, #tpu.memory_space<vmem>>, vector<16xi32>,
      %reduce_sum3A_2465 = arith.constant true
      %reduce_sum3A_2466 = vector.broadcast %reduce_sum3A_2465 : i1 to vector<16xi1>
      %reduce_sum3A_2467 = tpu.scan <sum>, %get3A_2456 masked %reduce_sum3A_2466 : vector<16xi32>, vector<16xi1> -> vector<16xi32>
      %reduce_sum3A_2468 = vector.extract %reduce_sum3A_2467[15] : i32 from vector<16xi32>
      %add3A_2469 = arith.addi %add3A_2454, %reduce_sum3A_2468 : i32
      %get3A_2470 = arith.constant 160 : index
      %get3A_2471 = tpu.vector_load %arg12[%get3A_2470] {strides = array<i32>} : memref<256xi32, #tpu.memory_space<vmem>>, vector<16xi32>,
      %cumsum3A_2472 = arith.constant true
      %cumsum3A_2473 = vector.broadcast %cumsum3A_2472 : i1 to vector<16xi1>
      %cumsum3A_2474 = tpu.scan <sum>, %get3A_2471 masked %cumsum3A_2473 : vector<16xi32>, vector<16xi1> -> vector<16xi32>
      %sub3A_2475 = arith.subi %cumsum3A_2474, %get3A_2471 : vector<16xi32>
      %add3A_2476 = vector.broadcast %add3A_2469 : i32 to vector<16xi32>
      %add3A_2477 = arith.addi %sub3A_2475, %add3A_2476 : vector<16xi32>
      %swap3A_2478 = arith.constant 160 : index
      %swap3A_2479 = tpu.vector_load %arg12[%swap3A_2478] {strides = array<i32>} : memref<256xi32, #tpu.memory_space<vmem>>, vector<16xi32>,
      tpu.vector_store %arg12[%swap3A_2478], %add3A_2477 {strides = array<i32>} : memref<256xi32, #tpu.memory_space<vmem>>, vector<16xi32>,
      %reduce_sum3A_2480 = arith.constant true
      %reduce_sum3A_2481 = vector.broadcast %reduce_sum3A_2480 : i1 to vector<16xi1>
      %reduce_sum3A_2482 = tpu.scan <sum>, %get3A_2471 masked %reduce_sum3A_2481 : vector<16xi32>, vector<16xi1> -> vector<16xi32>
      %reduce_sum3A_2483 = vector.extract %reduce_sum3A_2482[15] : i32 from vector<16xi32>
      %add3A_2484 = arith.addi %add3A_2469, %reduce_sum3A_2483 : i32
      %get3A_2485 = arith.constant 176 : index
      %get3A_2486 = tpu.vector_load %arg12[%get3A_2485] {strides = array<i32>} : memref<256xi32, #tpu.memory_space<vmem>>, vector<16xi32>,
      %cumsum3A_2487 = arith.constant true
      %cumsum3A_2488 = vector.broadcast %cumsum3A_2487 : i1 to vector<16xi1>
      %cumsum3A_2489 = tpu.scan <sum>, %get3A_2486 masked %cumsum3A_2488 : vector<16xi32>, vector<16xi1> -> vector<16xi32>
      %sub3A_2490 = arith.subi %cumsum3A_2489, %get3A_2486 : vector<16xi32>
      %add3A_2491 = vector.broadcast %add3A_2484 : i32 to vector<16xi32>
      %add3A_2492 = arith.addi %sub3A_2490, %add3A_2491 : vector<16xi32>
      %swap3A_2493 = arith.constant 176 : index
      %swap3A_2494 = tpu.vector_load %arg12[%swap3A_2493] {strides = array<i32>} : memref<256xi32, #tpu.memory_space<vmem>>, vector<16xi32>,
      tpu.vector_store %arg12[%swap3A_2493], %add3A_2492 {strides = array<i32>} : memref<256xi32, #tpu.memory_space<vmem>>, vector<16xi32>,
      %reduce_sum3A_2495 = arith.constant true
      %reduce_sum3A_2496 = vector.broadcast %reduce_sum3A_2495 : i1 to vector<16xi1>
      %reduce_sum3A_2497 = tpu.scan <sum>, %get3A_2486 masked %reduce_sum3A_2496 : vector<16xi32>, vector<16xi1> -> vector<16xi32>
      %reduce_sum3A_2498 = vector.extract %reduce_sum3A_2497[15] : i32 from vector<16xi32>
      %add3A_2499 = arith.addi %add3A_2484, %reduce_sum3A_2498 : i32
      %get3A_2500 = arith.constant 192 : index
      %get3A_2501 = tpu.vector_load %arg12[%get3A_2500] {strides = array<i32>} : memref<256xi32, #tpu.memory_space<vmem>>, vector<16xi32>,
      %cumsum3A_2502 = arith.constant true
      %cumsum3A_2503 = vector.broadcast %cumsum3A_2502 : i1 to vector<16xi1>
      %cumsum3A_2504 = tpu.scan <sum>, %get3A_2501 masked %cumsum3A_2503 : vector<16xi32>, vector<16xi1> -> vector<16xi32>
      %sub3A_2505 = arith.subi %cumsum3A_2504, %get3A_2501 : vector<16xi32>
      %add3A_2506 = vector.broadcast %add3A_2499 : i32 to vector<16xi32>
      %add3A_2507 = arith.addi %sub3A_2505, %add3A_2506 : vector<16xi32>
      %swap3A_2508 = arith.constant 192 : index
      %swap3A_2509 = tpu.vector_load %arg12[%swap3A_2508] {strides = array<i32>} : memref<256xi32, #tpu.memory_space<vmem>>, vector<16xi32>,
      tpu.vector_store %arg12[%swap3A_2508], %add3A_2507 {strides = array<i32>} : memref<256xi32, #tpu.memory_space<vmem>>, vector<16xi32>,
      %reduce_sum3A_2510 = arith.constant true
      %reduce_sum3A_2511 = vector.broadcast %reduce_sum3A_2510 : i1 to vector<16xi1>
      %reduce_sum3A_2512 = tpu.scan <sum>, %get3A_2501 masked %reduce_sum3A_2511 : vector<16xi32>, vector<16xi1> -> vector<16xi32>
      %reduce_sum3A_2513 = vector.extract %reduce_sum3A_2512[15] : i32 from vector<16xi32>
      %add3A_2514 = arith.addi %add3A_2499, %reduce_sum3A_2513 : i32
      %get3A_2515 = arith.constant 208 : index
      %get3A_2516 = tpu.vector_load %arg12[%get3A_2515] {strides = array<i32>} : memref<256xi32, #tpu.memory_space<vmem>>, vector<16xi32>,
      %cumsum3A_2517 = arith.constant true
      %cumsum3A_2518 = vector.broadcast %cumsum3A_2517 : i1 to vector<16xi1>
      %cumsum3A_2519 = tpu.scan <sum>, %get3A_2516 masked %cumsum3A_2518 : vector<16xi32>, vector<16xi1> -> vector<16xi32>
      %sub3A_2520 = arith.subi %cumsum3A_2519, %get3A_2516 : vector<16xi32>
      %add3A_2521 = vector.broadcast %add3A_2514 : i32 to vector<16xi32>
      %add3A_2522 = arith.addi %sub3A_2520, %add3A_2521 : vector<16xi32>
      %swap3A_2523 = arith.constant 208 : index
      %swap3A_2524 = tpu.vector_load %arg12[%swap3A_2523] {strides = array<i32>} : memref<256xi32, #tpu.memory_space<vmem>>, vector<16xi32>,
      tpu.vector_store %arg12[%swap3A_2523], %add3A_2522 {strides = array<i32>} : memref<256xi32, #tpu.memory_space<vmem>>, vector<16xi32>,
      %reduce_sum3A_2525 = arith.constant true
      %reduce_sum3A_2526 = vector.broadcast %reduce_sum3A_2525 : i1 to vector<16xi1>
      %reduce_sum3A_2527 = tpu.scan <sum>, %get3A_2516 masked %reduce_sum3A_2526 : vector<16xi32>, vector<16xi1> -> vector<16xi32>
      %reduce_sum3A_2528 = vector.extract %reduce_sum3A_2527[15] : i32 from vector<16xi32>
      %add3A_2529 = arith.addi %add3A_2514, %reduce_sum3A_2528 : i32
      %get3A_2530 = arith.constant 224 : index
      %get3A_2531 = tpu.vector_load %arg12[%get3A_2530] {strides = array<i32>} : memref<256xi32, #tpu.memory_space<vmem>>, vector<16xi32>,
      %cumsum3A_2532 = arith.constant true
      %cumsum3A_2533 = vector.broadcast %cumsum3A_2532 : i1 to vector<16xi1>
      %cumsum3A_2534 = tpu.scan <sum>, %get3A_2531 masked %cumsum3A_2533 : vector<16xi32>, vector<16xi1> -> vector<16xi32>
      %sub3A_2535 = arith.subi %cumsum3A_2534, %get3A_2531 : vector<16xi32>
      %add3A_2536 = vector.broadcast %add3A_2529 : i32 to vector<16xi32>
      %add3A_2537 = arith.addi %sub3A_2535, %add3A_2536 : vector<16xi32>
      %swap3A_2538 = arith.constant 224 : index
      %swap3A_2539 = tpu.vector_load %arg12[%swap3A_2538] {strides = array<i32>} : memref<256xi32, #tpu.memory_space<vmem>>, vector<16xi32>,
      tpu.vector_store %arg12[%swap3A_2538], %add3A_2537 {strides = array<i32>} : memref<256xi32, #tpu.memory_space<vmem>>, vector<16xi32>,
      %reduce_sum3A_2540 = arith.constant true
      %reduce_sum3A_2541 = vector.broadcast %reduce_sum3A_2540 : i1 to vector<16xi1>
      %reduce_sum3A_2542 = tpu.scan <sum>, %get3A_2531 masked %reduce_sum3A_2541 : vector<16xi32>, vector<16xi1> -> vector<16xi32>
      %reduce_sum3A_2543 = vector.extract %reduce_sum3A_2542[15] : i32 from vector<16xi32>
      %add3A_2544 = arith.addi %add3A_2529, %reduce_sum3A_2543 : i32
      %get3A_2545 = arith.constant 240 : index
      %get3A_2546 = tpu.vector_load %arg12[%get3A_2545] {strides = array<i32>} : memref<256xi32, #tpu.memory_space<vmem>>, vector<16xi32>,
      %cumsum3A_2547 = arith.constant true
      %cumsum3A_2548 = vector.broadcast %cumsum3A_2547 : i1 to vector<16xi1>
      %cumsum3A_2549 = tpu.scan <sum>, %get3A_2546 masked %cumsum3A_2548 : vector<16xi32>, vector<16xi1> -> vector<16xi32>
      %sub3A_2550 = arith.subi %cumsum3A_2549, %get3A_2546 : vector<16xi32>
      %add3A_2551 = vector.broadcast %add3A_2544 : i32 to vector<16xi32>
      %add3A_2552 = arith.addi %sub3A_2550, %add3A_2551 : vector<16xi32>
      %swap3A_2553 = arith.constant 240 : index
      %swap3A_2554 = tpu.vector_load %arg12[%swap3A_2553] {strides = array<i32>} : memref<256xi32, #tpu.memory_space<vmem>>, vector<16xi32>,
      tpu.vector_store %arg12[%swap3A_2553], %add3A_2552 {strides = array<i32>} : memref<256xi32, #tpu.memory_space<vmem>>, vector<16xi32>,
      %reduce_sum3A_2555 = arith.constant true
      %reduce_sum3A_2556 = vector.broadcast %reduce_sum3A_2555 : i1 to vector<16xi1>
      %reduce_sum3A_2557 = tpu.scan <sum>, %get3A_2546 masked %reduce_sum3A_2556 : vector<16xi32>, vector<16xi1> -> vector<16xi32>
      %reduce_sum3A_2558 = vector.extract %reduce_sum3A_2557[15] : i32 from vector<16xi32>
      %add3A_2559 = arith.addi %add3A_2544, %reduce_sum3A_2558 : i32
      %scan3A_2560 = arith.constant 0 : i32
      %scan3A_2561 = arith.constant 0 : i32
      %scan3A_2562 = arith.constant 16 : i32
      %scan3A_2563 = arith.addi %scan3A_2561, %scan3A_2562 : i32
      %scan3A_2564 = arith.constant 1 : i32
      %scan3A_2565 = scf.for %scan3A_2568 = %scan3A_2561 to %scan3A_2563 step %scan3A_2564 iter_args(%scan3A_2569 = %scan3A_2560) -> (i32)  : i32 {
        %mul3A_2570 = arith.constant 4 : i32
        %mul3A_2571 = arith.muli %scan3A_2568, %mul3A_2570 : i32
        %add3A_2572 = arith.constant 0 : i32
        %add3A_2573 = arith.addi %mul3A_2571, %add3A_2572 : i32
        %mul3A_2574 = arith.constant 16 : i32
        %mul3A_2575 = arith.muli %add3A_2573, %mul3A_2574 : i32
        %get3A_2576 = arith.index_cast %mul3A_2575 : i32 to index
        %get3A_2577 = tpu.vector_load %arg9[%get3A_2576] {strides = array<i32>} : memref<1024xi32, #tpu.memory_space<vmem>>, vector<16xi32>,
        %mul3A_2578 = arith.constant 16 : i32
        %mul3A_2579 = arith.muli %add3A_2573, %mul3A_2578 : i32
        %get3A_2580 = arith.index_cast %mul3A_2579 : i32 to index
        %get3A_2581 = tpu.vector_load %arg11[%get3A_2580] {strides = array<i32>} : memref<1024xi32, #tpu.memory_space<vmem>>, vector<16xi32>,
        %shift_right_arithmetic3A = arith.constant 28 : i32
        %shift_right_arithmetic3A_2582 = vector.broadcast %shift_right_arithmetic3A : i32 to vector<16xi32>
        %shift_right_arithmetic3A_2583 = arith.shrsi %get3A_2577, %shift_right_arithmetic3A_2582 : vector<16xi32>
        %and3A = arith.constant 15 : i32
        %and3A_2584 = vector.broadcast %and3A : i32 to vector<16xi32>
        %and3A_2585 = arith.andi %shift_right_arithmetic3A_2583, %and3A_2584 : vector<16xi32>
        %mul3A_2586 = arith.constant 16 : i32
        %mul3A_2587 = vector.broadcast %mul3A_2586 : i32 to vector<16xi32>
        %mul3A_2588 = arith.muli %and3A_2585, %mul3A_2587 : vector<16xi32>
        %add3A_2589 = arith.addi %mul3A_2588, %iota3A : vector<16xi32>
        %gather3A = tpu.vector_load_idx %arg12[%add3A_2589] : memref<256xi32, #tpu.memory_space<vmem>>[vector<16xi32>], vector<16xi32>,
        tpu.vector_store_idx %arg12[%add3A_2589], %broadcast_in_dim3A_0 {add = true} : memref<256xi32, #tpu.memory_space<vmem>>[vector<16xi32>], vector<16xi32>,
        %add3A_2590 = vector.broadcast %mul3A_11 : i32 to vector<16xi32>
        %add3A_2591 = arith.addi %add3A_2590, %gather3A : vector<16xi32>
        %gather3A_2592 = tpu.vector_load_idx %arg6[%add3A_2591] : memref<5120xf32, #tpu.memory_space<vmem>>[vector<16xi32>], vector<16xf32>,
        %add3A_2593 = vector.broadcast %mul3A_11 : i32 to vector<16xi32>
        %add3A_2594 = arith.addi %add3A_2593, %get3A_2581 : vector<16xi32>
        tpu.vector_store_idx %arg7[%add3A_2594], %gather3A_2592 : memref<5120xf32, #tpu.memory_space<vmem>>[vector<16xi32>], vector<16xf32>,
        %mul3A_2595 = arith.constant 4 : i32
        %mul3A_2596 = arith.muli %scan3A_2568, %mul3A_2595 : i32
        %add3A_2597 = arith.constant 1 : i32
        %add3A_2598 = arith.addi %mul3A_2596, %add3A_2597 : i32
        %mul3A_2599 = arith.constant 16 : i32
        %mul3A_2600 = arith.muli %add3A_2598, %mul3A_2599 : i32
        %get3A_2601 = arith.index_cast %mul3A_2600 : i32 to index
        %get3A_2602 = tpu.vector_load %arg9[%get3A_2601] {strides = array<i32>} : memref<1024xi32, #tpu.memory_space<vmem>>, vector<16xi32>,
        %mul3A_2603 = arith.constant 16 : i32
        %mul3A_2604 = arith.muli %add3A_2598, %mul3A_2603 : i32
        %get3A_2605 = arith.index_cast %mul3A_2604 : i32 to index
        %get3A_2606 = tpu.vector_load %arg11[%get3A_2605] {strides = array<i32>} : memref<1024xi32, #tpu.memory_space<vmem>>, vector<16xi32>,
        %shift_right_arithmetic3A_2607 = arith.constant 28 : i32
        %shift_right_arithmetic3A_2608 = vector.broadcast %shift_right_arithmetic3A_2607 : i32 to vector<16xi32>
        %shift_right_arithmetic3A_2609 = arith.shrsi %get3A_2602, %shift_right_arithmetic3A_2608 : vector<16xi32>
        %and3A_2610 = arith.constant 15 : i32
        %and3A_2611 = vector.broadcast %and3A_2610 : i32 to vector<16xi32>
        %and3A_2612 = arith.andi %shift_right_arithmetic3A_2609, %and3A_2611 : vector<16xi32>
        %mul3A_2613 = arith.constant 16 : i32
        %mul3A_2614 = vector.broadcast %mul3A_2613 : i32 to vector<16xi32>
        %mul3A_2615 = arith.muli %and3A_2612, %mul3A_2614 : vector<16xi32>
        %add3A_2616 = arith.addi %mul3A_2615, %iota3A : vector<16xi32>
        %gather3A_2617 = tpu.vector_load_idx %arg12[%add3A_2616] : memref<256xi32, #tpu.memory_space<vmem>>[vector<16xi32>], vector<16xi32>,
        tpu.vector_store_idx %arg12[%add3A_2616], %broadcast_in_dim3A_0 {add = true} : memref<256xi32, #tpu.memory_space<vmem>>[vector<16xi32>], vector<16xi32>,
        %add3A_2618 = vector.broadcast %mul3A_11 : i32 to vector<16xi32>
        %add3A_2619 = arith.addi %add3A_2618, %gather3A_2617 : vector<16xi32>
        %gather3A_2620 = tpu.vector_load_idx %arg6[%add3A_2619] : memref<5120xf32, #tpu.memory_space<vmem>>[vector<16xi32>], vector<16xf32>,
        %add3A_2621 = vector.broadcast %mul3A_11 : i32 to vector<16xi32>
        %add3A_2622 = arith.addi %add3A_2621, %get3A_2606 : vector<16xi32>
        tpu.vector_store_idx %arg7[%add3A_2622], %gather3A_2620 : memref<5120xf32, #tpu.memory_space<vmem>>[vector<16xi32>], vector<16xf32>,
        %mul3A_2623 = arith.constant 4 : i32
        %mul3A_2624 = arith.muli %scan3A_2568, %mul3A_2623 : i32
        %add3A_2625 = arith.constant 2 : i32
        %add3A_2626 = arith.addi %mul3A_2624, %add3A_2625 : i32
        %mul3A_2627 = arith.constant 16 : i32
        %mul3A_2628 = arith.muli %add3A_2626, %mul3A_2627 : i32
        %get3A_2629 = arith.index_cast %mul3A_2628 : i32 to index
        %get3A_2630 = tpu.vector_load %arg9[%get3A_2629] {strides = array<i32>} : memref<1024xi32, #tpu.memory_space<vmem>>, vector<16xi32>,
        %mul3A_2631 = arith.constant 16 : i32
        %mul3A_2632 = arith.muli %add3A_2626, %mul3A_2631 : i32
        %get3A_2633 = arith.index_cast %mul3A_2632 : i32 to index
        %get3A_2634 = tpu.vector_load %arg11[%get3A_2633] {strides = array<i32>} : memref<1024xi32, #tpu.memory_space<vmem>>, vector<16xi32>,
        %shift_right_arithmetic3A_2635 = arith.constant 28 : i32
        %shift_right_arithmetic3A_2636 = vector.broadcast %shift_right_arithmetic3A_2635 : i32 to vector<16xi32>
        %shift_right_arithmetic3A_2637 = arith.shrsi %get3A_2630, %shift_right_arithmetic3A_2636 : vector<16xi32>
        %and3A_2638 = arith.constant 15 : i32
        %and3A_2639 = vector.broadcast %and3A_2638 : i32 to vector<16xi32>
        %and3A_2640 = arith.andi %shift_right_arithmetic3A_2637, %and3A_2639 : vector<16xi32>
        %mul3A_2641 = arith.constant 16 : i32
        %mul3A_2642 = vector.broadcast %mul3A_2641 : i32 to vector<16xi32>
        %mul3A_2643 = arith.muli %and3A_2640, %mul3A_2642 : vector<16xi32>
        %add3A_2644 = arith.addi %mul3A_2643, %iota3A : vector<16xi32>
        %gather3A_2645 = tpu.vector_load_idx %arg12[%add3A_2644] : memref<256xi32, #tpu.memory_space<vmem>>[vector<16xi32>], vector<16xi32>,
        tpu.vector_store_idx %arg12[%add3A_2644], %broadcast_in_dim3A_0 {add = true} : memref<256xi32, #tpu.memory_space<vmem>>[vector<16xi32>], vector<16xi32>,
        %add3A_2646 = vector.broadcast %mul3A_11 : i32 to vector<16xi32>
        %add3A_2647 = arith.addi %add3A_2646, %gather3A_2645 : vector<16xi32>
        %gather3A_2648 = tpu.vector_load_idx %arg6[%add3A_2647] : memref<5120xf32, #tpu.memory_space<vmem>>[vector<16xi32>], vector<16xf32>,
        %add3A_2649 = vector.broadcast %mul3A_11 : i32 to vector<16xi32>
        %add3A_2650 = arith.addi %add3A_2649, %get3A_2634 : vector<16xi32>
        tpu.vector_store_idx %arg7[%add3A_2650], %gather3A_2648 : memref<5120xf32, #tpu.memory_space<vmem>>[vector<16xi32>], vector<16xf32>,
        %mul3A_2651 = arith.constant 4 : i32
        %mul3A_2652 = arith.muli %scan3A_2568, %mul3A_2651 : i32
        %add3A_2653 = arith.constant 3 : i32
        %add3A_2654 = arith.addi %mul3A_2652, %add3A_2653 : i32
        %mul3A_2655 = arith.constant 16 : i32
        %mul3A_2656 = arith.muli %add3A_2654, %mul3A_2655 : i32
        %get3A_2657 = arith.index_cast %mul3A_2656 : i32 to index
        %get3A_2658 = tpu.vector_load %arg9[%get3A_2657] {strides = array<i32>} : memref<1024xi32, #tpu.memory_space<vmem>>, vector<16xi32>,
        %mul3A_2659 = arith.constant 16 : i32
        %mul3A_2660 = arith.muli %add3A_2654, %mul3A_2659 : i32
        %get3A_2661 = arith.index_cast %mul3A_2660 : i32 to index
        %get3A_2662 = tpu.vector_load %arg11[%get3A_2661] {strides = array<i32>} : memref<1024xi32, #tpu.memory_space<vmem>>, vector<16xi32>,
        %shift_right_arithmetic3A_2663 = arith.constant 28 : i32
        %shift_right_arithmetic3A_2664 = vector.broadcast %shift_right_arithmetic3A_2663 : i32 to vector<16xi32>
        %shift_right_arithmetic3A_2665 = arith.shrsi %get3A_2658, %shift_right_arithmetic3A_2664 : vector<16xi32>
        %and3A_2666 = arith.constant 15 : i32
        %and3A_2667 = vector.broadcast %and3A_2666 : i32 to vector<16xi32>
        %and3A_2668 = arith.andi %shift_right_arithmetic3A_2665, %and3A_2667 : vector<16xi32>
        %mul3A_2669 = arith.constant 16 : i32
        %mul3A_2670 = vector.broadcast %mul3A_2669 : i32 to vector<16xi32>
        %mul3A_2671 = arith.muli %and3A_2668, %mul3A_2670 : vector<16xi32>
        %add3A_2672 = arith.addi %mul3A_2671, %iota3A : vector<16xi32>
        %gather3A_2673 = tpu.vector_load_idx %arg12[%add3A_2672] : memref<256xi32, #tpu.memory_space<vmem>>[vector<16xi32>], vector<16xi32>,
        tpu.vector_store_idx %arg12[%add3A_2672], %broadcast_in_dim3A_0 {add = true} : memref<256xi32, #tpu.memory_space<vmem>>[vector<16xi32>], vector<16xi32>,
        %add3A_2674 = vector.broadcast %mul3A_11 : i32 to vector<16xi32>
        %add3A_2675 = arith.addi %add3A_2674, %gather3A_2673 : vector<16xi32>
        %gather3A_2676 = tpu.vector_load_idx %arg6[%add3A_2675] : memref<5120xf32, #tpu.memory_space<vmem>>[vector<16xi32>], vector<16xf32>,
        %add3A_2677 = vector.broadcast %mul3A_11 : i32 to vector<16xi32>
        %add3A_2678 = arith.addi %add3A_2677, %get3A_2662 : vector<16xi32>
        tpu.vector_store_idx %arg7[%add3A_2678], %gather3A_2676 : memref<5120xf32, #tpu.memory_space<vmem>>[vector<16xi32>], vector<16xf32>,
        %scan3A_2679 = arith.constant 0 : i32
        scf.yield %scan3A_2679 : i32
      }
      %scan3A_2566 = arith.constant 16 : i32
      %scan3A_2567 = arith.constant 0 : i32
      scf.yield %scan3A_2567 : i32
    }
    %scan3A_7 = arith.constant 5 : i32
    "tpu.region"() ({
      %run_scoped3A = tpu.sem_alloc : memref<!tpu.dma_semaphore, #tpu.memory_space<semaphore_mem>>
      %dma_start3A = arith.constant 0 : i32
      %dma_start3A_8 = tpu.memref_slice %arg4[%add3A, %dma_start3A] : memref<32x5120xf32, #tpu.memory_space<hbm>> -> memref<1x5120xf32, #tpu.memory_space<hbm>>
      %dma_start3A_9 = tpu.memref_squeeze %dma_start3A_8 : memref<1x5120xf32, #tpu.memory_space<hbm>> -> memref<5120xf32, #tpu.memory_space<hbm>>
      %dma_start3A_10 = arith.constant 0 : i32
      %dma_start3A_11 = tpu.memref_slice %arg4[%add3A, %dma_start3A_10] : memref<32x5120xf32, #tpu.memory_space<hbm>> -> memref<1x5120xf32, #tpu.memory_space<hbm>>
      %dma_start3A_12 = tpu.memref_squeeze %dma_start3A_11 : memref<1x5120xf32, #tpu.memory_space<hbm>> -> memref<5120xf32, #tpu.memory_space<hbm>>
      tpu.enqueue_dma source(%arg7 : memref<5120xf32, #tpu.memory_space<vmem>>) target(%dma_start3A_12 : memref<5120xf32, #tpu.memory_space<hbm>>) target_semaphore(%run_scoped3A : memref<!tpu.dma_semaphore, #tpu.memory_space<semaphore_mem>>)
      %dma_wait3A = arith.constant 0 : i32
      %dma_wait3A_13 = tpu.memref_slice %arg4[%add3A, %dma_wait3A] : memref<32x5120xf32, #tpu.memory_space<hbm>> -> memref<1x5120xf32, #tpu.memory_space<hbm>>
      %dma_wait3A_14 = tpu.memref_squeeze %dma_wait3A_13 : memref<1x5120xf32, #tpu.memory_space<hbm>> -> memref<5120xf32, #tpu.memory_space<hbm>>
      %dma_wait3A_15 = arith.constant 0 : i32
      %dma_wait3A_16 = tpu.memref_slice %arg4[%add3A, %dma_wait3A_15] : memref<32x5120xf32, #tpu.memory_space<hbm>> -> memref<1x5120xf32, #tpu.memory_space<hbm>>
      %dma_wait3A_17 = tpu.memref_squeeze %dma_wait3A_16 : memref<1x5120xf32, #tpu.memory_space<hbm>> -> memref<5120xf32, #tpu.memory_space<hbm>>
      tpu.wait_dma2 semaphore(%run_scoped3A : memref<!tpu.dma_semaphore, #tpu.memory_space<semaphore_mem>>) src(%arg7 : memref<5120xf32, #tpu.memory_space<vmem>>) dst(%dma_wait3A_17 : memref<5120xf32, #tpu.memory_space<hbm>>)
      tpu.yield
    }) : () -> ()
    return
  }
}

module attributes {stable_mosaic.version = 14 : i64} {
  func.func @_tc_rank_mask_kernel(%arg0: i32, %arg1: memref<1x1x1024xf32, #tpu.memory_space<vmem>>, %arg2: memref<1x32x1xi32, #tpu.memory_space<vmem>>, %arg3: memref<1x1x1024xf32, #tpu.memory_space<vmem>>) attributes {dimension_semantics = [#tpu.dimension_semantics<parallel>], iteration_bounds = array<i64: 96>, scalar_prefetch = 0 : i64, scratch_operands = 0 : i64, tpu.core_type = #tpu.core_type<tc>, window_params = [{transform_indices = @transform_0, window_bounds = array<i64: 1, 1, 1024>}, {transform_indices = @transform_1, window_bounds = array<i64: 1, 32, 1>}, {transform_indices = @transform_2, window_bounds = array<i64: 1, 1, 1024>}]} {
    %get3A = arith.constant 0 : index
    %get3A_0 = arith.constant 0 : index
    %get3A_1 = arith.constant 0 : index
    %get3A_2 = vector.load %arg1[%get3A, %get3A_0, %get3A_1] : memref<1x1x1024xf32, #tpu.memory_space<vmem>>, vector<1x1x1024xf32>
    %get3A_3 = vector.shape_cast %get3A_2 : vector<1x1x1024xf32> to vector<1x1024xf32>
    %transpose3A = tpu.transpose %get3A_3, [1, 0] : vector<1x1024xf32> -> vector<1024x1xf32>
    %iota3A = tpu.iota {dimensions = array<i32: 0>} : vector<1024x1024xi32>
    %iota3A_4 = tpu.iota {dimensions = array<i32: 1>} : vector<1024x1024xi32>
    %gt3A = vector.broadcast %transpose3A : vector<1024x1xf32> to vector<1024x1024xf32>
    %gt3A_5 = vector.broadcast %get3A_3 : vector<1x1024xf32> to vector<1024x1024xf32>
    %gt3A_6 = arith.cmpf ogt, %gt3A, %gt3A_5 : vector<1024x1024xf32>
    %eq3A = vector.broadcast %transpose3A : vector<1024x1xf32> to vector<1024x1024xf32>
    %eq3A_7 = vector.broadcast %get3A_3 : vector<1x1024xf32> to vector<1024x1024xf32>
    %eq3A_8 = arith.cmpf oeq, %eq3A, %eq3A_7 : vector<1024x1024xf32>
    %lt3A = arith.cmpi slt, %iota3A, %iota3A_4 : vector<1024x1024xi32>
    %and3A = arith.andi %eq3A_8, %lt3A : vector<1024x1024xi1>
    %or3A = arith.ori %gt3A_6, %and3A : vector<1024x1024xi1>
    %convert_element_type3A = arith.extui %or3A : vector<1024x1024xi1> to vector<1024x1024xi32>
    %convert_element_type3A_9 = arith.sitofp %convert_element_type3A : vector<1024x1024xi32> to vector<1024x1024xf32>
    %reduce_sum3A = arith.constant dense<0.000000e+00> : vector<1024xf32>
    %reduce_sum3A_10 = vector.multi_reduction <add>, %convert_element_type3A_9, %reduce_sum3A [0] : vector<1024x1024xf32> to vector<1024xf32>
    %broadcast_in_dim3A = vector.shape_cast %reduce_sum3A_10 : vector<1024xf32> to vector<1x1024xf32>
    %convert_element_type3A_11 = arith.fptosi %broadcast_in_dim3A : vector<1x1024xf32> to vector<1x1024xi32>
    %shift_right_arithmetic3A = arith.constant 5 : i32
    %shift_right_arithmetic3A_12 = vector.broadcast %shift_right_arithmetic3A : i32 to vector<1x1024xi32>
    %shift_right_arithmetic3A_13 = arith.shrsi %convert_element_type3A_11, %shift_right_arithmetic3A_12 : vector<1x1024xi32>
    %and3A_14 = arith.constant 31 : i32
    %and3A_15 = vector.broadcast %and3A_14 : i32 to vector<1x1024xi32>
    %and3A_16 = arith.andi %convert_element_type3A_11, %and3A_15 : vector<1x1024xi32>
    %get3A_17 = arith.constant 0 : index
    %get3A_18 = arith.constant 0 : index
    %get3A_19 = arith.constant 0 : index
    %get3A_20 = vector.load %arg2[%get3A_17, %get3A_18, %get3A_19] : memref<1x32x1xi32, #tpu.memory_space<vmem>>, vector<1x32x1xi32>
    %get3A_21 = vector.shape_cast %get3A_20 : vector<1x32x1xi32> to vector<32x1xi32>
    %iota3A_22 = tpu.iota {dimensions = array<i32: 0>} : vector<32x1024xi32>
    %eq3A_23 = vector.broadcast %shift_right_arithmetic3A_13 : vector<1x1024xi32> to vector<32x1024xi32>
    %eq3A_24 = arith.cmpi eq, %iota3A_22, %eq3A_23 : vector<32x1024xi32>
    %jit3A = arith.constant 0 : i32
    %broadcast_in_dim3A_25 = vector.shape_cast %get3A_21 : vector<32x1xi32> to vector<32x1xi32>
    %broadcast_in_dim3A_26 = vector.broadcast %broadcast_in_dim3A_25 : vector<32x1xi32> to vector<32x1024xi32>
    %broadcast_in_dim3A_27 = vector.broadcast %jit3A : i32 to vector<32x1024xi32>
    %select_n3A = arith.select %eq3A_24, %broadcast_in_dim3A_26, %broadcast_in_dim3A_27 : vector<32x1024xi1>, vector<32x1024xi32>
    %reduce_sum3A_28 = arith.constant dense<0> : vector<1024xi32>
    %reduce_sum3A_29 = vector.multi_reduction <add>, %select_n3A, %reduce_sum3A_28 [0] : vector<32x1024xi32> to vector<1024xi32>
    %broadcast_in_dim3A_30 = vector.shape_cast %reduce_sum3A_29 : vector<1024xi32> to vector<1x1024xi32>
    %shift_right_logical3A = arith.shrui %broadcast_in_dim3A_30, %and3A_16 : vector<1x1024xi32>
    %and3A_31 = arith.constant 1 : i32
    %and3A_32 = vector.broadcast %and3A_31 : i32 to vector<1x1024xi32>
    %and3A_33 = arith.andi %shift_right_logical3A, %and3A_32 : vector<1x1024xi32>
    %convert_element_type3A_34 = arith.sitofp %and3A_33 : vector<1x1024xi32> to vector<1x1024xf32>
    %swap3A = arith.constant 0 : index
    %swap3A_35 = arith.constant 0 : index
    %swap3A_36 = arith.constant 0 : index
    %swap3A_37 = vector.load %arg3[%swap3A, %swap3A_35, %swap3A_36] : memref<1x1x1024xf32, #tpu.memory_space<vmem>>, vector<1x1x1024xf32>
    %swap3A_38 = vector.shape_cast %swap3A_37 : vector<1x1x1024xf32> to vector<1x1024xf32>
    %swap3A_39 = vector.shape_cast %convert_element_type3A_34 : vector<1x1024xf32> to vector<1x1x1024xf32>
    tpu.vector_store %arg3[%swap3A, %swap3A_35, %swap3A_36], %swap3A_39 {strides = array<i32>} : memref<1x1x1024xf32, #tpu.memory_space<vmem>>, vector<1x1x1024xf32>,
    return
  }
  func.func @transform_0(%arg0: i32) -> (i32, i32, i32) {
    %c0_i32 = arith.constant 0 : i32
    %c0_i32_0 = arith.constant 0 : i32
    %c0_i32_1 = arith.constant 0 : i32
    return %arg0, %c0_i32, %c0_i32_0 : i32, i32, i32
  }
  func.func @transform_1(%arg0: i32) -> (i32, i32, i32) {
    %c0_i32 = arith.constant 0 : i32
    %c0_i32_0 = arith.constant 0 : i32
    %c0_i32_1 = arith.constant 0 : i32
    return %arg0, %c0_i32, %c0_i32_0 : i32, i32, i32
  }
  func.func @transform_2(%arg0: i32) -> (i32, i32, i32) {
    %c0_i32 = arith.constant 0 : i32
    %c0_i32_0 = arith.constant 0 : i32
    %c0_i32_1 = arith.constant 0 : i32
    return %arg0, %c0_i32, %c0_i32_0 : i32, i32, i32
  }
}

</mosaic_0001>

<sc_bundles>
// kernel: _run.4.cloned.1.call-start
scs
__scs_entry_jumppad:
0x0: {  	(pc) =	sbr.rel $0x88, $3  }
0x1: {  	(tag) =	ssettag $0x0;
	lr =	simm.s32 $0x1  }
0x2: {  	[smem:$0x3F9D] =	sst lr;
	_ =	strace $0xD0000000  }
0x3: {  	_ = 	snop  }
0x4: {  	_ = 	snop  }
0x5: {  	_ = 	snop  }
0x6: {  	_ = 	snop  }
0x7: {  	_ = 	snop  }
__scs_overlays_trampoline_lowered:
0x8: {  	[smem:$0x3FAC] =	sst s0  }
0x9: {  	[smem:$0x3FAD] =	sst s1  }
0xa: {  	[smem:$0x3FAE] =	sst s2  }
0xb: {  	[smem:$0x3FAF] =	sst s3  }
0xc: {  	[smem:$0x3FB0] =	sst s4  }
0xd: {  	[smem:$0x3FB1] =	sst s5  }
0xe: {  	[smem:$0x3FB2] =	sst s6  }
0xf: {  	[smem:$0x3FB3] =	sst s7  }
0x10: {  	[smem:$0x3FB4] =	sst s8  }
0x11: {  	[smem:$0x3FB5] =	sst s9;
	s0 =	simm.s32 @!p0 $0x0  }
0x12: {  	s1 =	sld [smem:$0x3F9B];
	s0 =	simm.s32 @p0 $0x1  }
0x13: {  	[smem:$0x3FB6] =	sst s0;
	s0 =	simm.s32 @!p1 $0x0  }
0x14: {  	s2 =	sld [smem:$0x3F9A];
	s0 =	simm.s32 @p1 $0x1  }
0x15: {  	[smem:$0x3FB7] =	sst s0;
	s0 =	simm.s32 @!p2 $0x0  }
0x16: {  	s3 =	sld [smem:$0x3FDB];
	s0 =	simm.s32 @p2 $0x1  }
0x17: {  	s4 =	simm.s32 $0x1BF5;
	[smem:$0x3FB9] =	sst s0  }
0x18: {  	s0 =	sld [smem:$0x3F9C];
	_ =	swait.ge [sflag:s4], $0x0  }
0x19: {  	s7 =	sld [smem:$0x3F9D]  }
0x1a: {  	s8 =	sadd.s32 $0xFFFFE003, lr  }
0x1b: {  	s9 =	sadd.s32 $0xFFFFFEF7, lr;
	s5 =	simm.s32 $0xFFFFFFFF;
	p2 =	slt.u32 s8, $0xFFFFF086  }
0x1c: {  	p1 =	slt.u32 s9, $0xF7A;
	s5 =	simm.s32 @!p2 $0x0  }
0x1d: {  	s5 =	simm.s32 @p1 $0x1;
	p0 =	seq.s32 s7, s2  }
0x1e: {  	s7 =	smul.u32 @!p0 $0xF7A, s2;
	p2 =	seq.s32 @!p0 s5, $0x0  }
0x1f: {  	s9 =	smul.u32 $0xF7A, s1;
	s8 =	simm.s32 @!p0 $0x1BF5;
	p2 =	por !p2, p0  }
0x20: {  	[sflag:s8] =	ssyncset.s32 @!p0 $0xFFFFF086;
	s6 =	sadd.s32 @!p0 s3, s7;
	s7 =	simm.s32 @!p0 $0x108  }
0x21: {  	s3 =	sadd.s32 s3, s9;
	s6 =	sadd.s32 @!p0 $0x88, s6;
	s7 =	simm.s32 @p2 $0x1082  }
0x22: {  	[simem:s7], [sflag:s8] =	dma.local @!p0 [hbm:s6], $0xF7A  }
0x23: {  	s9 =	sor.u32 $0xD0000000, s2;
	s6 =	simm.s32 $0x108;
	_ =	swait.ge @!p0 [sflag:s8], $0x0  }
0x24: {  	s3 =	sadd.s32 $0x88, s3;
	s6 =	simm.s32 @!p1 $0x1082;
	[sflag:s4] =	ssyncset.s32 $0xFFFFF086  }
0x25: {  	[simem:s6], [sflag:s4] =	dma.local [hbm:s3], $0xF7A  }
0x26: {  	[smem:$0x3F9D] =	sst s1;
	(tag) =	ssettag s2;
	_ =	strace s9  }
0x27: {  	s1 =	sld [smem:$0x3FAD]  }
0x28: {  	s2 =	sld [smem:$0x3FAE]  }
0x29: {  	s4 =	sld [smem:$0x3FB0]  }
0x2a: {  	p0 =	seq.s32 s5, $0x0;
	s5 =	sld [smem:$0x3FB1]  }
0x2b: {  	s6 =	sld [smem:$0x3FB2]  }
0x2c: {  	s7 =	sld [smem:$0x3FB3]  }
0x2d: {  	s3 =	simm.s32 $0x108;
	s8 =	sld [smem:$0x3FB4]  }
0x2e: {  	s3 =	simm.s32 @!p0 $0x1082;
	s9 =	sld [smem:$0x3FB5]  }
0x2f: {  	lr =	sadd.s32 s0, s3;
	s0 =	sld [smem:$0x3FAC]  }
0x30: {  	s3 =	sld [smem:$0x3FAF]  }
0x31: {  	[smem:$0x3FB8] =	sst s10  }
0x32: {  	s10 =	sld [smem:$0x3FB6];
	_ =	sdelay $0x3  }
0x33: {  	p0 =	seq.s32 s10, $0x1;
	s10 =	sld [smem:$0x3FB8];
	_ =	sdelay $0x3  }
0x34: {  	[smem:$0x3FB8] =	sst s10  }
0x35: {  	s10 =	sld [smem:$0x3FB7];
	_ =	sdelay $0x3  }
0x36: {  	p1 =	seq.s32 s10, $0x1;
	s10 =	sld [smem:$0x3FB8];
	_ =	sdelay $0x3  }
0x37: {  	[smem:$0x3FB8] =	sst s10  }
0x38: {  	s10 =	sld [smem:$0x3FB9]  }
0x39: {  	_ = 	snop;
	(pc) =	sbr.ind lr, $3  }
0x3a: {  	_ = 	snop  }
0x3b: {  	_ = 	snop  }
0x3c: {  	p2 =	seq.s32 s10, $0x1;
	s10 =	sld [smem:$0x3FB8]  }
0x3d: {  	_ =	shalt  }
0x3e: {  	_ =	shalt  }
0x3f: {  	_ =	shalt  }
0x40: {  	_ =	shalt  }
0x41: {  	_ =	shalt  }
0x42: {  	_ =	shalt  }
0x43: {  	_ =	shalt  }
0x44: {  	_ =	shalt  }
0x45: {  	_ =	shalt  }
0x46: {  	_ =	shalt  }
0x47: {  	_ =	shalt  }
0x48: {  	_ =	shalt  }
0x49: {  	_ =	shalt  }
0x4a: {  	_ =	shalt  }
0x4b: {  	_ =	shalt  }
0x4c: {  	_ =	shalt  }
0x4d: {  	_ =	shalt  }
0x4e: {  	_ =	shalt  }
0x4f: {  	_ =	shalt  }
0x50: {  	_ =	shalt  }
0x51: {  	_ =	shalt  }
0x52: {  	_ =	shalt  }
0x53: {  	_ =	shalt  }
0x54: {  	_ =	shalt  }
0x55: {  	_ =	shalt  }
0x56: {  	_ =	shalt  }
0x57: {  	_ =	shalt  }
0x58: {  	_ =	shalt  }
0x59: {  	_ =	shalt  }
0x5a: {  	_ =	shalt  }
0x5b: {  	_ =	shalt  }
0x5c: {  	_ =	shalt  }
0x5d: {  	_ =	shalt  }
0x5e: {  	_ =	shalt  }
0x5f: {  	_ =	shalt  }
0x60: {  	_ =	shalt  }
0x61: {  	_ =	shalt  }
0x62: {  	_ =	shalt  }
0x63: {  	_ =	shalt  }
0x64: {  	_ =	shalt  }
0x65: {  	_ =	shalt  }
0x66: {  	_ =	shalt  }
0x67: {  	_ =	shalt  }
0x68: {  	_ =	shalt  }
0x69: {  	_ =	shalt  }
0x6a: {  	_ =	shalt  }
0x6b: {  	_ =	shalt  }
0x6c: {  	_ =	shalt  }
0x6d: {  	_ =	shalt  }
0x6e: {  	_ =	shalt  }
0x6f: {  	_ =	shalt  }
0x70: {  	_ =	shalt  }
0x71: {  	_ =	shalt  }
0x72: {  	_ =	shalt  }
0x73: {  	_ =	shalt  }
0x74: {  	_ =	shalt  }
0x75: {  	_ =	shalt  }
0x76: {  	_ =	shalt  }
0x77: {  	_ =	shalt  }
0x78: {  	_ =	shalt  }
0x79: {  	_ =	shalt  }
0x7a: {  	_ =	shalt  }
0x7b: {  	_ =	shalt  }
0x7c: {  	_ =	shalt  }
0x7d: {  	_ =	shalt  }
0x7e: {  	_ =	shalt  }
0x7f: {  	_ =	shalt  }
0x80: {  	_ =	shalt  }
0x81: {  	_ =	shalt  }
0x82: {  	_ =	shalt  }
0x83: {  	_ =	shalt  }
0x84: {  	_ =	shalt  }
0x85: {  	_ =	shalt  }
0x86: {  	_ =	shalt  }
0x87: {  	_ =	shalt  }
.Lfunc_end0:
.L_simem_size_0:
called_computation_lowered:
.L_overlay_start_0:
0x88: {  	s2 =	sld [smem:$0x3FD9]  }
0x89: {  	s3 =	sld [smem:$0x3FFE];
	_ =	sdelay $0x1  }
0x8a: {  	s1 =	srdreg.scid  }
0x8b: {  	s0 =	sand.u32 $0x1, s1  }
0x8c: {  	s16 =	sshll.u32 s0, $0xA;
	s2 =	sadd.s32 s3, s2  }
0x8d: {  	s2 =	sadd.s32 s2, s16  }
0x8e: {  	[smem:$0x3FC4] =	sst s2  }
0x8f: {  	_ = 	snop  }
0x90: {  	(tm) =	ssettm $0x1  }
0x91: {  	s17 =	sld [smem:$0x3FFB];
	_ =	sdelay $0x3  }
0x92: {  	_ =	strace s17  }
0x93: {  	s2 =	sld [smem:$0x3FFC];
	_ =	sdelay $0x3  }
0x94: {  	_ =	strace s2  }
0x95: {  	s2 =	sld [smem:$0x3FFD];
	_ =	sdelay $0x3  }
0x96: {  	_ =	strace s2  }
0x97: {  	_ =	strace $0x8FFFFFFF  }
0x98: {  	s18 =	sld [smem:$0x3FDB];
	_ =	sdelay $0x1  }
0x99: {  	s19 =	simm.s32 $_scs_section_size  }
0x9a: {  	s4 =	simm.s32 $_size__tile_overlayer_lowered;
	s5 =	simm.s32 $_tile_overlayer_lowered  }
0x9b: {  	s22 =	simm.s32 $0x1BFF;
	s21 =	sshll.u32 s5, $0x1;
	s2 =	sadd.s32 s19, s18  }
0x9c: {  	s6 =	simm.s32 $0x0;
	s20 =	sshll.u32 s4, $0x1;
	s4 =	sadd.s32 s21, s2  }
0x9d: {  	[timem:s6], [sflag:s22] =	dma.local [hbm:s4], s20  }
0x9e: {  	_ =	swait.ge [sflag:s22], s20  }
0x9f: {  	s3 =	ssub.s32 $0x0, s20;
	[sflag:s22] =	ssyncset.done $0x0  }
0xa0: {  	[sflag:s22] =	ssyncadd.s32 s3;
	_ =	sdelay $0x1  }
0xa1: {  	s23 =	simm.s32 $0x1B8B  }
0xa2: {  	_ =	swait.ge [sflag:s23], $0x1  }
0xa3: {  	[sflag:s23] =	ssyncset.done $0x0  }
0xa4: {  	s25 =	simm.s32 $0x1B8E;
	s24 =	sld [smem:$0x3FFE];
	[sflag:s23] =	ssyncadd.s32 $0xFFFFFFFF  }
0xa5: {  	s26 =	simm.s32 $execute0_lowered;
	[smem:$0x3FD2] =	sst s25  }
0xa6: {  	s4 =	sshll.u32 s26, $0x1;
	_ =	strace $0x80000046;
	[dreg:$0x1] =	wrdreg $0xFFFFFFFF  }
0xa7: {  	s28 =	simm.s32 $_size_execute0_lowered;
	s2 =	sadd.s32 s2, s4;
	[dreg:$0x0] =	wrdreg $0x0  }
0xa8: {  	s4 =	sshll.u32 s28, $0x1;
	[dreg:$0x2] =	wrdreg s2  }
0xa9: {  	[dreg:$0x3] =	wrdreg s4  }
0xaa: {  	[dreg:$0x4] =	wrdreg $0xC0  }
0xab: {  	_ =	task [dreg:s6], $0x5FFFF  }
0xac: {  	[dreg:$0x1] =	wrdreg $0xFFFFFFFF  }
0xad: {  	[dreg:$0x0] =	wrdreg $0x60  }
0xae: {  	[dreg:$0x2] =	wrdreg s24  }
0xaf: {  	[dreg:$0x3] =	wrdreg $0x9  }
0xb0: {  	_ =	task.clear_ibuf [dreg:s6], $0x4FFFF;
	_ =	strace $0x90000046  }
0xb1: {  	s29 =	simm.s32 $0x9;
	_ =	strace $0x80000048  }
0xb2: {  	_ =	swait.ge [sflag:s29], $0x1  }
0xb3: {  	[sflag:s29] =	ssyncadd.s32 $0xFFFFFFFF  }
0xb4: {  	_ =	strace $0x90000048  }
0xb5: {  	_ =	sfence  }
0xb6: {  	s30 =	sld [smem:$0x0];
	_ =	sdelay $0x2  }
0xb7: {  	s31 =	sshll.u32 s1, $0xD;
	s1 =	sshrl.u32 s1, $0x2  }
0xb8: {  	s3 =	sand.u32 $0x4000, s31;
	s1 =	sadd.s32 s1, s30  }
0xb9: {  	s0 =	sor.u32 s3, s0;
	s1 =	sshll.u32 s1, $0x11  }
0xba: {  	s0 =	sor.u32 s1, s0  }
0xbb: {  	s0 =	sadd.s32 $0x8F2B, s0  }
0xbc: {  	[sflag:s0] =	ssyncadd.remote.s32 $0x1  }
0xbd: {  	_ =	sfence.sel $0xFFFF  }
0xbe: {  	[dreg:$0x0] =	wrdreg $0xFFFFFFFF;
	(pc) =	sbr.abs _section_cstart, $3  }
0xbf: {  	[dreg:$0x1] =	wrdreg $0xFFFFFFFF  }
0xc0: {  	_ =	task.clear_ibuf [dreg:s6], $0x2FFFF;
	_ =	strace $0x9FFFFFFF  }
0xc1: {  	(tm) =	ssettm $0x7FFFFFFF  }
tec
execute0_lowered:
.L_overlay_start_1:
0x0: {  	(tag) =	ssettag $0x1  }
0x1: {  	s1 =	srdreg.scid  }
0x2: {  	s0 =	stileid.u32;
	s4 =	rddreg [dreg:$0x0];
	s2 =	simm.s32 $0x0  }
0x3: {  	s7 =	simm.s32 $0x1;
	s8 =	simm.s32 $0x1400;
	s9 =	simm.s32 $0x4C00  }
0x4: {  	s10 =	simm.s32 $0x4000;
	s11 =	simm.s32 $0x4800;
	s12 =	simm.s32 $0x3C00  }
0x5: {  	s13 =	simm.s32 $0x4400;
	s3 =	sand.u32 $0x1, s1;
	s30 =	sshll.u32 s0, $0x1  }
0x6: {  	s14 =	simm.s32 $0x2800;
	s1 =	sor.u32 s3, s30;
	s3 =	ssub.s32 $0x2, s3  }
0x7: {  	[smem:$0x7FF] =	sst s2;
	s5 =	smul.u32 $0x280, s1;
	s31 =	sshrl.u32 s3, $0x1  }
0x8: {  	s15 =	simm.s32 $0x0;
	s1 =	rddreg [dreg:$0x1];
	s6 =	ssub.s32 s3, s31  }
0x9: {  	v0 =	vimm.s32 $0x0;
	v1 =	vlaneseq.u32;
	_ =	strace $0x80000047;
	s5 =	sadd.s32 s5, s4;
	s6 =	smax.u32 s6, $0x1  }
0xa: {  	v4 =	vimm.s32 $0x1;
	v2 =	vmul.u32 $0x40, v1;
	v3 =	vor.u32 $0xF8, v1;
	s3 =	sadd.s32 $0x5A00, s5;
	s4 =	sadd.s32 $0xA00, s5;
	s5 =	sadd.s32 $0xAA00, s5  }
.LBB2_1:
0xb: {  	[tilespmem:s2], [sflag:$0x1] =	stream.linear.gather [hbm4b:s3+s2], $0x1400, $0x38;
	[tilespmem:$0x4D00] =	vst v63  }
0xc: {  	_ =	swait.ge [sflag:s7], $0x1400  }
0xd: {  	[sflag:s7] =	ssyncset.done $0x0  }
0xe: {  	[sflag:s7] =	ssyncadd.s32 $0xFFFFEC00  }
0xf: {  	[tilespmem:s8], [sflag:$0x1] =	stream.linear.gather [hbm4b:s4+s2], $0x1400, $0x38;
	[tilespmem:$0x4D00] =	vst v63  }
0x10: {  	_ =	swait.ge [sflag:s7], $0x1400  }
0x11: {  	[sflag:s7] =	ssyncset.done $0x0  }
0x12: {  	s16 =	simm.s32 $0x0;
	[sflag:s7] =	ssyncadd.s32 $0xFFFFEC00  }
.LBB2_2:
0x13: {  	[tilespmem:$0x4C00] =	vst v0  }
0x14: {  	[tilespmem:$0x4C10] =	vst v0  }
0x15: {  	[tilespmem:$0x4C20] =	vst v0  }
0x16: {  	[tilespmem:$0x4C30] =	vst v0  }
0x17: {  	[tilespmem:$0x4C40] =	vst v0  }
0x18: {  	[tilespmem:$0x4C50] =	vst v0  }
0x19: {  	[tilespmem:$0x4C60] =	vst v0  }
0x1a: {  	[tilespmem:$0x4C70] =	vst v0  }
0x1b: {  	[tilespmem:$0x4C80] =	vst v0  }
0x1c: {  	[tilespmem:$0x4C90] =	vst v0  }
0x1d: {  	[tilespmem:$0x4CA0] =	vst v0  }
0x1e: {  	[tilespmem:$0x4CB0] =	vst v0  }
0x1f: {  	[tilespmem:$0x4CC0] =	vst v0  }
0x20: {  	[tilespmem:$0x4CD0] =	vst v0  }
0x21: {  	s17 =	sshll.u32 s16, $0xA;
	[tilespmem:$0x4CE0] =	vst v0  }
0x22: {  	[tilespmem:$0x4CF0] =	vst v0;
	v5 =	vmov s17;
	v6 =	vor.u32 s17, v2;
	s17 =	simm.s32 $0x0  }
.LBB2_3:
0x23: {  	v7 =	vmov s17  }
0x24: {  	v7 =	vand.u32 $0x3C, v7  }
0x25: {  	v7 =	vbroadcast v7, $0x0;
	_ =	sdelay $0x1  }
0x26: {  	v7 =	vor.u32 v6, v7;
	_ =	sdelay $0x4  }
0x27: {  	v7 =	vld.idx.msk [tilespmem:v7+s2+$0x0], $0xffff;
	_ =	sdelay $0x4  }
0x28: {  	s18 =	sadd.s32 $0x1, s17;
	vm0 =	vlt.s32 v7, $0x0;
	v8 =	vxor.u32 $0xFFFFFFFF, v7  }
0x29: {  	v7 =	vsel vm0, v7, v8;
	v8 =	vmov s18  }
0x2a: {  	v7 =	vshll.u32 v7, $0x4;
	v8 =	vand.u32 $0x3D, v8  }
0x2b: {  	v7 =	vor.u32 v1, v7;
	v8 =	vbroadcast v8, $0x0  }
0x2c: {  	v7 =	vand.u32 v3, v7  }
0x2d: {  	v8 =	vor.u32 v6, v8;
	_ =	sdelay $0x3  }
0x2e: {  	[tilespmem:v7+s9+$0x0] =	vst.idx.add.s32.msk $0xffff, v4  }
0x2f: {  	v7 =	vld.idx.msk [tilespmem:v8+s2+$0x0], $0xffff;
	_ =	sdelay $0x4  }
0x30: {  	s30 =	sadd.s32 $0x2, s17;
	vm13 =	vlt.s32 v7, $0x0;
	v8 =	vxor.u32 $0xFFFFFFFF, v7  }
0x31: {  	v7 =	vsel vm13, v7, v8;
	v8 =	vmov s30  }
0x32: {  	v7 =	vshll.u32 v7, $0x4;
	v8 =	vand.u32 $0x3E, v8  }
0x33: {  	v7 =	vor.u32 v1, v7;
	v8 =	vbroadcast v8, $0x0  }
0x34: {  	v7 =	vand.u32 v3, v7  }
0x35: {  	v8 =	vor.u32 v6, v8;
	_ =	sdelay $0x3  }
0x36: {  	[tilespmem:v7+s9+$0x0] =	vst.idx.add.s32.msk $0xffff, v4  }
0x37: {  	v7 =	vld.idx.msk [tilespmem:v8+s2+$0x0], $0xffff;
	_ =	sdelay $0x4  }
0x38: {  	vm14 =	vlt.s32 v7, $0x0;
	v8 =	vxor.u32 $0xFFFFFFFF, v7  }
0x39: {  	v7 =	vsel vm14, v7, v8  }
0x3a: {  	v7 =	vshll.u32 v7, $0x4  }
0x3b: {  	v7 =	vor.u32 v1, v7  }
0x3c: {  	s31 =	sadd.s32 $0x3, s17;
	v7 =	vand.u32 v3, v7  }
0x3d: {  	v8 =	vor.u32 s31, v6;
	_ =	sdelay $0x3  }
0x3e: {  	[tilespmem:v7+s9+$0x0] =	vst.idx.add.s32.msk $0xffff, v4  }
0x3f: {  	v7 =	vld.idx.msk [tilespmem:v8+s2+$0x0], $0xffff;
	_ =	sdelay $0x4  }
0x40: {  	vm15 =	vlt.s32 v7, $0x0;
	v8 =	vxor.u32 $0xFFFFFFFF, v7  }
0x41: {  	v7 =	vsel vm15, v7, v8  }
0x42: {  	v7 =	vshll.u32 v7, $0x4  }
0x43: {  	v7 =	vor.u32 v1, v7  }
0x44: {  	p0 =	sne.s32 s17, $0x3C;
	v7 =	vand.u32 v3, v7  }
.Ltmp0:
0x45: {  	_ = 	snop;
	(pc) =	sbr.rel @p0 .LBB2_3-.Ltmp0, $2  }
0x46: {  	_ =	sdelay $0x2  }
0x47: {  	s17 =	sadd.s32 $0x4, s17;
	[tilespmem:v7+s9+$0x0] =	vst.idx.add.s32.msk $0xffff, v4  }
0x48: {  	v7 =	vld [tilespmem:$0x4C00]  }
0x49: {  	v8 =	vld [tilespmem:$0x4C10]  }
0x4a: {  	v9 =	vld [tilespmem:$0x4C20]  }
0x4b: {  	v10 =	vld [tilespmem:$0x4C30]  }
0x4c: {  	v11 =	vld [tilespmem:$0x4C40]  }
0x4d: {  	v12 =	vld [tilespmem:$0x4C50];
	(xrf0) =	vadd.scan.msk.s32 $0xffff, v7  }
0x4e: {  	v13 =	vld [tilespmem:$0x4C60];
	(xrf0) =	vadd.scan.msk.s32 $0xffff, v8  }
0x4f: {  	v14 =	vld [tilespmem:$0x4C70];
	(xrf0) =	vadd.scan.msk.s32 $0xffff, v9  }
0x50: {  	v15 =	vld [tilespmem:$0x4C80];
	(xrf0) =	vadd.scan.msk.s32 $0xffff, v10  }
0x51: {  	v16 =	vld [tilespmem:$0x4C90];
	(xrf0) =	vadd.scan.msk.s32 $0xffff, v11  }
0x52: {  	v17 =	vld [tilespmem:$0x4CA0];
	(xrf0) =	vadd.scan.msk.s32 $0xffff, v12  }
0x53: {  	v19 =	vld [tilespmem:$0x4CB0];
	v18, _, _ =	vpop (xrf0);
	(xrf0) =	vadd.scan.msk.s32 $0xffff, v13  }
0x54: {  	v21 =	vld [tilespmem:$0x4CC0];
	(v2sf) =	vpush v18, $0xF;
	v20, _, _ =	vpop (xrf0);
	(xrf0) =	vadd.scan.msk.s32 $0xffff, v14  }
0x55: {  	v23 =	vld [tilespmem:$0x4CD0];
	(v2sf) =	vpush v20, $0xF;
	v22, _, _ =	vpop (xrf0);
	(xrf0) =	vadd.scan.msk.s32 $0xffff, v15  }
0x56: {  	v25 =	vld [tilespmem:$0x4CE0];
	(v2sf) =	vpush v22, $0xF;
	v24, _, _ =	vpop (xrf0);
	(xrf0) =	vadd.scan.msk.s32 $0xffff, v16  }
0x57: {  	(v2sf) =	vpush v24, $0xF;
	v26, _, _ =	vpop (xrf0);
	(xrf0) =	vadd.scan.msk.s32 $0xffff, v17  }
0x58: {  	(v2sf) =	vpush v26, $0xF;
	v27, _, _ =	vpop (xrf0);
	(xrf0) =	vadd.scan.msk.s32 $0xffff, v19  }
0x59: {  	(v2sf) =	vpush v27, $0xF;
	v28, _, _ =	vpop (xrf0);
	(xrf0) =	vadd.scan.msk.s32 $0xffff, v21  }
0x5a: {  	(v2sf) =	vpush v28, $0xF;
	v29, _, _ =	vpop (xrf0);
	(xrf0) =	vadd.scan.msk.s32 $0xffff, v23  }
0x5b: {  	(v2sf) =	vpush v29, $0xF;
	v30, _, _ =	vpop (xrf0);
	(xrf0) =	vadd.scan.msk.s32 $0xffff, v25  }
0x5c: {  	v31, _, _ =	vpop (xrf0);
	(v2sf) =	vpush v30, $0xF  }
0x5d: {  	v32, _, _ =	vpop (xrf0);
	(v2sf) =	vpush v31, $0xF  }
0x5e: {  	v33, _, _ =	vpop (xrf0);
	(v2sf) =	vpush v32, $0xF  }
0x5f: {  	v34, _, _ =	vpop (xrf0);
	(v2sf) =	vpush v33, $0xF  }
0x60: {  	v35, _, _ =	vpop (xrf0);
	(v2sf) =	vpush v34, $0xF  }
0x61: {  	(v2sf) =	vpush v35, $0xF;
	v36, _, _ =	vpop (xrf0)  }
0x62: {  	v37 =	vbroadcast v18, $0xF;
	(v2sf) =	vpush v36, $0xF  }
0x63: {  	s17 =	spop (v2sf)  }
0x64: {  	v7 =	vsub.s32 v18, v7;
	v8 =	vsub.s32 v37, v8;
	s18 =	spop (v2sf)  }
0x65: {  	[tilespmem:$0x4C00] =	vst v7;
	v7 =	vadd.s32 v20, v8;
	v8 =	vsub.s32 v22, v9;
	s17 =	sadd.s32 s17, s18;
	s31 =	spop (v2sf)  }
0x66: {  	v62 =	vld [tilespmem:$0x4CF0];
	[tilespmem:$0x4C10] =	vst v7;
	v7 =	vadd.s32 s17, v8;
	s17 =	sadd.s32 s17, s31;
	s19 =	spop (v2sf);
	v8 =	vsub.s32 v24, v10  }
0x67: {  	[tilespmem:$0x4C20] =	vst v7;
	v7 =	vsub.s32 v26, v11;
	v8 =	vadd.s32 s17, v8;
	s17 =	sadd.s32 s17, s19;
	s20 =	spop (v2sf)  }
0x68: {  	[tilespmem:$0x4C30] =	vst v8;
	v8 =	vsub.s32 v27, v12;
	v7 =	vadd.s32 s17, v7;
	s17 =	sadd.s32 s17, s20;
	s21 =	spop (v2sf)  }
0x69: {  	[tilespmem:$0x4C40] =	vst v7;
	v7 =	vsub.s32 v28, v13;
	v8 =	vadd.s32 s17, v8;
	s17 =	sadd.s32 s17, s21;
	s22 =	spop (v2sf)  }
0x6a: {  	[tilespmem:$0x4C50] =	vst v8;
	v8 =	vsub.s32 v29, v14;
	v7 =	vadd.s32 s17, v7;
	s17 =	sadd.s32 s17, s22;
	s23 =	spop (v2sf)  }
0x6b: {  	(xrf0) =	vadd.scan.msk.s32 $0xffff, v62;
	[tilespmem:$0x4C60] =	vst v7;
	v7 =	vsub.s32 v30, v15;
	v8 =	vadd.s32 s17, v8;
	s17 =	sadd.s32 s17, s23;
	s24 =	spop (v2sf)  }
0x6c: {  	[tilespmem:$0x4C70] =	vst v8;
	v8 =	vsub.s32 v31, v16;
	v7 =	vadd.s32 s17, v7;
	s17 =	sadd.s32 s17, s24;
	s25 =	spop (v2sf)  }
0x6d: {  	[tilespmem:$0x4C80] =	vst v7;
	v7 =	vsub.s32 v32, v17;
	v8 =	vadd.s32 s17, v8;
	s17 =	sadd.s32 s17, s25;
	s26 =	spop (v2sf)  }
0x6e: {  	[tilespmem:$0x4C90] =	vst v8;
	v8 =	vsub.s32 v33, v19;
	v7 =	vadd.s32 s17, v7;
	s17 =	sadd.s32 s17, s26;
	s28 =	spop (v2sf)  }
0x6f: {  	[tilespmem:$0x4CA0] =	vst v7;
	v7 =	vsub.s32 v34, v21;
	v8 =	vadd.s32 s17, v8;
	s17 =	sadd.s32 s17, s28;
	s29 =	spop (v2sf)  }
0x70: {  	[tilespmem:$0x4CB0] =	vst v8;
	v8 =	vsub.s32 v35, v23;
	v7 =	vadd.s32 s17, v7;
	s17 =	sadd.s32 s17, s29;
	s30 =	spop (v2sf)  }
0x71: {  	v63, _, _ =	vpop (xrf0);
	[tilespmem:$0x4CC0] =	vst v7;
	v7 =	vadd.s32 s17, v8;
	s17 =	sadd.s32 s17, s30;
	v8 =	vsub.s32 v36, v25;
	s31 =	spop (v2sf)  }
0x72: {  	[tilespmem:$0x4CD0] =	vst v7;
	v7 =	vadd.s32 s17, v8;
	s17 =	sadd.s32 s17, s31;
	v8 =	vsub.s32 v63, v62  }
0x73: {  	[tilespmem:$0x4CE0] =	vst v7;
	v7 =	vadd.s32 s17, v8  }
0x74: {  	s17 =	simm.s32 $0x0;
	[tilespmem:$0x4CF0] =	vst v7  }
.LBB2_5:
0x75: {  	v7 =	vor.u32 s17, v6;
	_ =	sdelay $0x4  }
0x76: {  	v7 =	vld.idx.msk [tilespmem:v7+s2+$0x0], $0xffff;
	_ =	sdelay $0x4  }
0x77: {  	v8 =	vxor.u32 $0x80000000, v7  }
0x78: {  	vm0 =	vlt.s32 v7, $0x0;
	v8 =	vxor.u32 $0xFFFFFFFF, v8  }
0x79: {  	v7 =	vsel vm0, v7, v8  }
0x7a: {  	v8 =	vshll.u32 v7, $0x4  }
0x7b: {  	v8 =	vor.u32 v1, v8  }
0x7c: {  	v8 =	vand.u32 v3, v8;
	_ =	sdelay $0x4  }
0x7d: {  	v9 =	vld.idx.msk [tilespmem:v8+s9+$0x0], $0xffff;
	_ =	sdelay $0x4  }
0x7e: {  	v10 =	vshll.u32 v9, $0x4  }
0x7f: {  	v9 =	vshra.s32 v9, $0x6;
	v10 =	vand.u32 $0x3F0, v10  }
0x80: {  	v9 =	vadd.s32 v9, v10  }
0x81: {  	s18 =	sadd.s32 $0x1, s17  }
0x82: {  	v58 =	vor.u32 s18, v6;
	_ =	sdelay $0x1  }
0x83: {  	[tilespmem:v8+s9+$0x0] =	vst.idx.add.s32.msk $0xffff, v4  }
0x84: {  	[tilespmem:v9+s10+$0x0] =	vst.idx.msk $0xffff, v7;
	v7 =	vor.u32 s17, v2  }
0x85: {  	[tilespmem:v9+s11+$0x0] =	vst.idx.msk $0xffff, v7  }
0x86: {  	v7 =	vld.idx.msk [tilespmem:v58+s2+$0x0], $0xffff;
	_ =	sdelay $0x4  }
0x87: {  	v8 =	vxor.u32 $0x80000000, v7  }
0x88: {  	vm13 =	vlt.s32 v7, $0x0;
	v8 =	vxor.u32 $0xFFFFFFFF, v8  }
0x89: {  	v7 =	vsel vm13, v7, v8  }
0x8a: {  	v8 =	vshll.u32 v7, $0x4  }
0x8b: {  	v8 =	vor.u32 v1, v8  }
0x8c: {  	v8 =	vand.u32 v3, v8;
	_ =	sdelay $0x4  }
0x8d: {  	v9 =	vld.idx.msk [tilespmem:v8+s9+$0x0], $0xffff;
	_ =	sdelay $0x4  }
0x8e: {  	v59 =	vshll.u32 v9, $0x4  }
0x8f: {  	v9 =	vshra.s32 v9, $0x6;
	v10 =	vand.u32 $0x3F0, v59  }
0x90: {  	v9 =	vadd.s32 v9, v10  }
0x91: {  	s19 =	sadd.s32 $0x2, s17  }
0x92: {  	v60 =	vor.u32 s19, v6;
	_ =	sdelay $0x1  }
0x93: {  	[tilespmem:v8+s9+$0x0] =	vst.idx.add.s32.msk $0xffff, v4  }
0x94: {  	[tilespmem:v9+s10+$0x0] =	vst.idx.msk $0xffff, v7;
	v7 =	vor.u32 s18, v2  }
0x95: {  	[tilespmem:v9+s11+$0x0] =	vst.idx.msk $0xffff, v7  }
0x96: {  	v7 =	vld.idx.msk [tilespmem:v60+s2+$0x0], $0xffff;
	_ =	sdelay $0x4  }
0x97: {  	v8 =	vxor.u32 $0x80000000, v7  }
0x98: {  	vm14 =	vlt.s32 v7, $0x0;
	v8 =	vxor.u32 $0xFFFFFFFF, v8  }
0x99: {  	v7 =	vsel vm14, v7, v8  }
0x9a: {  	v8 =	vshll.u32 v7, $0x4  }
0x9b: {  	v8 =	vor.u32 v1, v8  }
0x9c: {  	v8 =	vand.u32 v3, v8;
	_ =	sdelay $0x4  }
0x9d: {  	v9 =	vld.idx.msk [tilespmem:v8+s9+$0x0], $0xffff;
	_ =	sdelay $0x4  }
0x9e: {  	v61 =	vshll.u32 v9, $0x4  }
0x9f: {  	v9 =	vshra.s32 v9, $0x6;
	v10 =	vand.u32 $0x3F0, v61  }
0xa0: {  	v9 =	vadd.s32 v9, v10  }
0xa1: {  	s31 =	sadd.s32 $0x3, s17  }
0xa2: {  	v62 =	vor.u32 s31, v6;
	_ =	sdelay $0x1  }
0xa3: {  	[tilespmem:v8+s9+$0x0] =	vst.idx.add.s32.msk $0xffff, v4  }
0xa4: {  	v8 =	vor.u32 s19, v2;
	[tilespmem:v9+s10+$0x0] =	vst.idx.msk $0xffff, v7  }
0xa5: {  	[tilespmem:v9+s11+$0x0] =	vst.idx.msk $0xffff, v8  }
0xa6: {  	v7 =	vld.idx.msk [tilespmem:v62+s2+$0x0], $0xffff;
	_ =	sdelay $0x4  }
0xa7: {  	v8 =	vxor.u32 $0x80000000, v7  }
0xa8: {  	vm15 =	vlt.s32 v7, $0x0;
	v8 =	vxor.u32 $0xFFFFFFFF, v8  }
0xa9: {  	v7 =	vsel vm15, v7, v8  }
0xaa: {  	v8 =	vshll.u32 v7, $0x4  }
0xab: {  	v8 =	vor.u32 v1, v8  }
0xac: {  	v8 =	vand.u32 v3, v8;
	_ =	sdelay $0x4  }
0xad: {  	v9 =	vld.idx.msk [tilespmem:v8+s9+$0x0], $0xffff;
	_ =	sdelay $0x4  }
0xae: {  	v63 =	vshll.u32 v9, $0x4  }
0xaf: {  	v9 =	vshra.s32 v9, $0x6;
	v10 =	vand.u32 $0x3F0, v63  }
0xb0: {  	v9 =	vadd.s32 v9, v10  }
0xb1: {  	p0 =	sne.s32 s17, $0x3C  }
.Ltmp1:
0xb2: {  	_ = 	snop;
	(pc) =	sbr.rel @p0 .LBB2_5-.Ltmp1, $4  }
0xb3: {  	_ = 	snop  }
0xb4: {  	[tilespmem:v8+s9+$0x0] =	vst.idx.add.s32.msk $0xffff, v4  }
0xb5: {  	[tilespmem:v9+s10+$0x0] =	vst.idx.msk $0xffff, v7;
	v7 =	vor.u32 s31, v2  }
0xb6: {  	s17 =	sadd.s32 $0x4, s17;
	[tilespmem:v9+s11+$0x0] =	vst.idx.msk $0xffff, v7  }
0xb7: {  	[tilespmem:$0x4C00] =	vst v0  }
0xb8: {  	[tilespmem:$0x4C10] =	vst v0  }
0xb9: {  	[tilespmem:$0x4C20] =	vst v0  }
0xba: {  	[tilespmem:$0x4C30] =	vst v0  }
0xbb: {  	[tilespmem:$0x4C40] =	vst v0  }
0xbc: {  	[tilespmem:$0x4C50] =	vst v0  }
0xbd: {  	[tilespmem:$0x4C60] =	vst v0  }
0xbe: {  	[tilespmem:$0x4C70] =	vst v0  }
0xbf: {  	[tilespmem:$0x4C80] =	vst v0  }
0xc0: {  	[tilespmem:$0x4C90] =	vst v0  }
0xc1: {  	[tilespmem:$0x4CA0] =	vst v0  }
0xc2: {  	[tilespmem:$0x4CB0] =	vst v0  }
0xc3: {  	[tilespmem:$0x4CC0] =	vst v0  }
0xc4: {  	[tilespmem:$0x4CD0] =	vst v0  }
0xc5: {  	[tilespmem:$0x4CE0] =	vst v0  }
0xc6: {  	[tilespmem:$0x4CF0] =	vst v0;
	s17 =	simm.s32 $0x0  }
.LBB2_7:
0xc7: {  	s18 =	sshra.s32 s17, $0x2  }
0xc8: {  	v6 =	vld [tilespmem:s18+$0x4000];
	_ =	sdelay $0x4  }
0xc9: {  	v6 =	vand.u32 $0xF0, v6  }
0xca: {  	v6 =	vor.u32 v1, v6;
	_ =	sdelay $0x4  }
0xcb: {  	[tilespmem:v6+s9+$0x0] =	vst.idx.add.s32.msk $0xffff, v4  }
0xcc: {  	v6 =	vld [tilespmem:s18+$0x4010];
	_ =	sdelay $0x4  }
0xcd: {  	v6 =	vand.u32 $0xF0, v6  }
0xce: {  	v6 =	vor.u32 v1, v6;
	_ =	sdelay $0x4  }
0xcf: {  	[tilespmem:v6+s9+$0x0] =	vst.idx.add.s32.msk $0xffff, v4  }
0xd0: {  	v6 =	vld [tilespmem:s18+$0x4020];
	_ =	sdelay $0x4  }
0xd1: {  	v6 =	vand.u32 $0xF0, v6  }
0xd2: {  	v6 =	vor.u32 v1, v6;
	_ =	sdelay $0x4  }
0xd3: {  	[tilespmem:v6+s9+$0x0] =	vst.idx.add.s32.msk $0xffff, v4  }
0xd4: {  	v6 =	vld [tilespmem:s18+$0x4030];
	_ =	sdelay $0x4  }
0xd5: {  	v6 =	vand.u32 $0xF0, v6  }
0xd6: {  	p0 =	sne.s32 s17, $0xF00;
	v6 =	vor.u32 v1, v6  }
.Ltmp2:
0xd7: {  	_ = 	snop;
	(pc) =	sbr.rel @p0 .LBB2_7-.Ltmp2, $2  }
0xd8: {  	_ =	sdelay $0x2  }
0xd9: {  	s17 =	sadd.s32 $0x100, s17;
	[tilespmem:v6+s9+$0x0] =	vst.idx.add.s32.msk $0xffff, v4  }
0xda: {  	v6 =	vld [tilespmem:$0x4C00]  }
0xdb: {  	v7 =	vld [tilespmem:$0x4C10]  }
0xdc: {  	v8 =	vld [tilespmem:$0x4C20]  }
0xdd: {  	v9 =	vld [tilespmem:$0x4C30]  }
0xde: {  	v10 =	vld [tilespmem:$0x4C40]  }
0xdf: {  	v11 =	vld [tilespmem:$0x4C50];
	(xrf0) =	vadd.scan.msk.s32 $0xffff, v6  }
0xe0: {  	v12 =	vld [tilespmem:$0x4C60];
	(xrf0) =	vadd.scan.msk.s32 $0xffff, v7  }
0xe1: {  	v13 =	vld [tilespmem:$0x4C70];
	(xrf0) =	vadd.scan.msk.s32 $0xffff, v8  }
0xe2: {  	v14 =	vld [tilespmem:$0x4C80];
	(xrf0) =	vadd.scan.msk.s32 $0xffff, v9  }
0xe3: {  	v15 =	vld [tilespmem:$0x4C90];
	(xrf0) =	vadd.scan.msk.s32 $0xffff, v10  }
0xe4: {  	v16 =	vld [tilespmem:$0x4CA0];
	(xrf0) =	vadd.scan.msk.s32 $0xffff, v11  }
0xe5: {  	v18 =	vld [tilespmem:$0x4CB0];
	v17, _, _ =	vpop (xrf0);
	(xrf0) =	vadd.scan.msk.s32 $0xffff, v12  }
0xe6: {  	v20 =	vld [tilespmem:$0x4CC0];
	(v2sf) =	vpush v17, $0xF;
	v19, _, _ =	vpop (xrf0);
	(xrf0) =	vadd.scan.msk.s32 $0xffff, v13  }
0xe7: {  	v22 =	vld [tilespmem:$0x4CD0];
	(v2sf) =	vpush v19, $0xF;
	v21, _, _ =	vpop (xrf0);
	(xrf0) =	vadd.scan.msk.s32 $0xffff, v14  }
0xe8: {  	v24 =	vld [tilespmem:$0x4CE0];
	(v2sf) =	vpush v21, $0xF;
	v23, _, _ =	vpop (xrf0);
	(xrf0) =	vadd.scan.msk.s32 $0xffff, v15  }
0xe9: {  	(v2sf) =	vpush v23, $0xF;
	v25, _, _ =	vpop (xrf0);
	(xrf0) =	vadd.scan.msk.s32 $0xffff, v16  }
0xea: {  	(v2sf) =	vpush v25, $0xF;
	v26, _, _ =	vpop (xrf0);
	(xrf0) =	vadd.scan.msk.s32 $0xffff, v18  }
0xeb: {  	(v2sf) =	vpush v26, $0xF;
	v27, _, _ =	vpop (xrf0);
	(xrf0) =	vadd.scan.msk.s32 $0xffff, v20  }
0xec: {  	(v2sf) =	vpush v27, $0xF;
	v28, _, _ =	vpop (xrf0);
	(xrf0) =	vadd.scan.msk.s32 $0xffff, v22  }
0xed: {  	(v2sf) =	vpush v28, $0xF;
	v29, _, _ =	vpop (xrf0);
	(xrf0) =	vadd.scan.msk.s32 $0xffff, v24  }
0xee: {  	v30, _, _ =	vpop (xrf0);
	(v2sf) =	vpush v29, $0xF  }
0xef: {  	v31, _, _ =	vpop (xrf0);
	(v2sf) =	vpush v30, $0xF  }
0xf0: {  	v32, _, _ =	vpop (xrf0);
	(v2sf) =	vpush v31, $0xF  }
0xf1: {  	v33, _, _ =	vpop (xrf0);
	(v2sf) =	vpush v32, $0xF  }
0xf2: {  	v34, _, _ =	vpop (xrf0);
	(v2sf) =	vpush v33, $0xF  }
0xf3: {  	(v2sf) =	vpush v34, $0xF;
	v35, _, _ =	vpop (xrf0)  }
0xf4: {  	v36 =	vbroadcast v17, $0xF;
	(v2sf) =	vpush v35, $0xF  }
0xf5: {  	s17 =	spop (v2sf)  }
0xf6: {  	v6 =	vsub.s32 v17, v6;
	v7 =	vsub.s32 v36, v7;
	s18 =	spop (v2sf)  }
0xf7: {  	[tilespmem:$0x4C00] =	vst v6;
	v6 =	vadd.s32 v19, v7;
	v7 =	vsub.s32 v21, v8;
	s17 =	sadd.s32 s17, s18;
	s31 =	spop (v2sf)  }
0xf8: {  	v62 =	vld [tilespmem:$0x4CF0];
	[tilespmem:$0x4C10] =	vst v6;
	v6 =	vadd.s32 s17, v7;
	s17 =	sadd.s32 s17, s31;
	s19 =	spop (v2sf);
	v7 =	vsub.s32 v23, v9  }
0xf9: {  	[tilespmem:$0x4C20] =	vst v6;
	v6 =	vsub.s32 v25, v10;
	v7 =	vadd.s32 s17, v7;
	s17 =	sadd.s32 s17, s19;
	s20 =	spop (v2sf)  }
0xfa: {  	[tilespmem:$0x4C30] =	vst v7;
	v7 =	vsub.s32 v26, v11;
	v6 =	vadd.s32 s17, v6;
	s17 =	sadd.s32 s17, s20;
	s21 =	spop (v2sf)  }
0xfb: {  	[tilespmem:$0x4C40] =	vst v6;
	v6 =	vsub.s32 v27, v12;
	v7 =	vadd.s32 s17, v7;
	s17 =	sadd.s32 s17, s21;
	s22 =	spop (v2sf)  }
0xfc: {  	[tilespmem:$0x4C50] =	vst v7;
	v7 =	vsub.s32 v28, v13;
	v6 =	vadd.s32 s17, v6;
	s17 =	sadd.s32 s17, s22;
	s23 =	spop (v2sf)  }
0xfd: {  	(xrf0) =	vadd.scan.msk.s32 $0xffff, v62;
	[tilespmem:$0x4C60] =	vst v6;
	v6 =	vsub.s32 v29, v14;
	v7 =	vadd.s32 s17, v7;
	s17 =	sadd.s32 s17, s23;
	s24 =	spop (v2sf)  }
0xfe: {  	[tilespmem:$0x4C70] =	vst v7;
	v7 =	vsub.s32 v30, v15;
	v6 =	vadd.s32 s17, v6;
	s17 =	sadd.s32 s17, s24;
	s25 =	spop (v2sf)  }
0xff: {  	[tilespmem:$0x4C80] =	vst v6;
	v6 =	vsub.s32 v31, v16;
	v7 =	vadd.s32 s17, v7;
	s17 =	sadd.s32 s17, s25;
	s26 =	spop (v2sf)  }
0x100: {  	[tilespmem:$0x4C90] =	vst v7;
	v7 =	vsub.s32 v32, v18;
	v6 =	vadd.s32 s17, v6;
	s17 =	sadd.s32 s17, s26;
	s28 =	spop (v2sf)  }
0x101: {  	[tilespmem:$0x4CA0] =	vst v6;
	v6 =	vsub.s32 v33, v20;
	v7 =	vadd.s32 s17, v7;
	s17 =	sadd.s32 s17, s28;
	s29 =	spop (v2sf)  }
0x102: {  	[tilespmem:$0x4CB0] =	vst v7;
	v7 =	vsub.s32 v34, v22;
	v6 =	vadd.s32 s17, v6;
	s17 =	sadd.s32 s17, s29;
	s30 =	spop (v2sf)  }
0x103: {  	v63, _, _ =	vpop (xrf0);
	[tilespmem:$0x4CC0] =	vst v6;
	v6 =	vadd.s32 s17, v7;
	s17 =	sadd.s32 s17, s30;
	v7 =	vsub.s32 v35, v24;
	s31 =	spop (v2sf)  }
0x104: {  	[tilespmem:$0x4CD0] =	vst v6;
	v6 =	vadd.s32 s17, v7;
	s17 =	sadd.s32 s17, s31;
	v7 =	vsub.s32 v63, v62  }
0x105: {  	[tilespmem:$0x4CE0] =	vst v6;
	v6 =	vadd.s32 s17, v7  }
0x106: {  	s17 =	simm.s32 $0x0;
	[tilespmem:$0x4CF0] =	vst v6  }
.LBB2_9:
0x107: {  	s18 =	sshra.s32 s17, $0x2  }
0x108: {  	v6 =	vld [tilespmem:s18+$0x4000];
	_ =	sdelay $0x4  }
0x109: {  	v7 =	vand.u32 $0xF0, v6  }
0x10a: {  	v7 =	vor.u32 v1, v7;
	_ =	sdelay $0x4  }
0x10b: {  	v8 =	vld.idx.msk [tilespmem:v7+s9+$0x0], $0xffff;
	_ =	sdelay $0x4  }
0x10c: {  	v9 =	vshll.u32 v8, $0x4  }
0x10d: {  	v8 =	vshra.s32 v8, $0x6;
	v9 =	vand.u32 $0x3F0, v9  }
0x10e: {  	v8 =	vadd.s32 v8, v9  }
0x10f: {  	v57 =	vld [tilespmem:s18+$0x4800];
	_ =	sdelay $0x2  }
0x110: {  	[tilespmem:v7+s9+$0x0] =	vst.idx.add.s32.msk $0xffff, v4  }
0x111: {  	[tilespmem:v8+s12+$0x0] =	vst.idx.msk $0xffff, v6  }
0x112: {  	[tilespmem:v8+s13+$0x0] =	vst.idx.msk $0xffff, v57  }
0x113: {  	v6 =	vld [tilespmem:s18+$0x4010];
	_ =	sdelay $0x4  }
0x114: {  	v7 =	vand.u32 $0xF0, v6  }
0x115: {  	v7 =	vor.u32 v1, v7;
	_ =	sdelay $0x4  }
0x116: {  	v8 =	vld.idx.msk [tilespmem:v7+s9+$0x0], $0xffff;
	_ =	sdelay $0x4  }
0x117: {  	v58 =	vshll.u32 v8, $0x4  }
0x118: {  	v8 =	vshra.s32 v8, $0x6;
	v9 =	vand.u32 $0x3F0, v58  }
0x119: {  	v8 =	vadd.s32 v8, v9  }
0x11a: {  	v59 =	vld [tilespmem:s18+$0x4810];
	_ =	sdelay $0x2  }
0x11b: {  	[tilespmem:v7+s9+$0x0] =	vst.idx.add.s32.msk $0xffff, v4  }
0x11c: {  	[tilespmem:v8+s12+$0x0] =	vst.idx.msk $0xffff, v6  }
0x11d: {  	[tilespmem:v8+s13+$0x0] =	vst.idx.msk $0xffff, v59  }
0x11e: {  	v6 =	vld [tilespmem:s18+$0x4020];
	_ =	sdelay $0x4  }
0x11f: {  	v7 =	vand.u32 $0xF0, v6  }
0x120: {  	v7 =	vor.u32 v1, v7;
	_ =	sdelay $0x4  }
0x121: {  	v8 =	vld.idx.msk [tilespmem:v7+s9+$0x0], $0xffff;
	_ =	sdelay $0x4  }
0x122: {  	v60 =	vshll.u32 v8, $0x4  }
0x123: {  	v8 =	vshra.s32 v8, $0x6;
	v9 =	vand.u32 $0x3F0, v60  }
0x124: {  	v8 =	vadd.s32 v8, v9  }
0x125: {  	v61 =	vld [tilespmem:s18+$0x4820];
	_ =	sdelay $0x2  }
0x126: {  	[tilespmem:v7+s9+$0x0] =	vst.idx.add.s32.msk $0xffff, v4  }
0x127: {  	[tilespmem:v8+s12+$0x0] =	vst.idx.msk $0xffff, v6  }
0x128: {  	[tilespmem:v8+s13+$0x0] =	vst.idx.msk $0xffff, v61  }
0x129: {  	v6 =	vld [tilespmem:s18+$0x4030];
	_ =	sdelay $0x4  }
0x12a: {  	v7 =	vand.u32 $0xF0, v6  }
0x12b: {  	v7 =	vor.u32 v1, v7;
	_ =	sdelay $0x4  }
0x12c: {  	v8 =	vld.idx.msk [tilespmem:v7+s9+$0x0], $0xffff;
	_ =	sdelay $0x4  }
0x12d: {  	v62 =	vshll.u32 v8, $0x4  }
0x12e: {  	v8 =	vshra.s32 v8, $0x6;
	v9 =	vand.u32 $0x3F0, v62  }
0x12f: {  	v8 =	vadd.s32 v8, v9  }
0x130: {  	p0 =	sne.s32 s17, $0xF00;
	v63 =	vld [tilespmem:s18+$0x4830]  }
.Ltmp3:
0x131: {  	_ = 	snop;
	(pc) =	sbr.rel @p0 .LBB2_9-.Ltmp3, $4  }
0x132: {  	_ = 	snop  }
0x133: {  	[tilespmem:v7+s9+$0x0] =	vst.idx.add.s32.msk $0xffff, v4  }
0x134: {  	[tilespmem:v8+s12+$0x0] =	vst.idx.msk $0xffff, v6  }
0x135: {  	s17 =	sadd.s32 $0x100, s17;
	[tilespmem:v8+s13+$0x0] =	vst.idx.msk $0xffff, v63  }
0x136: {  	[tilespmem:$0x4C00] =	vst v0  }
0x137: {  	[tilespmem:$0x4C10] =	vst v0  }
0x138: {  	[tilespmem:$0x4C20] =	vst v0  }
0x139: {  	[tilespmem:$0x4C30] =	vst v0  }
0x13a: {  	[tilespmem:$0x4C40] =	vst v0  }
0x13b: {  	[tilespmem:$0x4C50] =	vst v0  }
0x13c: {  	[tilespmem:$0x4C60] =	vst v0  }
0x13d: {  	[tilespmem:$0x4C70] =	vst v0  }
0x13e: {  	[tilespmem:$0x4C80] =	vst v0  }
0x13f: {  	[tilespmem:$0x4C90] =	vst v0  }
0x140: {  	[tilespmem:$0x4CA0] =	vst v0  }
0x141: {  	[tilespmem:$0x4CB0] =	vst v0  }
0x142: {  	[tilespmem:$0x4CC0] =	vst v0  }
0x143: {  	[tilespmem:$0x4CD0] =	vst v0  }
0x144: {  	[tilespmem:$0x4CE0] =	vst v0  }
0x145: {  	[tilespmem:$0x4CF0] =	vst v0;
	s17 =	simm.s32 $0x0  }
.LBB2_11:
0x146: {  	s18 =	sshra.s32 s17, $0x2  }
0x147: {  	v6 =	vld [tilespmem:s18+$0x3C00];
	_ =	sdelay $0x4  }
0x148: {  	v6 =	vshrl.u32 v6, $0x4  }
0x149: {  	v6 =	vand.u32 $0xF0, v6  }
0x14a: {  	v6 =	vor.u32 v1, v6;
	_ =	sdelay $0x4  }
0x14b: {  	[tilespmem:v6+s9+$0x0] =	vst.idx.add.s32.msk $0xffff, v4  }
0x14c: {  	v6 =	vld [tilespmem:s18+$0x3C10];
	_ =	sdelay $0x4  }
0x14d: {  	v6 =	vshrl.u32 v6, $0x4  }
0x14e: {  	v6 =	vand.u32 $0xF0, v6  }
0x14f: {  	v6 =	vor.u32 v1, v6;
	_ =	sdelay $0x4  }
0x150: {  	[tilespmem:v6+s9+$0x0] =	vst.idx.add.s32.msk $0xffff, v4  }
0x151: {  	v6 =	vld [tilespmem:s18+$0x3C20];
	_ =	sdelay $0x4  }
0x152: {  	v6 =	vshrl.u32 v6, $0x4  }
0x153: {  	v6 =	vand.u32 $0xF0, v6  }
0x154: {  	v6 =	vor.u32 v1, v6;
	_ =	sdelay $0x4  }
0x155: {  	[tilespmem:v6+s9+$0x0] =	vst.idx.add.s32.msk $0xffff, v4  }
0x156: {  	v6 =	vld [tilespmem:s18+$0x3C30];
	_ =	sdelay $0x4  }
0x157: {  	v6 =	vshrl.u32 v6, $0x4  }
0x158: {  	v6 =	vand.u32 $0xF0, v6  }
0x159: {  	p0 =	sne.s32 s17, $0xF00;
	v6 =	vor.u32 v1, v6  }
.Ltmp4:
0x15a: {  	_ = 	snop;
	(pc) =	sbr.rel @p0 .LBB2_11-.Ltmp4, $2  }
0x15b: {  	_ =	sdelay $0x2  }
0x15c: {  	s17 =	sadd.s32 $0x100, s17;
	[tilespmem:v6+s9+$0x0] =	vst.idx.add.s32.msk $0xffff, v4  }
0x15d: {  	v6 =	vld [tilespmem:$0x4C00]  }
0x15e: {  	v7 =	vld [tilespmem:$0x4C10]  }
0x15f: {  	v8 =	vld [tilespmem:$0x4C20]  }
0x160: {  	v9 =	vld [tilespmem:$0x4C30]  }
0x161: {  	v10 =	vld [tilespmem:$0x4C40]  }
0x162: {  	v11 =	vld [tilespmem:$0x4C50];
	(xrf0) =	vadd.scan.msk.s32 $0xffff, v6  }
0x163: {  	v12 =	vld [tilespmem:$0x4C60];
	(xrf0) =	vadd.scan.msk.s32 $0xffff, v7  }
0x164: {  	v13 =	vld [tilespmem:$0x4C70];
	(xrf0) =	vadd.scan.msk.s32 $0xffff, v8  }
0x165: {  	v14 =	vld [tilespmem:$0x4C80];
	(xrf0) =	vadd.scan.msk.s32 $0xffff, v9  }
0x166: {  	v15 =	vld [tilespmem:$0x4C90];
	(xrf0) =	vadd.scan.msk.s32 $0xffff, v10  }
0x167: {  	v16 =	vld [tilespmem:$0x4CA0];
	(xrf0) =	vadd.scan.msk.s32 $0xffff, v11  }
0x168: {  	v18 =	vld [tilespmem:$0x4CB0];
	v17, _, _ =	vpop (xrf0);
	(xrf0) =	vadd.scan.msk.s32 $0xffff, v12  }
0x169: {  	v20 =	vld [tilespmem:$0x4CC0];
	(v2sf) =	vpush v17, $0xF;
	v19, _, _ =	vpop (xrf0);
	(xrf0) =	vadd.scan.msk.s32 $0xffff, v13  }
0x16a: {  	v22 =	vld [tilespmem:$0x4CD0];
	(v2sf) =	vpush v19, $0xF;
	v21, _, _ =	vpop (xrf0);
	(xrf0) =	vadd.scan.msk.s32 $0xffff, v14  }
0x16b: {  	v24 =	vld [tilespmem:$0x4CE0];
	(v2sf) =	vpush v21, $0xF;
	v23, _, _ =	vpop (xrf0);
	(xrf0) =	vadd.scan.msk.s32 $0xffff, v15  }
0x16c: {  	(v2sf) =	vpush v23, $0xF;
	v25, _, _ =	vpop (xrf0);
	(xrf0) =	vadd.scan.msk.s32 $0xffff, v16  }
0x16d: {  	(v2sf) =	vpush v25, $0xF;
	v26, _, _ =	vpop (xrf0);
	(xrf0) =	vadd.scan.msk.s32 $0xffff, v18  }
0x16e: {  	(v2sf) =	vpush v26, $0xF;
	v27, _, _ =	vpop (xrf0);
	(xrf0) =	vadd.scan.msk.s32 $0xffff, v20  }
0x16f: {  	(v2sf) =	vpush v27, $0xF;
	v28, _, _ =	vpop (xrf0);
	(xrf0) =	vadd.scan.msk.s32 $0xffff, v22  }
0x170: {  	(v2sf) =	vpush v28, $0xF;
	v29, _, _ =	vpop (xrf0);
	(xrf0) =	vadd.scan.msk.s32 $0xffff, v24  }
0x171: {  	v30, _, _ =	vpop (xrf0);
	(v2sf) =	vpush v29, $0xF  }
0x172: {  	v31, _, _ =	vpop (xrf0);
	(v2sf) =	vpush v30, $0xF  }
0x173: {  	v32, _, _ =	vpop (xrf0);
	(v2sf) =	vpush v31, $0xF  }
0x174: {  	v33, _, _ =	vpop (xrf0);
	(v2sf) =	vpush v32, $0xF  }
0x175: {  	v34, _, _ =	vpop (xrf0);
	(v2sf) =	vpush v33, $0xF  }
0x176: {  	(v2sf) =	vpush v34, $0xF;
	v35, _, _ =	vpop (xrf0)  }
0x177: {  	v36 =	vbroadcast v17, $0xF;
	(v2sf) =	vpush v35, $0xF  }
0x178: {  	s17 =	spop (v2sf)  }
0x179: {  	v6 =	vsub.s32 v17, v6;
	v7 =	vsub.s32 v36, v7;
	s18 =	spop (v2sf)  }
0x17a: {  	[tilespmem:$0x4C00] =	vst v6;
	v6 =	vadd.s32 v19, v7;
	v7 =	vsub.s32 v21, v8;
	s17 =	sadd.s32 s17, s18;
	s31 =	spop (v2sf)  }
0x17b: {  	v62 =	vld [tilespmem:$0x4CF0];
	[tilespmem:$0x4C10] =	vst v6;
	v6 =	vadd.s32 s17, v7;
	s17 =	sadd.s32 s17, s31;
	s19 =	spop (v2sf);
	v7 =	vsub.s32 v23, v9  }
0x17c: {  	[tilespmem:$0x4C20] =	vst v6;
	v6 =	vsub.s32 v25, v10;
	v7 =	vadd.s32 s17, v7;
	s17 =	sadd.s32 s17, s19;
	s20 =	spop (v2sf)  }
0x17d: {  	[tilespmem:$0x4C30] =	vst v7;
	v7 =	vsub.s32 v26, v11;
	v6 =	vadd.s32 s17, v6;
	s17 =	sadd.s32 s17, s20;
	s21 =	spop (v2sf)  }
0x17e: {  	[tilespmem:$0x4C40] =	vst v6;
	v6 =	vsub.s32 v27, v12;
	v7 =	vadd.s32 s17, v7;
	s17 =	sadd.s32 s17, s21;
	s22 =	spop (v2sf)  }
0x17f: {  	[tilespmem:$0x4C50] =	vst v7;
	v7 =	vsub.s32 v28, v13;
	v6 =	vadd.s32 s17, v6;
	s17 =	sadd.s32 s17, s22;
	s23 =	spop (v2sf)  }
0x180: {  	(xrf0) =	vadd.scan.msk.s32 $0xffff, v62;
	[tilespmem:$0x4C60] =	vst v6;
	v6 =	vsub.s32 v29, v14;
	v7 =	vadd.s32 s17, v7;
	s17 =	sadd.s32 s17, s23;
	s24 =	spop (v2sf)  }
0x181: {  	[tilespmem:$0x4C70] =	vst v7;
	v7 =	vsub.s32 v30, v15;
	v6 =	vadd.s32 s17, v6;
	s17 =	sadd.s32 s17, s24;
	s25 =	spop (v2sf)  }
0x182: {  	[tilespmem:$0x4C80] =	vst v6;
	v6 =	vsub.s32 v31, v16;
	v7 =	vadd.s32 s17, v7;
	s17 =	sadd.s32 s17, s25;
	s26 =	spop (v2sf)  }
0x183: {  	[tilespmem:$0x4C90] =	vst v7;
	v7 =	vsub.s32 v32, v18;
	v6 =	vadd.s32 s17, v6;
	s17 =	sadd.s32 s17, s26;
	s28 =	spop (v2sf)  }
0x184: {  	[tilespmem:$0x4CA0] =	vst v6;
	v6 =	vsub.s32 v33, v20;
	v7 =	vadd.s32 s17, v7;
	s17 =	sadd.s32 s17, s28;
	s29 =	spop (v2sf)  }
0x185: {  	[tilespmem:$0x4CB0] =	vst v7;
	v7 =	vsub.s32 v34, v22;
	v6 =	vadd.s32 s17, v6;
	s17 =	sadd.s32 s17, s29;
	s30 =	spop (v2sf)  }
0x186: {  	v63, _, _ =	vpop (xrf0);
	[tilespmem:$0x4CC0] =	vst v6;
	v6 =	vadd.s32 s17, v7;
	s17 =	sadd.s32 s17, s30;
	v7 =	vsub.s32 v35, v24;
	s31 =	spop (v2sf)  }
0x187: {  	[tilespmem:$0x4CD0] =	vst v6;
	v6 =	vadd.s32 s17, v7;
	s17 =	sadd.s32 s17, s31;
	v7 =	vsub.s32 v63, v62  }
0x188: {  	[tilespmem:$0x4CE0] =	vst v6;
	v6 =	vadd.s32 s17, v7  }
0x189: {  	s17 =	simm.s32 $0x0;
	[tilespmem:$0x4CF0] =	vst v6  }
.LBB2_13:
0x18a: {  	s18 =	sshra.s32 s17, $0x2  }
0x18b: {  	v6 =	vld [tilespmem:s18+$0x3C00];
	_ =	sdelay $0x4  }
0x18c: {  	v7 =	vshrl.u32 v6, $0x4  }
0x18d: {  	v7 =	vand.u32 $0xF0, v7  }
0x18e: {  	v7 =	vor.u32 v1, v7;
	_ =	sdelay $0x4  }
0x18f: {  	v8 =	vld.idx.msk [tilespmem:v7+s9+$0x0], $0xffff;
	_ =	sdelay $0x4  }
0x190: {  	v9 =	vshll.u32 v8, $0x4  }
0x191: {  	v8 =	vshra.s32 v8, $0x6;
	v9 =	vand.u32 $0x3F0, v9  }
0x192: {  	v8 =	vadd.s32 v8, v9  }
0x193: {  	v57 =	vld [tilespmem:s18+$0x4400];
	_ =	sdelay $0x2  }
0x194: {  	[tilespmem:v7+s9+$0x0] =	vst.idx.add.s32.msk $0xffff, v4  }
0x195: {  	[tilespmem:v8+s10+$0x0] =	vst.idx.msk $0xffff, v6  }
0x196: {  	[tilespmem:v8+s11+$0x0] =	vst.idx.msk $0xffff, v57  }
0x197: {  	v6 =	vld [tilespmem:s18+$0x3C10];
	_ =	sdelay $0x4  }
0x198: {  	v7 =	vshrl.u32 v6, $0x4  }
0x199: {  	v7 =	vand.u32 $0xF0, v7  }
0x19a: {  	v7 =	vor.u32 v1, v7;
	_ =	sdelay $0x4  }
0x19b: {  	v8 =	vld.idx.msk [tilespmem:v7+s9+$0x0], $0xffff;
	_ =	sdelay $0x4  }
0x19c: {  	v58 =	vshll.u32 v8, $0x4  }
0x19d: {  	v8 =	vshra.s32 v8, $0x6;
	v9 =	vand.u32 $0x3F0, v58  }
0x19e: {  	v8 =	vadd.s32 v8, v9  }
0x19f: {  	v59 =	vld [tilespmem:s18+$0x4410];
	_ =	sdelay $0x2  }
0x1a0: {  	[tilespmem:v7+s9+$0x0] =	vst.idx.add.s32.msk $0xffff, v4  }
0x1a1: {  	[tilespmem:v8+s10+$0x0] =	vst.idx.msk $0xffff, v6  }
0x1a2: {  	[tilespmem:v8+s11+$0x0] =	vst.idx.msk $0xffff, v59  }
0x1a3: {  	v6 =	vld [tilespmem:s18+$0x3C20];
	_ =	sdelay $0x4  }
0x1a4: {  	v7 =	vshrl.u32 v6, $0x4  }
0x1a5: {  	v7 =	vand.u32 $0xF0, v7  }
0x1a6: {  	v7 =	vor.u32 v1, v7;
	_ =	sdelay $0x4  }
0x1a7: {  	v8 =	vld.idx.msk [tilespmem:v7+s9+$0x0], $0xffff;
	_ =	sdelay $0x4  }
0x1a8: {  	v60 =	vshll.u32 v8, $0x4  }
0x1a9: {  	v8 =	vshra.s32 v8, $0x6;
	v9 =	vand.u32 $0x3F0, v60  }
0x1aa: {  	v8 =	vadd.s32 v8, v9  }
0x1ab: {  	v61 =	vld [tilespmem:s18+$0x4420];
	_ =	sdelay $0x2  }
0x1ac: {  	[tilespmem:v7+s9+$0x0] =	vst.idx.add.s32.msk $0xffff, v4  }
0x1ad: {  	[tilespmem:v8+s10+$0x0] =	vst.idx.msk $0xffff, v6  }
0x1ae: {  	[tilespmem:v8+s11+$0x0] =	vst.idx.msk $0xffff, v61  }
0x1af: {  	v6 =	vld [tilespmem:s18+$0x3C30];
	_ =	sdelay $0x4  }
0x1b0: {  	v7 =	vshrl.u32 v6, $0x4  }
0x1b1: {  	v7 =	vand.u32 $0xF0, v7  }
0x1b2: {  	v7 =	vor.u32 v1, v7;
	_ =	sdelay $0x4  }
0x1b3: {  	v8 =	vld.idx.msk [tilespmem:v7+s9+$0x0], $0xffff;
	_ =	sdelay $0x4  }
0x1b4: {  	v62 =	vshll.u32 v8, $0x4  }
0x1b5: {  	v8 =	vshra.s32 v8, $0x6;
	v9 =	vand.u32 $0x3F0, v62  }
0x1b6: {  	v8 =	vadd.s32 v8, v9  }
0x1b7: {  	p0 =	sne.s32 s17, $0xF00;
	v63 =	vld [tilespmem:s18+$0x4430]  }
.Ltmp5:
0x1b8: {  	_ = 	snop;
	(pc) =	sbr.rel @p0 .LBB2_13-.Ltmp5, $4  }
0x1b9: {  	_ = 	snop  }
0x1ba: {  	[tilespmem:v7+s9+$0x0] =	vst.idx.add.s32.msk $0xffff, v4  }
0x1bb: {  	[tilespmem:v8+s10+$0x0] =	vst.idx.msk $0xffff, v6  }
0x1bc: {  	s17 =	sadd.s32 $0x100, s17;
	[tilespmem:v8+s11+$0x0] =	vst.idx.msk $0xffff, v63  }
0x1bd: {  	[tilespmem:$0x4C00] =	vst v0  }
0x1be: {  	[tilespmem:$0x4C10] =	vst v0  }
0x1bf: {  	[tilespmem:$0x4C20] =	vst v0  }
0x1c0: {  	[tilespmem:$0x4C30] =	vst v0  }
0x1c1: {  	[tilespmem:$0x4C40] =	vst v0  }
0x1c2: {  	[tilespmem:$0x4C50] =	vst v0  }
0x1c3: {  	[tilespmem:$0x4C60] =	vst v0  }
0x1c4: {  	[tilespmem:$0x4C70] =	vst v0  }
0x1c5: {  	[tilespmem:$0x4C80] =	vst v0  }
0x1c6: {  	[tilespmem:$0x4C90] =	vst v0  }
0x1c7: {  	[tilespmem:$0x4CA0] =	vst v0  }
0x1c8: {  	[tilespmem:$0x4CB0] =	vst v0  }
0x1c9: {  	[tilespmem:$0x4CC0] =	vst v0  }
0x1ca: {  	[tilespmem:$0x4CD0] =	vst v0  }
0x1cb: {  	[tilespmem:$0x4CE0] =	vst v0  }
0x1cc: {  	[tilespmem:$0x4CF0] =	vst v0;
	s17 =	simm.s32 $0x0  }
.LBB2_15:
0x1cd: {  	s18 =	sshra.s32 s17, $0x2  }
0x1ce: {  	v6 =	vld [tilespmem:s18+$0x4000];
	_ =	sdelay $0x4  }
0x1cf: {  	v6 =	vshrl.u32 v6, $0x8  }
0x1d0: {  	v6 =	vand.u32 $0xF0, v6  }
0x1d1: {  	v6 =	vor.u32 v1, v6;
	_ =	sdelay $0x4  }
0x1d2: {  	[tilespmem:v6+s9+$0x0] =	vst.idx.add.s32.msk $0xffff, v4  }
0x1d3: {  	v6 =	vld [tilespmem:s18+$0x4010];
	_ =	sdelay $0x4  }
0x1d4: {  	v6 =	vshrl.u32 v6, $0x8  }
0x1d5: {  	v6 =	vand.u32 $0xF0, v6  }
0x1d6: {  	v6 =	vor.u32 v1, v6;
	_ =	sdelay $0x4  }
0x1d7: {  	[tilespmem:v6+s9+$0x0] =	vst.idx.add.s32.msk $0xffff, v4  }
0x1d8: {  	v6 =	vld [tilespmem:s18+$0x4020];
	_ =	sdelay $0x4  }
0x1d9: {  	v6 =	vshrl.u32 v6, $0x8  }
0x1da: {  	v6 =	vand.u32 $0xF0, v6  }
0x1db: {  	v6 =	vor.u32 v1, v6;
	_ =	sdelay $0x4  }
0x1dc: {  	[tilespmem:v6+s9+$0x0] =	vst.idx.add.s32.msk $0xffff, v4  }
0x1dd: {  	v6 =	vld [tilespmem:s18+$0x4030];
	_ =	sdelay $0x4  }
0x1de: {  	v6 =	vshrl.u32 v6, $0x8  }
0x1df: {  	v6 =	vand.u32 $0xF0, v6  }
0x1e0: {  	p0 =	sne.s32 s17, $0xF00;
	v6 =	vor.u32 v1, v6  }
.Ltmp6:
0x1e1: {  	_ = 	snop;
	(pc) =	sbr.rel @p0 .LBB2_15-.Ltmp6, $2  }
0x1e2: {  	_ =	sdelay $0x2  }
0x1e3: {  	s17 =	sadd.s32 $0x100, s17;
	[tilespmem:v6+s9+$0x0] =	vst.idx.add.s32.msk $0xffff, v4  }
0x1e4: {  	v6 =	vld [tilespmem:$0x4C00]  }
0x1e5: {  	v7 =	vld [tilespmem:$0x4C10]  }
0x1e6: {  	v8 =	vld [tilespmem:$0x4C20]  }
0x1e7: {  	v9 =	vld [tilespmem:$0x4C30]  }
0x1e8: {  	v10 =	vld [tilespmem:$0x4C40]  }
0x1e9: {  	v11 =	vld [tilespmem:$0x4C50];
	(xrf0) =	vadd.scan.msk.s32 $0xffff, v6  }
0x1ea: {  	v12 =	vld [tilespmem:$0x4C60];
	(xrf0) =	vadd.scan.msk.s32 $0xffff, v7  }
0x1eb: {  	v13 =	vld [tilespmem:$0x4C70];
	(xrf0) =	vadd.scan.msk.s32 $0xffff, v8  }
0x1ec: {  	v14 =	vld [tilespmem:$0x4C80];
	(xrf0) =	vadd.scan.msk.s32 $0xffff, v9  }
0x1ed: {  	v15 =	vld [tilespmem:$0x4C90];
	(xrf0) =	vadd.scan.msk.s32 $0xffff, v10  }
0x1ee: {  	v16 =	vld [tilespmem:$0x4CA0];
	(xrf0) =	vadd.scan.msk.s32 $0xffff, v11  }
0x1ef: {  	v18 =	vld [tilespmem:$0x4CB0];
	v17, _, _ =	vpop (xrf0);
	(xrf0) =	vadd.scan.msk.s32 $0xffff, v12  }
0x1f0: {  	v20 =	vld [tilespmem:$0x4CC0];
	(v2sf) =	vpush v17, $0xF;
	v19, _, _ =	vpop (xrf0);
	(xrf0) =	vadd.scan.msk.s32 $0xffff, v13  }
0x1f1: {  	v22 =	vld [tilespmem:$0x4CD0];
	(v2sf) =	vpush v19, $0xF;
	v21, _, _ =	vpop (xrf0);
	(xrf0) =	vadd.scan.msk.s32 $0xffff, v14  }
0x1f2: {  	v24 =	vld [tilespmem:$0x4CE0];
	(v2sf) =	vpush v21, $0xF;
	v23, _, _ =	vpop (xrf0);
	(xrf0) =	vadd.scan.msk.s32 $0xffff, v15  }
0x1f3: {  	(v2sf) =	vpush v23, $0xF;
	v25, _, _ =	vpop (xrf0);
	(xrf0) =	vadd.scan.msk.s32 $0xffff, v16  }
0x1f4: {  	(v2sf) =	vpush v25, $0xF;
	v26, _, _ =	vpop (xrf0);
	(xrf0) =	vadd.scan.msk.s32 $0xffff, v18  }
0x1f5: {  	(v2sf) =	vpush v26, $0xF;
	v27, _, _ =	vpop (xrf0);
	(xrf0) =	vadd.scan.msk.s32 $0xffff, v20  }
0x1f6: {  	(v2sf) =	vpush v27, $0xF;
	v28, _, _ =	vpop (xrf0);
	(xrf0) =	vadd.scan.msk.s32 $0xffff, v22  }
0x1f7: {  	(v2sf) =	vpush v28, $0xF;
	v29, _, _ =	vpop (xrf0);
	(xrf0) =	vadd.scan.msk.s32 $0xffff, v24  }
0x1f8: {  	v30, _, _ =	vpop (xrf0);
	(v2sf) =	vpush v29, $0xF  }
0x1f9: {  	v31, _, _ =	vpop (xrf0);
	(v2sf) =	vpush v30, $0xF  }
0x1fa: {  	v32, _, _ =	vpop (xrf0);
	(v2sf) =	vpush v31, $0xF  }
0x1fb: {  	v33, _, _ =	vpop (xrf0);
	(v2sf) =	vpush v32, $0xF  }
0x1fc: {  	v34, _, _ =	vpop (xrf0);
	(v2sf) =	vpush v33, $0xF  }
0x1fd: {  	(v2sf) =	vpush v34, $0xF;
	v35, _, _ =	vpop (xrf0)  }
0x1fe: {  	v36 =	vbroadcast v17, $0xF;
	(v2sf) =	vpush v35, $0xF  }
0x1ff: {  	s17 =	spop (v2sf)  }
0x200: {  	v6 =	vsub.s32 v17, v6;
	v7 =	vsub.s32 v36, v7;
	s18 =	spop (v2sf)  }
0x201: {  	[tilespmem:$0x4C00] =	vst v6;
	v6 =	vadd.s32 v19, v7;
	v7 =	vsub.s32 v21, v8;
	s17 =	sadd.s32 s17, s18;
	s31 =	spop (v2sf)  }
0x202: {  	v62 =	vld [tilespmem:$0x4CF0];
	[tilespmem:$0x4C10] =	vst v6;
	v6 =	vadd.s32 s17, v7;
	s17 =	sadd.s32 s17, s31;
	s19 =	spop (v2sf);
	v7 =	vsub.s32 v23, v9  }
0x203: {  	[tilespmem:$0x4C20] =	vst v6;
	v6 =	vsub.s32 v25, v10;
	v7 =	vadd.s32 s17, v7;
	s17 =	sadd.s32 s17, s19;
	s20 =	spop (v2sf)  }
0x204: {  	[tilespmem:$0x4C30] =	vst v7;
	v7 =	vsub.s32 v26, v11;
	v6 =	vadd.s32 s17, v6;
	s17 =	sadd.s32 s17, s20;
	s21 =	spop (v2sf)  }
0x205: {  	[tilespmem:$0x4C40] =	vst v6;
	v6 =	vsub.s32 v27, v12;
	v7 =	vadd.s32 s17, v7;
	s17 =	sadd.s32 s17, s21;
	s22 =	spop (v2sf)  }
0x206: {  	[tilespmem:$0x4C50] =	vst v7;
	v7 =	vsub.s32 v28, v13;
	v6 =	vadd.s32 s17, v6;
	s17 =	sadd.s32 s17, s22;
	s23 =	spop (v2sf)  }
0x207: {  	(xrf0) =	vadd.scan.msk.s32 $0xffff, v62;
	[tilespmem:$0x4C60] =	vst v6;
	v6 =	vsub.s32 v29, v14;
	v7 =	vadd.s32 s17, v7;
	s17 =	sadd.s32 s17, s23;
	s24 =	spop (v2sf)  }
0x208: {  	[tilespmem:$0x4C70] =	vst v7;
	v7 =	vsub.s32 v30, v15;
	v6 =	vadd.s32 s17, v6;
	s17 =	sadd.s32 s17, s24;
	s25 =	spop (v2sf)  }
0x209: {  	[tilespmem:$0x4C80] =	vst v6;
	v6 =	vsub.s32 v31, v16;
	v7 =	vadd.s32 s17, v7;
	s17 =	sadd.s32 s17, s25;
	s26 =	spop (v2sf)  }
0x20a: {  	[tilespmem:$0x4C90] =	vst v7;
	v7 =	vsub.s32 v32, v18;
	v6 =	vadd.s32 s17, v6;
	s17 =	sadd.s32 s17, s26;
	s28 =	spop (v2sf)  }
0x20b: {  	[tilespmem:$0x4CA0] =	vst v6;
	v6 =	vsub.s32 v33, v20;
	v7 =	vadd.s32 s17, v7;
	s17 =	sadd.s32 s17, s28;
	s29 =	spop (v2sf)  }
0x20c: {  	[tilespmem:$0x4CB0] =	vst v7;
	v7 =	vsub.s32 v34, v22;
	v6 =	vadd.s32 s17, v6;
	s17 =	sadd.s32 s17, s29;
	s30 =	spop (v2sf)  }
0x20d: {  	v63, _, _ =	vpop (xrf0);
	[tilespmem:$0x4CC0] =	vst v6;
	v6 =	vadd.s32 s17, v7;
	s17 =	sadd.s32 s17, s30;
	v7 =	vsub.s32 v35, v24;
	s31 =	spop (v2sf)  }
0x20e: {  	[tilespmem:$0x4CD0] =	vst v6;
	v6 =	vadd.s32 s17, v7;
	s17 =	sadd.s32 s17, s31;
	v7 =	vsub.s32 v63, v62  }
0x20f: {  	[tilespmem:$0x4CE0] =	vst v6;
	v6 =	vadd.s32 s17, v7  }
0x210: {  	s17 =	simm.s32 $0x0;
	[tilespmem:$0x4CF0] =	vst v6  }
.LBB2_17:
0x211: {  	s18 =	sshra.s32 s17, $0x2  }
0x212: {  	v6 =	vld [tilespmem:s18+$0x4000];
	_ =	sdelay $0x4  }
0x213: {  	v7 =	vshrl.u32 v6, $0x8  }
0x214: {  	v7 =	vand.u32 $0xF0, v7  }
0x215: {  	v7 =	vor.u32 v1, v7;
	_ =	sdelay $0x4  }
0x216: {  	v8 =	vld.idx.msk [tilespmem:v7+s9+$0x0], $0xffff;
	_ =	sdelay $0x4  }
0x217: {  	v9 =	vshll.u32 v8, $0x4  }
0x218: {  	v8 =	vshra.s32 v8, $0x6;
	v9 =	vand.u32 $0x3F0, v9  }
0x219: {  	v8 =	vadd.s32 v8, v9  }
0x21a: {  	v57 =	vld [tilespmem:s18+$0x4800];
	_ =	sdelay $0x2  }
0x21b: {  	[tilespmem:v7+s9+$0x0] =	vst.idx.add.s32.msk $0xffff, v4  }
0x21c: {  	[tilespmem:v8+s12+$0x0] =	vst.idx.msk $0xffff, v6  }
0x21d: {  	[tilespmem:v8+s13+$0x0] =	vst.idx.msk $0xffff, v57  }
0x21e: {  	v6 =	vld [tilespmem:s18+$0x4010];
	_ =	sdelay $0x4  }
0x21f: {  	v7 =	vshrl.u32 v6, $0x8  }
0x220: {  	v7 =	vand.u32 $0xF0, v7  }
0x221: {  	v7 =	vor.u32 v1, v7;
	_ =	sdelay $0x4  }
0x222: {  	v8 =	vld.idx.msk [tilespmem:v7+s9+$0x0], $0xffff;
	_ =	sdelay $0x4  }
0x223: {  	v58 =	vshll.u32 v8, $0x4  }
0x224: {  	v8 =	vshra.s32 v8, $0x6;
	v9 =	vand.u32 $0x3F0, v58  }
0x225: {  	v8 =	vadd.s32 v8, v9  }
0x226: {  	v59 =	vld [tilespmem:s18+$0x4810];
	_ =	sdelay $0x2  }
0x227: {  	[tilespmem:v7+s9+$0x0] =	vst.idx.add.s32.msk $0xffff, v4  }
0x228: {  	[tilespmem:v8+s12+$0x0] =	vst.idx.msk $0xffff, v6  }
0x229: {  	[tilespmem:v8+s13+$0x0] =	vst.idx.msk $0xffff, v59  }
0x22a: {  	v6 =	vld [tilespmem:s18+$0x4020];
	_ =	sdelay $0x4  }
0x22b: {  	v7 =	vshrl.u32 v6, $0x8  }
0x22c: {  	v7 =	vand.u32 $0xF0, v7  }
0x22d: {  	v7 =	vor.u32 v1, v7;
	_ =	sdelay $0x4  }
0x22e: {  	v8 =	vld.idx.msk [tilespmem:v7+s9+$0x0], $0xffff;
	_ =	sdelay $0x4  }
0x22f: {  	v60 =	vshll.u32 v8, $0x4  }
0x230: {  	v8 =	vshra.s32 v8, $0x6;
	v9 =	vand.u32 $0x3F0, v60  }
0x231: {  	v8 =	vadd.s32 v8, v9  }
0x232: {  	v61 =	vld [tilespmem:s18+$0x4820];
	_ =	sdelay $0x2  }
0x233: {  	[tilespmem:v7+s9+$0x0] =	vst.idx.add.s32.msk $0xffff, v4  }
0x234: {  	[tilespmem:v8+s12+$0x0] =	vst.idx.msk $0xffff, v6  }
0x235: {  	[tilespmem:v8+s13+$0x0] =	vst.idx.msk $0xffff, v61  }
0x236: {  	v6 =	vld [tilespmem:s18+$0x4030];
	_ =	sdelay $0x4  }
0x237: {  	v7 =	vshrl.u32 v6, $0x8  }
0x238: {  	v7 =	vand.u32 $0xF0, v7  }
0x239: {  	v7 =	vor.u32 v1, v7;
	_ =	sdelay $0x4  }
0x23a: {  	v8 =	vld.idx.msk [tilespmem:v7+s9+$0x0], $0xffff;
	_ =	sdelay $0x4  }
0x23b: {  	v62 =	vshll.u32 v8, $0x4  }
0x23c: {  	v8 =	vshra.s32 v8, $0x6;
	v9 =	vand.u32 $0x3F0, v62  }
0x23d: {  	v8 =	vadd.s32 v8, v9  }
0x23e: {  	p0 =	sne.s32 s17, $0xF00;
	v63 =	vld [tilespmem:s18+$0x4830]  }
.Ltmp7:
0x23f: {  	_ = 	snop;
	(pc) =	sbr.rel @p0 .LBB2_17-.Ltmp7, $4  }
0x240: {  	_ = 	snop  }
0x241: {  	[tilespmem:v7+s9+$0x0] =	vst.idx.add.s32.msk $0xffff, v4  }
0x242: {  	[tilespmem:v8+s12+$0x0] =	vst.idx.msk $0xffff, v6  }
0x243: {  	s17 =	sadd.s32 $0x100, s17;
	[tilespmem:v8+s13+$0x0] =	vst.idx.msk $0xffff, v63  }
0x244: {  	[tilespmem:$0x4C00] =	vst v0  }
0x245: {  	[tilespmem:$0x4C10] =	vst v0  }
0x246: {  	[tilespmem:$0x4C20] =	vst v0  }
0x247: {  	[tilespmem:$0x4C30] =	vst v0  }
0x248: {  	[tilespmem:$0x4C40] =	vst v0  }
0x249: {  	[tilespmem:$0x4C50] =	vst v0  }
0x24a: {  	[tilespmem:$0x4C60] =	vst v0  }
0x24b: {  	[tilespmem:$0x4C70] =	vst v0  }
0x24c: {  	[tilespmem:$0x4C80] =	vst v0  }
0x24d: {  	[tilespmem:$0x4C90] =	vst v0  }
0x24e: {  	[tilespmem:$0x4CA0] =	vst v0  }
0x24f: {  	[tilespmem:$0x4CB0] =	vst v0  }
0x250: {  	[tilespmem:$0x4CC0] =	vst v0  }
0x251: {  	[tilespmem:$0x4CD0] =	vst v0  }
0x252: {  	[tilespmem:$0x4CE0] =	vst v0  }
0x253: {  	[tilespmem:$0x4CF0] =	vst v0;
	s17 =	simm.s32 $0x0  }
.LBB2_19:
0x254: {  	s18 =	sshra.s32 s17, $0x2  }
0x255: {  	v6 =	vld [tilespmem:s18+$0x3C00];
	_ =	sdelay $0x4  }
0x256: {  	v6 =	vshrl.u32 v6, $0xC  }
0x257: {  	v6 =	vand.u32 $0xF0, v6  }
0x258: {  	v6 =	vor.u32 v1, v6;
	_ =	sdelay $0x4  }
0x259: {  	[tilespmem:v6+s9+$0x0] =	vst.idx.add.s32.msk $0xffff, v4  }
0x25a: {  	v6 =	vld [tilespmem:s18+$0x3C10];
	_ =	sdelay $0x4  }
0x25b: {  	v6 =	vshrl.u32 v6, $0xC  }
0x25c: {  	v6 =	vand.u32 $0xF0, v6  }
0x25d: {  	v6 =	vor.u32 v1, v6;
	_ =	sdelay $0x4  }
0x25e: {  	[tilespmem:v6+s9+$0x0] =	vst.idx.add.s32.msk $0xffff, v4  }
0x25f: {  	v6 =	vld [tilespmem:s18+$0x3C20];
	_ =	sdelay $0x4  }
0x260: {  	v6 =	vshrl.u32 v6, $0xC  }
0x261: {  	v6 =	vand.u32 $0xF0, v6  }
0x262: {  	v6 =	vor.u32 v1, v6;
	_ =	sdelay $0x4  }
0x263: {  	[tilespmem:v6+s9+$0x0] =	vst.idx.add.s32.msk $0xffff, v4  }
0x264: {  	v6 =	vld [tilespmem:s18+$0x3C30];
	_ =	sdelay $0x4  }
0x265: {  	v6 =	vshrl.u32 v6, $0xC  }
0x266: {  	v6 =	vand.u32 $0xF0, v6  }
0x267: {  	p0 =	sne.s32 s17, $0xF00;
	v6 =	vor.u32 v1, v6  }
.Ltmp8:
0x268: {  	_ = 	snop;
	(pc) =	sbr.rel @p0 .LBB2_19-.Ltmp8, $2  }
0x269: {  	_ =	sdelay $0x2  }
0x26a: {  	s17 =	sadd.s32 $0x100, s17;
	[tilespmem:v6+s9+$0x0] =	vst.idx.add.s32.msk $0xffff, v4  }
0x26b: {  	v6 =	vld [tilespmem:$0x4C00]  }
0x26c: {  	v7 =	vld [tilespmem:$0x4C10]  }
0x26d: {  	v8 =	vld [tilespmem:$0x4C20]  }
0x26e: {  	v9 =	vld [tilespmem:$0x4C30]  }
0x26f: {  	v10 =	vld [tilespmem:$0x4C40]  }
0x270: {  	v11 =	vld [tilespmem:$0x4C50];
	(xrf0) =	vadd.scan.msk.s32 $0xffff, v6  }
0x271: {  	v12 =	vld [tilespmem:$0x4C60];
	(xrf0) =	vadd.scan.msk.s32 $0xffff, v7  }
0x272: {  	v13 =	vld [tilespmem:$0x4C70];
	(xrf0) =	vadd.scan.msk.s32 $0xffff, v8  }
0x273: {  	v14 =	vld [tilespmem:$0x4C80];
	(xrf0) =	vadd.scan.msk.s32 $0xffff, v9  }
0x274: {  	v15 =	vld [tilespmem:$0x4C90];
	(xrf0) =	vadd.scan.msk.s32 $0xffff, v10  }
0x275: {  	v16 =	vld [tilespmem:$0x4CA0];
	(xrf0) =	vadd.scan.msk.s32 $0xffff, v11  }
0x276: {  	v18 =	vld [tilespmem:$0x4CB0];
	v17, _, _ =	vpop (xrf0);
	(xrf0) =	vadd.scan.msk.s32 $0xffff, v12  }
0x277: {  	v20 =	vld [tilespmem:$0x4CC0];
	(v2sf) =	vpush v17, $0xF;
	v19, _, _ =	vpop (xrf0);
	(xrf0) =	vadd.scan.msk.s32 $0xffff, v13  }
0x278: {  	v22 =	vld [tilespmem:$0x4CD0];
	(v2sf) =	vpush v19, $0xF;
	v21, _, _ =	vpop (xrf0);
	(xrf0) =	vadd.scan.msk.s32 $0xffff, v14  }
0x279: {  	v24 =	vld [tilespmem:$0x4CE0];
	(v2sf) =	vpush v21, $0xF;
	v23, _, _ =	vpop (xrf0);
	(xrf0) =	vadd.scan.msk.s32 $0xffff, v15  }
0x27a: {  	(v2sf) =	vpush v23, $0xF;
	v25, _, _ =	vpop (xrf0);
	(xrf0) =	vadd.scan.msk.s32 $0xffff, v16  }
0x27b: {  	(v2sf) =	vpush v25, $0xF;
	v26, _, _ =	vpop (xrf0);
	(xrf0) =	vadd.scan.msk.s32 $0xffff, v18  }
0x27c: {  	(v2sf) =	vpush v26, $0xF;
	v27, _, _ =	vpop (xrf0);
	(xrf0) =	vadd.scan.msk.s32 $0xffff, v20  }
0x27d: {  	(v2sf) =	vpush v27, $0xF;
	v28, _, _ =	vpop (xrf0);
	(xrf0) =	vadd.scan.msk.s32 $0xffff, v22  }
0x27e: {  	(v2sf) =	vpush v28, $0xF;
	v29, _, _ =	vpop (xrf0);
	(xrf0) =	vadd.scan.msk.s32 $0xffff, v24  }
0x27f: {  	v30, _, _ =	vpop (xrf0);
	(v2sf) =	vpush v29, $0xF  }
0x280: {  	v31, _, _ =	vpop (xrf0);
	(v2sf) =	vpush v30, $0xF  }
0x281: {  	v32, _, _ =	vpop (xrf0);
	(v2sf) =	vpush v31, $0xF  }
0x282: {  	v33, _, _ =	vpop (xrf0);
	(v2sf) =	vpush v32, $0xF  }
0x283: {  	v34, _, _ =	vpop (xrf0);
	(v2sf) =	vpush v33, $0xF  }
0x284: {  	(v2sf) =	vpush v34, $0xF;
	v35, _, _ =	vpop (xrf0)  }
0x285: {  	v36 =	vbroadcast v17, $0xF;
	(v2sf) =	vpush v35, $0xF  }
0x286: {  	s17 =	spop (v2sf)  }
0x287: {  	v6 =	vsub.s32 v17, v6;
	v7 =	vsub.s32 v36, v7;
	s18 =	spop (v2sf)  }
0x288: {  	[tilespmem:$0x4C00] =	vst v6;
	v6 =	vadd.s32 v19, v7;
	v7 =	vsub.s32 v21, v8;
	s17 =	sadd.s32 s17, s18;
	s31 =	spop (v2sf)  }
0x289: {  	v62 =	vld [tilespmem:$0x4CF0];
	[tilespmem:$0x4C10] =	vst v6;
	v6 =	vadd.s32 s17, v7;
	s17 =	sadd.s32 s17, s31;
	s19 =	spop (v2sf);
	v7 =	vsub.s32 v23, v9  }
0x28a: {  	[tilespmem:$0x4C20] =	vst v6;
	v6 =	vsub.s32 v25, v10;
	v7 =	vadd.s32 s17, v7;
	s17 =	sadd.s32 s17, s19;
	s20 =	spop (v2sf)  }
0x28b: {  	[tilespmem:$0x4C30] =	vst v7;
	v7 =	vsub.s32 v26, v11;
	v6 =	vadd.s32 s17, v6;
	s17 =	sadd.s32 s17, s20;
	s21 =	spop (v2sf)  }
0x28c: {  	[tilespmem:$0x4C40] =	vst v6;
	v6 =	vsub.s32 v27, v12;
	v7 =	vadd.s32 s17, v7;
	s17 =	sadd.s32 s17, s21;
	s22 =	spop (v2sf)  }
0x28d: {  	[tilespmem:$0x4C50] =	vst v7;
	v7 =	vsub.s32 v28, v13;
	v6 =	vadd.s32 s17, v6;
	s17 =	sadd.s32 s17, s22;
	s23 =	spop (v2sf)  }
0x28e: {  	(xrf0) =	vadd.scan.msk.s32 $0xffff, v62;
	[tilespmem:$0x4C60] =	vst v6;
	v6 =	vsub.s32 v29, v14;
	v7 =	vadd.s32 s17, v7;
	s17 =	sadd.s32 s17, s23;
	s24 =	spop (v2sf)  }
0x28f: {  	[tilespmem:$0x4C70] =	vst v7;
	v7 =	vsub.s32 v30, v15;
	v6 =	vadd.s32 s17, v6;
	s17 =	sadd.s32 s17, s24;
	s25 =	spop (v2sf)  }
0x290: {  	[tilespmem:$0x4C80] =	vst v6;
	v6 =	vsub.s32 v31, v16;
	v7 =	vadd.s32 s17, v7;
	s17 =	sadd.s32 s17, s25;
	s26 =	spop (v2sf)  }
0x291: {  	[tilespmem:$0x4C90] =	vst v7;
	v7 =	vsub.s32 v32, v18;
	v6 =	vadd.s32 s17, v6;
	s17 =	sadd.s32 s17, s26;
	s28 =	spop (v2sf)  }
0x292: {  	[tilespmem:$0x4CA0] =	vst v6;
	v6 =	vsub.s32 v33, v20;
	v7 =	vadd.s32 s17, v7;
	s17 =	sadd.s32 s17, s28;
	s29 =	spop (v2sf)  }
0x293: {  	[tilespmem:$0x4CB0] =	vst v7;
	v7 =	vsub.s32 v34, v22;
	v6 =	vadd.s32 s17, v6;
	s17 =	sadd.s32 s17, s29;
	s30 =	spop (v2sf)  }
0x294: {  	v63, _, _ =	vpop (xrf0);
	[tilespmem:$0x4CC0] =	vst v6;
	v6 =	vadd.s32 s17, v7;
	s17 =	sadd.s32 s17, s30;
	v7 =	vsub.s32 v35, v24;
	s31 =	spop (v2sf)  }
0x295: {  	[tilespmem:$0x4CD0] =	vst v6;
	v6 =	vadd.s32 s17, v7;
	s17 =	sadd.s32 s17, s31;
	v7 =	vsub.s32 v63, v62  }
0x296: {  	[tilespmem:$0x4CE0] =	vst v6;
	v6 =	vadd.s32 s17, v7  }
0x297: {  	s17 =	simm.s32 $0x0;
	[tilespmem:$0x4CF0] =	vst v6  }
.LBB2_21:
0x298: {  	s18 =	sshra.s32 s17, $0x2  }
0x299: {  	v6 =	vld [tilespmem:s18+$0x3C00];
	_ =	sdelay $0x4  }
0x29a: {  	v7 =	vshrl.u32 v6, $0xC  }
0x29b: {  	v7 =	vand.u32 $0xF0, v7  }
0x29c: {  	v7 =	vor.u32 v1, v7;
	_ =	sdelay $0x4  }
0x29d: {  	v8 =	vld.idx.msk [tilespmem:v7+s9+$0x0], $0xffff;
	_ =	sdelay $0x4  }
0x29e: {  	v9 =	vshll.u32 v8, $0x4  }
0x29f: {  	v8 =	vshra.s32 v8, $0x6;
	v9 =	vand.u32 $0x3F0, v9  }
0x2a0: {  	v8 =	vadd.s32 v8, v9  }
0x2a1: {  	v57 =	vld [tilespmem:s18+$0x4400];
	_ =	sdelay $0x2  }
0x2a2: {  	[tilespmem:v7+s9+$0x0] =	vst.idx.add.s32.msk $0xffff, v4  }
0x2a3: {  	[tilespmem:v8+s10+$0x0] =	vst.idx.msk $0xffff, v6  }
0x2a4: {  	[tilespmem:v8+s11+$0x0] =	vst.idx.msk $0xffff, v57  }
0x2a5: {  	v6 =	vld [tilespmem:s18+$0x3C10];
	_ =	sdelay $0x4  }
0x2a6: {  	v7 =	vshrl.u32 v6, $0xC  }
0x2a7: {  	v7 =	vand.u32 $0xF0, v7  }
0x2a8: {  	v7 =	vor.u32 v1, v7;
	_ =	sdelay $0x4  }
0x2a9: {  	v8 =	vld.idx.msk [tilespmem:v7+s9+$0x0], $0xffff;
	_ =	sdelay $0x4  }
0x2aa: {  	v58 =	vshll.u32 v8, $0x4  }
0x2ab: {  	v8 =	vshra.s32 v8, $0x6;
	v9 =	vand.u32 $0x3F0, v58  }
0x2ac: {  	v8 =	vadd.s32 v8, v9  }
0x2ad: {  	v59 =	vld [tilespmem:s18+$0x4410];
	_ =	sdelay $0x2  }
0x2ae: {  	[tilespmem:v7+s9+$0x0] =	vst.idx.add.s32.msk $0xffff, v4  }
0x2af: {  	[tilespmem:v8+s10+$0x0] =	vst.idx.msk $0xffff, v6  }
0x2b0: {  	[tilespmem:v8+s11+$0x0] =	vst.idx.msk $0xffff, v59  }
0x2b1: {  	v6 =	vld [tilespmem:s18+$0x3C20];
	_ =	sdelay $0x4  }
0x2b2: {  	v7 =	vshrl.u32 v6, $0xC  }
0x2b3: {  	v7 =	vand.u32 $0xF0, v7  }
0x2b4: {  	v7 =	vor.u32 v1, v7;
	_ =	sdelay $0x4  }
0x2b5: {  	v8 =	vld.idx.msk [tilespmem:v7+s9+$0x0], $0xffff;
	_ =	sdelay $0x4  }
0x2b6: {  	v60 =	vshll.u32 v8, $0x4  }
0x2b7: {  	v8 =	vshra.s32 v8, $0x6;
	v9 =	vand.u32 $0x3F0, v60  }
0x2b8: {  	v8 =	vadd.s32 v8, v9  }
0x2b9: {  	v61 =	vld [tilespmem:s18+$0x4420];
	_ =	sdelay $0x2  }
0x2ba: {  	[tilespmem:v7+s9+$0x0] =	vst.idx.add.s32.msk $0xffff, v4  }
0x2bb: {  	[tilespmem:v8+s10+$0x0] =	vst.idx.msk $0xffff, v6  }
0x2bc: {  	[tilespmem:v8+s11+$0x0] =	vst.idx.msk $0xffff, v61  }
0x2bd: {  	v6 =	vld [tilespmem:s18+$0x3C30];
	_ =	sdelay $0x4  }
0x2be: {  	v7 =	vshrl.u32 v6, $0xC  }
0x2bf: {  	v7 =	vand.u32 $0xF0, v7  }
0x2c0: {  	v7 =	vor.u32 v1, v7;
	_ =	sdelay $0x4  }
0x2c1: {  	v8 =	vld.idx.msk [tilespmem:v7+s9+$0x0], $0xffff;
	_ =	sdelay $0x4  }
0x2c2: {  	v62 =	vshll.u32 v8, $0x4  }
0x2c3: {  	v8 =	vshra.s32 v8, $0x6;
	v9 =	vand.u32 $0x3F0, v62  }
0x2c4: {  	v8 =	vadd.s32 v8, v9  }
0x2c5: {  	p0 =	sne.s32 s17, $0xF00;
	v63 =	vld [tilespmem:s18+$0x4430]  }
.Ltmp9:
0x2c6: {  	_ = 	snop;
	(pc) =	sbr.rel @p0 .LBB2_21-.Ltmp9, $4  }
0x2c7: {  	_ = 	snop  }
0x2c8: {  	[tilespmem:v7+s9+$0x0] =	vst.idx.add.s32.msk $0xffff, v4  }
0x2c9: {  	[tilespmem:v8+s10+$0x0] =	vst.idx.msk $0xffff, v6  }
0x2ca: {  	s17 =	sadd.s32 $0x100, s17;
	[tilespmem:v8+s11+$0x0] =	vst.idx.msk $0xffff, v63  }
0x2cb: {  	[tilespmem:$0x4C00] =	vst v0  }
0x2cc: {  	[tilespmem:$0x4C10] =	vst v0  }
0x2cd: {  	[tilespmem:$0x4C20] =	vst v0  }
0x2ce: {  	[tilespmem:$0x4C30] =	vst v0  }
0x2cf: {  	[tilespmem:$0x4C40] =	vst v0  }
0x2d0: {  	[tilespmem:$0x4C50] =	vst v0  }
0x2d1: {  	[tilespmem:$0x4C60] =	vst v0  }
0x2d2: {  	[tilespmem:$0x4C70] =	vst v0  }
0x2d3: {  	[tilespmem:$0x4C80] =	vst v0  }
0x2d4: {  	[tilespmem:$0x4C90] =	vst v0  }
0x2d5: {  	[tilespmem:$0x4CA0] =	vst v0  }
0x2d6: {  	[tilespmem:$0x4CB0] =	vst v0  }
0x2d7: {  	[tilespmem:$0x4CC0] =	vst v0  }
0x2d8: {  	[tilespmem:$0x4CD0] =	vst v0  }
0x2d9: {  	[tilespmem:$0x4CE0] =	vst v0  }
0x2da: {  	[tilespmem:$0x4CF0] =	vst v0;
	s17 =	simm.s32 $0x0  }
.LBB2_23:
0x2db: {  	s18 =	sshra.s32 s17, $0x2  }
0x2dc: {  	v6 =	vld [tilespmem:s18+$0x4000];
	_ =	sdelay $0x4  }
0x2dd: {  	v6 =	vshrl.u32 v6, $0x10  }
0x2de: {  	v6 =	vand.u32 $0xF0, v6  }
0x2df: {  	v6 =	vor.u32 v1, v6;
	_ =	sdelay $0x4  }
0x2e0: {  	[tilespmem:v6+s9+$0x0] =	vst.idx.add.s32.msk $0xffff, v4  }
0x2e1: {  	v6 =	vld [tilespmem:s18+$0x4010];
	_ =	sdelay $0x4  }
0x2e2: {  	v6 =	vshrl.u32 v6, $0x10  }
0x2e3: {  	v6 =	vand.u32 $0xF0, v6  }
0x2e4: {  	v6 =	vor.u32 v1, v6;
	_ =	sdelay $0x4  }
0x2e5: {  	[tilespmem:v6+s9+$0x0] =	vst.idx.add.s32.msk $0xffff, v4  }
0x2e6: {  	v6 =	vld [tilespmem:s18+$0x4020];
	_ =	sdelay $0x4  }
0x2e7: {  	v6 =	vshrl.u32 v6, $0x10  }
0x2e8: {  	v6 =	vand.u32 $0xF0, v6  }
0x2e9: {  	v6 =	vor.u32 v1, v6;
	_ =	sdelay $0x4  }
0x2ea: {  	[tilespmem:v6+s9+$0x0] =	vst.idx.add.s32.msk $0xffff, v4  }
0x2eb: {  	v6 =	vld [tilespmem:s18+$0x4030];
	_ =	sdelay $0x4  }
0x2ec: {  	v6 =	vshrl.u32 v6, $0x10  }
0x2ed: {  	v6 =	vand.u32 $0xF0, v6  }
0x2ee: {  	p0 =	sne.s32 s17, $0xF00;
	v6 =	vor.u32 v1, v6  }
.Ltmp10:
0x2ef: {  	_ = 	snop;
	(pc) =	sbr.rel @p0 .LBB2_23-.Ltmp10, $2  }
0x2f0: {  	_ =	sdelay $0x2  }
0x2f1: {  	s17 =	sadd.s32 $0x100, s17;
	[tilespmem:v6+s9+$0x0] =	vst.idx.add.s32.msk $0xffff, v4  }
0x2f2: {  	v6 =	vld [tilespmem:$0x4C00]  }
0x2f3: {  	v7 =	vld [tilespmem:$0x4C10]  }
0x2f4: {  	v8 =	vld [tilespmem:$0x4C20]  }
0x2f5: {  	v9 =	vld [tilespmem:$0x4C30]  }
0x2f6: {  	v10 =	vld [tilespmem:$0x4C40]  }
0x2f7: {  	v11 =	vld [tilespmem:$0x4C50];
	(xrf0) =	vadd.scan.msk.s32 $0xffff, v6  }
0x2f8: {  	v12 =	vld [tilespmem:$0x4C60];
	(xrf0) =	vadd.scan.msk.s32 $0xffff, v7  }
0x2f9: {  	v13 =	vld [tilespmem:$0x4C70];
	(xrf0) =	vadd.scan.msk.s32 $0xffff, v8  }
0x2fa: {  	v14 =	vld [tilespmem:$0x4C80];
	(xrf0) =	vadd.scan.msk.s32 $0xffff, v9  }
0x2fb: {  	v15 =	vld [tilespmem:$0x4C90];
	(xrf0) =	vadd.scan.msk.s32 $0xffff, v10  }
0x2fc: {  	v16 =	vld [tilespmem:$0x4CA0];
	(xrf0) =	vadd.scan.msk.s32 $0xffff, v11  }
0x2fd: {  	v18 =	vld [tilespmem:$0x4CB0];
	v17, _, _ =	vpop (xrf0);
	(xrf0) =	vadd.scan.msk.s32 $0xffff, v12  }
0x2fe: {  	v20 =	vld [tilespmem:$0x4CC0];
	(v2sf) =	vpush v17, $0xF;
	v19, _, _ =	vpop (xrf0);
	(xrf0) =	vadd.scan.msk.s32 $0xffff, v13  }
0x2ff: {  	v22 =	vld [tilespmem:$0x4CD0];
	(v2sf) =	vpush v19, $0xF;
	v21, _, _ =	vpop (xrf0);
	(xrf0) =	vadd.scan.msk.s32 $0xffff, v14  }
0x300: {  	v24 =	vld [tilespmem:$0x4CE0];
	(v2sf) =	vpush v21, $0xF;
	v23, _, _ =	vpop (xrf0);
	(xrf0) =	vadd.scan.msk.s32 $0xffff, v15  }
0x301: {  	(v2sf) =	vpush v23, $0xF;
	v25, _, _ =	vpop (xrf0);
	(xrf0) =	vadd.scan.msk.s32 $0xffff, v16  }
0x302: {  	(v2sf) =	vpush v25, $0xF;
	v26, _, _ =	vpop (xrf0);
	(xrf0) =	vadd.scan.msk.s32 $0xffff, v18  }
0x303: {  	(v2sf) =	vpush v26, $0xF;
	v27, _, _ =	vpop (xrf0);
	(xrf0) =	vadd.scan.msk.s32 $0xffff, v20  }
0x304: {  	(v2sf) =	vpush v27, $0xF;
	v28, _, _ =	vpop (xrf0);
	(xrf0) =	vadd.scan.msk.s32 $0xffff, v22  }
0x305: {  	(v2sf) =	vpush v28, $0xF;
	v29, _, _ =	vpop (xrf0);
	(xrf0) =	vadd.scan.msk.s32 $0xffff, v24  }
0x306: {  	v30, _, _ =	vpop (xrf0);
	(v2sf) =	vpush v29, $0xF  }
0x307: {  	v31, _, _ =	vpop (xrf0);
	(v2sf) =	vpush v30, $0xF  }
0x308: {  	v32, _, _ =	vpop (xrf0);
	(v2sf) =	vpush v31, $0xF  }
0x309: {  	v33, _, _ =	vpop (xrf0);
	(v2sf) =	vpush v32, $0xF  }
0x30a: {  	v34, _, _ =	vpop (xrf0);
	(v2sf) =	vpush v33, $0xF  }
0x30b: {  	(v2sf) =	vpush v34, $0xF;
	v35, _, _ =	vpop (xrf0)  }
0x30c: {  	v36 =	vbroadcast v17, $0xF;
	(v2sf) =	vpush v35, $0xF  }
0x30d: {  	s17 =	spop (v2sf)  }
0x30e: {  	v6 =	vsub.s32 v17, v6;
	v7 =	vsub.s32 v36, v7;
	s18 =	spop (v2sf)  }
0x30f: {  	[tilespmem:$0x4C00] =	vst v6;
	v6 =	vadd.s32 v19, v7;
	v7 =	vsub.s32 v21, v8;
	s17 =	sadd.s32 s17, s18;
	s31 =	spop (v2sf)  }
0x310: {  	v62 =	vld [tilespmem:$0x4CF0];
	[tilespmem:$0x4C10] =	vst v6;
	v6 =	vadd.s32 s17, v7;
	s17 =	sadd.s32 s17, s31;
	s19 =	spop (v2sf);
	v7 =	vsub.s32 v23, v9  }
0x311: {  	[tilespmem:$0x4C20] =	vst v6;
	v6 =	vsub.s32 v25, v10;
	v7 =	vadd.s32 s17, v7;
	s17 =	sadd.s32 s17, s19;
	s20 =	spop (v2sf)  }
0x312: {  	[tilespmem:$0x4C30] =	vst v7;
	v7 =	vsub.s32 v26, v11;
	v6 =	vadd.s32 s17, v6;
	s17 =	sadd.s32 s17, s20;
	s21 =	spop (v2sf)  }
0x313: {  	[tilespmem:$0x4C40] =	vst v6;
	v6 =	vsub.s32 v27, v12;
	v7 =	vadd.s32 s17, v7;
	s17 =	sadd.s32 s17, s21;
	s22 =	spop (v2sf)  }
0x314: {  	[tilespmem:$0x4C50] =	vst v7;
	v7 =	vsub.s32 v28, v13;
	v6 =	vadd.s32 s17, v6;
	s17 =	sadd.s32 s17, s22;
	s23 =	spop (v2sf)  }
0x315: {  	(xrf0) =	vadd.scan.msk.s32 $0xffff, v62;
	[tilespmem:$0x4C60] =	vst v6;
	v6 =	vsub.s32 v29, v14;
	v7 =	vadd.s32 s17, v7;
	s17 =	sadd.s32 s17, s23;
	s24 =	spop (v2sf)  }
0x316: {  	[tilespmem:$0x4C70] =	vst v7;
	v7 =	vsub.s32 v30, v15;
	v6 =	vadd.s32 s17, v6;
	s17 =	sadd.s32 s17, s24;
	s25 =	spop (v2sf)  }
0x317: {  	[tilespmem:$0x4C80] =	vst v6;
	v6 =	vsub.s32 v31, v16;
	v7 =	vadd.s32 s17, v7;
	s17 =	sadd.s32 s17, s25;
	s26 =	spop (v2sf)  }
0x318: {  	[tilespmem:$0x4C90] =	vst v7;
	v7 =	vsub.s32 v32, v18;
	v6 =	vadd.s32 s17, v6;
	s17 =	sadd.s32 s17, s26;
	s28 =	spop (v2sf)  }
0x319: {  	[tilespmem:$0x4CA0] =	vst v6;
	v6 =	vsub.s32 v33, v20;
	v7 =	vadd.s32 s17, v7;
	s17 =	sadd.s32 s17, s28;
	s29 =	spop (v2sf)  }
0x31a: {  	[tilespmem:$0x4CB0] =	vst v7;
	v7 =	vsub.s32 v34, v22;
	v6 =	vadd.s32 s17, v6;
	s17 =	sadd.s32 s17, s29;
	s30 =	spop (v2sf)  }
0x31b: {  	v63, _, _ =	vpop (xrf0);
	[tilespmem:$0x4CC0] =	vst v6;
	v6 =	vadd.s32 s17, v7;
	s17 =	sadd.s32 s17, s30;
	v7 =	vsub.s32 v35, v24;
	s31 =	spop (v2sf)  }
0x31c: {  	[tilespmem:$0x4CD0] =	vst v6;
	v6 =	vadd.s32 s17, v7;
	s17 =	sadd.s32 s17, s31;
	v7 =	vsub.s32 v63, v62  }
0x31d: {  	[tilespmem:$0x4CE0] =	vst v6;
	v6 =	vadd.s32 s17, v7  }
0x31e: {  	s17 =	simm.s32 $0x0;
	[tilespmem:$0x4CF0] =	vst v6  }
.LBB2_25:
0x31f: {  	s18 =	sshra.s32 s17, $0x2  }
0x320: {  	v6 =	vld [tilespmem:s18+$0x4000];
	_ =	sdelay $0x4  }
0x321: {  	v7 =	vshrl.u32 v6, $0x10  }
0x322: {  	v7 =	vand.u32 $0xF0, v7  }
0x323: {  	v7 =	vor.u32 v1, v7;
	_ =	sdelay $0x4  }
0x324: {  	v8 =	vld.idx.msk [tilespmem:v7+s9+$0x0], $0xffff;
	_ =	sdelay $0x4  }
0x325: {  	v9 =	vshll.u32 v8, $0x4  }
0x326: {  	v8 =	vshra.s32 v8, $0x6;
	v9 =	vand.u32 $0x3F0, v9  }
0x327: {  	v8 =	vadd.s32 v8, v9  }
0x328: {  	v57 =	vld [tilespmem:s18+$0x4800];
	_ =	sdelay $0x2  }
0x329: {  	[tilespmem:v7+s9+$0x0] =	vst.idx.add.s32.msk $0xffff, v4  }
0x32a: {  	[tilespmem:v8+s12+$0x0] =	vst.idx.msk $0xffff, v6  }
0x32b: {  	[tilespmem:v8+s13+$0x0] =	vst.idx.msk $0xffff, v57  }
0x32c: {  	v6 =	vld [tilespmem:s18+$0x4010];
	_ =	sdelay $0x4  }
0x32d: {  	v7 =	vshrl.u32 v6, $0x10  }
0x32e: {  	v7 =	vand.u32 $0xF0, v7  }
0x32f: {  	v7 =	vor.u32 v1, v7;
	_ =	sdelay $0x4  }
0x330: {  	v8 =	vld.idx.msk [tilespmem:v7+s9+$0x0], $0xffff;
	_ =	sdelay $0x4  }
0x331: {  	v58 =	vshll.u32 v8, $0x4  }
0x332: {  	v8 =	vshra.s32 v8, $0x6;
	v9 =	vand.u32 $0x3F0, v58  }
0x333: {  	v8 =	vadd.s32 v8, v9  }
0x334: {  	v59 =	vld [tilespmem:s18+$0x4810];
	_ =	sdelay $0x2  }
0x335: {  	[tilespmem:v7+s9+$0x0] =	vst.idx.add.s32.msk $0xffff, v4  }
0x336: {  	[tilespmem:v8+s12+$0x0] =	vst.idx.msk $0xffff, v6  }
0x337: {  	[tilespmem:v8+s13+$0x0] =	vst.idx.msk $0xffff, v59  }
0x338: {  	v6 =	vld [tilespmem:s18+$0x4020];
	_ =	sdelay $0x4  }
0x339: {  	v7 =	vshrl.u32 v6, $0x10  }
0x33a: {  	v7 =	vand.u32 $0xF0, v7  }
0x33b: {  	v7 =	vor.u32 v1, v7;
	_ =	sdelay $0x4  }
0x33c: {  	v8 =	vld.idx.msk [tilespmem:v7+s9+$0x0], $0xffff;
	_ =	sdelay $0x4  }
0x33d: {  	v60 =	vshll.u32 v8, $0x4  }
0x33e: {  	v8 =	vshra.s32 v8, $0x6;
	v9 =	vand.u32 $0x3F0, v60  }
0x33f: {  	v8 =	vadd.s32 v8, v9  }
0x340: {  	v61 =	vld [tilespmem:s18+$0x4820];
	_ =	sdelay $0x2  }
0x341: {  	[tilespmem:v7+s9+$0x0] =	vst.idx.add.s32.msk $0xffff, v4  }
0x342: {  	[tilespmem:v8+s12+$0x0] =	vst.idx.msk $0xffff, v6  }
0x343: {  	[tilespmem:v8+s13+$0x0] =	vst.idx.msk $0xffff, v61  }
0x344: {  	v6 =	vld [tilespmem:s18+$0x4030];
	_ =	sdelay $0x4  }
0x345: {  	v7 =	vshrl.u32 v6, $0x10  }
0x346: {  	v7 =	vand.u32 $0xF0, v7  }
0x347: {  	v7 =	vor.u32 v1, v7;
	_ =	sdelay $0x4  }
0x348: {  	v8 =	vld.idx.msk [tilespmem:v7+s9+$0x0], $0xffff;
	_ =	sdelay $0x4  }
0x349: {  	v62 =	vshll.u32 v8, $0x4  }
0x34a: {  	v8 =	vshra.s32 v8, $0x6;
	v9 =	vand.u32 $0x3F0, v62  }
0x34b: {  	v8 =	vadd.s32 v8, v9  }
0x34c: {  	p0 =	sne.s32 s17, $0xF00;
	v63 =	vld [tilespmem:s18+$0x4830]  }
.Ltmp11:
0x34d: {  	_ = 	snop;
	(pc) =	sbr.rel @p0 .LBB2_25-.Ltmp11, $4  }
0x34e: {  	_ = 	snop  }
0x34f: {  	[tilespmem:v7+s9+$0x0] =	vst.idx.add.s32.msk $0xffff, v4  }
0x350: {  	[tilespmem:v8+s12+$0x0] =	vst.idx.msk $0xffff, v6  }
0x351: {  	s17 =	sadd.s32 $0x100, s17;
	[tilespmem:v8+s13+$0x0] =	vst.idx.msk $0xffff, v63  }
0x352: {  	[tilespmem:$0x4C00] =	vst v0  }
0x353: {  	[tilespmem:$0x4C10] =	vst v0  }
0x354: {  	[tilespmem:$0x4C20] =	vst v0  }
0x355: {  	[tilespmem:$0x4C30] =	vst v0  }
0x356: {  	[tilespmem:$0x4C40] =	vst v0  }
0x357: {  	[tilespmem:$0x4C50] =	vst v0  }
0x358: {  	[tilespmem:$0x4C60] =	vst v0  }
0x359: {  	[tilespmem:$0x4C70] =	vst v0  }
0x35a: {  	[tilespmem:$0x4C80] =	vst v0  }
0x35b: {  	[tilespmem:$0x4C90] =	vst v0  }
0x35c: {  	[tilespmem:$0x4CA0] =	vst v0  }
0x35d: {  	[tilespmem:$0x4CB0] =	vst v0  }
0x35e: {  	[tilespmem:$0x4CC0] =	vst v0  }
0x35f: {  	[tilespmem:$0x4CD0] =	vst v0  }
0x360: {  	[tilespmem:$0x4CE0] =	vst v0  }
0x361: {  	[tilespmem:$0x4CF0] =	vst v0;
	s17 =	simm.s32 $0x0  }
.LBB2_27:
0x362: {  	s18 =	sshra.s32 s17, $0x2  }
0x363: {  	v6 =	vld [tilespmem:s18+$0x3C00];
	_ =	sdelay $0x4  }
0x364: {  	v6 =	vshrl.u32 v6, $0x14  }
0x365: {  	v6 =	vand.u32 $0xF0, v6  }
0x366: {  	v6 =	vor.u32 v1, v6;
	_ =	sdelay $0x4  }
0x367: {  	[tilespmem:v6+s9+$0x0] =	vst.idx.add.s32.msk $0xffff, v4  }
0x368: {  	v6 =	vld [tilespmem:s18+$0x3C10];
	_ =	sdelay $0x4  }
0x369: {  	v6 =	vshrl.u32 v6, $0x14  }
0x36a: {  	v6 =	vand.u32 $0xF0, v6  }
0x36b: {  	v6 =	vor.u32 v1, v6;
	_ =	sdelay $0x4  }
0x36c: {  	[tilespmem:v6+s9+$0x0] =	vst.idx.add.s32.msk $0xffff, v4  }
0x36d: {  	v6 =	vld [tilespmem:s18+$0x3C20];
	_ =	sdelay $0x4  }
0x36e: {  	v6 =	vshrl.u32 v6, $0x14  }
0x36f: {  	v6 =	vand.u32 $0xF0, v6  }
0x370: {  	v6 =	vor.u32 v1, v6;
	_ =	sdelay $0x4  }
0x371: {  	[tilespmem:v6+s9+$0x0] =	vst.idx.add.s32.msk $0xffff, v4  }
0x372: {  	v6 =	vld [tilespmem:s18+$0x3C30];
	_ =	sdelay $0x4  }
0x373: {  	v6 =	vshrl.u32 v6, $0x14  }
0x374: {  	v6 =	vand.u32 $0xF0, v6  }
0x375: {  	p0 =	sne.s32 s17, $0xF00;
	v6 =	vor.u32 v1, v6  }
.Ltmp12:
0x376: {  	_ = 	snop;
	(pc) =	sbr.rel @p0 .LBB2_27-.Ltmp12, $2  }
0x377: {  	_ =	sdelay $0x2  }
0x378: {  	s17 =	sadd.s32 $0x100, s17;
	[tilespmem:v6+s9+$0x0] =	vst.idx.add.s32.msk $0xffff, v4  }
0x379: {  	v6 =	vld [tilespmem:$0x4C00]  }
0x37a: {  	v7 =	vld [tilespmem:$0x4C10]  }
0x37b: {  	v8 =	vld [tilespmem:$0x4C20]  }
0x37c: {  	v9 =	vld [tilespmem:$0x4C30]  }
0x37d: {  	v10 =	vld [tilespmem:$0x4C40]  }
0x37e: {  	v11 =	vld [tilespmem:$0x4C50];
	(xrf0) =	vadd.scan.msk.s32 $0xffff, v6  }
0x37f: {  	v12 =	vld [tilespmem:$0x4C60];
	(xrf0) =	vadd.scan.msk.s32 $0xffff, v7  }
0x380: {  	v13 =	vld [tilespmem:$0x4C70];
	(xrf0) =	vadd.scan.msk.s32 $0xffff, v8  }
0x381: {  	v14 =	vld [tilespmem:$0x4C80];
	(xrf0) =	vadd.scan.msk.s32 $0xffff, v9  }
0x382: {  	v15 =	vld [tilespmem:$0x4C90];
	(xrf0) =	vadd.scan.msk.s32 $0xffff, v10  }
0x383: {  	v16 =	vld [tilespmem:$0x4CA0];
	(xrf0) =	vadd.scan.msk.s32 $0xffff, v11  }
0x384: {  	v18 =	vld [tilespmem:$0x4CB0];
	v17, _, _ =	vpop (xrf0);
	(xrf0) =	vadd.scan.msk.s32 $0xffff, v12  }
0x385: {  	v20 =	vld [tilespmem:$0x4CC0];
	(v2sf) =	vpush v17, $0xF;
	v19, _, _ =	vpop (xrf0);
	(xrf0) =	vadd.scan.msk.s32 $0xffff, v13  }
0x386: {  	v22 =	vld [tilespmem:$0x4CD0];
	(v2sf) =	vpush v19, $0xF;
	v21, _, _ =	vpop (xrf0);
	(xrf0) =	vadd.scan.msk.s32 $0xffff, v14  }
0x387: {  	v24 =	vld [tilespmem:$0x4CE0];
	(v2sf) =	vpush v21, $0xF;
	v23, _, _ =	vpop (xrf0);
	(xrf0) =	vadd.scan.msk.s32 $0xffff, v15  }
0x388: {  	(v2sf) =	vpush v23, $0xF;
	v25, _, _ =	vpop (xrf0);
	(xrf0) =	vadd.scan.msk.s32 $0xffff, v16  }
0x389: {  	(v2sf) =	vpush v25, $0xF;
	v26, _, _ =	vpop (xrf0);
	(xrf0) =	vadd.scan.msk.s32 $0xffff, v18  }
0x38a: {  	(v2sf) =	vpush v26, $0xF;
	v27, _, _ =	vpop (xrf0);
	(xrf0) =	vadd.scan.msk.s32 $0xffff, v20  }
0x38b: {  	(v2sf) =	vpush v27, $0xF;
	v28, _, _ =	vpop (xrf0);
	(xrf0) =	vadd.scan.msk.s32 $0xffff, v22  }
0x38c: {  	(v2sf) =	vpush v28, $0xF;
	v29, _, _ =	vpop (xrf0);
	(xrf0) =	vadd.scan.msk.s32 $0xffff, v24  }
0x38d: {  	v30, _, _ =	vpop (xrf0);
	(v2sf) =	vpush v29, $0xF  }
0x38e: {  	v31, _, _ =	vpop (xrf0);
	(v2sf) =	vpush v30, $0xF  }
0x38f: {  	v32, _, _ =	vpop (xrf0);
	(v2sf) =	vpush v31, $0xF  }
0x390: {  	v33, _, _ =	vpop (xrf0);
	(v2sf) =	vpush v32, $0xF  }
0x391: {  	v34, _, _ =	vpop (xrf0);
	(v2sf) =	vpush v33, $0xF  }
0x392: {  	(v2sf) =	vpush v34, $0xF;
	v35, _, _ =	vpop (xrf0)  }
0x393: {  	v36 =	vbroadcast v17, $0xF;
	(v2sf) =	vpush v35, $0xF  }
0x394: {  	s17 =	spop (v2sf)  }
0x395: {  	v6 =	vsub.s32 v17, v6;
	v7 =	vsub.s32 v36, v7;
	s18 =	spop (v2sf)  }
0x396: {  	[tilespmem:$0x4C00] =	vst v6;
	v6 =	vadd.s32 v19, v7;
	v7 =	vsub.s32 v21, v8;
	s17 =	sadd.s32 s17, s18;
	s31 =	spop (v2sf)  }
0x397: {  	v62 =	vld [tilespmem:$0x4CF0];
	[tilespmem:$0x4C10] =	vst v6;
	v6 =	vadd.s32 s17, v7;
	s17 =	sadd.s32 s17, s31;
	s19 =	spop (v2sf);
	v7 =	vsub.s32 v23, v9  }
0x398: {  	[tilespmem:$0x4C20] =	vst v6;
	v6 =	vsub.s32 v25, v10;
	v7 =	vadd.s32 s17, v7;
	s17 =	sadd.s32 s17, s19;
	s20 =	spop (v2sf)  }
0x399: {  	[tilespmem:$0x4C30] =	vst v7;
	v7 =	vsub.s32 v26, v11;
	v6 =	vadd.s32 s17, v6;
	s17 =	sadd.s32 s17, s20;
	s21 =	spop (v2sf)  }
0x39a: {  	[tilespmem:$0x4C40] =	vst v6;
	v6 =	vsub.s32 v27, v12;
	v7 =	vadd.s32 s17, v7;
	s17 =	sadd.s32 s17, s21;
	s22 =	spop (v2sf)  }
0x39b: {  	[tilespmem:$0x4C50] =	vst v7;
	v7 =	vsub.s32 v28, v13;
	v6 =	vadd.s32 s17, v6;
	s17 =	sadd.s32 s17, s22;
	s23 =	spop (v2sf)  }
0x39c: {  	(xrf0) =	vadd.scan.msk.s32 $0xffff, v62;
	[tilespmem:$0x4C60] =	vst v6;
	v6 =	vsub.s32 v29, v14;
	v7 =	vadd.s32 s17, v7;
	s17 =	sadd.s32 s17, s23;
	s24 =	spop (v2sf)  }
0x39d: {  	[tilespmem:$0x4C70] =	vst v7;
	v7 =	vsub.s32 v30, v15;
	v6 =	vadd.s32 s17, v6;
	s17 =	sadd.s32 s17, s24;
	s25 =	spop (v2sf)  }
0x39e: {  	[tilespmem:$0x4C80] =	vst v6;
	v6 =	vsub.s32 v31, v16;
	v7 =	vadd.s32 s17, v7;
	s17 =	sadd.s32 s17, s25;
	s26 =	spop (v2sf)  }
0x39f: {  	[tilespmem:$0x4C90] =	vst v7;
	v7 =	vsub.s32 v32, v18;
	v6 =	vadd.s32 s17, v6;
	s17 =	sadd.s32 s17, s26;
	s28 =	spop (v2sf)  }
0x3a0: {  	[tilespmem:$0x4CA0] =	vst v6;
	v6 =	vsub.s32 v33, v20;
	v7 =	vadd.s32 s17, v7;
	s17 =	sadd.s32 s17, s28;
	s29 =	spop (v2sf)  }
0x3a1: {  	[tilespmem:$0x4CB0] =	vst v7;
	v7 =	vsub.s32 v34, v22;
	v6 =	vadd.s32 s17, v6;
	s17 =	sadd.s32 s17, s29;
	s30 =	spop (v2sf)  }
0x3a2: {  	v63, _, _ =	vpop (xrf0);
	[tilespmem:$0x4CC0] =	vst v6;
	v6 =	vadd.s32 s17, v7;
	s17 =	sadd.s32 s17, s30;
	v7 =	vsub.s32 v35, v24;
	s31 =	spop (v2sf)  }
0x3a3: {  	[tilespmem:$0x4CD0] =	vst v6;
	v6 =	vadd.s32 s17, v7;
	s17 =	sadd.s32 s17, s31;
	v7 =	vsub.s32 v63, v62  }
0x3a4: {  	[tilespmem:$0x4CE0] =	vst v6;
	v6 =	vadd.s32 s17, v7  }
0x3a5: {  	s17 =	simm.s32 $0x0;
	[tilespmem:$0x4CF0] =	vst v6  }
.LBB2_29:
0x3a6: {  	s18 =	sshra.s32 s17, $0x2  }
0x3a7: {  	v6 =	vld [tilespmem:s18+$0x3C00];
	_ =	sdelay $0x4  }
0x3a8: {  	v7 =	vshrl.u32 v6, $0x14  }
0x3a9: {  	v7 =	vand.u32 $0xF0, v7  }
0x3aa: {  	v7 =	vor.u32 v1, v7;
	_ =	sdelay $0x4  }
0x3ab: {  	v8 =	vld.idx.msk [tilespmem:v7+s9+$0x0], $0xffff;
	_ =	sdelay $0x4  }
0x3ac: {  	v9 =	vshll.u32 v8, $0x4  }
0x3ad: {  	v8 =	vshra.s32 v8, $0x6;
	v9 =	vand.u32 $0x3F0, v9  }
0x3ae: {  	v8 =	vadd.s32 v8, v9  }
0x3af: {  	v57 =	vld [tilespmem:s18+$0x4400];
	_ =	sdelay $0x2  }
0x3b0: {  	[tilespmem:v7+s9+$0x0] =	vst.idx.add.s32.msk $0xffff, v4  }
0x3b1: {  	[tilespmem:v8+s10+$0x0] =	vst.idx.msk $0xffff, v6  }
0x3b2: {  	[tilespmem:v8+s11+$0x0] =	vst.idx.msk $0xffff, v57  }
0x3b3: {  	v6 =	vld [tilespmem:s18+$0x3C10];
	_ =	sdelay $0x4  }
0x3b4: {  	v7 =	vshrl.u32 v6, $0x14  }
0x3b5: {  	v7 =	vand.u32 $0xF0, v7  }
0x3b6: {  	v7 =	vor.u32 v1, v7;
	_ =	sdelay $0x4  }
0x3b7: {  	v8 =	vld.idx.msk [tilespmem:v7+s9+$0x0], $0xffff;
	_ =	sdelay $0x4  }
0x3b8: {  	v58 =	vshll.u32 v8, $0x4  }
0x3b9: {  	v8 =	vshra.s32 v8, $0x6;
	v9 =	vand.u32 $0x3F0, v58  }
0x3ba: {  	v8 =	vadd.s32 v8, v9  }
0x3bb: {  	v59 =	vld [tilespmem:s18+$0x4410];
	_ =	sdelay $0x2  }
0x3bc: {  	[tilespmem:v7+s9+$0x0] =	vst.idx.add.s32.msk $0xffff, v4  }
0x3bd: {  	[tilespmem:v8+s10+$0x0] =	vst.idx.msk $0xffff, v6  }
0x3be: {  	[tilespmem:v8+s11+$0x0] =	vst.idx.msk $0xffff, v59  }
0x3bf: {  	v6 =	vld [tilespmem:s18+$0x3C20];
	_ =	sdelay $0x4  }
0x3c0: {  	v7 =	vshrl.u32 v6, $0x14  }
0x3c1: {  	v7 =	vand.u32 $0xF0, v7  }
0x3c2: {  	v7 =	vor.u32 v1, v7;
	_ =	sdelay $0x4  }
0x3c3: {  	v8 =	vld.idx.msk [tilespmem:v7+s9+$0x0], $0xffff;
	_ =	sdelay $0x4  }
0x3c4: {  	v60 =	vshll.u32 v8, $0x4  }
0x3c5: {  	v8 =	vshra.s32 v8, $0x6;
	v9 =	vand.u32 $0x3F0, v60  }
0x3c6: {  	v8 =	vadd.s32 v8, v9  }
0x3c7: {  	v61 =	vld [tilespmem:s18+$0x4420];
	_ =	sdelay $0x2  }
0x3c8: {  	[tilespmem:v7+s9+$0x0] =	vst.idx.add.s32.msk $0xffff, v4  }
0x3c9: {  	[tilespmem:v8+s10+$0x0] =	vst.idx.msk $0xffff, v6  }
0x3ca: {  	[tilespmem:v8+s11+$0x0] =	vst.idx.msk $0xffff, v61  }
0x3cb: {  	v6 =	vld [tilespmem:s18+$0x3C30];
	_ =	sdelay $0x4  }
0x3cc: {  	v7 =	vshrl.u32 v6, $0x14  }
0x3cd: {  	v7 =	vand.u32 $0xF0, v7  }
0x3ce: {  	v7 =	vor.u32 v1, v7;
	_ =	sdelay $0x4  }
0x3cf: {  	v8 =	vld.idx.msk [tilespmem:v7+s9+$0x0], $0xffff;
	_ =	sdelay $0x4  }
0x3d0: {  	v62 =	vshll.u32 v8, $0x4  }
0x3d1: {  	v8 =	vshra.s32 v8, $0x6;
	v9 =	vand.u32 $0x3F0, v62  }
0x3d2: {  	v8 =	vadd.s32 v8, v9  }
0x3d3: {  	p0 =	sne.s32 s17, $0xF00;
	v63 =	vld [tilespmem:s18+$0x4430]  }
.Ltmp13:
0x3d4: {  	_ = 	snop;
	(pc) =	sbr.rel @p0 .LBB2_29-.Ltmp13, $4  }
0x3d5: {  	_ = 	snop  }
0x3d6: {  	[tilespmem:v7+s9+$0x0] =	vst.idx.add.s32.msk $0xffff, v4  }
0x3d7: {  	[tilespmem:v8+s10+$0x0] =	vst.idx.msk $0xffff, v6  }
0x3d8: {  	s17 =	sadd.s32 $0x100, s17;
	[tilespmem:v8+s11+$0x0] =	vst.idx.msk $0xffff, v63  }
0x3d9: {  	[tilespmem:$0x4C00] =	vst v0  }
0x3da: {  	[tilespmem:$0x4C10] =	vst v0  }
0x3db: {  	[tilespmem:$0x4C20] =	vst v0  }
0x3dc: {  	[tilespmem:$0x4C30] =	vst v0  }
0x3dd: {  	[tilespmem:$0x4C40] =	vst v0  }
0x3de: {  	[tilespmem:$0x4C50] =	vst v0  }
0x3df: {  	[tilespmem:$0x4C60] =	vst v0  }
0x3e0: {  	[tilespmem:$0x4C70] =	vst v0  }
0x3e1: {  	[tilespmem:$0x4C80] =	vst v0  }
0x3e2: {  	[tilespmem:$0x4C90] =	vst v0  }
0x3e3: {  	[tilespmem:$0x4CA0] =	vst v0  }
0x3e4: {  	[tilespmem:$0x4CB0] =	vst v0  }
0x3e5: {  	[tilespmem:$0x4CC0] =	vst v0  }
0x3e6: {  	[tilespmem:$0x4CD0] =	vst v0  }
0x3e7: {  	[tilespmem:$0x4CE0] =	vst v0  }
0x3e8: {  	[tilespmem:$0x4CF0] =	vst v0;
	s17 =	simm.s32 $0x0  }
.LBB2_31:
0x3e9: {  	s18 =	sshra.s32 s17, $0x2  }
0x3ea: {  	v6 =	vld [tilespmem:s18+$0x4000];
	_ =	sdelay $0x4  }
0x3eb: {  	v6 =	vshrl.u32 v6, $0x18  }
0x3ec: {  	v6 =	vand.u32 $0xF0, v6  }
0x3ed: {  	v6 =	vor.u32 v1, v6;
	_ =	sdelay $0x4  }
0x3ee: {  	[tilespmem:v6+s9+$0x0] =	vst.idx.add.s32.msk $0xffff, v4  }
0x3ef: {  	v6 =	vld [tilespmem:s18+$0x4010];
	_ =	sdelay $0x4  }
0x3f0: {  	v6 =	vshrl.u32 v6, $0x18  }
0x3f1: {  	v6 =	vand.u32 $0xF0, v6  }
0x3f2: {  	v6 =	vor.u32 v1, v6;
	_ =	sdelay $0x4  }
0x3f3: {  	[tilespmem:v6+s9+$0x0] =	vst.idx.add.s32.msk $0xffff, v4  }
0x3f4: {  	v6 =	vld [tilespmem:s18+$0x4020];
	_ =	sdelay $0x4  }
0x3f5: {  	v6 =	vshrl.u32 v6, $0x18  }
0x3f6: {  	v6 =	vand.u32 $0xF0, v6  }
0x3f7: {  	v6 =	vor.u32 v1, v6;
	_ =	sdelay $0x4  }
0x3f8: {  	[tilespmem:v6+s9+$0x0] =	vst.idx.add.s32.msk $0xffff, v4  }
0x3f9: {  	v6 =	vld [tilespmem:s18+$0x4030];
	_ =	sdelay $0x4  }
0x3fa: {  	v6 =	vshrl.u32 v6, $0x18  }
0x3fb: {  	v6 =	vand.u32 $0xF0, v6  }
0x3fc: {  	p0 =	sne.s32 s17, $0xF00;
	v6 =	vor.u32 v1, v6  }
.Ltmp14:
0x3fd: {  	_ = 	snop;
	(pc) =	sbr.rel @p0 .LBB2_31-.Ltmp14, $2  }
0x3fe: {  	_ =	sdelay $0x2  }
0x3ff: {  	s17 =	sadd.s32 $0x100, s17;
	[tilespmem:v6+s9+$0x0] =	vst.idx.add.s32.msk $0xffff, v4  }
0x400: {  	v6 =	vld [tilespmem:$0x4C00]  }
0x401: {  	v7 =	vld [tilespmem:$0x4C10]  }
0x402: {  	v8 =	vld [tilespmem:$0x4C20]  }
0x403: {  	v9 =	vld [tilespmem:$0x4C30]  }
0x404: {  	v10 =	vld [tilespmem:$0x4C40]  }
0x405: {  	v11 =	vld [tilespmem:$0x4C50];
	(xrf0) =	vadd.scan.msk.s32 $0xffff, v6  }
0x406: {  	v12 =	vld [tilespmem:$0x4C60];
	(xrf0) =	vadd.scan.msk.s32 $0xffff, v7  }
0x407: {  	v13 =	vld [tilespmem:$0x4C70];
	(xrf0) =	vadd.scan.msk.s32 $0xffff, v8  }
0x408: {  	v14 =	vld [tilespmem:$0x4C80];
	(xrf0) =	vadd.scan.msk.s32 $0xffff, v9  }
0x409: {  	v15 =	vld [tilespmem:$0x4C90];
	(xrf0) =	vadd.scan.msk.s32 $0xffff, v10  }
0x40a: {  	v16 =	vld [tilespmem:$0x4CA0];
	(xrf0) =	vadd.scan.msk.s32 $0xffff, v11  }
0x40b: {  	v18 =	vld [tilespmem:$0x4CB0];
	v17, _, _ =	vpop (xrf0);
	(xrf0) =	vadd.scan.msk.s32 $0xffff, v12  }
0x40c: {  	v20 =	vld [tilespmem:$0x4CC0];
	(v2sf) =	vpush v17, $0xF;
	v19, _, _ =	vpop (xrf0);
	(xrf0) =	vadd.scan.msk.s32 $0xffff, v13  }
0x40d: {  	v22 =	vld [tilespmem:$0x4CD0];
	(v2sf) =	vpush v19, $0xF;
	v21, _, _ =	vpop (xrf0);
	(xrf0) =	vadd.scan.msk.s32 $0xffff, v14  }
0x40e: {  	v24 =	vld [tilespmem:$0x4CE0];
	(v2sf) =	vpush v21, $0xF;
	v23, _, _ =	vpop (xrf0);
	(xrf0) =	vadd.scan.msk.s32 $0xffff, v15  }
0x40f: {  	(v2sf) =	vpush v23, $0xF;
	v25, _, _ =	vpop (xrf0);
	(xrf0) =	vadd.scan.msk.s32 $0xffff, v16  }
0x410: {  	(v2sf) =	vpush v25, $0xF;
	v26, _, _ =	vpop (xrf0);
	(xrf0) =	vadd.scan.msk.s32 $0xffff, v18  }
0x411: {  	(v2sf) =	vpush v26, $0xF;
	v27, _, _ =	vpop (xrf0);
	(xrf0) =	vadd.scan.msk.s32 $0xffff, v20  }
0x412: {  	(v2sf) =	vpush v27, $0xF;
	v28, _, _ =	vpop (xrf0);
	(xrf0) =	vadd.scan.msk.s32 $0xffff, v22  }
0x413: {  	(v2sf) =	vpush v28, $0xF;
	v29, _, _ =	vpop (xrf0);
	(xrf0) =	vadd.scan.msk.s32 $0xffff, v24  }
0x414: {  	v30, _, _ =	vpop (xrf0);
	(v2sf) =	vpush v29, $0xF  }
0x415: {  	v31, _, _ =	vpop (xrf0);
	(v2sf) =	vpush v30, $0xF  }
0x416: {  	v32, _, _ =	vpop (xrf0);
	(v2sf) =	vpush v31, $0xF  }
0x417: {  	v33, _, _ =	vpop (xrf0);
	(v2sf) =	vpush v32, $0xF  }
0x418: {  	v34, _, _ =	vpop (xrf0);
	(v2sf) =	vpush v33, $0xF  }
0x419: {  	(v2sf) =	vpush v34, $0xF;
	v35, _, _ =	vpop (xrf0)  }
0x41a: {  	v36 =	vbroadcast v17, $0xF;
	(v2sf) =	vpush v35, $0xF  }
0x41b: {  	s17 =	spop (v2sf)  }
0x41c: {  	v6 =	vsub.s32 v17, v6;
	v7 =	vsub.s32 v36, v7;
	s18 =	spop (v2sf)  }
0x41d: {  	[tilespmem:$0x4C00] =	vst v6;
	v6 =	vadd.s32 v19, v7;
	v7 =	vsub.s32 v21, v8;
	s17 =	sadd.s32 s17, s18;
	s31 =	spop (v2sf)  }
0x41e: {  	v62 =	vld [tilespmem:$0x4CF0];
	[tilespmem:$0x4C10] =	vst v6;
	v6 =	vadd.s32 s17, v7;
	s17 =	sadd.s32 s17, s31;
	s19 =	spop (v2sf);
	v7 =	vsub.s32 v23, v9  }
0x41f: {  	[tilespmem:$0x4C20] =	vst v6;
	v6 =	vsub.s32 v25, v10;
	v7 =	vadd.s32 s17, v7;
	s17 =	sadd.s32 s17, s19;
	s20 =	spop (v2sf)  }
0x420: {  	[tilespmem:$0x4C30] =	vst v7;
	v7 =	vsub.s32 v26, v11;
	v6 =	vadd.s32 s17, v6;
	s17 =	sadd.s32 s17, s20;
	s21 =	spop (v2sf)  }
0x421: {  	[tilespmem:$0x4C40] =	vst v6;
	v6 =	vsub.s32 v27, v12;
	v7 =	vadd.s32 s17, v7;
	s17 =	sadd.s32 s17, s21;
	s22 =	spop (v2sf)  }
0x422: {  	[tilespmem:$0x4C50] =	vst v7;
	v7 =	vsub.s32 v28, v13;
	v6 =	vadd.s32 s17, v6;
	s17 =	sadd.s32 s17, s22;
	s23 =	spop (v2sf)  }
0x423: {  	(xrf0) =	vadd.scan.msk.s32 $0xffff, v62;
	[tilespmem:$0x4C60] =	vst v6;
	v6 =	vsub.s32 v29, v14;
	v7 =	vadd.s32 s17, v7;
	s17 =	sadd.s32 s17, s23;
	s24 =	spop (v2sf)  }
0x424: {  	[tilespmem:$0x4C70] =	vst v7;
	v7 =	vsub.s32 v30, v15;
	v6 =	vadd.s32 s17, v6;
	s17 =	sadd.s32 s17, s24;
	s25 =	spop (v2sf)  }
0x425: {  	[tilespmem:$0x4C80] =	vst v6;
	v6 =	vsub.s32 v31, v16;
	v7 =	vadd.s32 s17, v7;
	s17 =	sadd.s32 s17, s25;
	s26 =	spop (v2sf)  }
0x426: {  	[tilespmem:$0x4C90] =	vst v7;
	v7 =	vsub.s32 v32, v18;
	v6 =	vadd.s32 s17, v6;
	s17 =	sadd.s32 s17, s26;
	s28 =	spop (v2sf)  }
0x427: {  	[tilespmem:$0x4CA0] =	vst v6;
	v6 =	vsub.s32 v33, v20;
	v7 =	vadd.s32 s17, v7;
	s17 =	sadd.s32 s17, s28;
	s29 =	spop (v2sf)  }
0x428: {  	[tilespmem:$0x4CB0] =	vst v7;
	v7 =	vsub.s32 v34, v22;
	v6 =	vadd.s32 s17, v6;
	s17 =	sadd.s32 s17, s29;
	s30 =	spop (v2sf)  }
0x429: {  	v63, _, _ =	vpop (xrf0);
	[tilespmem:$0x4CC0] =	vst v6;
	v6 =	vadd.s32 s17, v7;
	s17 =	sadd.s32 s17, s30;
	v7 =	vsub.s32 v35, v24;
	s31 =	spop (v2sf)  }
0x42a: {  	[tilespmem:$0x4CD0] =	vst v6;
	v6 =	vadd.s32 s17, v7;
	s17 =	sadd.s32 s17, s31;
	v7 =	vsub.s32 v63, v62  }
0x42b: {  	[tilespmem:$0x4CE0] =	vst v6;
	v6 =	vadd.s32 s17, v7  }
0x42c: {  	s17 =	simm.s32 $0x0;
	[tilespmem:$0x4CF0] =	vst v6  }
.LBB2_33:
0x42d: {  	s18 =	sshra.s32 s17, $0x2  }
0x42e: {  	v6 =	vld [tilespmem:s18+$0x4000];
	_ =	sdelay $0x4  }
0x42f: {  	v6 =	vshrl.u32 v6, $0x18  }
0x430: {  	v6 =	vand.u32 $0xF0, v6  }
0x431: {  	v6 =	vor.u32 v1, v6;
	_ =	sdelay $0x4  }
0x432: {  	v7 =	vld.idx.msk [tilespmem:v6+s9+$0x0], $0xffff;
	_ =	sdelay $0x4  }
0x433: {  	v8 =	vld [tilespmem:s18+$0x4800];
	v7 =	vadd.s32 v5, v7;
	_ =	sdelay $0x3  }
0x434: {  	[tilespmem:v6+s9+$0x0] =	vst.idx.add.s32.msk $0xffff, v4  }
0x435: {  	v6 =	vld.idx.msk [tilespmem:v7+s8+$0x0], $0xffff;
	v7 =	vadd.s32 v5, v8;
	_ =	sdelay $0x4  }
0x436: {  	[tilespmem:v7+s14+$0x0] =	vst.idx.msk $0xffff, v6  }
0x437: {  	v6 =	vld [tilespmem:s18+$0x4010];
	_ =	sdelay $0x4  }
0x438: {  	v6 =	vshrl.u32 v6, $0x18  }
0x439: {  	v6 =	vand.u32 $0xF0, v6  }
0x43a: {  	v6 =	vor.u32 v1, v6;
	_ =	sdelay $0x4  }
0x43b: {  	v7 =	vld.idx.msk [tilespmem:v6+s9+$0x0], $0xffff;
	_ =	sdelay $0x4  }
0x43c: {  	v61 =	vld [tilespmem:s18+$0x4810];
	v7 =	vadd.s32 v5, v7;
	_ =	sdelay $0x3  }
0x43d: {  	[tilespmem:v6+s9+$0x0] =	vst.idx.add.s32.msk $0xffff, v4  }
0x43e: {  	v6 =	vld.idx.msk [tilespmem:v7+s8+$0x0], $0xffff;
	v7 =	vadd.s32 v5, v61;
	_ =	sdelay $0x4  }
0x43f: {  	[tilespmem:v7+s14+$0x0] =	vst.idx.msk $0xffff, v6  }
0x440: {  	v6 =	vld [tilespmem:s18+$0x4020];
	_ =	sdelay $0x4  }
0x441: {  	v6 =	vshrl.u32 v6, $0x18  }
0x442: {  	v6 =	vand.u32 $0xF0, v6  }
0x443: {  	v6 =	vor.u32 v1, v6;
	_ =	sdelay $0x4  }
0x444: {  	v7 =	vld.idx.msk [tilespmem:v6+s9+$0x0], $0xffff;
	_ =	sdelay $0x4  }
0x445: {  	v62 =	vld [tilespmem:s18+$0x4820];
	v7 =	vadd.s32 v5, v7;
	_ =	sdelay $0x3  }
0x446: {  	[tilespmem:v6+s9+$0x0] =	vst.idx.add.s32.msk $0xffff, v4  }
0x447: {  	v6 =	vld.idx.msk [tilespmem:v7+s8+$0x0], $0xffff;
	v7 =	vadd.s32 v5, v62;
	_ =	sdelay $0x4  }
0x448: {  	[tilespmem:v7+s14+$0x0] =	vst.idx.msk $0xffff, v6  }
0x449: {  	v6 =	vld [tilespmem:s18+$0x4030];
	_ =	sdelay $0x4  }
0x44a: {  	v6 =	vshrl.u32 v6, $0x18  }
0x44b: {  	v6 =	vand.u32 $0xF0, v6  }
0x44c: {  	v6 =	vor.u32 v1, v6;
	_ =	sdelay $0x4  }
0x44d: {  	v7 =	vld.idx.msk [tilespmem:v6+s9+$0x0], $0xffff;
	_ =	sdelay $0x4  }
0x44e: {  	v63 =	vld [tilespmem:s18+$0x4830];
	v7 =	vadd.s32 v5, v7;
	_ =	sdelay $0x3  }
0x44f: {  	[tilespmem:v6+s9+$0x0] =	vst.idx.add.s32.msk $0xffff, v4  }
0x450: {  	p0 =	sne.s32 s17, $0xF00;
	v6 =	vld.idx.msk [tilespmem:v7+s8+$0x0], $0xffff;
	v7 =	vadd.s32 v5, v63  }
.Ltmp15:
0x451: {  	_ = 	snop;
	(pc) =	sbr.rel @p0 .LBB2_33-.Ltmp15, $2  }
0x452: {  	_ =	sdelay $0x2  }
0x453: {  	s17 =	sadd.s32 $0x100, s17;
	[tilespmem:v7+s14+$0x0] =	vst.idx.msk $0xffff, v6  }
0x454: {  	s16 =	sadd.s32 $0x1, s16  }
0x455: {  	p0 =	sne.s32 s16, $0x5  }
.Ltmp16:
0x456: {  	_ = 	snop;
	(pc) =	sbr.rel @p0 .LBB2_2-.Ltmp16, $1  }
0x457: {  	_ =	sdelay $0x3  }
0x458: {  	s15 =	sadd.s32 $0x1, s15  }
0x459: {  	p0 =	sne.s32 s15, s6  }
.Ltmp17:
0x45a: {  	_ = 	snop;
	(pc) =	sbr.rel @p0 .LBB2_1-.Ltmp17, $4  }
0x45b: {  	[hbm4b:s5+s2] =	stream.linear.scatter [tilespmem:s14], [sflag:$0x1], $0x1400, $0x38;
	[tilespmem:$0x4D00] =	vst v63  }
0x45c: {  	_ =	swait.ge [sflag:s7], $0x1400  }
0x45d: {  	[sflag:s7] =	ssyncset.done $0x0  }
0x45e: {  	[sflag:s7] =	ssyncadd.s32 $0xFFFFEC00  }
0x45f: {  	_ =	sfence.sel $0x180000  }
0x460: {  	[bflag:$0x0] =	sbarrier.arrive $0xFFFF  }
0x461: {  	p0 =	sne.s32 s0, $0x0;
	_ =	strace $0x90000047  }
0x462: {  	s0 =	sadd.s32 @!p0 $0x100000, s1;
	[bflag:$0x2] =	sbarrier.arrive $0xFFFF  }
0x463: {  	[sflag:s0] =	ssyncadd.tile.s32 @!p0 $0x1;
	_ =	shalt  }
.Lfunc_end2:
_tile_overlayer_lowered:
.L_overlay_start_2:
0x464: {  	(tag) =	ssettag $0x2  }
0x465: {  	s0 =	rddreg [dreg:$0x0];
	s2 =	stileid.u32  }
0x466: {  	s1 =	rddreg [dreg:$0x1];
	p0 =	sne.s32 s2, $0x0  }
0x467: {  	s3 =	rddreg [dreg:$0x2];
	[bflag:$0x3] =	sbarrier.arrive $0xFFFF;
	s2 =	simm.s32 @!p0 $0x1C01  }
0x468: {  	[timem:s3], [sflag:s2] =	dma.local @!p0 [hbm:s0], s1  }
0x469: {  	s0 =	simm.s32 @!p0 $0x1  }
0x46a: {  	_ =	swait.ge @!p0 [sflag:s0], s1  }
0x46b: {  	s1 =	ssub.s32 @!p0 $0x0, s1;
	[sflag:s0] =	ssyncset.done @!p0 $0x0  }
0x46c: {  	[sflag:s0] =	ssyncadd.s32 @!p0 s1  }
0x46d: {  	[bflag:$0x3] =	sbarrier.arrive $0xFFFF  }
0x46e: {  	_ =	shalt  }

</sc_bundles>
